<compile_context>
chip_gen: v7x
topology: tpu7x:2x2x1
jax: 0.10.2.dev20260603
libtpu: 0.0.44.dev20260713+nightly
codegen_flags: <defaults>
</compile_context>

<pallas_src>
import jax
import jax.numpy as jnp
from jax import lax
from jax.experimental import pallas as pl
from jax.experimental.pallas import tpu as pltpu
from jax.experimental.pallas import tpu_sc as plsc

NC = 2
NS = 16
NW = NC * NS
B = 80
L = 16


def _padded(n):
  q = NS * 128
  return (n + q - 1) // q * q


def _make_deg_kernel(n, e):
  k = e // NW // B
  np_ = _padded(n)
  stripe = np_ // NS
  W = 8
  mesh = plsc.VectorSubcoreMesh(core_axis_name="c", subcore_axis_name="s")

  def body(dst_hbm, out_hbm, dst_v, ones_v, zbuf, acc_sh, sem):
    c = lax.axis_index("c")
    s = lax.axis_index("s")
    wid = s * NC + c

    z16 = jnp.zeros((L,), jnp.float32)
    def zfill(i, carry):
      zbuf[pl.ds(i * L, L)] = z16
      return carry
    lax.fori_loop(0, stripe // L, zfill, 0)
    for i in range(B // L):
      ones_v[pl.ds(i * L, L)] = jnp.ones((L,), jnp.float32)
    pltpu.sync_copy(zbuf, acc_sh.at[pl.ds(s * stripe, stripe)])
    pltpu.sync_copy(dst_hbm.at[wid], dst_v)
    plsc.subcore_barrier()

    def chunk(j, carry):
      pltpu.async_copy(ones_v, acc_sh.at[dst_v.at[j]], sem, add=True)

      @pl.when(j >= W)
      def _():
        pltpu.make_async_copy(ones_v, acc_sh.at[dst_v.at[0]], sem).wait()
      return carry

    lax.fori_loop(0, k, chunk, 0)
    for _ in range(W):
      pltpu.make_async_copy(ones_v, acc_sh.at[dst_v.at[0]], sem).wait()
    plsc.subcore_barrier()
    pltpu.sync_copy(acc_sh.at[pl.ds(s * stripe, stripe)],
                    out_hbm.at[c, 0, pl.ds(s * stripe, stripe)])

  return pl.kernel(
      body,
      out_type=jax.ShapeDtypeStruct((NC, 8, np_), jnp.float32),
      mesh=mesh,
      scratch_types=[
          pltpu.VMEM((k, B), jnp.int32),
          pltpu.VMEM((B,), jnp.float32),
          pltpu.VMEM((stripe,), jnp.float32),
          pltpu.VMEM_SHARED((np_,), jnp.float32),
          pltpu.SemaphoreType.DMA,
      ],
      compiler_params=pltpu.CompilerParams(use_tc_tiling_on_sc=False),
      name="sc_degree_histogram",
  )


def _make_agg_kernel(n, e, d):
  k = e // NW // B
  np_ = _padded(n)
  stripe = np_ // NS
  zrep = stripe // B
  mesh = plsc.VectorSubcoreMesh(core_axis_name="c", subcore_axis_name="s")

  def body(p_hbm, src_hbm, dst_hbm, out_hbm, src_v, dst_v, rows_v, zbuf,
           acc_sh, gs0, gs1, gs2, gs3, gs4, gs5, gs6, gs7, gs8, gs9, gs10, gs11,
           ss0, ss1, ss2, ss3, ss4, ss5, ss6, ss7, ss8, ss9, ss10, ss11):
    c = lax.axis_index("c")
    s = lax.axis_index("s")
    wid = s * NC + c

    z16 = jnp.zeros((L,), jnp.float32)
    def zfill(r, carry):
      for cc in range(d // L):
        zbuf[r, pl.ds(cc * L, L)] = z16
      return carry
    lax.fori_loop(0, B, zfill, 0)
    for t in range(zrep):
      pltpu.sync_copy(zbuf, acc_sh.at[pl.ds(s * stripe + t * B, B)])
    pltpu.sync_copy(src_hbm.at[wid], src_v)
    pltpu.sync_copy(dst_hbm.at[wid], dst_v)

    gsems = (gs0, gs1, gs2, gs3, gs4, gs5, gs6, gs7, gs8, gs9, gs10, gs11)
    ssems = (ss0, ss1, ss2, ss3, ss4, ss5, ss6, ss7, ss8, ss9, ss10, ss11)
    for pj in range(6):
      pltpu.async_copy(p_hbm.at[src_v.at[pj]], rows_v.at[pj], gsems[pj])
    plsc.subcore_barrier()

    def outer(gi, carry):
      g = gi * 12
      for b in range(12):
        j = g + b
        b2 = (b + 6) % 12

        @pl.when(j < k)
        def _():
          pltpu.make_async_copy(p_hbm.at[src_v.at[j]], rows_v.at[b],
                                gsems[b]).wait()
          pltpu.async_copy(rows_v.at[b], acc_sh.at[dst_v.at[j]], ssems[b],
                           add=True)

          @pl.when(j + 6 < k)
          def _():
            @pl.when(j >= 6)
            def _():
              pltpu.make_async_copy(rows_v.at[b2],
                                    acc_sh.at[dst_v.at[j]], ssems[b2]).wait()

            pltpu.async_copy(p_hbm.at[src_v.at[j + 6]], rows_v.at[b2],
                             gsems[b2])
      return carry

    lax.fori_loop(0, (k + 11) // 12, outer, 0)
    for jj in range(k - 12, k):
      pltpu.make_async_copy(rows_v.at[jj % 12], acc_sh.at[dst_v.at[0]],
                            ssems[jj % 12]).wait()
    plsc.subcore_barrier()
    pltpu.sync_copy(acc_sh.at[pl.ds(s * stripe, stripe)],
                    out_hbm.at[c].at[pl.ds(s * stripe, stripe)])

  return pl.kernel(
      body,
      out_type=jax.ShapeDtypeStruct((NC, np_, d), jnp.float32),
      mesh=mesh,
      scratch_types=[
          pltpu.VMEM((k, B), jnp.int32),
          pltpu.VMEM((k, B), jnp.int32),
          pltpu.VMEM((12, B, d), jnp.float32),
          pltpu.VMEM((B, d), jnp.float32),
          pltpu.VMEM_SHARED((np_, d), jnp.float32),
      ] + [pltpu.SemaphoreType.DMA] * 24,
      compiler_params=pltpu.CompilerParams(use_tc_tiling_on_sc=False),
      name="sc_row_aggregate",
  )


def _tc_edge_split(ei32):
  e = ei32.shape[1]

  def body(er, o0, o1):
    o0[...] = er[0, :]
    o1[...] = er[1, :]

  return pl.pallas_call(
      body,
      out_shape=(jax.ShapeDtypeStruct((e,), jnp.int32),
                 jax.ShapeDtypeStruct((e,), jnp.int32)),
  )(ei32)


def _tc_dinv(degflat, np_):
  r = np_ // 128

  def body(dg_ref, o_ref):
    o_ref[...] = lax.rsqrt(dg_ref[0:r, :] + dg_ref[8 * r:9 * r, :] + 1.0)

  return pl.pallas_call(
      body,
      out_shape=jax.ShapeDtypeStruct((r, 128), jnp.float32),
  )(degflat)


def _tc_mm1(x, w1):
  def body(x_ref, w_ref, o_ref):
    o_ref[...] = jnp.dot(x_ref[...], w_ref[...],
                         preferred_element_type=jnp.float32)

  return pl.pallas_call(
      body,
      out_shape=jax.ShapeDtypeStruct((x.shape[0], w1.shape[1]), jnp.float32),
  )(x, w1)


def _tc_pscale(dinv, u):
  def body(d_ref, u_ref, p_ref):
    p_ref[...] = d_ref[...] * u_ref[...]

  return pl.pallas_call(
      body,
      out_shape=jax.ShapeDtypeStruct(u.shape, jnp.float32),
  )(dinv, u)


def _tc_layer1(a0, a1, p, dinv, b1, w2):
  def body(a0r, a1r, pr, dr, b1r, w2r, qr):
    ssum = a0r[...] + a1r[...] + pr[...]
    h = jnp.maximum(dr[...] * ssum + b1r[...], 0.0)
    v = jnp.dot(h, w2r[...], preferred_element_type=jnp.float32)
    qr[...] = dr[...] * v

  n = p.shape[0]
  c = w2.shape[1]
  return pl.pallas_call(
      body,
      out_shape=jax.ShapeDtypeStruct((n, c), jnp.float32),
  )(a0, a1, p, dinv, b1, w2)


def _tc_final(c0, c1, q, dinv, b2):
  def body(c0r, c1r, qr, dr, b2r, outr):
    ssum = c0r[...] + c1r[...] + qr[...]
    z = (dr[...] * ssum + b2r[...]) * 5.0
    m = jnp.max(z, axis=1, keepdims=True)
    ez = jnp.exp(z - m)
    lse = jnp.log(jnp.sum(ez, axis=1, keepdims=True)) + m
    outr[...] = (z - lse).T

  return pl.pallas_call(
      body,
      out_shape=jax.ShapeDtypeStruct((q.shape[1], q.shape[0]), jnp.float32),
  )(c0, c1, q, dinv, b2)


def kernel(x, edge_index, W1, b1, W2, b2):
  n, _ = x.shape
  e = edge_index.shape[1]
  h = W1.shape[1]
  c = W2.shape[1]
  k = e // NW // B
  np_ = _padded(n)

  ei = edge_index.astype(jnp.int32)
  src_f, dst_f = _tc_edge_split(ei)
  src3 = src_f.reshape(NW, k, B)
  dst3 = dst_f.reshape(NW, k, B)

  deg_part = _make_deg_kernel(n, e)(dst3)
  u = _tc_mm1(x, W1)
  degflat = deg_part.reshape(NC * 8 * np_ // 128, 128)
  dinv80 = _tc_dinv(degflat, np_)
  dinv = dinv80.reshape(np_, 1)[:n]
  p = _tc_pscale(dinv, u)
  agg1 = _make_agg_kernel(n, e, h)(p, src3, dst3)
  q = _tc_layer1(agg1[0, :n], agg1[1, :n], p, dinv,
                 b1.reshape(1, h), W2)
  agg2 = _make_agg_kernel(n, e, c)(q, src3, dst3)
  return _tc_final(agg2[0, :n], agg2[1, :n], q, dinv, b2.reshape(1, c)).T

# --- scband reference (transcript-rebuilt; emitter-appended) ---
"""Pipeline reference for scband-co-g-31344671326666 (READ-ONLY COPY).

The authoritative reference and input builder live on the scoring server;
editing this copy changes nothing except your own understanding.
"""

import jax, jax.numpy as jnp
import numpy as np

N_NODES = 10000
N_EDGES = 320000
NFEAT = 128
NHID = 64
NCLASS = 16


def setup_inputs(seed: int = 0) -> dict:
    key = jax.random.key(seed)
    k1, k2, k3, k4, k5, k6 = jax.random.split(key, 6)
    x = jax.random.normal(k1, (N_NODES, NFEAT), dtype=jnp.float32)
    edge_index = jax.random.randint(k2, (2, N_EDGES), 0, N_NODES, dtype=jnp.int64)
    # GCNConv params (Glorot-ish scaling)
    W1 = jax.random.normal(k3, (NFEAT, NHID), dtype=jnp.float32) * (1.0 / np.sqrt(NFEAT))
    b1 = jnp.zeros((NHID,), dtype=jnp.float32)
    W2 = jax.random.normal(k4, (NHID, NCLASS), dtype=jnp.float32) * (1.0 / np.sqrt(NHID))
    b2 = jnp.zeros((NCLASS,), dtype=jnp.float32)
    return {"x": x, "edge_index": edge_index, "W1": W1, "b1": b1, "W2": W2, "b2": b2}


def _gcn_conv(x, edge_index, W, b):
    # Faithful GCNConv: add self-loops, symmetric normalization, scatter-add aggregation.
    n = x.shape[0]
    loop = jnp.arange(n, dtype=edge_index.dtype)
    src = jnp.concatenate([edge_index[0], loop])
    dst = jnp.concatenate([edge_index[1], loop])
    deg = jnp.zeros((n,), dtype=jnp.float32).at[dst].add(1.0)
    dinv = jnp.where(deg > 0, 1.0 / jnp.sqrt(deg), 0.0)
    norm = dinv[src] * dinv[dst]
    h = x @ W
    msg = h[src] * norm[:, None]
    out = jnp.zeros((n, W.shape[1]), dtype=h.dtype).at[dst].add(msg)
    return out + b


def reference(x, edge_index, W1, b1, W2, b2):
    # CoG.model_s = GCN(nfeat, nhid, nclass): the canonical forward path.
    # GCN.forward: get_embeds -> relu(conv1) -> dropout(eval: identity) -> conv2 -> log_softmax(x/T)
    T = 0.2
    h = jax.nn.relu(_gcn_conv(x, edge_index, W1, b1))
    # F.dropout with training=False (eval) is identity
    out = _gcn_conv(h, edge_index, W2, b2)
    return jax.nn.log_softmax(out / T, axis=1)

if __name__ == "__main__":
    import jax
    _d = setup_inputs()
    print(jax.jit(kernel)(*tuple(_d.values())))

</pallas_src>

<mosaic_0001>
#map = affine_map<(d0, d1) -> (0, 0, 0)>
module attributes {stable_mosaic.version = 14 : i64} {
  func.func @sc_degree_histogram(%arg0: i32, %arg1: i32, %arg2: memref<32x125x80xi32, #tpu.memory_space<hbm>>, %arg3: memref<2x8x10240xf32, #tpu.memory_space<hbm>>, %arg4: memref<125x80xi32, #tpu.memory_space<vmem>>, %arg5: memref<80xf32, #tpu.memory_space<vmem>>, %arg6: memref<640xf32, #tpu.memory_space<vmem>>, %arg7: memref<10240xf32, #tpu.memory_space<vmem_shared>>, %arg8: memref<!tpu.dma_semaphore, #tpu.memory_space<semaphore_mem>>) attributes {dimension_semantics = [#tpu.dimension_semantics<core_parallel>, #tpu.dimension_semantics<subcore_parallel>], iteration_bounds = array<i64: 2, 16>, scalar_prefetch = 0 : i64, scratch_operands = 5 : i64, tpu.core_type = #tpu.core_type<sc_vector_subcore>, window_params = [{transform_indices = #map}, {transform_indices = #map}]} {
    %mul3A = arith.constant 2 : i32
    %mul3A_0 = arith.muli %arg1, %mul3A : i32
    %add3A = arith.addi %mul3A_0, %arg0 : i32
    %broadcast_in_dim3A = arith.constant 0.000000e+00 : f32
    %broadcast_in_dim3A_1 = vector.broadcast %broadcast_in_dim3A : f32 to vector<16xf32>
    %scan3A = arith.constant 0 : i32
    %scan3A_2 = arith.constant 0 : i32
    %scan3A_3 = arith.constant 40 : i32
    %scan3A_4 = arith.addi %scan3A_2, %scan3A_3 : i32
    %scan3A_5 = arith.constant 1 : i32
    scf.for %scan3A_96 = %scan3A_2 to %scan3A_4 step %scan3A_5  : i32 {
      %mul3A_97 = arith.constant 16 : i32
      %mul3A_98 = arith.muli %scan3A_96, %mul3A_97 : i32
      %swap3A_99 = arith.index_cast %mul3A_98 : i32 to index
      %swap3A_100 = tpu.vector_load %arg6[%swap3A_99] {strides = array<i32>} : memref<640xf32, #tpu.memory_space<vmem>>, vector<16xf32>,
      %swap3A_101 = vector.shape_cast %swap3A_100 : vector<16xf32> to vector<16xf32>
      %swap3A_102 = vector.shape_cast %broadcast_in_dim3A_1 : vector<16xf32> to vector<16xf32>
      tpu.vector_store %arg6[%swap3A_99], %swap3A_102 {strides = array<i32>} : memref<640xf32, #tpu.memory_space<vmem>>, vector<16xf32>,
    }
    %scan3A_6 = arith.constant 40 : i32
    %broadcast_in_dim3A_7 = arith.constant 1.000000e+00 : f32
    %broadcast_in_dim3A_8 = vector.broadcast %broadcast_in_dim3A_7 : f32 to vector<16xf32>
    %swap3A = arith.constant 0 : index
    %swap3A_9 = tpu.vector_load %arg5[%swap3A] {strides = array<i32>} : memref<80xf32, #tpu.memory_space<vmem>>, vector<16xf32>,
    %swap3A_10 = vector.shape_cast %swap3A_9 : vector<16xf32> to vector<16xf32>
    %swap3A_11 = vector.shape_cast %broadcast_in_dim3A_8 : vector<16xf32> to vector<16xf32>
    tpu.vector_store %arg5[%swap3A], %swap3A_11 {strides = array<i32>} : memref<80xf32, #tpu.memory_space<vmem>>, vector<16xf32>,
    %broadcast_in_dim3A_12 = arith.constant 1.000000e+00 : f32
    %broadcast_in_dim3A_13 = vector.broadcast %broadcast_in_dim3A_12 : f32 to vector<16xf32>
    %swap3A_14 = arith.constant 16 : index
    %swap3A_15 = tpu.vector_load %arg5[%swap3A_14] {strides = array<i32>} : memref<80xf32, #tpu.memory_space<vmem>>, vector<16xf32>,
    %swap3A_16 = vector.shape_cast %swap3A_15 : vector<16xf32> to vector<16xf32>
    %swap3A_17 = vector.shape_cast %broadcast_in_dim3A_13 : vector<16xf32> to vector<16xf32>
    tpu.vector_store %arg5[%swap3A_14], %swap3A_17 {strides = array<i32>} : memref<80xf32, #tpu.memory_space<vmem>>, vector<16xf32>,
    %broadcast_in_dim3A_18 = arith.constant 1.000000e+00 : f32
    %broadcast_in_dim3A_19 = vector.broadcast %broadcast_in_dim3A_18 : f32 to vector<16xf32>
    %swap3A_20 = arith.constant 32 : index
    %swap3A_21 = tpu.vector_load %arg5[%swap3A_20] {strides = array<i32>} : memref<80xf32, #tpu.memory_space<vmem>>, vector<16xf32>,
    %swap3A_22 = vector.shape_cast %swap3A_21 : vector<16xf32> to vector<16xf32>
    %swap3A_23 = vector.shape_cast %broadcast_in_dim3A_19 : vector<16xf32> to vector<16xf32>
    tpu.vector_store %arg5[%swap3A_20], %swap3A_23 {strides = array<i32>} : memref<80xf32, #tpu.memory_space<vmem>>, vector<16xf32>,
    %broadcast_in_dim3A_24 = arith.constant 1.000000e+00 : f32
    %broadcast_in_dim3A_25 = vector.broadcast %broadcast_in_dim3A_24 : f32 to vector<16xf32>
    %swap3A_26 = arith.constant 48 : index
    %swap3A_27 = tpu.vector_load %arg5[%swap3A_26] {strides = array<i32>} : memref<80xf32, #tpu.memory_space<vmem>>, vector<16xf32>,
    %swap3A_28 = vector.shape_cast %swap3A_27 : vector<16xf32> to vector<16xf32>
    %swap3A_29 = vector.shape_cast %broadcast_in_dim3A_25 : vector<16xf32> to vector<16xf32>
    tpu.vector_store %arg5[%swap3A_26], %swap3A_29 {strides = array<i32>} : memref<80xf32, #tpu.memory_space<vmem>>, vector<16xf32>,
    %broadcast_in_dim3A_30 = arith.constant 1.000000e+00 : f32
    %broadcast_in_dim3A_31 = vector.broadcast %broadcast_in_dim3A_30 : f32 to vector<16xf32>
    %swap3A_32 = arith.constant 64 : index
    %swap3A_33 = tpu.vector_load %arg5[%swap3A_32] {strides = array<i32>} : memref<80xf32, #tpu.memory_space<vmem>>, vector<16xf32>,
    %swap3A_34 = vector.shape_cast %swap3A_33 : vector<16xf32> to vector<16xf32>
    %swap3A_35 = vector.shape_cast %broadcast_in_dim3A_31 : vector<16xf32> to vector<16xf32>
    tpu.vector_store %arg5[%swap3A_32], %swap3A_35 {strides = array<i32>} : memref<80xf32, #tpu.memory_space<vmem>>, vector<16xf32>,
    %mul3A_36 = arith.constant 640 : i32
    %mul3A_37 = arith.muli %arg1, %mul3A_36 : i32
    "tpu.region"() ({
      %run_scoped3A_96 = tpu.sem_alloc : memref<!tpu.dma_semaphore, #tpu.memory_space<semaphore_mem>>
      %dma_start3A = tpu.memref_slice %arg7[%mul3A_37] : memref<10240xf32, #tpu.memory_space<vmem_shared>> -> memref<640xf32, #tpu.memory_space<vmem_shared>>
      %dma_start3A_97 = tpu.memref_slice %arg7[%mul3A_37] : memref<10240xf32, #tpu.memory_space<vmem_shared>> -> memref<640xf32, #tpu.memory_space<vmem_shared>>
      tpu.enqueue_dma source(%arg6 : memref<640xf32, #tpu.memory_space<vmem>>) target(%dma_start3A_97 : memref<640xf32, #tpu.memory_space<vmem_shared>>) target_semaphore(%run_scoped3A_96 : memref<!tpu.dma_semaphore, #tpu.memory_space<semaphore_mem>>)
      %dma_wait3A_98 = tpu.memref_slice %arg7[%mul3A_37] : memref<10240xf32, #tpu.memory_space<vmem_shared>> -> memref<640xf32, #tpu.memory_space<vmem_shared>>
      %dma_wait3A_99 = tpu.memref_slice %arg7[%mul3A_37] : memref<10240xf32, #tpu.memory_space<vmem_shared>> -> memref<640xf32, #tpu.memory_space<vmem_shared>>
      tpu.wait_dma2 semaphore(%run_scoped3A_96 : memref<!tpu.dma_semaphore, #tpu.memory_space<semaphore_mem>>) src(%arg6 : memref<640xf32, #tpu.memory_space<vmem>>) dst(%dma_wait3A_99 : memref<640xf32, #tpu.memory_space<vmem_shared>>)
      tpu.yield
    }) : () -> ()
    "tpu.region"() ({
      %run_scoped3A_96 = tpu.sem_alloc : memref<!tpu.dma_semaphore, #tpu.memory_space<semaphore_mem>>
      %dma_start3A = arith.constant 0 : i32
      %dma_start3A_97 = arith.constant 0 : i32
      %dma_start3A_98 = tpu.memref_slice %arg2[%add3A, %dma_start3A, %dma_start3A_97] : memref<32x125x80xi32, #tpu.memory_space<hbm>> -> memref<1x125x80xi32, #tpu.memory_space<hbm>>
      %dma_start3A_99 = tpu.memref_squeeze %dma_start3A_98 : memref<1x125x80xi32, #tpu.memory_space<hbm>> -> memref<125x80xi32, #tpu.memory_space<hbm>>
      %dma_start3A_100 = arith.constant 0 : i32
      %dma_start3A_101 = arith.constant 0 : i32
      %dma_start3A_102 = tpu.memref_slice %arg2[%add3A, %dma_start3A_100, %dma_start3A_101] : memref<32x125x80xi32, #tpu.memory_space<hbm>> -> memref<1x125x80xi32, #tpu.memory_space<hbm>>
      %dma_start3A_103 = tpu.memref_squeeze %dma_start3A_102 : memref<1x125x80xi32, #tpu.memory_space<hbm>> -> memref<125x80xi32, #tpu.memory_space<hbm>>
      tpu.enqueue_dma source(%dma_start3A_103 : memref<125x80xi32, #tpu.memory_space<hbm>>) target(%arg4 : memref<125x80xi32, #tpu.memory_space<vmem>>) target_semaphore(%run_scoped3A_96 : memref<!tpu.dma_semaphore, #tpu.memory_space<semaphore_mem>>)
      %dma_wait3A_104 = arith.constant 0 : i32
      %dma_wait3A_105 = arith.constant 0 : i32
      %dma_wait3A_106 = tpu.memref_slice %arg2[%add3A, %dma_wait3A_104, %dma_wait3A_105] : memref<32x125x80xi32, #tpu.memory_space<hbm>> -> memref<1x125x80xi32, #tpu.memory_space<hbm>>
      %dma_wait3A_107 = tpu.memref_squeeze %dma_wait3A_106 : memref<1x125x80xi32, #tpu.memory_space<hbm>> -> memref<125x80xi32, #tpu.memory_space<hbm>>
      %dma_wait3A_108 = arith.constant 0 : i32
      %dma_wait3A_109 = arith.constant 0 : i32
      %dma_wait3A_110 = tpu.memref_slice %arg2[%add3A, %dma_wait3A_108, %dma_wait3A_109] : memref<32x125x80xi32, #tpu.memory_space<hbm>> -> memref<1x125x80xi32, #tpu.memory_space<hbm>>
      %dma_wait3A_111 = tpu.memref_squeeze %dma_wait3A_110 : memref<1x125x80xi32, #tpu.memory_space<hbm>> -> memref<125x80xi32, #tpu.memory_space<hbm>>
      tpu.wait_dma2 semaphore(%run_scoped3A_96 : memref<!tpu.dma_semaphore, #tpu.memory_space<semaphore_mem>>) src(%dma_wait3A_111 : memref<125x80xi32, #tpu.memory_space<hbm>>) dst(%arg4 : memref<125x80xi32, #tpu.memory_space<vmem>>)
      tpu.yield
    }) : () -> ()
    %barrier3A = arith.constant 0 : index
    tpu.barrier barrier_id(%barrier3A)
    %scan3A_38 = arith.constant 0 : i32
    %scan3A_39 = arith.constant 0 : i32
    %scan3A_40 = arith.constant 125 : i32
    %scan3A_41 = arith.addi %scan3A_39, %scan3A_40 : i32
    %scan3A_42 = arith.constant 1 : i32
    scf.for %scan3A_96 = %scan3A_39 to %scan3A_41 step %scan3A_42  : i32 {
      %dma_start3A = arith.constant 0 : i32
      %dma_start3A_97 = tpu.memref_slice %arg4[%scan3A_96, %dma_start3A] : memref<125x80xi32, #tpu.memory_space<vmem>> -> memref<1x80xi32, #tpu.memory_space<vmem>>
      %dma_start3A_98 = tpu.memref_squeeze %dma_start3A_97 : memref<1x80xi32, #tpu.memory_space<vmem>> -> memref<80xi32, #tpu.memory_space<vmem>>
      %dma_start3A_99 = arith.constant 0 : i32
      %dma_start3A_100 = tpu.memref_slice %arg7[%dma_start3A_99] : memref<10240xf32, #tpu.memory_space<vmem_shared>> -> memref<10240xf32, #tpu.memory_space<vmem_shared>>
      tpu.enqueue_indirect_dma source(%arg5 : memref<80xf32, #tpu.memory_space<vmem>>) target(%dma_start3A_100 : memref<10240xf32, #tpu.memory_space<vmem_shared>>) offsets(%dma_start3A_98 : memref<80xi32, #tpu.memory_space<vmem>>) semaphore(%arg8 : memref<!tpu.dma_semaphore, #tpu.memory_space<semaphore_mem>>) {add = true}
      %ge3A = arith.constant 8 : i32
      %ge3A_101 = arith.cmpi sge, %scan3A_96, %ge3A : i32
      %convert_element_type3A = arith.extui %ge3A_101 : i1 to i32
      %cond3A = arith.constant 0 : i32
      %cond3A_102 = arith.cmpi ne, %convert_element_type3A, %cond3A : i32
      scf.if %cond3A_102 {
        %dma_wait3A_103 = arith.constant 0 : i32
        %dma_wait3A_104 = arith.constant 0 : i32
        %dma_wait3A_105 = tpu.memref_slice %arg4[%dma_wait3A_103, %dma_wait3A_104] : memref<125x80xi32, #tpu.memory_space<vmem>> -> memref<1x80xi32, #tpu.memory_space<vmem>>
        %dma_wait3A_106 = tpu.memref_squeeze %dma_wait3A_105 : memref<1x80xi32, #tpu.memory_space<vmem>> -> memref<80xi32, #tpu.memory_space<vmem>>
        %dma_wait3A_107 = arith.constant 0 : i32
        %dma_wait3A_108 = tpu.memref_slice %arg7[%dma_wait3A_107] : memref<10240xf32, #tpu.memory_space<vmem_shared>> -> memref<10240xf32, #tpu.memory_space<vmem_shared>>
        tpu.wait_indirect_dma semaphore(%arg8 : memref<!tpu.dma_semaphore, #tpu.memory_space<semaphore_mem>>) src(%arg5 : memref<80xf32, #tpu.memory_space<vmem>>) dst(%dma_wait3A_108 : memref<10240xf32, #tpu.memory_space<vmem_shared>>)
      } else {
      }
    }
    %scan3A_43 = arith.constant 125 : i32
    %dma_wait3A = arith.constant 0 : i32
    %dma_wait3A_44 = arith.constant 0 : i32
    %dma_wait3A_45 = tpu.memref_slice %arg4[%dma_wait3A, %dma_wait3A_44] : memref<125x80xi32, #tpu.memory_space<vmem>> -> memref<1x80xi32, #tpu.memory_space<vmem>>
    %dma_wait3A_46 = tpu.memref_squeeze %dma_wait3A_45 : memref<1x80xi32, #tpu.memory_space<vmem>> -> memref<80xi32, #tpu.memory_space<vmem>>
    %dma_wait3A_47 = arith.constant 0 : i32
    %dma_wait3A_48 = tpu.memref_slice %arg7[%dma_wait3A_47] : memref<10240xf32, #tpu.memory_space<vmem_shared>> -> memref<10240xf32, #tpu.memory_space<vmem_shared>>
    tpu.wait_indirect_dma semaphore(%arg8 : memref<!tpu.dma_semaphore, #tpu.memory_space<semaphore_mem>>) src(%arg5 : memref<80xf32, #tpu.memory_space<vmem>>) dst(%dma_wait3A_48 : memref<10240xf32, #tpu.memory_space<vmem_shared>>)
    %dma_wait3A_49 = arith.constant 0 : i32
    %dma_wait3A_50 = arith.constant 0 : i32
    %dma_wait3A_51 = tpu.memref_slice %arg4[%dma_wait3A_49, %dma_wait3A_50] : memref<125x80xi32, #tpu.memory_space<vmem>> -> memref<1x80xi32, #tpu.memory_space<vmem>>
    %dma_wait3A_52 = tpu.memref_squeeze %dma_wait3A_51 : memref<1x80xi32, #tpu.memory_space<vmem>> -> memref<80xi32, #tpu.memory_space<vmem>>
    %dma_wait3A_53 = arith.constant 0 : i32
    %dma_wait3A_54 = tpu.memref_slice %arg7[%dma_wait3A_53] : memref<10240xf32, #tpu.memory_space<vmem_shared>> -> memref<10240xf32, #tpu.memory_space<vmem_shared>>
    tpu.wait_indirect_dma semaphore(%arg8 : memref<!tpu.dma_semaphore, #tpu.memory_space<semaphore_mem>>) src(%arg5 : memref<80xf32, #tpu.memory_space<vmem>>) dst(%dma_wait3A_54 : memref<10240xf32, #tpu.memory_space<vmem_shared>>)
    %dma_wait3A_55 = arith.constant 0 : i32
    %dma_wait3A_56 = arith.constant 0 : i32
    %dma_wait3A_57 = tpu.memref_slice %arg4[%dma_wait3A_55, %dma_wait3A_56] : memref<125x80xi32, #tpu.memory_space<vmem>> -> memref<1x80xi32, #tpu.memory_space<vmem>>
    %dma_wait3A_58 = tpu.memref_squeeze %dma_wait3A_57 : memref<1x80xi32, #tpu.memory_space<vmem>> -> memref<80xi32, #tpu.memory_space<vmem>>
    %dma_wait3A_59 = arith.constant 0 : i32
    %dma_wait3A_60 = tpu.memref_slice %arg7[%dma_wait3A_59] : memref<10240xf32, #tpu.memory_space<vmem_shared>> -> memref<10240xf32, #tpu.memory_space<vmem_shared>>
    tpu.wait_indirect_dma semaphore(%arg8 : memref<!tpu.dma_semaphore, #tpu.memory_space<semaphore_mem>>) src(%arg5 : memref<80xf32, #tpu.memory_space<vmem>>) dst(%dma_wait3A_60 : memref<10240xf32, #tpu.memory_space<vmem_shared>>)
    %dma_wait3A_61 = arith.constant 0 : i32
    %dma_wait3A_62 = arith.constant 0 : i32
    %dma_wait3A_63 = tpu.memref_slice %arg4[%dma_wait3A_61, %dma_wait3A_62] : memref<125x80xi32, #tpu.memory_space<vmem>> -> memref<1x80xi32, #tpu.memory_space<vmem>>
    %dma_wait3A_64 = tpu.memref_squeeze %dma_wait3A_63 : memref<1x80xi32, #tpu.memory_space<vmem>> -> memref<80xi32, #tpu.memory_space<vmem>>
    %dma_wait3A_65 = arith.constant 0 : i32
    %dma_wait3A_66 = tpu.memref_slice %arg7[%dma_wait3A_65] : memref<10240xf32, #tpu.memory_space<vmem_shared>> -> memref<10240xf32, #tpu.memory_space<vmem_shared>>
    tpu.wait_indirect_dma semaphore(%arg8 : memref<!tpu.dma_semaphore, #tpu.memory_space<semaphore_mem>>) src(%arg5 : memref<80xf32, #tpu.memory_space<vmem>>) dst(%dma_wait3A_66 : memref<10240xf32, #tpu.memory_space<vmem_shared>>)
    %dma_wait3A_67 = arith.constant 0 : i32
    %dma_wait3A_68 = arith.constant 0 : i32
    %dma_wait3A_69 = tpu.memref_slice %arg4[%dma_wait3A_67, %dma_wait3A_68] : memref<125x80xi32, #tpu.memory_space<vmem>> -> memref<1x80xi32, #tpu.memory_space<vmem>>
    %dma_wait3A_70 = tpu.memref_squeeze %dma_wait3A_69 : memref<1x80xi32, #tpu.memory_space<vmem>> -> memref<80xi32, #tpu.memory_space<vmem>>
    %dma_wait3A_71 = arith.constant 0 : i32
    %dma_wait3A_72 = tpu.memref_slice %arg7[%dma_wait3A_71] : memref<10240xf32, #tpu.memory_space<vmem_shared>> -> memref<10240xf32, #tpu.memory_space<vmem_shared>>
    tpu.wait_indirect_dma semaphore(%arg8 : memref<!tpu.dma_semaphore, #tpu.memory_space<semaphore_mem>>) src(%arg5 : memref<80xf32, #tpu.memory_space<vmem>>) dst(%dma_wait3A_72 : memref<10240xf32, #tpu.memory_space<vmem_shared>>)
    %dma_wait3A_73 = arith.constant 0 : i32
    %dma_wait3A_74 = arith.constant 0 : i32
    %dma_wait3A_75 = tpu.memref_slice %arg4[%dma_wait3A_73, %dma_wait3A_74] : memref<125x80xi32, #tpu.memory_space<vmem>> -> memref<1x80xi32, #tpu.memory_space<vmem>>
    %dma_wait3A_76 = tpu.memref_squeeze %dma_wait3A_75 : memref<1x80xi32, #tpu.memory_space<vmem>> -> memref<80xi32, #tpu.memory_space<vmem>>
    %dma_wait3A_77 = arith.constant 0 : i32
    %dma_wait3A_78 = tpu.memref_slice %arg7[%dma_wait3A_77] : memref<10240xf32, #tpu.memory_space<vmem_shared>> -> memref<10240xf32, #tpu.memory_space<vmem_shared>>
    tpu.wait_indirect_dma semaphore(%arg8 : memref<!tpu.dma_semaphore, #tpu.memory_space<semaphore_mem>>) src(%arg5 : memref<80xf32, #tpu.memory_space<vmem>>) dst(%dma_wait3A_78 : memref<10240xf32, #tpu.memory_space<vmem_shared>>)
    %dma_wait3A_79 = arith.constant 0 : i32
    %dma_wait3A_80 = arith.constant 0 : i32
    %dma_wait3A_81 = tpu.memref_slice %arg4[%dma_wait3A_79, %dma_wait3A_80] : memref<125x80xi32, #tpu.memory_space<vmem>> -> memref<1x80xi32, #tpu.memory_space<vmem>>
    %dma_wait3A_82 = tpu.memref_squeeze %dma_wait3A_81 : memref<1x80xi32, #tpu.memory_space<vmem>> -> memref<80xi32, #tpu.memory_space<vmem>>
    %dma_wait3A_83 = arith.constant 0 : i32
    %dma_wait3A_84 = tpu.memref_slice %arg7[%dma_wait3A_83] : memref<10240xf32, #tpu.memory_space<vmem_shared>> -> memref<10240xf32, #tpu.memory_space<vmem_shared>>
    tpu.wait_indirect_dma semaphore(%arg8 : memref<!tpu.dma_semaphore, #tpu.memory_space<semaphore_mem>>) src(%arg5 : memref<80xf32, #tpu.memory_space<vmem>>) dst(%dma_wait3A_84 : memref<10240xf32, #tpu.memory_space<vmem_shared>>)
    %dma_wait3A_85 = arith.constant 0 : i32
    %dma_wait3A_86 = arith.constant 0 : i32
    %dma_wait3A_87 = tpu.memref_slice %arg4[%dma_wait3A_85, %dma_wait3A_86] : memref<125x80xi32, #tpu.memory_space<vmem>> -> memref<1x80xi32, #tpu.memory_space<vmem>>
    %dma_wait3A_88 = tpu.memref_squeeze %dma_wait3A_87 : memref<1x80xi32, #tpu.memory_space<vmem>> -> memref<80xi32, #tpu.memory_space<vmem>>
    %dma_wait3A_89 = arith.constant 0 : i32
    %dma_wait3A_90 = tpu.memref_slice %arg7[%dma_wait3A_89] : memref<10240xf32, #tpu.memory_space<vmem_shared>> -> memref<10240xf32, #tpu.memory_space<vmem_shared>>
    tpu.wait_indirect_dma semaphore(%arg8 : memref<!tpu.dma_semaphore, #tpu.memory_space<semaphore_mem>>) src(%arg5 : memref<80xf32, #tpu.memory_space<vmem>>) dst(%dma_wait3A_90 : memref<10240xf32, #tpu.memory_space<vmem_shared>>)
    %barrier3A_91 = arith.constant 0 : index
    tpu.barrier barrier_id(%barrier3A_91)
    %mul3A_92 = arith.constant 640 : i32
    %mul3A_93 = arith.muli %arg1, %mul3A_92 : i32
    %mul3A_94 = arith.constant 640 : i32
    %mul3A_95 = arith.muli %arg1, %mul3A_94 : i32
    %run_scoped3A = arith.constant 0 : i32
    "tpu.region"() ({
      %run_scoped3A_96 = tpu.sem_alloc : memref<!tpu.dma_semaphore, #tpu.memory_space<semaphore_mem>>
      %dma_start3A = tpu.memref_slice %arg3[%arg0, %run_scoped3A, %mul3A_95] : memref<2x8x10240xf32, #tpu.memory_space<hbm>> -> memref<1x1x640xf32, #tpu.memory_space<hbm>>
      %dma_start3A_97 = tpu.memref_squeeze %dma_start3A : memref<1x1x640xf32, #tpu.memory_space<hbm>> -> memref<640xf32, #tpu.memory_space<hbm>>
      %dma_start3A_98 = tpu.memref_slice %arg7[%mul3A_93] : memref<10240xf32, #tpu.memory_space<vmem_shared>> -> memref<640xf32, #tpu.memory_space<vmem_shared>>
      tpu.enqueue_dma source(%dma_start3A_98 : memref<640xf32, #tpu.memory_space<vmem_shared>>) target(%dma_start3A_97 : memref<640xf32, #tpu.memory_space<hbm>>) target_semaphore(%run_scoped3A_96 : memref<!tpu.dma_semaphore, #tpu.memory_space<semaphore_mem>>)
      %dma_wait3A_99 = tpu.memref_slice %arg3[%arg0, %run_scoped3A, %mul3A_95] : memref<2x8x10240xf32, #tpu.memory_space<hbm>> -> memref<1x1x640xf32, #tpu.memory_space<hbm>>
      %dma_wait3A_100 = tpu.memref_squeeze %dma_wait3A_99 : memref<1x1x640xf32, #tpu.memory_space<hbm>> -> memref<640xf32, #tpu.memory_space<hbm>>
      %dma_wait3A_101 = tpu.memref_slice %arg7[%mul3A_93] : memref<10240xf32, #tpu.memory_space<vmem_shared>> -> memref<640xf32, #tpu.memory_space<vmem_shared>>
      tpu.wait_dma2 semaphore(%run_scoped3A_96 : memref<!tpu.dma_semaphore, #tpu.memory_space<semaphore_mem>>) src(%dma_wait3A_101 : memref<640xf32, #tpu.memory_space<vmem_shared>>) dst(%dma_wait3A_100 : memref<640xf32, #tpu.memory_space<hbm>>)
      tpu.yield
    }) : () -> ()
    return
  }
}

#map = affine_map<(d0, d1) -> (0, 0)>
#map1 = affine_map<(d0, d1) -> (0, 0, 0)>
module attributes {stable_mosaic.version = 14 : i64} {
  func.func @sc_row_aggregate(%arg0: i32, %arg1: i32, %arg2: memref<10000x16xf32, #tpu.memory_space<hbm>>, %arg3: memref<32x125x80xi32, #tpu.memory_space<hbm>>, %arg4: memref<32x125x80xi32, #tpu.memory_space<hbm>>, %arg5: memref<2x10240x16xf32, #tpu.memory_space<hbm>>, %arg6: memref<125x80xi32, #tpu.memory_space<vmem>>, %arg7: memref<125x80xi32, #tpu.memory_space<vmem>>, %arg8: memref<12x80x16xf32, #tpu.memory_space<vmem>>, %arg9: memref<80x16xf32, #tpu.memory_space<vmem>>, %arg10: memref<10240x16xf32, #tpu.memory_space<vmem_shared>>, %arg11: memref<!tpu.dma_semaphore, #tpu.memory_space<semaphore_mem>>, %arg12: memref<!tpu.dma_semaphore, #tpu.memory_space<semaphore_mem>>, %arg13: memref<!tpu.dma_semaphore, #tpu.memory_space<semaphore_mem>>, %arg14: memref<!tpu.dma_semaphore, #tpu.memory_space<semaphore_mem>>, %arg15: memref<!tpu.dma_semaphore, #tpu.memory_space<semaphore_mem>>, %arg16: memref<!tpu.dma_semaphore, #tpu.memory_space<semaphore_mem>>, %arg17: memref<!tpu.dma_semaphore, #tpu.memory_space<semaphore_mem>>, %arg18: memref<!tpu.dma_semaphore, #tpu.memory_space<semaphore_mem>>, %arg19: memref<!tpu.dma_semaphore, #tpu.memory_space<semaphore_mem>>, %arg20: memref<!tpu.dma_semaphore, #tpu.memory_space<semaphore_mem>>, %arg21: memref<!tpu.dma_semaphore, #tpu.memory_space<semaphore_mem>>, %arg22: memref<!tpu.dma_semaphore, #tpu.memory_space<semaphore_mem>>, %arg23: memref<!tpu.dma_semaphore, #tpu.memory_space<semaphore_mem>>, %arg24: memref<!tpu.dma_semaphore, #tpu.memory_space<semaphore_mem>>, %arg25: memref<!tpu.dma_semaphore, #tpu.memory_space<semaphore_mem>>, %arg26: memref<!tpu.dma_semaphore, #tpu.memory_space<semaphore_mem>>, %arg27: memref<!tpu.dma_semaphore, #tpu.memory_space<semaphore_mem>>, %arg28: memref<!tpu.dma_semaphore, #tpu.memory_space<semaphore_mem>>, %arg29: memref<!tpu.dma_semaphore, #tpu.memory_space<semaphore_mem>>, %arg30: memref<!tpu.dma_semaphore, #tpu.memory_space<semaphore_mem>>, %arg31: memref<!tpu.dma_semaphore, #tpu.memory_space<semaphore_mem>>, %arg32: memref<!tpu.dma_semaphore, #tpu.memory_space<semaphore_mem>>, %arg33: memref<!tpu.dma_semaphore, #tpu.memory_space<semaphore_mem>>, %arg34: memref<!tpu.dma_semaphore, #tpu.memory_space<semaphore_mem>>) attributes {dimension_semantics = [#tpu.dimension_semantics<core_parallel>, #tpu.dimension_semantics<subcore_parallel>], iteration_bounds = array<i64: 2, 16>, scalar_prefetch = 0 : i64, scratch_operands = 29 : i64, tpu.core_type = #tpu.core_type<sc_vector_subcore>, window_params = [{transform_indices = #map}, {transform_indices = #map1}, {transform_indices = #map1}, {transform_indices = #map1}]} {
    %mul3A = arith.constant 2 : i32
    %mul3A_0 = arith.muli %arg1, %mul3A : i32
    %add3A = arith.addi %mul3A_0, %arg0 : i32
    %broadcast_in_dim3A = arith.constant 0.000000e+00 : f32
    %broadcast_in_dim3A_1 = vector.broadcast %broadcast_in_dim3A : f32 to vector<16xf32>
    %scan3A = arith.constant 0 : i32
    %scan3A_2 = arith.constant 0 : i32
    %scan3A_3 = arith.constant 80 : i32
    %scan3A_4 = arith.addi %scan3A_2, %scan3A_3 : i32
    %scan3A_5 = arith.constant 1 : i32
    scf.for %scan3A_264 = %scan3A_2 to %scan3A_4 step %scan3A_5  : i32 {
      %swap3A = arith.index_cast %scan3A_264 : i32 to index
      %swap3A_265 = arith.constant 0 : index
      %swap3A_266 = tpu.vector_load %arg9[%swap3A, %swap3A_265] {strides = array<i32>} : memref<80x16xf32, #tpu.memory_space<vmem>>, vector<1x16xf32>,
      %swap3A_267 = vector.shape_cast %swap3A_266 : vector<1x16xf32> to vector<16xf32>
      %swap3A_268 = vector.shape_cast %broadcast_in_dim3A_1 : vector<16xf32> to vector<1x16xf32>
      tpu.vector_store %arg9[%swap3A, %swap3A_265], %swap3A_268 {strides = array<i32>} : memref<80x16xf32, #tpu.memory_space<vmem>>, vector<1x16xf32>,
    }
    %scan3A_6 = arith.constant 80 : i32
    %mul3A_7 = arith.constant 640 : i32
    %mul3A_8 = arith.muli %arg1, %mul3A_7 : i32
    %add3A_9 = arith.constant 0 : i32
    %add3A_10 = arith.addi %mul3A_8, %add3A_9 : i32
    "tpu.region"() ({
      %run_scoped3A = tpu.sem_alloc : memref<!tpu.dma_semaphore, #tpu.memory_space<semaphore_mem>>
      %dma_start3A_264 = arith.constant 0 : i32
      %dma_start3A_265 = tpu.memref_slice %arg10[%add3A_10, %dma_start3A_264] : memref<10240x16xf32, #tpu.memory_space<vmem_shared>> -> memref<80x16xf32, #tpu.memory_space<vmem_shared>>
      %dma_start3A_266 = arith.constant 0 : i32
      %dma_start3A_267 = tpu.memref_slice %arg10[%add3A_10, %dma_start3A_266] : memref<10240x16xf32, #tpu.memory_space<vmem_shared>> -> memref<80x16xf32, #tpu.memory_space<vmem_shared>>
      tpu.enqueue_dma source(%arg9 : memref<80x16xf32, #tpu.memory_space<vmem>>) target(%dma_start3A_267 : memref<80x16xf32, #tpu.memory_space<vmem_shared>>) target_semaphore(%run_scoped3A : memref<!tpu.dma_semaphore, #tpu.memory_space<semaphore_mem>>)
      %dma_wait3A_268 = arith.constant 0 : i32
      %dma_wait3A_269 = tpu.memref_slice %arg10[%add3A_10, %dma_wait3A_268] : memref<10240x16xf32, #tpu.memory_space<vmem_shared>> -> memref<80x16xf32, #tpu.memory_space<vmem_shared>>
      %dma_wait3A_270 = arith.constant 0 : i32
      %dma_wait3A_271 = tpu.memref_slice %arg10[%add3A_10, %dma_wait3A_270] : memref<10240x16xf32, #tpu.memory_space<vmem_shared>> -> memref<80x16xf32, #tpu.memory_space<vmem_shared>>
      tpu.wait_dma2 semaphore(%run_scoped3A : memref<!tpu.dma_semaphore, #tpu.memory_space<semaphore_mem>>) src(%arg9 : memref<80x16xf32, #tpu.memory_space<vmem>>) dst(%dma_wait3A_271 : memref<80x16xf32, #tpu.memory_space<vmem_shared>>)
      tpu.yield
    }) : () -> ()
    %mul3A_11 = arith.constant 640 : i32
    %mul3A_12 = arith.muli %arg1, %mul3A_11 : i32
    %add3A_13 = arith.constant 80 : i32
    %add3A_14 = arith.addi %mul3A_12, %add3A_13 : i32
    "tpu.region"() ({
      %run_scoped3A = tpu.sem_alloc : memref<!tpu.dma_semaphore, #tpu.memory_space<semaphore_mem>>
      %dma_start3A_264 = arith.constant 0 : i32
      %dma_start3A_265 = tpu.memref_slice %arg10[%add3A_14, %dma_start3A_264] : memref<10240x16xf32, #tpu.memory_space<vmem_shared>> -> memref<80x16xf32, #tpu.memory_space<vmem_shared>>
      %dma_start3A_266 = arith.constant 0 : i32
      %dma_start3A_267 = tpu.memref_slice %arg10[%add3A_14, %dma_start3A_266] : memref<10240x16xf32, #tpu.memory_space<vmem_shared>> -> memref<80x16xf32, #tpu.memory_space<vmem_shared>>
      tpu.enqueue_dma source(%arg9 : memref<80x16xf32, #tpu.memory_space<vmem>>) target(%dma_start3A_267 : memref<80x16xf32, #tpu.memory_space<vmem_shared>>) target_semaphore(%run_scoped3A : memref<!tpu.dma_semaphore, #tpu.memory_space<semaphore_mem>>)
      %dma_wait3A_268 = arith.constant 0 : i32
      %dma_wait3A_269 = tpu.memref_slice %arg10[%add3A_14, %dma_wait3A_268] : memref<10240x16xf32, #tpu.memory_space<vmem_shared>> -> memref<80x16xf32, #tpu.memory_space<vmem_shared>>
      %dma_wait3A_270 = arith.constant 0 : i32
      %dma_wait3A_271 = tpu.memref_slice %arg10[%add3A_14, %dma_wait3A_270] : memref<10240x16xf32, #tpu.memory_space<vmem_shared>> -> memref<80x16xf32, #tpu.memory_space<vmem_shared>>
      tpu.wait_dma2 semaphore(%run_scoped3A : memref<!tpu.dma_semaphore, #tpu.memory_space<semaphore_mem>>) src(%arg9 : memref<80x16xf32, #tpu.memory_space<vmem>>) dst(%dma_wait3A_271 : memref<80x16xf32, #tpu.memory_space<vmem_shared>>)
      tpu.yield
    }) : () -> ()
    %mul3A_15 = arith.constant 640 : i32
    %mul3A_16 = arith.muli %arg1, %mul3A_15 : i32
    %add3A_17 = arith.constant 160 : i32
    %add3A_18 = arith.addi %mul3A_16, %add3A_17 : i32
    "tpu.region"() ({
      %run_scoped3A = tpu.sem_alloc : memref<!tpu.dma_semaphore, #tpu.memory_space<semaphore_mem>>
      %dma_start3A_264 = arith.constant 0 : i32
      %dma_start3A_265 = tpu.memref_slice %arg10[%add3A_18, %dma_start3A_264] : memref<10240x16xf32, #tpu.memory_space<vmem_shared>> -> memref<80x16xf32, #tpu.memory_space<vmem_shared>>
      %dma_start3A_266 = arith.constant 0 : i32
      %dma_start3A_267 = tpu.memref_slice %arg10[%add3A_18, %dma_start3A_266] : memref<10240x16xf32, #tpu.memory_space<vmem_shared>> -> memref<80x16xf32, #tpu.memory_space<vmem_shared>>
      tpu.enqueue_dma source(%arg9 : memref<80x16xf32, #tpu.memory_space<vmem>>) target(%dma_start3A_267 : memref<80x16xf32, #tpu.memory_space<vmem_shared>>) target_semaphore(%run_scoped3A : memref<!tpu.dma_semaphore, #tpu.memory_space<semaphore_mem>>)
      %dma_wait3A_268 = arith.constant 0 : i32
      %dma_wait3A_269 = tpu.memref_slice %arg10[%add3A_18, %dma_wait3A_268] : memref<10240x16xf32, #tpu.memory_space<vmem_shared>> -> memref<80x16xf32, #tpu.memory_space<vmem_shared>>
      %dma_wait3A_270 = arith.constant 0 : i32
      %dma_wait3A_271 = tpu.memref_slice %arg10[%add3A_18, %dma_wait3A_270] : memref<10240x16xf32, #tpu.memory_space<vmem_shared>> -> memref<80x16xf32, #tpu.memory_space<vmem_shared>>
      tpu.wait_dma2 semaphore(%run_scoped3A : memref<!tpu.dma_semaphore, #tpu.memory_space<semaphore_mem>>) src(%arg9 : memref<80x16xf32, #tpu.memory_space<vmem>>) dst(%dma_wait3A_271 : memref<80x16xf32, #tpu.memory_space<vmem_shared>>)
      tpu.yield
    }) : () -> ()
    %mul3A_19 = arith.constant 640 : i32
    %mul3A_20 = arith.muli %arg1, %mul3A_19 : i32
    %add3A_21 = arith.constant 240 : i32
    %add3A_22 = arith.addi %mul3A_20, %add3A_21 : i32
    "tpu.region"() ({
      %run_scoped3A = tpu.sem_alloc : memref<!tpu.dma_semaphore, #tpu.memory_space<semaphore_mem>>
      %dma_start3A_264 = arith.constant 0 : i32
      %dma_start3A_265 = tpu.memref_slice %arg10[%add3A_22, %dma_start3A_264] : memref<10240x16xf32, #tpu.memory_space<vmem_shared>> -> memref<80x16xf32, #tpu.memory_space<vmem_shared>>
      %dma_start3A_266 = arith.constant 0 : i32
      %dma_start3A_267 = tpu.memref_slice %arg10[%add3A_22, %dma_start3A_266] : memref<10240x16xf32, #tpu.memory_space<vmem_shared>> -> memref<80x16xf32, #tpu.memory_space<vmem_shared>>
      tpu.enqueue_dma source(%arg9 : memref<80x16xf32, #tpu.memory_space<vmem>>) target(%dma_start3A_267 : memref<80x16xf32, #tpu.memory_space<vmem_shared>>) target_semaphore(%run_scoped3A : memref<!tpu.dma_semaphore, #tpu.memory_space<semaphore_mem>>)
      %dma_wait3A_268 = arith.constant 0 : i32
      %dma_wait3A_269 = tpu.memref_slice %arg10[%add3A_22, %dma_wait3A_268] : memref<10240x16xf32, #tpu.memory_space<vmem_shared>> -> memref<80x16xf32, #tpu.memory_space<vmem_shared>>
      %dma_wait3A_270 = arith.constant 0 : i32
      %dma_wait3A_271 = tpu.memref_slice %arg10[%add3A_22, %dma_wait3A_270] : memref<10240x16xf32, #tpu.memory_space<vmem_shared>> -> memref<80x16xf32, #tpu.memory_space<vmem_shared>>
      tpu.wait_dma2 semaphore(%run_scoped3A : memref<!tpu.dma_semaphore, #tpu.memory_space<semaphore_mem>>) src(%arg9 : memref<80x16xf32, #tpu.memory_space<vmem>>) dst(%dma_wait3A_271 : memref<80x16xf32, #tpu.memory_space<vmem_shared>>)
      tpu.yield
    }) : () -> ()
    %mul3A_23 = arith.constant 640 : i32
    %mul3A_24 = arith.muli %arg1, %mul3A_23 : i32
    %add3A_25 = arith.constant 320 : i32
    %add3A_26 = arith.addi %mul3A_24, %add3A_25 : i32
    "tpu.region"() ({
      %run_scoped3A = tpu.sem_alloc : memref<!tpu.dma_semaphore, #tpu.memory_space<semaphore_mem>>
      %dma_start3A_264 = arith.constant 0 : i32
      %dma_start3A_265 = tpu.memref_slice %arg10[%add3A_26, %dma_start3A_264] : memref<10240x16xf32, #tpu.memory_space<vmem_shared>> -> memref<80x16xf32, #tpu.memory_space<vmem_shared>>
      %dma_start3A_266 = arith.constant 0 : i32
      %dma_start3A_267 = tpu.memref_slice %arg10[%add3A_26, %dma_start3A_266] : memref<10240x16xf32, #tpu.memory_space<vmem_shared>> -> memref<80x16xf32, #tpu.memory_space<vmem_shared>>
      tpu.enqueue_dma source(%arg9 : memref<80x16xf32, #tpu.memory_space<vmem>>) target(%dma_start3A_267 : memref<80x16xf32, #tpu.memory_space<vmem_shared>>) target_semaphore(%run_scoped3A : memref<!tpu.dma_semaphore, #tpu.memory_space<semaphore_mem>>)
      %dma_wait3A_268 = arith.constant 0 : i32
      %dma_wait3A_269 = tpu.memref_slice %arg10[%add3A_26, %dma_wait3A_268] : memref<10240x16xf32, #tpu.memory_space<vmem_shared>> -> memref<80x16xf32, #tpu.memory_space<vmem_shared>>
      %dma_wait3A_270 = arith.constant 0 : i32
      %dma_wait3A_271 = tpu.memref_slice %arg10[%add3A_26, %dma_wait3A_270] : memref<10240x16xf32, #tpu.memory_space<vmem_shared>> -> memref<80x16xf32, #tpu.memory_space<vmem_shared>>
      tpu.wait_dma2 semaphore(%run_scoped3A : memref<!tpu.dma_semaphore, #tpu.memory_space<semaphore_mem>>) src(%arg9 : memref<80x16xf32, #tpu.memory_space<vmem>>) dst(%dma_wait3A_271 : memref<80x16xf32, #tpu.memory_space<vmem_shared>>)
      tpu.yield
    }) : () -> ()
    %mul3A_27 = arith.constant 640 : i32
    %mul3A_28 = arith.muli %arg1, %mul3A_27 : i32
    %add3A_29 = arith.constant 400 : i32
    %add3A_30 = arith.addi %mul3A_28, %add3A_29 : i32
    "tpu.region"() ({
      %run_scoped3A = tpu.sem_alloc : memref<!tpu.dma_semaphore, #tpu.memory_space<semaphore_mem>>
      %dma_start3A_264 = arith.constant 0 : i32
      %dma_start3A_265 = tpu.memref_slice %arg10[%add3A_30, %dma_start3A_264] : memref<10240x16xf32, #tpu.memory_space<vmem_shared>> -> memref<80x16xf32, #tpu.memory_space<vmem_shared>>
      %dma_start3A_266 = arith.constant 0 : i32
      %dma_start3A_267 = tpu.memref_slice %arg10[%add3A_30, %dma_start3A_266] : memref<10240x16xf32, #tpu.memory_space<vmem_shared>> -> memref<80x16xf32, #tpu.memory_space<vmem_shared>>
      tpu.enqueue_dma source(%arg9 : memref<80x16xf32, #tpu.memory_space<vmem>>) target(%dma_start3A_267 : memref<80x16xf32, #tpu.memory_space<vmem_shared>>) target_semaphore(%run_scoped3A : memref<!tpu.dma_semaphore, #tpu.memory_space<semaphore_mem>>)
      %dma_wait3A_268 = arith.constant 0 : i32
      %dma_wait3A_269 = tpu.memref_slice %arg10[%add3A_30, %dma_wait3A_268] : memref<10240x16xf32, #tpu.memory_space<vmem_shared>> -> memref<80x16xf32, #tpu.memory_space<vmem_shared>>
      %dma_wait3A_270 = arith.constant 0 : i32
      %dma_wait3A_271 = tpu.memref_slice %arg10[%add3A_30, %dma_wait3A_270] : memref<10240x16xf32, #tpu.memory_space<vmem_shared>> -> memref<80x16xf32, #tpu.memory_space<vmem_shared>>
      tpu.wait_dma2 semaphore(%run_scoped3A : memref<!tpu.dma_semaphore, #tpu.memory_space<semaphore_mem>>) src(%arg9 : memref<80x16xf32, #tpu.memory_space<vmem>>) dst(%dma_wait3A_271 : memref<80x16xf32, #tpu.memory_space<vmem_shared>>)
      tpu.yield
    }) : () -> ()
    %mul3A_31 = arith.constant 640 : i32
    %mul3A_32 = arith.muli %arg1, %mul3A_31 : i32
    %add3A_33 = arith.constant 480 : i32
    %add3A_34 = arith.addi %mul3A_32, %add3A_33 : i32
    "tpu.region"() ({
      %run_scoped3A = tpu.sem_alloc : memref<!tpu.dma_semaphore, #tpu.memory_space<semaphore_mem>>
      %dma_start3A_264 = arith.constant 0 : i32
      %dma_start3A_265 = tpu.memref_slice %arg10[%add3A_34, %dma_start3A_264] : memref<10240x16xf32, #tpu.memory_space<vmem_shared>> -> memref<80x16xf32, #tpu.memory_space<vmem_shared>>
      %dma_start3A_266 = arith.constant 0 : i32
      %dma_start3A_267 = tpu.memref_slice %arg10[%add3A_34, %dma_start3A_266] : memref<10240x16xf32, #tpu.memory_space<vmem_shared>> -> memref<80x16xf32, #tpu.memory_space<vmem_shared>>
      tpu.enqueue_dma source(%arg9 : memref<80x16xf32, #tpu.memory_space<vmem>>) target(%dma_start3A_267 : memref<80x16xf32, #tpu.memory_space<vmem_shared>>) target_semaphore(%run_scoped3A : memref<!tpu.dma_semaphore, #tpu.memory_space<semaphore_mem>>)
      %dma_wait3A_268 = arith.constant 0 : i32
      %dma_wait3A_269 = tpu.memref_slice %arg10[%add3A_34, %dma_wait3A_268] : memref<10240x16xf32, #tpu.memory_space<vmem_shared>> -> memref<80x16xf32, #tpu.memory_space<vmem_shared>>
      %dma_wait3A_270 = arith.constant 0 : i32
      %dma_wait3A_271 = tpu.memref_slice %arg10[%add3A_34, %dma_wait3A_270] : memref<10240x16xf32, #tpu.memory_space<vmem_shared>> -> memref<80x16xf32, #tpu.memory_space<vmem_shared>>
      tpu.wait_dma2 semaphore(%run_scoped3A : memref<!tpu.dma_semaphore, #tpu.memory_space<semaphore_mem>>) src(%arg9 : memref<80x16xf32, #tpu.memory_space<vmem>>) dst(%dma_wait3A_271 : memref<80x16xf32, #tpu.memory_space<vmem_shared>>)
      tpu.yield
    }) : () -> ()
    %mul3A_35 = arith.constant 640 : i32
    %mul3A_36 = arith.muli %arg1, %mul3A_35 : i32
    %add3A_37 = arith.constant 560 : i32
    %add3A_38 = arith.addi %mul3A_36, %add3A_37 : i32
    "tpu.region"() ({
      %run_scoped3A = tpu.sem_alloc : memref<!tpu.dma_semaphore, #tpu.memory_space<semaphore_mem>>
      %dma_start3A_264 = arith.constant 0 : i32
      %dma_start3A_265 = tpu.memref_slice %arg10[%add3A_38, %dma_start3A_264] : memref<10240x16xf32, #tpu.memory_space<vmem_shared>> -> memref<80x16xf32, #tpu.memory_space<vmem_shared>>
      %dma_start3A_266 = arith.constant 0 : i32
      %dma_start3A_267 = tpu.memref_slice %arg10[%add3A_38, %dma_start3A_266] : memref<10240x16xf32, #tpu.memory_space<vmem_shared>> -> memref<80x16xf32, #tpu.memory_space<vmem_shared>>
      tpu.enqueue_dma source(%arg9 : memref<80x16xf32, #tpu.memory_space<vmem>>) target(%dma_start3A_267 : memref<80x16xf32, #tpu.memory_space<vmem_shared>>) target_semaphore(%run_scoped3A : memref<!tpu.dma_semaphore, #tpu.memory_space<semaphore_mem>>)
      %dma_wait3A_268 = arith.constant 0 : i32
      %dma_wait3A_269 = tpu.memref_slice %arg10[%add3A_38, %dma_wait3A_268] : memref<10240x16xf32, #tpu.memory_space<vmem_shared>> -> memref<80x16xf32, #tpu.memory_space<vmem_shared>>
      %dma_wait3A_270 = arith.constant 0 : i32
      %dma_wait3A_271 = tpu.memref_slice %arg10[%add3A_38, %dma_wait3A_270] : memref<10240x16xf32, #tpu.memory_space<vmem_shared>> -> memref<80x16xf32, #tpu.memory_space<vmem_shared>>
      tpu.wait_dma2 semaphore(%run_scoped3A : memref<!tpu.dma_semaphore, #tpu.memory_space<semaphore_mem>>) src(%arg9 : memref<80x16xf32, #tpu.memory_space<vmem>>) dst(%dma_wait3A_271 : memref<80x16xf32, #tpu.memory_space<vmem_shared>>)
      tpu.yield
    }) : () -> ()
    "tpu.region"() ({
      %run_scoped3A = tpu.sem_alloc : memref<!tpu.dma_semaphore, #tpu.memory_space<semaphore_mem>>
      %dma_start3A_264 = arith.constant 0 : i32
      %dma_start3A_265 = arith.constant 0 : i32
      %dma_start3A_266 = tpu.memref_slice %arg3[%add3A, %dma_start3A_264, %dma_start3A_265] : memref<32x125x80xi32, #tpu.memory_space<hbm>> -> memref<1x125x80xi32, #tpu.memory_space<hbm>>
      %dma_start3A_267 = tpu.memref_squeeze %dma_start3A_266 : memref<1x125x80xi32, #tpu.memory_space<hbm>> -> memref<125x80xi32, #tpu.memory_space<hbm>>
      %dma_start3A_268 = arith.constant 0 : i32
      %dma_start3A_269 = arith.constant 0 : i32
      %dma_start3A_270 = tpu.memref_slice %arg3[%add3A, %dma_start3A_268, %dma_start3A_269] : memref<32x125x80xi32, #tpu.memory_space<hbm>> -> memref<1x125x80xi32, #tpu.memory_space<hbm>>
      %dma_start3A_271 = tpu.memref_squeeze %dma_start3A_270 : memref<1x125x80xi32, #tpu.memory_space<hbm>> -> memref<125x80xi32, #tpu.memory_space<hbm>>
      tpu.enqueue_dma source(%dma_start3A_271 : memref<125x80xi32, #tpu.memory_space<hbm>>) target(%arg6 : memref<125x80xi32, #tpu.memory_space<vmem>>) target_semaphore(%run_scoped3A : memref<!tpu.dma_semaphore, #tpu.memory_space<semaphore_mem>>)
      %dma_wait3A_272 = arith.constant 0 : i32
      %dma_wait3A_273 = arith.constant 0 : i32
      %dma_wait3A_274 = tpu.memref_slice %arg3[%add3A, %dma_wait3A_272, %dma_wait3A_273] : memref<32x125x80xi32, #tpu.memory_space<hbm>> -> memref<1x125x80xi32, #tpu.memory_space<hbm>>
      %dma_wait3A_275 = tpu.memref_squeeze %dma_wait3A_274 : memref<1x125x80xi32, #tpu.memory_space<hbm>> -> memref<125x80xi32, #tpu.memory_space<hbm>>
      %dma_wait3A_276 = arith.constant 0 : i32
      %dma_wait3A_277 = arith.constant 0 : i32
      %dma_wait3A_278 = tpu.memref_slice %arg3[%add3A, %dma_wait3A_276, %dma_wait3A_277] : memref<32x125x80xi32, #tpu.memory_space<hbm>> -> memref<1x125x80xi32, #tpu.memory_space<hbm>>
      %dma_wait3A_279 = tpu.memref_squeeze %dma_wait3A_278 : memref<1x125x80xi32, #tpu.memory_space<hbm>> -> memref<125x80xi32, #tpu.memory_space<hbm>>
      tpu.wait_dma2 semaphore(%run_scoped3A : memref<!tpu.dma_semaphore, #tpu.memory_space<semaphore_mem>>) src(%dma_wait3A_279 : memref<125x80xi32, #tpu.memory_space<hbm>>) dst(%arg6 : memref<125x80xi32, #tpu.memory_space<vmem>>)
      tpu.yield
    }) : () -> ()
    "tpu.region"() ({
      %run_scoped3A = tpu.sem_alloc : memref<!tpu.dma_semaphore, #tpu.memory_space<semaphore_mem>>
      %dma_start3A_264 = arith.constant 0 : i32
      %dma_start3A_265 = arith.constant 0 : i32
      %dma_start3A_266 = tpu.memref_slice %arg4[%add3A, %dma_start3A_264, %dma_start3A_265] : memref<32x125x80xi32, #tpu.memory_space<hbm>> -> memref<1x125x80xi32, #tpu.memory_space<hbm>>
      %dma_start3A_267 = tpu.memref_squeeze %dma_start3A_266 : memref<1x125x80xi32, #tpu.memory_space<hbm>> -> memref<125x80xi32, #tpu.memory_space<hbm>>
      %dma_start3A_268 = arith.constant 0 : i32
      %dma_start3A_269 = arith.constant 0 : i32
      %dma_start3A_270 = tpu.memref_slice %arg4[%add3A, %dma_start3A_268, %dma_start3A_269] : memref<32x125x80xi32, #tpu.memory_space<hbm>> -> memref<1x125x80xi32, #tpu.memory_space<hbm>>
      %dma_start3A_271 = tpu.memref_squeeze %dma_start3A_270 : memref<1x125x80xi32, #tpu.memory_space<hbm>> -> memref<125x80xi32, #tpu.memory_space<hbm>>
      tpu.enqueue_dma source(%dma_start3A_271 : memref<125x80xi32, #tpu.memory_space<hbm>>) target(%arg7 : memref<125x80xi32, #tpu.memory_space<vmem>>) target_semaphore(%run_scoped3A : memref<!tpu.dma_semaphore, #tpu.memory_space<semaphore_mem>>)
      %dma_wait3A_272 = arith.constant 0 : i32
      %dma_wait3A_273 = arith.constant 0 : i32
      %dma_wait3A_274 = tpu.memref_slice %arg4[%add3A, %dma_wait3A_272, %dma_wait3A_273] : memref<32x125x80xi32, #tpu.memory_space<hbm>> -> memref<1x125x80xi32, #tpu.memory_space<hbm>>
      %dma_wait3A_275 = tpu.memref_squeeze %dma_wait3A_274 : memref<1x125x80xi32, #tpu.memory_space<hbm>> -> memref<125x80xi32, #tpu.memory_space<hbm>>
      %dma_wait3A_276 = arith.constant 0 : i32
      %dma_wait3A_277 = arith.constant 0 : i32
      %dma_wait3A_278 = tpu.memref_slice %arg4[%add3A, %dma_wait3A_276, %dma_wait3A_277] : memref<32x125x80xi32, #tpu.memory_space<hbm>> -> memref<1x125x80xi32, #tpu.memory_space<hbm>>
      %dma_wait3A_279 = tpu.memref_squeeze %dma_wait3A_278 : memref<1x125x80xi32, #tpu.memory_space<hbm>> -> memref<125x80xi32, #tpu.memory_space<hbm>>
      tpu.wait_dma2 semaphore(%run_scoped3A : memref<!tpu.dma_semaphore, #tpu.memory_space<semaphore_mem>>) src(%dma_wait3A_279 : memref<125x80xi32, #tpu.memory_space<hbm>>) dst(%arg7 : memref<125x80xi32, #tpu.memory_space<vmem>>)
      tpu.yield
    }) : () -> ()
    %dma_start3A = arith.constant 0 : i32
    %dma_start3A_39 = arith.constant 0 : i32
    %dma_start3A_40 = arith.constant 0 : i32
    %dma_start3A_41 = arith.constant 0 : i32
    %dma_start3A_42 = tpu.memref_slice %arg8[%dma_start3A_39, %dma_start3A_40, %dma_start3A_41] : memref<12x80x16xf32, #tpu.memory_space<vmem>> -> memref<1x80x16xf32, #tpu.memory_space<vmem>>
    %dma_start3A_43 = tpu.memref_squeeze %dma_start3A_42 : memref<1x80x16xf32, #tpu.memory_space<vmem>> -> memref<80x16xf32, #tpu.memory_space<vmem>>
    %dma_start3A_44 = arith.constant 0 : i32
    %dma_start3A_45 = tpu.memref_slice %arg6[%dma_start3A, %dma_start3A_44] : memref<125x80xi32, #tpu.memory_space<vmem>> -> memref<1x80xi32, #tpu.memory_space<vmem>>
    %dma_start3A_46 = tpu.memref_squeeze %dma_start3A_45 : memref<1x80xi32, #tpu.memory_space<vmem>> -> memref<80xi32, #tpu.memory_space<vmem>>
    %dma_start3A_47 = arith.constant 0 : i32
    %dma_start3A_48 = arith.constant 0 : i32
    %dma_start3A_49 = tpu.memref_slice %arg2[%dma_start3A_47, %dma_start3A_48] : memref<10000x16xf32, #tpu.memory_space<hbm>> -> memref<10000x16xf32, #tpu.memory_space<hbm>>
    tpu.enqueue_indirect_dma source(%dma_start3A_49 : memref<10000x16xf32, #tpu.memory_space<hbm>>) target(%dma_start3A_43 : memref<80x16xf32, #tpu.memory_space<vmem>>) offsets(%dma_start3A_46 : memref<80xi32, #tpu.memory_space<vmem>>) semaphore(%arg11 : memref<!tpu.dma_semaphore, #tpu.memory_space<semaphore_mem>>)
    %dma_start3A_50 = arith.constant 1 : i32
    %dma_start3A_51 = arith.constant 1 : i32
    %dma_start3A_52 = arith.constant 0 : i32
    %dma_start3A_53 = arith.constant 0 : i32
    %dma_start3A_54 = tpu.memref_slice %arg8[%dma_start3A_51, %dma_start3A_52, %dma_start3A_53] : memref<12x80x16xf32, #tpu.memory_space<vmem>> -> memref<1x80x16xf32, #tpu.memory_space<vmem>>
    %dma_start3A_55 = tpu.memref_squeeze %dma_start3A_54 : memref<1x80x16xf32, #tpu.memory_space<vmem>> -> memref<80x16xf32, #tpu.memory_space<vmem>>
    %dma_start3A_56 = arith.constant 0 : i32
    %dma_start3A_57 = tpu.memref_slice %arg6[%dma_start3A_50, %dma_start3A_56] : memref<125x80xi32, #tpu.memory_space<vmem>> -> memref<1x80xi32, #tpu.memory_space<vmem>>
    %dma_start3A_58 = tpu.memref_squeeze %dma_start3A_57 : memref<1x80xi32, #tpu.memory_space<vmem>> -> memref<80xi32, #tpu.memory_space<vmem>>
    %dma_start3A_59 = arith.constant 0 : i32
    %dma_start3A_60 = arith.constant 0 : i32
    %dma_start3A_61 = tpu.memref_slice %arg2[%dma_start3A_59, %dma_start3A_60] : memref<10000x16xf32, #tpu.memory_space<hbm>> -> memref<10000x16xf32, #tpu.memory_space<hbm>>
    tpu.enqueue_indirect_dma source(%dma_start3A_61 : memref<10000x16xf32, #tpu.memory_space<hbm>>) target(%dma_start3A_55 : memref<80x16xf32, #tpu.memory_space<vmem>>) offsets(%dma_start3A_58 : memref<80xi32, #tpu.memory_space<vmem>>) semaphore(%arg12 : memref<!tpu.dma_semaphore, #tpu.memory_space<semaphore_mem>>)
    %dma_start3A_62 = arith.constant 2 : i32
    %dma_start3A_63 = arith.constant 2 : i32
    %dma_start3A_64 = arith.constant 0 : i32
    %dma_start3A_65 = arith.constant 0 : i32
    %dma_start3A_66 = tpu.memref_slice %arg8[%dma_start3A_63, %dma_start3A_64, %dma_start3A_65] : memref<12x80x16xf32, #tpu.memory_space<vmem>> -> memref<1x80x16xf32, #tpu.memory_space<vmem>>
    %dma_start3A_67 = tpu.memref_squeeze %dma_start3A_66 : memref<1x80x16xf32, #tpu.memory_space<vmem>> -> memref<80x16xf32, #tpu.memory_space<vmem>>
    %dma_start3A_68 = arith.constant 0 : i32
    %dma_start3A_69 = tpu.memref_slice %arg6[%dma_start3A_62, %dma_start3A_68] : memref<125x80xi32, #tpu.memory_space<vmem>> -> memref<1x80xi32, #tpu.memory_space<vmem>>
    %dma_start3A_70 = tpu.memref_squeeze %dma_start3A_69 : memref<1x80xi32, #tpu.memory_space<vmem>> -> memref<80xi32, #tpu.memory_space<vmem>>
    %dma_start3A_71 = arith.constant 0 : i32
    %dma_start3A_72 = arith.constant 0 : i32
    %dma_start3A_73 = tpu.memref_slice %arg2[%dma_start3A_71, %dma_start3A_72] : memref<10000x16xf32, #tpu.memory_space<hbm>> -> memref<10000x16xf32, #tpu.memory_space<hbm>>
    tpu.enqueue_indirect_dma source(%dma_start3A_73 : memref<10000x16xf32, #tpu.memory_space<hbm>>) target(%dma_start3A_67 : memref<80x16xf32, #tpu.memory_space<vmem>>) offsets(%dma_start3A_70 : memref<80xi32, #tpu.memory_space<vmem>>) semaphore(%arg13 : memref<!tpu.dma_semaphore, #tpu.memory_space<semaphore_mem>>)
    %dma_start3A_74 = arith.constant 3 : i32
    %dma_start3A_75 = arith.constant 3 : i32
    %dma_start3A_76 = arith.constant 0 : i32
    %dma_start3A_77 = arith.constant 0 : i32
    %dma_start3A_78 = tpu.memref_slice %arg8[%dma_start3A_75, %dma_start3A_76, %dma_start3A_77] : memref<12x80x16xf32, #tpu.memory_space<vmem>> -> memref<1x80x16xf32, #tpu.memory_space<vmem>>
    %dma_start3A_79 = tpu.memref_squeeze %dma_start3A_78 : memref<1x80x16xf32, #tpu.memory_space<vmem>> -> memref<80x16xf32, #tpu.memory_space<vmem>>
    %dma_start3A_80 = arith.constant 0 : i32
    %dma_start3A_81 = tpu.memref_slice %arg6[%dma_start3A_74, %dma_start3A_80] : memref<125x80xi32, #tpu.memory_space<vmem>> -> memref<1x80xi32, #tpu.memory_space<vmem>>
    %dma_start3A_82 = tpu.memref_squeeze %dma_start3A_81 : memref<1x80xi32, #tpu.memory_space<vmem>> -> memref<80xi32, #tpu.memory_space<vmem>>
    %dma_start3A_83 = arith.constant 0 : i32
    %dma_start3A_84 = arith.constant 0 : i32
    %dma_start3A_85 = tpu.memref_slice %arg2[%dma_start3A_83, %dma_start3A_84] : memref<10000x16xf32, #tpu.memory_space<hbm>> -> memref<10000x16xf32, #tpu.memory_space<hbm>>
    tpu.enqueue_indirect_dma source(%dma_start3A_85 : memref<10000x16xf32, #tpu.memory_space<hbm>>) target(%dma_start3A_79 : memref<80x16xf32, #tpu.memory_space<vmem>>) offsets(%dma_start3A_82 : memref<80xi32, #tpu.memory_space<vmem>>) semaphore(%arg14 : memref<!tpu.dma_semaphore, #tpu.memory_space<semaphore_mem>>)
    %dma_start3A_86 = arith.constant 4 : i32
    %dma_start3A_87 = arith.constant 4 : i32
    %dma_start3A_88 = arith.constant 0 : i32
    %dma_start3A_89 = arith.constant 0 : i32
    %dma_start3A_90 = tpu.memref_slice %arg8[%dma_start3A_87, %dma_start3A_88, %dma_start3A_89] : memref<12x80x16xf32, #tpu.memory_space<vmem>> -> memref<1x80x16xf32, #tpu.memory_space<vmem>>
    %dma_start3A_91 = tpu.memref_squeeze %dma_start3A_90 : memref<1x80x16xf32, #tpu.memory_space<vmem>> -> memref<80x16xf32, #tpu.memory_space<vmem>>
    %dma_start3A_92 = arith.constant 0 : i32
    %dma_start3A_93 = tpu.memref_slice %arg6[%dma_start3A_86, %dma_start3A_92] : memref<125x80xi32, #tpu.memory_space<vmem>> -> memref<1x80xi32, #tpu.memory_space<vmem>>
    %dma_start3A_94 = tpu.memref_squeeze %dma_start3A_93 : memref<1x80xi32, #tpu.memory_space<vmem>> -> memref<80xi32, #tpu.memory_space<vmem>>
    %dma_start3A_95 = arith.constant 0 : i32
    %dma_start3A_96 = arith.constant 0 : i32
    %dma_start3A_97 = tpu.memref_slice %arg2[%dma_start3A_95, %dma_start3A_96] : memref<10000x16xf32, #tpu.memory_space<hbm>> -> memref<10000x16xf32, #tpu.memory_space<hbm>>
    tpu.enqueue_indirect_dma source(%dma_start3A_97 : memref<10000x16xf32, #tpu.memory_space<hbm>>) target(%dma_start3A_91 : memref<80x16xf32, #tpu.memory_space<vmem>>) offsets(%dma_start3A_94 : memref<80xi32, #tpu.memory_space<vmem>>) semaphore(%arg15 : memref<!tpu.dma_semaphore, #tpu.memory_space<semaphore_mem>>)
    %dma_start3A_98 = arith.constant 5 : i32
    %dma_start3A_99 = arith.constant 5 : i32
    %dma_start3A_100 = arith.constant 0 : i32
    %dma_start3A_101 = arith.constant 0 : i32
    %dma_start3A_102 = tpu.memref_slice %arg8[%dma_start3A_99, %dma_start3A_100, %dma_start3A_101] : memref<12x80x16xf32, #tpu.memory_space<vmem>> -> memref<1x80x16xf32, #tpu.memory_space<vmem>>
    %dma_start3A_103 = tpu.memref_squeeze %dma_start3A_102 : memref<1x80x16xf32, #tpu.memory_space<vmem>> -> memref<80x16xf32, #tpu.memory_space<vmem>>
    %dma_start3A_104 = arith.constant 0 : i32
    %dma_start3A_105 = tpu.memref_slice %arg6[%dma_start3A_98, %dma_start3A_104] : memref<125x80xi32, #tpu.memory_space<vmem>> -> memref<1x80xi32, #tpu.memory_space<vmem>>
    %dma_start3A_106 = tpu.memref_squeeze %dma_start3A_105 : memref<1x80xi32, #tpu.memory_space<vmem>> -> memref<80xi32, #tpu.memory_space<vmem>>
    %dma_start3A_107 = arith.constant 0 : i32
    %dma_start3A_108 = arith.constant 0 : i32
    %dma_start3A_109 = tpu.memref_slice %arg2[%dma_start3A_107, %dma_start3A_108] : memref<10000x16xf32, #tpu.memory_space<hbm>> -> memref<10000x16xf32, #tpu.memory_space<hbm>>
    tpu.enqueue_indirect_dma source(%dma_start3A_109 : memref<10000x16xf32, #tpu.memory_space<hbm>>) target(%dma_start3A_103 : memref<80x16xf32, #tpu.memory_space<vmem>>) offsets(%dma_start3A_106 : memref<80xi32, #tpu.memory_space<vmem>>) semaphore(%arg16 : memref<!tpu.dma_semaphore, #tpu.memory_space<semaphore_mem>>)
    %barrier3A = arith.constant 0 : index
    tpu.barrier barrier_id(%barrier3A)
    %scan3A_110 = arith.constant 0 : i32
    %scan3A_111 = arith.constant 0 : i32
    %scan3A_112 = arith.constant 11 : i32
    %scan3A_113 = arith.addi %scan3A_111, %scan3A_112 : i32
    %scan3A_114 = arith.constant 1 : i32
    scf.for %scan3A_264 = %scan3A_111 to %scan3A_113 step %scan3A_114  : i32 {
      %mul3A_265 = arith.constant 12 : i32
      %mul3A_266 = arith.muli %scan3A_264, %mul3A_265 : i32
      %add3A_267 = arith.constant 0 : i32
      %add3A_268 = arith.addi %mul3A_266, %add3A_267 : i32
      %lt3A = arith.constant 125 : i32
      %lt3A_269 = arith.cmpi slt, %add3A_268, %lt3A : i32
      %convert_element_type3A = arith.extui %lt3A_269 : i1 to i32
      %cond3A = arith.constant 0 : i32
      %cond3A_270 = arith.cmpi ne, %convert_element_type3A, %cond3A : i32
      scf.if %cond3A_270 {
        %dma_wait3A_348 = arith.constant 0 : i32
        %dma_wait3A_349 = arith.constant 0 : i32
        %dma_wait3A_350 = arith.constant 0 : i32
        %dma_wait3A_351 = tpu.memref_slice %arg8[%dma_wait3A_348, %dma_wait3A_349, %dma_wait3A_350] : memref<12x80x16xf32, #tpu.memory_space<vmem>> -> memref<1x80x16xf32, #tpu.memory_space<vmem>>
        %dma_wait3A_352 = tpu.memref_squeeze %dma_wait3A_351 : memref<1x80x16xf32, #tpu.memory_space<vmem>> -> memref<80x16xf32, #tpu.memory_space<vmem>>
        %dma_wait3A_353 = arith.constant 0 : i32
        %dma_wait3A_354 = tpu.memref_slice %arg6[%add3A_268, %dma_wait3A_353] : memref<125x80xi32, #tpu.memory_space<vmem>> -> memref<1x80xi32, #tpu.memory_space<vmem>>
        %dma_wait3A_355 = tpu.memref_squeeze %dma_wait3A_354 : memref<1x80xi32, #tpu.memory_space<vmem>> -> memref<80xi32, #tpu.memory_space<vmem>>
        %dma_wait3A_356 = arith.constant 0 : i32
        %dma_wait3A_357 = arith.constant 0 : i32
        %dma_wait3A_358 = tpu.memref_slice %arg2[%dma_wait3A_356, %dma_wait3A_357] : memref<10000x16xf32, #tpu.memory_space<hbm>> -> memref<10000x16xf32, #tpu.memory_space<hbm>>
        tpu.wait_indirect_dma semaphore(%arg11 : memref<!tpu.dma_semaphore, #tpu.memory_space<semaphore_mem>>) src(%dma_wait3A_358 : memref<10000x16xf32, #tpu.memory_space<hbm>>) dst(%dma_wait3A_352 : memref<80x16xf32, #tpu.memory_space<vmem>>)
        %dma_start3A_359 = arith.constant 0 : i32
        %dma_start3A_360 = arith.constant 0 : i32
        %dma_start3A_361 = arith.constant 0 : i32
        %dma_start3A_362 = tpu.memref_slice %arg8[%dma_start3A_359, %dma_start3A_360, %dma_start3A_361] : memref<12x80x16xf32, #tpu.memory_space<vmem>> -> memref<1x80x16xf32, #tpu.memory_space<vmem>>
        %dma_start3A_363 = tpu.memref_squeeze %dma_start3A_362 : memref<1x80x16xf32, #tpu.memory_space<vmem>> -> memref<80x16xf32, #tpu.memory_space<vmem>>
        %dma_start3A_364 = arith.constant 0 : i32
        %dma_start3A_365 = tpu.memref_slice %arg7[%add3A_268, %dma_start3A_364] : memref<125x80xi32, #tpu.memory_space<vmem>> -> memref<1x80xi32, #tpu.memory_space<vmem>>
        %dma_start3A_366 = tpu.memref_squeeze %dma_start3A_365 : memref<1x80xi32, #tpu.memory_space<vmem>> -> memref<80xi32, #tpu.memory_space<vmem>>
        %dma_start3A_367 = arith.constant 0 : i32
        %dma_start3A_368 = arith.constant 0 : i32
        %dma_start3A_369 = tpu.memref_slice %arg10[%dma_start3A_367, %dma_start3A_368] : memref<10240x16xf32, #tpu.memory_space<vmem_shared>> -> memref<10240x16xf32, #tpu.memory_space<vmem_shared>>
        tpu.enqueue_indirect_dma source(%dma_start3A_363 : memref<80x16xf32, #tpu.memory_space<vmem>>) target(%dma_start3A_369 : memref<10240x16xf32, #tpu.memory_space<vmem_shared>>) offsets(%dma_start3A_366 : memref<80xi32, #tpu.memory_space<vmem>>) semaphore(%arg23 : memref<!tpu.dma_semaphore, #tpu.memory_space<semaphore_mem>>) {add = true}
        %add3A_370 = arith.constant 6 : i32
        %add3A_371 = arith.addi %add3A_268, %add3A_370 : i32
        %lt3A_372 = arith.constant 125 : i32
        %lt3A_373 = arith.cmpi slt, %add3A_371, %lt3A_372 : i32
        %convert_element_type3A_374 = arith.extui %lt3A_373 : i1 to i32
        %cond3A_375 = arith.constant 0 : i32
        %cond3A_376 = arith.cmpi ne, %convert_element_type3A_374, %cond3A_375 : i32
        scf.if %cond3A_376 {
          %ge3A = arith.constant 6 : i32
          %ge3A_377 = arith.cmpi sge, %add3A_268, %ge3A : i32
          %convert_element_type3A_378 = arith.extui %ge3A_377 : i1 to i32
          %cond3A_379 = arith.constant 0 : i32
          %cond3A_380 = arith.cmpi ne, %convert_element_type3A_378, %cond3A_379 : i32
          scf.if %cond3A_380 {
            %dma_wait3A_394 = arith.constant 6 : i32
            %dma_wait3A_395 = arith.constant 0 : i32
            %dma_wait3A_396 = arith.constant 0 : i32
            %dma_wait3A_397 = tpu.memref_slice %arg8[%dma_wait3A_394, %dma_wait3A_395, %dma_wait3A_396] : memref<12x80x16xf32, #tpu.memory_space<vmem>> -> memref<1x80x16xf32, #tpu.memory_space<vmem>>
            %dma_wait3A_398 = tpu.memref_squeeze %dma_wait3A_397 : memref<1x80x16xf32, #tpu.memory_space<vmem>> -> memref<80x16xf32, #tpu.memory_space<vmem>>
            %dma_wait3A_399 = arith.constant 0 : i32
            %dma_wait3A_400 = tpu.memref_slice %arg7[%add3A_268, %dma_wait3A_399] : memref<125x80xi32, #tpu.memory_space<vmem>> -> memref<1x80xi32, #tpu.memory_space<vmem>>
            %dma_wait3A_401 = tpu.memref_squeeze %dma_wait3A_400 : memref<1x80xi32, #tpu.memory_space<vmem>> -> memref<80xi32, #tpu.memory_space<vmem>>
            %dma_wait3A_402 = arith.constant 0 : i32
            %dma_wait3A_403 = arith.constant 0 : i32
            %dma_wait3A_404 = tpu.memref_slice %arg10[%dma_wait3A_402, %dma_wait3A_403] : memref<10240x16xf32, #tpu.memory_space<vmem_shared>> -> memref<10240x16xf32, #tpu.memory_space<vmem_shared>>
            tpu.wait_indirect_dma semaphore(%arg29 : memref<!tpu.dma_semaphore, #tpu.memory_space<semaphore_mem>>) src(%dma_wait3A_398 : memref<80x16xf32, #tpu.memory_space<vmem>>) dst(%dma_wait3A_404 : memref<10240x16xf32, #tpu.memory_space<vmem_shared>>)
          } else {
          }
          %add3A_381 = arith.constant 6 : i32
          %add3A_382 = arith.addi %add3A_268, %add3A_381 : i32
          %dma_start3A_383 = arith.constant 6 : i32
          %dma_start3A_384 = arith.constant 0 : i32
          %dma_start3A_385 = arith.constant 0 : i32
          %dma_start3A_386 = tpu.memref_slice %arg8[%dma_start3A_383, %dma_start3A_384, %dma_start3A_385] : memref<12x80x16xf32, #tpu.memory_space<vmem>> -> memref<1x80x16xf32, #tpu.memory_space<vmem>>
          %dma_start3A_387 = tpu.memref_squeeze %dma_start3A_386 : memref<1x80x16xf32, #tpu.memory_space<vmem>> -> memref<80x16xf32, #tpu.memory_space<vmem>>
          %dma_start3A_388 = arith.constant 0 : i32
          %dma_start3A_389 = tpu.memref_slice %arg6[%add3A_382, %dma_start3A_388] : memref<125x80xi32, #tpu.memory_space<vmem>> -> memref<1x80xi32, #tpu.memory_space<vmem>>
          %dma_start3A_390 = tpu.memref_squeeze %dma_start3A_389 : memref<1x80xi32, #tpu.memory_space<vmem>> -> memref<80xi32, #tpu.memory_space<vmem>>
          %dma_start3A_391 = arith.constant 0 : i32
          %dma_start3A_392 = arith.constant 0 : i32
          %dma_start3A_393 = tpu.memref_slice %arg2[%dma_start3A_391, %dma_start3A_392] : memref<10000x16xf32, #tpu.memory_space<hbm>> -> memref<10000x16xf32, #tpu.memory_space<hbm>>
          tpu.enqueue_indirect_dma source(%dma_start3A_393 : memref<10000x16xf32, #tpu.memory_space<hbm>>) target(%dma_start3A_387 : memref<80x16xf32, #tpu.memory_space<vmem>>) offsets(%dma_start3A_390 : memref<80xi32, #tpu.memory_space<vmem>>) semaphore(%arg17 : memref<!tpu.dma_semaphore, #tpu.memory_space<semaphore_mem>>)
        } else {
        }
      } else {
      }
      %add3A_271 = arith.constant 1 : i32
      %add3A_272 = arith.addi %mul3A_266, %add3A_271 : i32
      %lt3A_273 = arith.constant 125 : i32
      %lt3A_274 = arith.cmpi slt, %add3A_272, %lt3A_273 : i32
      %convert_element_type3A_275 = arith.extui %lt3A_274 : i1 to i32
      %cond3A_276 = arith.constant 0 : i32
      %cond3A_277 = arith.cmpi ne, %convert_element_type3A_275, %cond3A_276 : i32
      scf.if %cond3A_277 {
        %dma_wait3A_348 = arith.constant 1 : i32
        %dma_wait3A_349 = arith.constant 0 : i32
        %dma_wait3A_350 = arith.constant 0 : i32
        %dma_wait3A_351 = tpu.memref_slice %arg8[%dma_wait3A_348, %dma_wait3A_349, %dma_wait3A_350] : memref<12x80x16xf32, #tpu.memory_space<vmem>> -> memref<1x80x16xf32, #tpu.memory_space<vmem>>
        %dma_wait3A_352 = tpu.memref_squeeze %dma_wait3A_351 : memref<1x80x16xf32, #tpu.memory_space<vmem>> -> memref<80x16xf32, #tpu.memory_space<vmem>>
        %dma_wait3A_353 = arith.constant 0 : i32
        %dma_wait3A_354 = tpu.memref_slice %arg6[%add3A_272, %dma_wait3A_353] : memref<125x80xi32, #tpu.memory_space<vmem>> -> memref<1x80xi32, #tpu.memory_space<vmem>>
        %dma_wait3A_355 = tpu.memref_squeeze %dma_wait3A_354 : memref<1x80xi32, #tpu.memory_space<vmem>> -> memref<80xi32, #tpu.memory_space<vmem>>
        %dma_wait3A_356 = arith.constant 0 : i32
        %dma_wait3A_357 = arith.constant 0 : i32
        %dma_wait3A_358 = tpu.memref_slice %arg2[%dma_wait3A_356, %dma_wait3A_357] : memref<10000x16xf32, #tpu.memory_space<hbm>> -> memref<10000x16xf32, #tpu.memory_space<hbm>>
        tpu.wait_indirect_dma semaphore(%arg12 : memref<!tpu.dma_semaphore, #tpu.memory_space<semaphore_mem>>) src(%dma_wait3A_358 : memref<10000x16xf32, #tpu.memory_space<hbm>>) dst(%dma_wait3A_352 : memref<80x16xf32, #tpu.memory_space<vmem>>)
        %dma_start3A_359 = arith.constant 1 : i32
        %dma_start3A_360 = arith.constant 0 : i32
        %dma_start3A_361 = arith.constant 0 : i32
        %dma_start3A_362 = tpu.memref_slice %arg8[%dma_start3A_359, %dma_start3A_360, %dma_start3A_361] : memref<12x80x16xf32, #tpu.memory_space<vmem>> -> memref<1x80x16xf32, #tpu.memory_space<vmem>>
        %dma_start3A_363 = tpu.memref_squeeze %dma_start3A_362 : memref<1x80x16xf32, #tpu.memory_space<vmem>> -> memref<80x16xf32, #tpu.memory_space<vmem>>
        %dma_start3A_364 = arith.constant 0 : i32
        %dma_start3A_365 = tpu.memref_slice %arg7[%add3A_272, %dma_start3A_364] : memref<125x80xi32, #tpu.memory_space<vmem>> -> memref<1x80xi32, #tpu.memory_space<vmem>>
        %dma_start3A_366 = tpu.memref_squeeze %dma_start3A_365 : memref<1x80xi32, #tpu.memory_space<vmem>> -> memref<80xi32, #tpu.memory_space<vmem>>
        %dma_start3A_367 = arith.constant 0 : i32
        %dma_start3A_368 = arith.constant 0 : i32
        %dma_start3A_369 = tpu.memref_slice %arg10[%dma_start3A_367, %dma_start3A_368] : memref<10240x16xf32, #tpu.memory_space<vmem_shared>> -> memref<10240x16xf32, #tpu.memory_space<vmem_shared>>
        tpu.enqueue_indirect_dma source(%dma_start3A_363 : memref<80x16xf32, #tpu.memory_space<vmem>>) target(%dma_start3A_369 : memref<10240x16xf32, #tpu.memory_space<vmem_shared>>) offsets(%dma_start3A_366 : memref<80xi32, #tpu.memory_space<vmem>>) semaphore(%arg24 : memref<!tpu.dma_semaphore, #tpu.memory_space<semaphore_mem>>) {add = true}
        %add3A_370 = arith.constant 6 : i32
        %add3A_371 = arith.addi %add3A_272, %add3A_370 : i32
        %lt3A_372 = arith.constant 125 : i32
        %lt3A_373 = arith.cmpi slt, %add3A_371, %lt3A_372 : i32
        %convert_element_type3A_374 = arith.extui %lt3A_373 : i1 to i32
        %cond3A_375 = arith.constant 0 : i32
        %cond3A_376 = arith.cmpi ne, %convert_element_type3A_374, %cond3A_375 : i32
        scf.if %cond3A_376 {
          %ge3A = arith.constant 6 : i32
          %ge3A_377 = arith.cmpi sge, %add3A_272, %ge3A : i32
          %convert_element_type3A_378 = arith.extui %ge3A_377 : i1 to i32
          %cond3A_379 = arith.constant 0 : i32
          %cond3A_380 = arith.cmpi ne, %convert_element_type3A_378, %cond3A_379 : i32
          scf.if %cond3A_380 {
            %dma_wait3A_394 = arith.constant 7 : i32
            %dma_wait3A_395 = arith.constant 0 : i32
            %dma_wait3A_396 = arith.constant 0 : i32
            %dma_wait3A_397 = tpu.memref_slice %arg8[%dma_wait3A_394, %dma_wait3A_395, %dma_wait3A_396] : memref<12x80x16xf32, #tpu.memory_space<vmem>> -> memref<1x80x16xf32, #tpu.memory_space<vmem>>
            %dma_wait3A_398 = tpu.memref_squeeze %dma_wait3A_397 : memref<1x80x16xf32, #tpu.memory_space<vmem>> -> memref<80x16xf32, #tpu.memory_space<vmem>>
            %dma_wait3A_399 = arith.constant 0 : i32
            %dma_wait3A_400 = tpu.memref_slice %arg7[%add3A_272, %dma_wait3A_399] : memref<125x80xi32, #tpu.memory_space<vmem>> -> memref<1x80xi32, #tpu.memory_space<vmem>>
            %dma_wait3A_401 = tpu.memref_squeeze %dma_wait3A_400 : memref<1x80xi32, #tpu.memory_space<vmem>> -> memref<80xi32, #tpu.memory_space<vmem>>
            %dma_wait3A_402 = arith.constant 0 : i32
            %dma_wait3A_403 = arith.constant 0 : i32
            %dma_wait3A_404 = tpu.memref_slice %arg10[%dma_wait3A_402, %dma_wait3A_403] : memref<10240x16xf32, #tpu.memory_space<vmem_shared>> -> memref<10240x16xf32, #tpu.memory_space<vmem_shared>>
            tpu.wait_indirect_dma semaphore(%arg30 : memref<!tpu.dma_semaphore, #tpu.memory_space<semaphore_mem>>) src(%dma_wait3A_398 : memref<80x16xf32, #tpu.memory_space<vmem>>) dst(%dma_wait3A_404 : memref<10240x16xf32, #tpu.memory_space<vmem_shared>>)
          } else {
          }
          %add3A_381 = arith.constant 6 : i32
          %add3A_382 = arith.addi %add3A_272, %add3A_381 : i32
          %dma_start3A_383 = arith.constant 7 : i32
          %dma_start3A_384 = arith.constant 0 : i32
          %dma_start3A_385 = arith.constant 0 : i32
          %dma_start3A_386 = tpu.memref_slice %arg8[%dma_start3A_383, %dma_start3A_384, %dma_start3A_385] : memref<12x80x16xf32, #tpu.memory_space<vmem>> -> memref<1x80x16xf32, #tpu.memory_space<vmem>>
          %dma_start3A_387 = tpu.memref_squeeze %dma_start3A_386 : memref<1x80x16xf32, #tpu.memory_space<vmem>> -> memref<80x16xf32, #tpu.memory_space<vmem>>
          %dma_start3A_388 = arith.constant 0 : i32
          %dma_start3A_389 = tpu.memref_slice %arg6[%add3A_382, %dma_start3A_388] : memref<125x80xi32, #tpu.memory_space<vmem>> -> memref<1x80xi32, #tpu.memory_space<vmem>>
          %dma_start3A_390 = tpu.memref_squeeze %dma_start3A_389 : memref<1x80xi32, #tpu.memory_space<vmem>> -> memref<80xi32, #tpu.memory_space<vmem>>
          %dma_start3A_391 = arith.constant 0 : i32
          %dma_start3A_392 = arith.constant 0 : i32
          %dma_start3A_393 = tpu.memref_slice %arg2[%dma_start3A_391, %dma_start3A_392] : memref<10000x16xf32, #tpu.memory_space<hbm>> -> memref<10000x16xf32, #tpu.memory_space<hbm>>
          tpu.enqueue_indirect_dma source(%dma_start3A_393 : memref<10000x16xf32, #tpu.memory_space<hbm>>) target(%dma_start3A_387 : memref<80x16xf32, #tpu.memory_space<vmem>>) offsets(%dma_start3A_390 : memref<80xi32, #tpu.memory_space<vmem>>) semaphore(%arg18 : memref<!tpu.dma_semaphore, #tpu.memory_space<semaphore_mem>>)
        } else {
        }
      } else {
      }
      %add3A_278 = arith.constant 2 : i32
      %add3A_279 = arith.addi %mul3A_266, %add3A_278 : i32
      %lt3A_280 = arith.constant 125 : i32
      %lt3A_281 = arith.cmpi slt, %add3A_279, %lt3A_280 : i32
      %convert_element_type3A_282 = arith.extui %lt3A_281 : i1 to i32
      %cond3A_283 = arith.constant 0 : i32
      %cond3A_284 = arith.cmpi ne, %convert_element_type3A_282, %cond3A_283 : i32
      scf.if %cond3A_284 {
        %dma_wait3A_348 = arith.constant 2 : i32
        %dma_wait3A_349 = arith.constant 0 : i32
        %dma_wait3A_350 = arith.constant 0 : i32
        %dma_wait3A_351 = tpu.memref_slice %arg8[%dma_wait3A_348, %dma_wait3A_349, %dma_wait3A_350] : memref<12x80x16xf32, #tpu.memory_space<vmem>> -> memref<1x80x16xf32, #tpu.memory_space<vmem>>
        %dma_wait3A_352 = tpu.memref_squeeze %dma_wait3A_351 : memref<1x80x16xf32, #tpu.memory_space<vmem>> -> memref<80x16xf32, #tpu.memory_space<vmem>>
        %dma_wait3A_353 = arith.constant 0 : i32
        %dma_wait3A_354 = tpu.memref_slice %arg6[%add3A_279, %dma_wait3A_353] : memref<125x80xi32, #tpu.memory_space<vmem>> -> memref<1x80xi32, #tpu.memory_space<vmem>>
        %dma_wait3A_355 = tpu.memref_squeeze %dma_wait3A_354 : memref<1x80xi32, #tpu.memory_space<vmem>> -> memref<80xi32, #tpu.memory_space<vmem>>
        %dma_wait3A_356 = arith.constant 0 : i32
        %dma_wait3A_357 = arith.constant 0 : i32
        %dma_wait3A_358 = tpu.memref_slice %arg2[%dma_wait3A_356, %dma_wait3A_357] : memref<10000x16xf32, #tpu.memory_space<hbm>> -> memref<10000x16xf32, #tpu.memory_space<hbm>>
        tpu.wait_indirect_dma semaphore(%arg13 : memref<!tpu.dma_semaphore, #tpu.memory_space<semaphore_mem>>) src(%dma_wait3A_358 : memref<10000x16xf32, #tpu.memory_space<hbm>>) dst(%dma_wait3A_352 : memref<80x16xf32, #tpu.memory_space<vmem>>)
        %dma_start3A_359 = arith.constant 2 : i32
        %dma_start3A_360 = arith.constant 0 : i32
        %dma_start3A_361 = arith.constant 0 : i32
        %dma_start3A_362 = tpu.memref_slice %arg8[%dma_start3A_359, %dma_start3A_360, %dma_start3A_361] : memref<12x80x16xf32, #tpu.memory_space<vmem>> -> memref<1x80x16xf32, #tpu.memory_space<vmem>>
        %dma_start3A_363 = tpu.memref_squeeze %dma_start3A_362 : memref<1x80x16xf32, #tpu.memory_space<vmem>> -> memref<80x16xf32, #tpu.memory_space<vmem>>
        %dma_start3A_364 = arith.constant 0 : i32
        %dma_start3A_365 = tpu.memref_slice %arg7[%add3A_279, %dma_start3A_364] : memref<125x80xi32, #tpu.memory_space<vmem>> -> memref<1x80xi32, #tpu.memory_space<vmem>>
        %dma_start3A_366 = tpu.memref_squeeze %dma_start3A_365 : memref<1x80xi32, #tpu.memory_space<vmem>> -> memref<80xi32, #tpu.memory_space<vmem>>
        %dma_start3A_367 = arith.constant 0 : i32
        %dma_start3A_368 = arith.constant 0 : i32
        %dma_start3A_369 = tpu.memref_slice %arg10[%dma_start3A_367, %dma_start3A_368] : memref<10240x16xf32, #tpu.memory_space<vmem_shared>> -> memref<10240x16xf32, #tpu.memory_space<vmem_shared>>
        tpu.enqueue_indirect_dma source(%dma_start3A_363 : memref<80x16xf32, #tpu.memory_space<vmem>>) target(%dma_start3A_369 : memref<10240x16xf32, #tpu.memory_space<vmem_shared>>) offsets(%dma_start3A_366 : memref<80xi32, #tpu.memory_space<vmem>>) semaphore(%arg25 : memref<!tpu.dma_semaphore, #tpu.memory_space<semaphore_mem>>) {add = true}
        %add3A_370 = arith.constant 6 : i32
        %add3A_371 = arith.addi %add3A_279, %add3A_370 : i32
        %lt3A_372 = arith.constant 125 : i32
        %lt3A_373 = arith.cmpi slt, %add3A_371, %lt3A_372 : i32
        %convert_element_type3A_374 = arith.extui %lt3A_373 : i1 to i32
        %cond3A_375 = arith.constant 0 : i32
        %cond3A_376 = arith.cmpi ne, %convert_element_type3A_374, %cond3A_375 : i32
        scf.if %cond3A_376 {
          %ge3A = arith.constant 6 : i32
          %ge3A_377 = arith.cmpi sge, %add3A_279, %ge3A : i32
          %convert_element_type3A_378 = arith.extui %ge3A_377 : i1 to i32
          %cond3A_379 = arith.constant 0 : i32
          %cond3A_380 = arith.cmpi ne, %convert_element_type3A_378, %cond3A_379 : i32
          scf.if %cond3A_380 {
            %dma_wait3A_394 = arith.constant 8 : i32
            %dma_wait3A_395 = arith.constant 0 : i32
            %dma_wait3A_396 = arith.constant 0 : i32
            %dma_wait3A_397 = tpu.memref_slice %arg8[%dma_wait3A_394, %dma_wait3A_395, %dma_wait3A_396] : memref<12x80x16xf32, #tpu.memory_space<vmem>> -> memref<1x80x16xf32, #tpu.memory_space<vmem>>
            %dma_wait3A_398 = tpu.memref_squeeze %dma_wait3A_397 : memref<1x80x16xf32, #tpu.memory_space<vmem>> -> memref<80x16xf32, #tpu.memory_space<vmem>>
            %dma_wait3A_399 = arith.constant 0 : i32
            %dma_wait3A_400 = tpu.memref_slice %arg7[%add3A_279, %dma_wait3A_399] : memref<125x80xi32, #tpu.memory_space<vmem>> -> memref<1x80xi32, #tpu.memory_space<vmem>>
            %dma_wait3A_401 = tpu.memref_squeeze %dma_wait3A_400 : memref<1x80xi32, #tpu.memory_space<vmem>> -> memref<80xi32, #tpu.memory_space<vmem>>
            %dma_wait3A_402 = arith.constant 0 : i32
            %dma_wait3A_403 = arith.constant 0 : i32
            %dma_wait3A_404 = tpu.memref_slice %arg10[%dma_wait3A_402, %dma_wait3A_403] : memref<10240x16xf32, #tpu.memory_space<vmem_shared>> -> memref<10240x16xf32, #tpu.memory_space<vmem_shared>>
            tpu.wait_indirect_dma semaphore(%arg31 : memref<!tpu.dma_semaphore, #tpu.memory_space<semaphore_mem>>) src(%dma_wait3A_398 : memref<80x16xf32, #tpu.memory_space<vmem>>) dst(%dma_wait3A_404 : memref<10240x16xf32, #tpu.memory_space<vmem_shared>>)
          } else {
          }
          %add3A_381 = arith.constant 6 : i32
          %add3A_382 = arith.addi %add3A_279, %add3A_381 : i32
          %dma_start3A_383 = arith.constant 8 : i32
          %dma_start3A_384 = arith.constant 0 : i32
          %dma_start3A_385 = arith.constant 0 : i32
          %dma_start3A_386 = tpu.memref_slice %arg8[%dma_start3A_383, %dma_start3A_384, %dma_start3A_385] : memref<12x80x16xf32, #tpu.memory_space<vmem>> -> memref<1x80x16xf32, #tpu.memory_space<vmem>>
          %dma_start3A_387 = tpu.memref_squeeze %dma_start3A_386 : memref<1x80x16xf32, #tpu.memory_space<vmem>> -> memref<80x16xf32, #tpu.memory_space<vmem>>
          %dma_start3A_388 = arith.constant 0 : i32
          %dma_start3A_389 = tpu.memref_slice %arg6[%add3A_382, %dma_start3A_388] : memref<125x80xi32, #tpu.memory_space<vmem>> -> memref<1x80xi32, #tpu.memory_space<vmem>>
          %dma_start3A_390 = tpu.memref_squeeze %dma_start3A_389 : memref<1x80xi32, #tpu.memory_space<vmem>> -> memref<80xi32, #tpu.memory_space<vmem>>
          %dma_start3A_391 = arith.constant 0 : i32
          %dma_start3A_392 = arith.constant 0 : i32
          %dma_start3A_393 = tpu.memref_slice %arg2[%dma_start3A_391, %dma_start3A_392] : memref<10000x16xf32, #tpu.memory_space<hbm>> -> memref<10000x16xf32, #tpu.memory_space<hbm>>
          tpu.enqueue_indirect_dma source(%dma_start3A_393 : memref<10000x16xf32, #tpu.memory_space<hbm>>) target(%dma_start3A_387 : memref<80x16xf32, #tpu.memory_space<vmem>>) offsets(%dma_start3A_390 : memref<80xi32, #tpu.memory_space<vmem>>) semaphore(%arg19 : memref<!tpu.dma_semaphore, #tpu.memory_space<semaphore_mem>>)
        } else {
        }
      } else {
      }
      %add3A_285 = arith.constant 3 : i32
      %add3A_286 = arith.addi %mul3A_266, %add3A_285 : i32
      %lt3A_287 = arith.constant 125 : i32
      %lt3A_288 = arith.cmpi slt, %add3A_286, %lt3A_287 : i32
      %convert_element_type3A_289 = arith.extui %lt3A_288 : i1 to i32
      %cond3A_290 = arith.constant 0 : i32
      %cond3A_291 = arith.cmpi ne, %convert_element_type3A_289, %cond3A_290 : i32
      scf.if %cond3A_291 {
        %dma_wait3A_348 = arith.constant 3 : i32
        %dma_wait3A_349 = arith.constant 0 : i32
        %dma_wait3A_350 = arith.constant 0 : i32
        %dma_wait3A_351 = tpu.memref_slice %arg8[%dma_wait3A_348, %dma_wait3A_349, %dma_wait3A_350] : memref<12x80x16xf32, #tpu.memory_space<vmem>> -> memref<1x80x16xf32, #tpu.memory_space<vmem>>
        %dma_wait3A_352 = tpu.memref_squeeze %dma_wait3A_351 : memref<1x80x16xf32, #tpu.memory_space<vmem>> -> memref<80x16xf32, #tpu.memory_space<vmem>>
        %dma_wait3A_353 = arith.constant 0 : i32
        %dma_wait3A_354 = tpu.memref_slice %arg6[%add3A_286, %dma_wait3A_353] : memref<125x80xi32, #tpu.memory_space<vmem>> -> memref<1x80xi32, #tpu.memory_space<vmem>>
        %dma_wait3A_355 = tpu.memref_squeeze %dma_wait3A_354 : memref<1x80xi32, #tpu.memory_space<vmem>> -> memref<80xi32, #tpu.memory_space<vmem>>
        %dma_wait3A_356 = arith.constant 0 : i32
        %dma_wait3A_357 = arith.constant 0 : i32
        %dma_wait3A_358 = tpu.memref_slice %arg2[%dma_wait3A_356, %dma_wait3A_357] : memref<10000x16xf32, #tpu.memory_space<hbm>> -> memref<10000x16xf32, #tpu.memory_space<hbm>>
        tpu.wait_indirect_dma semaphore(%arg14 : memref<!tpu.dma_semaphore, #tpu.memory_space<semaphore_mem>>) src(%dma_wait3A_358 : memref<10000x16xf32, #tpu.memory_space<hbm>>) dst(%dma_wait3A_352 : memref<80x16xf32, #tpu.memory_space<vmem>>)
        %dma_start3A_359 = arith.constant 3 : i32
        %dma_start3A_360 = arith.constant 0 : i32
        %dma_start3A_361 = arith.constant 0 : i32
        %dma_start3A_362 = tpu.memref_slice %arg8[%dma_start3A_359, %dma_start3A_360, %dma_start3A_361] : memref<12x80x16xf32, #tpu.memory_space<vmem>> -> memref<1x80x16xf32, #tpu.memory_space<vmem>>
        %dma_start3A_363 = tpu.memref_squeeze %dma_start3A_362 : memref<1x80x16xf32, #tpu.memory_space<vmem>> -> memref<80x16xf32, #tpu.memory_space<vmem>>
        %dma_start3A_364 = arith.constant 0 : i32
        %dma_start3A_365 = tpu.memref_slice %arg7[%add3A_286, %dma_start3A_364] : memref<125x80xi32, #tpu.memory_space<vmem>> -> memref<1x80xi32, #tpu.memory_space<vmem>>
        %dma_start3A_366 = tpu.memref_squeeze %dma_start3A_365 : memref<1x80xi32, #tpu.memory_space<vmem>> -> memref<80xi32, #tpu.memory_space<vmem>>
        %dma_start3A_367 = arith.constant 0 : i32
        %dma_start3A_368 = arith.constant 0 : i32
        %dma_start3A_369 = tpu.memref_slice %arg10[%dma_start3A_367, %dma_start3A_368] : memref<10240x16xf32, #tpu.memory_space<vmem_shared>> -> memref<10240x16xf32, #tpu.memory_space<vmem_shared>>
        tpu.enqueue_indirect_dma source(%dma_start3A_363 : memref<80x16xf32, #tpu.memory_space<vmem>>) target(%dma_start3A_369 : memref<10240x16xf32, #tpu.memory_space<vmem_shared>>) offsets(%dma_start3A_366 : memref<80xi32, #tpu.memory_space<vmem>>) semaphore(%arg26 : memref<!tpu.dma_semaphore, #tpu.memory_space<semaphore_mem>>) {add = true}
        %add3A_370 = arith.constant 6 : i32
        %add3A_371 = arith.addi %add3A_286, %add3A_370 : i32
        %lt3A_372 = arith.constant 125 : i32
        %lt3A_373 = arith.cmpi slt, %add3A_371, %lt3A_372 : i32
        %convert_element_type3A_374 = arith.extui %lt3A_373 : i1 to i32
        %cond3A_375 = arith.constant 0 : i32
        %cond3A_376 = arith.cmpi ne, %convert_element_type3A_374, %cond3A_375 : i32
        scf.if %cond3A_376 {
          %ge3A = arith.constant 6 : i32
          %ge3A_377 = arith.cmpi sge, %add3A_286, %ge3A : i32
          %convert_element_type3A_378 = arith.extui %ge3A_377 : i1 to i32
          %cond3A_379 = arith.constant 0 : i32
          %cond3A_380 = arith.cmpi ne, %convert_element_type3A_378, %cond3A_379 : i32
          scf.if %cond3A_380 {
            %dma_wait3A_394 = arith.constant 9 : i32
            %dma_wait3A_395 = arith.constant 0 : i32
            %dma_wait3A_396 = arith.constant 0 : i32
            %dma_wait3A_397 = tpu.memref_slice %arg8[%dma_wait3A_394, %dma_wait3A_395, %dma_wait3A_396] : memref<12x80x16xf32, #tpu.memory_space<vmem>> -> memref<1x80x16xf32, #tpu.memory_space<vmem>>
            %dma_wait3A_398 = tpu.memref_squeeze %dma_wait3A_397 : memref<1x80x16xf32, #tpu.memory_space<vmem>> -> memref<80x16xf32, #tpu.memory_space<vmem>>
            %dma_wait3A_399 = arith.constant 0 : i32
            %dma_wait3A_400 = tpu.memref_slice %arg7[%add3A_286, %dma_wait3A_399] : memref<125x80xi32, #tpu.memory_space<vmem>> -> memref<1x80xi32, #tpu.memory_space<vmem>>
            %dma_wait3A_401 = tpu.memref_squeeze %dma_wait3A_400 : memref<1x80xi32, #tpu.memory_space<vmem>> -> memref<80xi32, #tpu.memory_space<vmem>>
            %dma_wait3A_402 = arith.constant 0 : i32
            %dma_wait3A_403 = arith.constant 0 : i32
            %dma_wait3A_404 = tpu.memref_slice %arg10[%dma_wait3A_402, %dma_wait3A_403] : memref<10240x16xf32, #tpu.memory_space<vmem_shared>> -> memref<10240x16xf32, #tpu.memory_space<vmem_shared>>
            tpu.wait_indirect_dma semaphore(%arg32 : memref<!tpu.dma_semaphore, #tpu.memory_space<semaphore_mem>>) src(%dma_wait3A_398 : memref<80x16xf32, #tpu.memory_space<vmem>>) dst(%dma_wait3A_404 : memref<10240x16xf32, #tpu.memory_space<vmem_shared>>)
          } else {
          }
          %add3A_381 = arith.constant 6 : i32
          %add3A_382 = arith.addi %add3A_286, %add3A_381 : i32
          %dma_start3A_383 = arith.constant 9 : i32
          %dma_start3A_384 = arith.constant 0 : i32
          %dma_start3A_385 = arith.constant 0 : i32
          %dma_start3A_386 = tpu.memref_slice %arg8[%dma_start3A_383, %dma_start3A_384, %dma_start3A_385] : memref<12x80x16xf32, #tpu.memory_space<vmem>> -> memref<1x80x16xf32, #tpu.memory_space<vmem>>
          %dma_start3A_387 = tpu.memref_squeeze %dma_start3A_386 : memref<1x80x16xf32, #tpu.memory_space<vmem>> -> memref<80x16xf32, #tpu.memory_space<vmem>>
          %dma_start3A_388 = arith.constant 0 : i32
          %dma_start3A_389 = tpu.memref_slice %arg6[%add3A_382, %dma_start3A_388] : memref<125x80xi32, #tpu.memory_space<vmem>> -> memref<1x80xi32, #tpu.memory_space<vmem>>
          %dma_start3A_390 = tpu.memref_squeeze %dma_start3A_389 : memref<1x80xi32, #tpu.memory_space<vmem>> -> memref<80xi32, #tpu.memory_space<vmem>>
          %dma_start3A_391 = arith.constant 0 : i32
          %dma_start3A_392 = arith.constant 0 : i32
          %dma_start3A_393 = tpu.memref_slice %arg2[%dma_start3A_391, %dma_start3A_392] : memref<10000x16xf32, #tpu.memory_space<hbm>> -> memref<10000x16xf32, #tpu.memory_space<hbm>>
          tpu.enqueue_indirect_dma source(%dma_start3A_393 : memref<10000x16xf32, #tpu.memory_space<hbm>>) target(%dma_start3A_387 : memref<80x16xf32, #tpu.memory_space<vmem>>) offsets(%dma_start3A_390 : memref<80xi32, #tpu.memory_space<vmem>>) semaphore(%arg20 : memref<!tpu.dma_semaphore, #tpu.memory_space<semaphore_mem>>)
        } else {
        }
      } else {
      }
      %add3A_292 = arith.constant 4 : i32
      %add3A_293 = arith.addi %mul3A_266, %add3A_292 : i32
      %lt3A_294 = arith.constant 125 : i32
      %lt3A_295 = arith.cmpi slt, %add3A_293, %lt3A_294 : i32
      %convert_element_type3A_296 = arith.extui %lt3A_295 : i1 to i32
      %cond3A_297 = arith.constant 0 : i32
      %cond3A_298 = arith.cmpi ne, %convert_element_type3A_296, %cond3A_297 : i32
      scf.if %cond3A_298 {
        %dma_wait3A_348 = arith.constant 4 : i32
        %dma_wait3A_349 = arith.constant 0 : i32
        %dma_wait3A_350 = arith.constant 0 : i32
        %dma_wait3A_351 = tpu.memref_slice %arg8[%dma_wait3A_348, %dma_wait3A_349, %dma_wait3A_350] : memref<12x80x16xf32, #tpu.memory_space<vmem>> -> memref<1x80x16xf32, #tpu.memory_space<vmem>>
        %dma_wait3A_352 = tpu.memref_squeeze %dma_wait3A_351 : memref<1x80x16xf32, #tpu.memory_space<vmem>> -> memref<80x16xf32, #tpu.memory_space<vmem>>
        %dma_wait3A_353 = arith.constant 0 : i32
        %dma_wait3A_354 = tpu.memref_slice %arg6[%add3A_293, %dma_wait3A_353] : memref<125x80xi32, #tpu.memory_space<vmem>> -> memref<1x80xi32, #tpu.memory_space<vmem>>
        %dma_wait3A_355 = tpu.memref_squeeze %dma_wait3A_354 : memref<1x80xi32, #tpu.memory_space<vmem>> -> memref<80xi32, #tpu.memory_space<vmem>>
        %dma_wait3A_356 = arith.constant 0 : i32
        %dma_wait3A_357 = arith.constant 0 : i32
        %dma_wait3A_358 = tpu.memref_slice %arg2[%dma_wait3A_356, %dma_wait3A_357] : memref<10000x16xf32, #tpu.memory_space<hbm>> -> memref<10000x16xf32, #tpu.memory_space<hbm>>
        tpu.wait_indirect_dma semaphore(%arg15 : memref<!tpu.dma_semaphore, #tpu.memory_space<semaphore_mem>>) src(%dma_wait3A_358 : memref<10000x16xf32, #tpu.memory_space<hbm>>) dst(%dma_wait3A_352 : memref<80x16xf32, #tpu.memory_space<vmem>>)
        %dma_start3A_359 = arith.constant 4 : i32
        %dma_start3A_360 = arith.constant 0 : i32
        %dma_start3A_361 = arith.constant 0 : i32
        %dma_start3A_362 = tpu.memref_slice %arg8[%dma_start3A_359, %dma_start3A_360, %dma_start3A_361] : memref<12x80x16xf32, #tpu.memory_space<vmem>> -> memref<1x80x16xf32, #tpu.memory_space<vmem>>
        %dma_start3A_363 = tpu.memref_squeeze %dma_start3A_362 : memref<1x80x16xf32, #tpu.memory_space<vmem>> -> memref<80x16xf32, #tpu.memory_space<vmem>>
        %dma_start3A_364 = arith.constant 0 : i32
        %dma_start3A_365 = tpu.memref_slice %arg7[%add3A_293, %dma_start3A_364] : memref<125x80xi32, #tpu.memory_space<vmem>> -> memref<1x80xi32, #tpu.memory_space<vmem>>
        %dma_start3A_366 = tpu.memref_squeeze %dma_start3A_365 : memref<1x80xi32, #tpu.memory_space<vmem>> -> memref<80xi32, #tpu.memory_space<vmem>>
        %dma_start3A_367 = arith.constant 0 : i32
        %dma_start3A_368 = arith.constant 0 : i32
        %dma_start3A_369 = tpu.memref_slice %arg10[%dma_start3A_367, %dma_start3A_368] : memref<10240x16xf32, #tpu.memory_space<vmem_shared>> -> memref<10240x16xf32, #tpu.memory_space<vmem_shared>>
        tpu.enqueue_indirect_dma source(%dma_start3A_363 : memref<80x16xf32, #tpu.memory_space<vmem>>) target(%dma_start3A_369 : memref<10240x16xf32, #tpu.memory_space<vmem_shared>>) offsets(%dma_start3A_366 : memref<80xi32, #tpu.memory_space<vmem>>) semaphore(%arg27 : memref<!tpu.dma_semaphore, #tpu.memory_space<semaphore_mem>>) {add = true}
        %add3A_370 = arith.constant 6 : i32
        %add3A_371 = arith.addi %add3A_293, %add3A_370 : i32
        %lt3A_372 = arith.constant 125 : i32
        %lt3A_373 = arith.cmpi slt, %add3A_371, %lt3A_372 : i32
        %convert_element_type3A_374 = arith.extui %lt3A_373 : i1 to i32
        %cond3A_375 = arith.constant 0 : i32
        %cond3A_376 = arith.cmpi ne, %convert_element_type3A_374, %cond3A_375 : i32
        scf.if %cond3A_376 {
          %ge3A = arith.constant 6 : i32
          %ge3A_377 = arith.cmpi sge, %add3A_293, %ge3A : i32
          %convert_element_type3A_378 = arith.extui %ge3A_377 : i1 to i32
          %cond3A_379 = arith.constant 0 : i32
          %cond3A_380 = arith.cmpi ne, %convert_element_type3A_378, %cond3A_379 : i32
          scf.if %cond3A_380 {
            %dma_wait3A_394 = arith.constant 10 : i32
            %dma_wait3A_395 = arith.constant 0 : i32
            %dma_wait3A_396 = arith.constant 0 : i32
            %dma_wait3A_397 = tpu.memref_slice %arg8[%dma_wait3A_394, %dma_wait3A_395, %dma_wait3A_396] : memref<12x80x16xf32, #tpu.memory_space<vmem>> -> memref<1x80x16xf32, #tpu.memory_space<vmem>>
            %dma_wait3A_398 = tpu.memref_squeeze %dma_wait3A_397 : memref<1x80x16xf32, #tpu.memory_space<vmem>> -> memref<80x16xf32, #tpu.memory_space<vmem>>
            %dma_wait3A_399 = arith.constant 0 : i32
            %dma_wait3A_400 = tpu.memref_slice %arg7[%add3A_293, %dma_wait3A_399] : memref<125x80xi32, #tpu.memory_space<vmem>> -> memref<1x80xi32, #tpu.memory_space<vmem>>
            %dma_wait3A_401 = tpu.memref_squeeze %dma_wait3A_400 : memref<1x80xi32, #tpu.memory_space<vmem>> -> memref<80xi32, #tpu.memory_space<vmem>>
            %dma_wait3A_402 = arith.constant 0 : i32
            %dma_wait3A_403 = arith.constant 0 : i32
            %dma_wait3A_404 = tpu.memref_slice %arg10[%dma_wait3A_402, %dma_wait3A_403] : memref<10240x16xf32, #tpu.memory_space<vmem_shared>> -> memref<10240x16xf32, #tpu.memory_space<vmem_shared>>
            tpu.wait_indirect_dma semaphore(%arg33 : memref<!tpu.dma_semaphore, #tpu.memory_space<semaphore_mem>>) src(%dma_wait3A_398 : memref<80x16xf32, #tpu.memory_space<vmem>>) dst(%dma_wait3A_404 : memref<10240x16xf32, #tpu.memory_space<vmem_shared>>)
          } else {
          }
          %add3A_381 = arith.constant 6 : i32
          %add3A_382 = arith.addi %add3A_293, %add3A_381 : i32
          %dma_start3A_383 = arith.constant 10 : i32
          %dma_start3A_384 = arith.constant 0 : i32
          %dma_start3A_385 = arith.constant 0 : i32
          %dma_start3A_386 = tpu.memref_slice %arg8[%dma_start3A_383, %dma_start3A_384, %dma_start3A_385] : memref<12x80x16xf32, #tpu.memory_space<vmem>> -> memref<1x80x16xf32, #tpu.memory_space<vmem>>
          %dma_start3A_387 = tpu.memref_squeeze %dma_start3A_386 : memref<1x80x16xf32, #tpu.memory_space<vmem>> -> memref<80x16xf32, #tpu.memory_space<vmem>>
          %dma_start3A_388 = arith.constant 0 : i32
          %dma_start3A_389 = tpu.memref_slice %arg6[%add3A_382, %dma_start3A_388] : memref<125x80xi32, #tpu.memory_space<vmem>> -> memref<1x80xi32, #tpu.memory_space<vmem>>
          %dma_start3A_390 = tpu.memref_squeeze %dma_start3A_389 : memref<1x80xi32, #tpu.memory_space<vmem>> -> memref<80xi32, #tpu.memory_space<vmem>>
          %dma_start3A_391 = arith.constant 0 : i32
          %dma_start3A_392 = arith.constant 0 : i32
          %dma_start3A_393 = tpu.memref_slice %arg2[%dma_start3A_391, %dma_start3A_392] : memref<10000x16xf32, #tpu.memory_space<hbm>> -> memref<10000x16xf32, #tpu.memory_space<hbm>>
          tpu.enqueue_indirect_dma source(%dma_start3A_393 : memref<10000x16xf32, #tpu.memory_space<hbm>>) target(%dma_start3A_387 : memref<80x16xf32, #tpu.memory_space<vmem>>) offsets(%dma_start3A_390 : memref<80xi32, #tpu.memory_space<vmem>>) semaphore(%arg21 : memref<!tpu.dma_semaphore, #tpu.memory_space<semaphore_mem>>)
        } else {
        }
      } else {
      }
      %add3A_299 = arith.constant 5 : i32
      %add3A_300 = arith.addi %mul3A_266, %add3A_299 : i32
      %lt3A_301 = arith.constant 125 : i32
      %lt3A_302 = arith.cmpi slt, %add3A_300, %lt3A_301 : i32
      %convert_element_type3A_303 = arith.extui %lt3A_302 : i1 to i32
      %cond3A_304 = arith.constant 0 : i32
      %cond3A_305 = arith.cmpi ne, %convert_element_type3A_303, %cond3A_304 : i32
      scf.if %cond3A_305 {
        %dma_wait3A_348 = arith.constant 5 : i32
        %dma_wait3A_349 = arith.constant 0 : i32
        %dma_wait3A_350 = arith.constant 0 : i32
        %dma_wait3A_351 = tpu.memref_slice %arg8[%dma_wait3A_348, %dma_wait3A_349, %dma_wait3A_350] : memref<12x80x16xf32, #tpu.memory_space<vmem>> -> memref<1x80x16xf32, #tpu.memory_space<vmem>>
        %dma_wait3A_352 = tpu.memref_squeeze %dma_wait3A_351 : memref<1x80x16xf32, #tpu.memory_space<vmem>> -> memref<80x16xf32, #tpu.memory_space<vmem>>
        %dma_wait3A_353 = arith.constant 0 : i32
        %dma_wait3A_354 = tpu.memref_slice %arg6[%add3A_300, %dma_wait3A_353] : memref<125x80xi32, #tpu.memory_space<vmem>> -> memref<1x80xi32, #tpu.memory_space<vmem>>
        %dma_wait3A_355 = tpu.memref_squeeze %dma_wait3A_354 : memref<1x80xi32, #tpu.memory_space<vmem>> -> memref<80xi32, #tpu.memory_space<vmem>>
        %dma_wait3A_356 = arith.constant 0 : i32
        %dma_wait3A_357 = arith.constant 0 : i32
        %dma_wait3A_358 = tpu.memref_slice %arg2[%dma_wait3A_356, %dma_wait3A_357] : memref<10000x16xf32, #tpu.memory_space<hbm>> -> memref<10000x16xf32, #tpu.memory_space<hbm>>
        tpu.wait_indirect_dma semaphore(%arg16 : memref<!tpu.dma_semaphore, #tpu.memory_space<semaphore_mem>>) src(%dma_wait3A_358 : memref<10000x16xf32, #tpu.memory_space<hbm>>) dst(%dma_wait3A_352 : memref<80x16xf32, #tpu.memory_space<vmem>>)
        %dma_start3A_359 = arith.constant 5 : i32
        %dma_start3A_360 = arith.constant 0 : i32
        %dma_start3A_361 = arith.constant 0 : i32
        %dma_start3A_362 = tpu.memref_slice %arg8[%dma_start3A_359, %dma_start3A_360, %dma_start3A_361] : memref<12x80x16xf32, #tpu.memory_space<vmem>> -> memref<1x80x16xf32, #tpu.memory_space<vmem>>
        %dma_start3A_363 = tpu.memref_squeeze %dma_start3A_362 : memref<1x80x16xf32, #tpu.memory_space<vmem>> -> memref<80x16xf32, #tpu.memory_space<vmem>>
        %dma_start3A_364 = arith.constant 0 : i32
        %dma_start3A_365 = tpu.memref_slice %arg7[%add3A_300, %dma_start3A_364] : memref<125x80xi32, #tpu.memory_space<vmem>> -> memref<1x80xi32, #tpu.memory_space<vmem>>
        %dma_start3A_366 = tpu.memref_squeeze %dma_start3A_365 : memref<1x80xi32, #tpu.memory_space<vmem>> -> memref<80xi32, #tpu.memory_space<vmem>>
        %dma_start3A_367 = arith.constant 0 : i32
        %dma_start3A_368 = arith.constant 0 : i32
        %dma_start3A_369 = tpu.memref_slice %arg10[%dma_start3A_367, %dma_start3A_368] : memref<10240x16xf32, #tpu.memory_space<vmem_shared>> -> memref<10240x16xf32, #tpu.memory_space<vmem_shared>>
        tpu.enqueue_indirect_dma source(%dma_start3A_363 : memref<80x16xf32, #tpu.memory_space<vmem>>) target(%dma_start3A_369 : memref<10240x16xf32, #tpu.memory_space<vmem_shared>>) offsets(%dma_start3A_366 : memref<80xi32, #tpu.memory_space<vmem>>) semaphore(%arg28 : memref<!tpu.dma_semaphore, #tpu.memory_space<semaphore_mem>>) {add = true}
        %add3A_370 = arith.constant 6 : i32
        %add3A_371 = arith.addi %add3A_300, %add3A_370 : i32
        %lt3A_372 = arith.constant 125 : i32
        %lt3A_373 = arith.cmpi slt, %add3A_371, %lt3A_372 : i32
        %convert_element_type3A_374 = arith.extui %lt3A_373 : i1 to i32
        %cond3A_375 = arith.constant 0 : i32
        %cond3A_376 = arith.cmpi ne, %convert_element_type3A_374, %cond3A_375 : i32
        scf.if %cond3A_376 {
          %ge3A = arith.constant 6 : i32
          %ge3A_377 = arith.cmpi sge, %add3A_300, %ge3A : i32
          %convert_element_type3A_378 = arith.extui %ge3A_377 : i1 to i32
          %cond3A_379 = arith.constant 0 : i32
          %cond3A_380 = arith.cmpi ne, %convert_element_type3A_378, %cond3A_379 : i32
          scf.if %cond3A_380 {
            %dma_wait3A_394 = arith.constant 11 : i32
            %dma_wait3A_395 = arith.constant 0 : i32
            %dma_wait3A_396 = arith.constant 0 : i32
            %dma_wait3A_397 = tpu.memref_slice %arg8[%dma_wait3A_394, %dma_wait3A_395, %dma_wait3A_396] : memref<12x80x16xf32, #tpu.memory_space<vmem>> -> memref<1x80x16xf32, #tpu.memory_space<vmem>>
            %dma_wait3A_398 = tpu.memref_squeeze %dma_wait3A_397 : memref<1x80x16xf32, #tpu.memory_space<vmem>> -> memref<80x16xf32, #tpu.memory_space<vmem>>
            %dma_wait3A_399 = arith.constant 0 : i32
            %dma_wait3A_400 = tpu.memref_slice %arg7[%add3A_300, %dma_wait3A_399] : memref<125x80xi32, #tpu.memory_space<vmem>> -> memref<1x80xi32, #tpu.memory_space<vmem>>
            %dma_wait3A_401 = tpu.memref_squeeze %dma_wait3A_400 : memref<1x80xi32, #tpu.memory_space<vmem>> -> memref<80xi32, #tpu.memory_space<vmem>>
            %dma_wait3A_402 = arith.constant 0 : i32
            %dma_wait3A_403 = arith.constant 0 : i32
            %dma_wait3A_404 = tpu.memref_slice %arg10[%dma_wait3A_402, %dma_wait3A_403] : memref<10240x16xf32, #tpu.memory_space<vmem_shared>> -> memref<10240x16xf32, #tpu.memory_space<vmem_shared>>
            tpu.wait_indirect_dma semaphore(%arg34 : memref<!tpu.dma_semaphore, #tpu.memory_space<semaphore_mem>>) src(%dma_wait3A_398 : memref<80x16xf32, #tpu.memory_space<vmem>>) dst(%dma_wait3A_404 : memref<10240x16xf32, #tpu.memory_space<vmem_shared>>)
          } else {
          }
          %add3A_381 = arith.constant 6 : i32
          %add3A_382 = arith.addi %add3A_300, %add3A_381 : i32
          %dma_start3A_383 = arith.constant 11 : i32
          %dma_start3A_384 = arith.constant 0 : i32
          %dma_start3A_385 = arith.constant 0 : i32
          %dma_start3A_386 = tpu.memref_slice %arg8[%dma_start3A_383, %dma_start3A_384, %dma_start3A_385] : memref<12x80x16xf32, #tpu.memory_space<vmem>> -> memref<1x80x16xf32, #tpu.memory_space<vmem>>
          %dma_start3A_387 = tpu.memref_squeeze %dma_start3A_386 : memref<1x80x16xf32, #tpu.memory_space<vmem>> -> memref<80x16xf32, #tpu.memory_space<vmem>>
          %dma_start3A_388 = arith.constant 0 : i32
          %dma_start3A_389 = tpu.memref_slice %arg6[%add3A_382, %dma_start3A_388] : memref<125x80xi32, #tpu.memory_space<vmem>> -> memref<1x80xi32, #tpu.memory_space<vmem>>
          %dma_start3A_390 = tpu.memref_squeeze %dma_start3A_389 : memref<1x80xi32, #tpu.memory_space<vmem>> -> memref<80xi32, #tpu.memory_space<vmem>>
          %dma_start3A_391 = arith.constant 0 : i32
          %dma_start3A_392 = arith.constant 0 : i32
          %dma_start3A_393 = tpu.memref_slice %arg2[%dma_start3A_391, %dma_start3A_392] : memref<10000x16xf32, #tpu.memory_space<hbm>> -> memref<10000x16xf32, #tpu.memory_space<hbm>>
          tpu.enqueue_indirect_dma source(%dma_start3A_393 : memref<10000x16xf32, #tpu.memory_space<hbm>>) target(%dma_start3A_387 : memref<80x16xf32, #tpu.memory_space<vmem>>) offsets(%dma_start3A_390 : memref<80xi32, #tpu.memory_space<vmem>>) semaphore(%arg22 : memref<!tpu.dma_semaphore, #tpu.memory_space<semaphore_mem>>)
        } else {
        }
      } else {
      }
      %add3A_306 = arith.constant 6 : i32
      %add3A_307 = arith.addi %mul3A_266, %add3A_306 : i32
      %lt3A_308 = arith.constant 125 : i32
      %lt3A_309 = arith.cmpi slt, %add3A_307, %lt3A_308 : i32
      %convert_element_type3A_310 = arith.extui %lt3A_309 : i1 to i32
      %cond3A_311 = arith.constant 0 : i32
      %cond3A_312 = arith.cmpi ne, %convert_element_type3A_310, %cond3A_311 : i32
      scf.if %cond3A_312 {
        %dma_wait3A_348 = arith.constant 6 : i32
        %dma_wait3A_349 = arith.constant 0 : i32
        %dma_wait3A_350 = arith.constant 0 : i32
        %dma_wait3A_351 = tpu.memref_slice %arg8[%dma_wait3A_348, %dma_wait3A_349, %dma_wait3A_350] : memref<12x80x16xf32, #tpu.memory_space<vmem>> -> memref<1x80x16xf32, #tpu.memory_space<vmem>>
        %dma_wait3A_352 = tpu.memref_squeeze %dma_wait3A_351 : memref<1x80x16xf32, #tpu.memory_space<vmem>> -> memref<80x16xf32, #tpu.memory_space<vmem>>
        %dma_wait3A_353 = arith.constant 0 : i32
        %dma_wait3A_354 = tpu.memref_slice %arg6[%add3A_307, %dma_wait3A_353] : memref<125x80xi32, #tpu.memory_space<vmem>> -> memref<1x80xi32, #tpu.memory_space<vmem>>
        %dma_wait3A_355 = tpu.memref_squeeze %dma_wait3A_354 : memref<1x80xi32, #tpu.memory_space<vmem>> -> memref<80xi32, #tpu.memory_space<vmem>>
        %dma_wait3A_356 = arith.constant 0 : i32
        %dma_wait3A_357 = arith.constant 0 : i32
        %dma_wait3A_358 = tpu.memref_slice %arg2[%dma_wait3A_356, %dma_wait3A_357] : memref<10000x16xf32, #tpu.memory_space<hbm>> -> memref<10000x16xf32, #tpu.memory_space<hbm>>
        tpu.wait_indirect_dma semaphore(%arg17 : memref<!tpu.dma_semaphore, #tpu.memory_space<semaphore_mem>>) src(%dma_wait3A_358 : memref<10000x16xf32, #tpu.memory_space<hbm>>) dst(%dma_wait3A_352 : memref<80x16xf32, #tpu.memory_space<vmem>>)
        %dma_start3A_359 = arith.constant 6 : i32
        %dma_start3A_360 = arith.constant 0 : i32
        %dma_start3A_361 = arith.constant 0 : i32
        %dma_start3A_362 = tpu.memref_slice %arg8[%dma_start3A_359, %dma_start3A_360, %dma_start3A_361] : memref<12x80x16xf32, #tpu.memory_space<vmem>> -> memref<1x80x16xf32, #tpu.memory_space<vmem>>
        %dma_start3A_363 = tpu.memref_squeeze %dma_start3A_362 : memref<1x80x16xf32, #tpu.memory_space<vmem>> -> memref<80x16xf32, #tpu.memory_space<vmem>>
        %dma_start3A_364 = arith.constant 0 : i32
        %dma_start3A_365 = tpu.memref_slice %arg7[%add3A_307, %dma_start3A_364] : memref<125x80xi32, #tpu.memory_space<vmem>> -> memref<1x80xi32, #tpu.memory_space<vmem>>
        %dma_start3A_366 = tpu.memref_squeeze %dma_start3A_365 : memref<1x80xi32, #tpu.memory_space<vmem>> -> memref<80xi32, #tpu.memory_space<vmem>>
        %dma_start3A_367 = arith.constant 0 : i32
        %dma_start3A_368 = arith.constant 0 : i32
        %dma_start3A_369 = tpu.memref_slice %arg10[%dma_start3A_367, %dma_start3A_368] : memref<10240x16xf32, #tpu.memory_space<vmem_shared>> -> memref<10240x16xf32, #tpu.memory_space<vmem_shared>>
        tpu.enqueue_indirect_dma source(%dma_start3A_363 : memref<80x16xf32, #tpu.memory_space<vmem>>) target(%dma_start3A_369 : memref<10240x16xf32, #tpu.memory_space<vmem_shared>>) offsets(%dma_start3A_366 : memref<80xi32, #tpu.memory_space<vmem>>) semaphore(%arg29 : memref<!tpu.dma_semaphore, #tpu.memory_space<semaphore_mem>>) {add = true}
        %add3A_370 = arith.constant 6 : i32
        %add3A_371 = arith.addi %add3A_307, %add3A_370 : i32
        %lt3A_372 = arith.constant 125 : i32
        %lt3A_373 = arith.cmpi slt, %add3A_371, %lt3A_372 : i32
        %convert_element_type3A_374 = arith.extui %lt3A_373 : i1 to i32
        %cond3A_375 = arith.constant 0 : i32
        %cond3A_376 = arith.cmpi ne, %convert_element_type3A_374, %cond3A_375 : i32
        scf.if %cond3A_376 {
          %ge3A = arith.constant 6 : i32
          %ge3A_377 = arith.cmpi sge, %add3A_307, %ge3A : i32
          %convert_element_type3A_378 = arith.extui %ge3A_377 : i1 to i32
          %cond3A_379 = arith.constant 0 : i32
          %cond3A_380 = arith.cmpi ne, %convert_element_type3A_378, %cond3A_379 : i32
          scf.if %cond3A_380 {
            %dma_wait3A_394 = arith.constant 0 : i32
            %dma_wait3A_395 = arith.constant 0 : i32
            %dma_wait3A_396 = arith.constant 0 : i32
            %dma_wait3A_397 = tpu.memref_slice %arg8[%dma_wait3A_394, %dma_wait3A_395, %dma_wait3A_396] : memref<12x80x16xf32, #tpu.memory_space<vmem>> -> memref<1x80x16xf32, #tpu.memory_space<vmem>>
            %dma_wait3A_398 = tpu.memref_squeeze %dma_wait3A_397 : memref<1x80x16xf32, #tpu.memory_space<vmem>> -> memref<80x16xf32, #tpu.memory_space<vmem>>
            %dma_wait3A_399 = arith.constant 0 : i32
            %dma_wait3A_400 = tpu.memref_slice %arg7[%add3A_307, %dma_wait3A_399] : memref<125x80xi32, #tpu.memory_space<vmem>> -> memref<1x80xi32, #tpu.memory_space<vmem>>
            %dma_wait3A_401 = tpu.memref_squeeze %dma_wait3A_400 : memref<1x80xi32, #tpu.memory_space<vmem>> -> memref<80xi32, #tpu.memory_space<vmem>>
            %dma_wait3A_402 = arith.constant 0 : i32
            %dma_wait3A_403 = arith.constant 0 : i32
            %dma_wait3A_404 = tpu.memref_slice %arg10[%dma_wait3A_402, %dma_wait3A_403] : memref<10240x16xf32, #tpu.memory_space<vmem_shared>> -> memref<10240x16xf32, #tpu.memory_space<vmem_shared>>
            tpu.wait_indirect_dma semaphore(%arg23 : memref<!tpu.dma_semaphore, #tpu.memory_space<semaphore_mem>>) src(%dma_wait3A_398 : memref<80x16xf32, #tpu.memory_space<vmem>>) dst(%dma_wait3A_404 : memref<10240x16xf32, #tpu.memory_space<vmem_shared>>)
          } else {
          }
          %add3A_381 = arith.constant 6 : i32
          %add3A_382 = arith.addi %add3A_307, %add3A_381 : i32
          %dma_start3A_383 = arith.constant 0 : i32
          %dma_start3A_384 = arith.constant 0 : i32
          %dma_start3A_385 = arith.constant 0 : i32
          %dma_start3A_386 = tpu.memref_slice %arg8[%dma_start3A_383, %dma_start3A_384, %dma_start3A_385] : memref<12x80x16xf32, #tpu.memory_space<vmem>> -> memref<1x80x16xf32, #tpu.memory_space<vmem>>
          %dma_start3A_387 = tpu.memref_squeeze %dma_start3A_386 : memref<1x80x16xf32, #tpu.memory_space<vmem>> -> memref<80x16xf32, #tpu.memory_space<vmem>>
          %dma_start3A_388 = arith.constant 0 : i32
          %dma_start3A_389 = tpu.memref_slice %arg6[%add3A_382, %dma_start3A_388] : memref<125x80xi32, #tpu.memory_space<vmem>> -> memref<1x80xi32, #tpu.memory_space<vmem>>
          %dma_start3A_390 = tpu.memref_squeeze %dma_start3A_389 : memref<1x80xi32, #tpu.memory_space<vmem>> -> memref<80xi32, #tpu.memory_space<vmem>>
          %dma_start3A_391 = arith.constant 0 : i32
          %dma_start3A_392 = arith.constant 0 : i32
          %dma_start3A_393 = tpu.memref_slice %arg2[%dma_start3A_391, %dma_start3A_392] : memref<10000x16xf32, #tpu.memory_space<hbm>> -> memref<10000x16xf32, #tpu.memory_space<hbm>>
          tpu.enqueue_indirect_dma source(%dma_start3A_393 : memref<10000x16xf32, #tpu.memory_space<hbm>>) target(%dma_start3A_387 : memref<80x16xf32, #tpu.memory_space<vmem>>) offsets(%dma_start3A_390 : memref<80xi32, #tpu.memory_space<vmem>>) semaphore(%arg11 : memref<!tpu.dma_semaphore, #tpu.memory_space<semaphore_mem>>)
        } else {
        }
      } else {
      }
      %add3A_313 = arith.constant 7 : i32
      %add3A_314 = arith.addi %mul3A_266, %add3A_313 : i32
      %lt3A_315 = arith.constant 125 : i32
      %lt3A_316 = arith.cmpi slt, %add3A_314, %lt3A_315 : i32
      %convert_element_type3A_317 = arith.extui %lt3A_316 : i1 to i32
      %cond3A_318 = arith.constant 0 : i32
      %cond3A_319 = arith.cmpi ne, %convert_element_type3A_317, %cond3A_318 : i32
      scf.if %cond3A_319 {
        %dma_wait3A_348 = arith.constant 7 : i32
        %dma_wait3A_349 = arith.constant 0 : i32
        %dma_wait3A_350 = arith.constant 0 : i32
        %dma_wait3A_351 = tpu.memref_slice %arg8[%dma_wait3A_348, %dma_wait3A_349, %dma_wait3A_350] : memref<12x80x16xf32, #tpu.memory_space<vmem>> -> memref<1x80x16xf32, #tpu.memory_space<vmem>>
        %dma_wait3A_352 = tpu.memref_squeeze %dma_wait3A_351 : memref<1x80x16xf32, #tpu.memory_space<vmem>> -> memref<80x16xf32, #tpu.memory_space<vmem>>
        %dma_wait3A_353 = arith.constant 0 : i32
        %dma_wait3A_354 = tpu.memref_slice %arg6[%add3A_314, %dma_wait3A_353] : memref<125x80xi32, #tpu.memory_space<vmem>> -> memref<1x80xi32, #tpu.memory_space<vmem>>
        %dma_wait3A_355 = tpu.memref_squeeze %dma_wait3A_354 : memref<1x80xi32, #tpu.memory_space<vmem>> -> memref<80xi32, #tpu.memory_space<vmem>>
        %dma_wait3A_356 = arith.constant 0 : i32
        %dma_wait3A_357 = arith.constant 0 : i32
        %dma_wait3A_358 = tpu.memref_slice %arg2[%dma_wait3A_356, %dma_wait3A_357] : memref<10000x16xf32, #tpu.memory_space<hbm>> -> memref<10000x16xf32, #tpu.memory_space<hbm>>
        tpu.wait_indirect_dma semaphore(%arg18 : memref<!tpu.dma_semaphore, #tpu.memory_space<semaphore_mem>>) src(%dma_wait3A_358 : memref<10000x16xf32, #tpu.memory_space<hbm>>) dst(%dma_wait3A_352 : memref<80x16xf32, #tpu.memory_space<vmem>>)
        %dma_start3A_359 = arith.constant 7 : i32
        %dma_start3A_360 = arith.constant 0 : i32
        %dma_start3A_361 = arith.constant 0 : i32
        %dma_start3A_362 = tpu.memref_slice %arg8[%dma_start3A_359, %dma_start3A_360, %dma_start3A_361] : memref<12x80x16xf32, #tpu.memory_space<vmem>> -> memref<1x80x16xf32, #tpu.memory_space<vmem>>
        %dma_start3A_363 = tpu.memref_squeeze %dma_start3A_362 : memref<1x80x16xf32, #tpu.memory_space<vmem>> -> memref<80x16xf32, #tpu.memory_space<vmem>>
        %dma_start3A_364 = arith.constant 0 : i32
        %dma_start3A_365 = tpu.memref_slice %arg7[%add3A_314, %dma_start3A_364] : memref<125x80xi32, #tpu.memory_space<vmem>> -> memref<1x80xi32, #tpu.memory_space<vmem>>
        %dma_start3A_366 = tpu.memref_squeeze %dma_start3A_365 : memref<1x80xi32, #tpu.memory_space<vmem>> -> memref<80xi32, #tpu.memory_space<vmem>>
        %dma_start3A_367 = arith.constant 0 : i32
        %dma_start3A_368 = arith.constant 0 : i32
        %dma_start3A_369 = tpu.memref_slice %arg10[%dma_start3A_367, %dma_start3A_368] : memref<10240x16xf32, #tpu.memory_space<vmem_shared>> -> memref<10240x16xf32, #tpu.memory_space<vmem_shared>>
        tpu.enqueue_indirect_dma source(%dma_start3A_363 : memref<80x16xf32, #tpu.memory_space<vmem>>) target(%dma_start3A_369 : memref<10240x16xf32, #tpu.memory_space<vmem_shared>>) offsets(%dma_start3A_366 : memref<80xi32, #tpu.memory_space<vmem>>) semaphore(%arg30 : memref<!tpu.dma_semaphore, #tpu.memory_space<semaphore_mem>>) {add = true}
        %add3A_370 = arith.constant 6 : i32
        %add3A_371 = arith.addi %add3A_314, %add3A_370 : i32
        %lt3A_372 = arith.constant 125 : i32
        %lt3A_373 = arith.cmpi slt, %add3A_371, %lt3A_372 : i32
        %convert_element_type3A_374 = arith.extui %lt3A_373 : i1 to i32
        %cond3A_375 = arith.constant 0 : i32
        %cond3A_376 = arith.cmpi ne, %convert_element_type3A_374, %cond3A_375 : i32
        scf.if %cond3A_376 {
          %ge3A = arith.constant 6 : i32
          %ge3A_377 = arith.cmpi sge, %add3A_314, %ge3A : i32
          %convert_element_type3A_378 = arith.extui %ge3A_377 : i1 to i32
          %cond3A_379 = arith.constant 0 : i32
          %cond3A_380 = arith.cmpi ne, %convert_element_type3A_378, %cond3A_379 : i32
          scf.if %cond3A_380 {
            %dma_wait3A_394 = arith.constant 1 : i32
            %dma_wait3A_395 = arith.constant 0 : i32
            %dma_wait3A_396 = arith.constant 0 : i32
            %dma_wait3A_397 = tpu.memref_slice %arg8[%dma_wait3A_394, %dma_wait3A_395, %dma_wait3A_396] : memref<12x80x16xf32, #tpu.memory_space<vmem>> -> memref<1x80x16xf32, #tpu.memory_space<vmem>>
            %dma_wait3A_398 = tpu.memref_squeeze %dma_wait3A_397 : memref<1x80x16xf32, #tpu.memory_space<vmem>> -> memref<80x16xf32, #tpu.memory_space<vmem>>
            %dma_wait3A_399 = arith.constant 0 : i32
            %dma_wait3A_400 = tpu.memref_slice %arg7[%add3A_314, %dma_wait3A_399] : memref<125x80xi32, #tpu.memory_space<vmem>> -> memref<1x80xi32, #tpu.memory_space<vmem>>
            %dma_wait3A_401 = tpu.memref_squeeze %dma_wait3A_400 : memref<1x80xi32, #tpu.memory_space<vmem>> -> memref<80xi32, #tpu.memory_space<vmem>>
            %dma_wait3A_402 = arith.constant 0 : i32
            %dma_wait3A_403 = arith.constant 0 : i32
            %dma_wait3A_404 = tpu.memref_slice %arg10[%dma_wait3A_402, %dma_wait3A_403] : memref<10240x16xf32, #tpu.memory_space<vmem_shared>> -> memref<10240x16xf32, #tpu.memory_space<vmem_shared>>
            tpu.wait_indirect_dma semaphore(%arg24 : memref<!tpu.dma_semaphore, #tpu.memory_space<semaphore_mem>>) src(%dma_wait3A_398 : memref<80x16xf32, #tpu.memory_space<vmem>>) dst(%dma_wait3A_404 : memref<10240x16xf32, #tpu.memory_space<vmem_shared>>)
          } else {
          }
          %add3A_381 = arith.constant 6 : i32
          %add3A_382 = arith.addi %add3A_314, %add3A_381 : i32
          %dma_start3A_383 = arith.constant 1 : i32
          %dma_start3A_384 = arith.constant 0 : i32
          %dma_start3A_385 = arith.constant 0 : i32
          %dma_start3A_386 = tpu.memref_slice %arg8[%dma_start3A_383, %dma_start3A_384, %dma_start3A_385] : memref<12x80x16xf32, #tpu.memory_space<vmem>> -> memref<1x80x16xf32, #tpu.memory_space<vmem>>
          %dma_start3A_387 = tpu.memref_squeeze %dma_start3A_386 : memref<1x80x16xf32, #tpu.memory_space<vmem>> -> memref<80x16xf32, #tpu.memory_space<vmem>>
          %dma_start3A_388 = arith.constant 0 : i32
          %dma_start3A_389 = tpu.memref_slice %arg6[%add3A_382, %dma_start3A_388] : memref<125x80xi32, #tpu.memory_space<vmem>> -> memref<1x80xi32, #tpu.memory_space<vmem>>
          %dma_start3A_390 = tpu.memref_squeeze %dma_start3A_389 : memref<1x80xi32, #tpu.memory_space<vmem>> -> memref<80xi32, #tpu.memory_space<vmem>>
          %dma_start3A_391 = arith.constant 0 : i32
          %dma_start3A_392 = arith.constant 0 : i32
          %dma_start3A_393 = tpu.memref_slice %arg2[%dma_start3A_391, %dma_start3A_392] : memref<10000x16xf32, #tpu.memory_space<hbm>> -> memref<10000x16xf32, #tpu.memory_space<hbm>>
          tpu.enqueue_indirect_dma source(%dma_start3A_393 : memref<10000x16xf32, #tpu.memory_space<hbm>>) target(%dma_start3A_387 : memref<80x16xf32, #tpu.memory_space<vmem>>) offsets(%dma_start3A_390 : memref<80xi32, #tpu.memory_space<vmem>>) semaphore(%arg12 : memref<!tpu.dma_semaphore, #tpu.memory_space<semaphore_mem>>)
        } else {
        }
      } else {
      }
      %add3A_320 = arith.constant 8 : i32
      %add3A_321 = arith.addi %mul3A_266, %add3A_320 : i32
      %lt3A_322 = arith.constant 125 : i32
      %lt3A_323 = arith.cmpi slt, %add3A_321, %lt3A_322 : i32
      %convert_element_type3A_324 = arith.extui %lt3A_323 : i1 to i32
      %cond3A_325 = arith.constant 0 : i32
      %cond3A_326 = arith.cmpi ne, %convert_element_type3A_324, %cond3A_325 : i32
      scf.if %cond3A_326 {
        %dma_wait3A_348 = arith.constant 8 : i32
        %dma_wait3A_349 = arith.constant 0 : i32
        %dma_wait3A_350 = arith.constant 0 : i32
        %dma_wait3A_351 = tpu.memref_slice %arg8[%dma_wait3A_348, %dma_wait3A_349, %dma_wait3A_350] : memref<12x80x16xf32, #tpu.memory_space<vmem>> -> memref<1x80x16xf32, #tpu.memory_space<vmem>>
        %dma_wait3A_352 = tpu.memref_squeeze %dma_wait3A_351 : memref<1x80x16xf32, #tpu.memory_space<vmem>> -> memref<80x16xf32, #tpu.memory_space<vmem>>
        %dma_wait3A_353 = arith.constant 0 : i32
        %dma_wait3A_354 = tpu.memref_slice %arg6[%add3A_321, %dma_wait3A_353] : memref<125x80xi32, #tpu.memory_space<vmem>> -> memref<1x80xi32, #tpu.memory_space<vmem>>
        %dma_wait3A_355 = tpu.memref_squeeze %dma_wait3A_354 : memref<1x80xi32, #tpu.memory_space<vmem>> -> memref<80xi32, #tpu.memory_space<vmem>>
        %dma_wait3A_356 = arith.constant 0 : i32
        %dma_wait3A_357 = arith.constant 0 : i32
        %dma_wait3A_358 = tpu.memref_slice %arg2[%dma_wait3A_356, %dma_wait3A_357] : memref<10000x16xf32, #tpu.memory_space<hbm>> -> memref<10000x16xf32, #tpu.memory_space<hbm>>
        tpu.wait_indirect_dma semaphore(%arg19 : memref<!tpu.dma_semaphore, #tpu.memory_space<semaphore_mem>>) src(%dma_wait3A_358 : memref<10000x16xf32, #tpu.memory_space<hbm>>) dst(%dma_wait3A_352 : memref<80x16xf32, #tpu.memory_space<vmem>>)
        %dma_start3A_359 = arith.constant 8 : i32
        %dma_start3A_360 = arith.constant 0 : i32
        %dma_start3A_361 = arith.constant 0 : i32
        %dma_start3A_362 = tpu.memref_slice %arg8[%dma_start3A_359, %dma_start3A_360, %dma_start3A_361] : memref<12x80x16xf32, #tpu.memory_space<vmem>> -> memref<1x80x16xf32, #tpu.memory_space<vmem>>
        %dma_start3A_363 = tpu.memref_squeeze %dma_start3A_362 : memref<1x80x16xf32, #tpu.memory_space<vmem>> -> memref<80x16xf32, #tpu.memory_space<vmem>>
        %dma_start3A_364 = arith.constant 0 : i32
        %dma_start3A_365 = tpu.memref_slice %arg7[%add3A_321, %dma_start3A_364] : memref<125x80xi32, #tpu.memory_space<vmem>> -> memref<1x80xi32, #tpu.memory_space<vmem>>
        %dma_start3A_366 = tpu.memref_squeeze %dma_start3A_365 : memref<1x80xi32, #tpu.memory_space<vmem>> -> memref<80xi32, #tpu.memory_space<vmem>>
        %dma_start3A_367 = arith.constant 0 : i32
        %dma_start3A_368 = arith.constant 0 : i32
        %dma_start3A_369 = tpu.memref_slice %arg10[%dma_start3A_367, %dma_start3A_368] : memref<10240x16xf32, #tpu.memory_space<vmem_shared>> -> memref<10240x16xf32, #tpu.memory_space<vmem_shared>>
        tpu.enqueue_indirect_dma source(%dma_start3A_363 : memref<80x16xf32, #tpu.memory_space<vmem>>) target(%dma_start3A_369 : memref<10240x16xf32, #tpu.memory_space<vmem_shared>>) offsets(%dma_start3A_366 : memref<80xi32, #tpu.memory_space<vmem>>) semaphore(%arg31 : memref<!tpu.dma_semaphore, #tpu.memory_space<semaphore_mem>>) {add = true}
        %add3A_370 = arith.constant 6 : i32
        %add3A_371 = arith.addi %add3A_321, %add3A_370 : i32
        %lt3A_372 = arith.constant 125 : i32
        %lt3A_373 = arith.cmpi slt, %add3A_371, %lt3A_372 : i32
        %convert_element_type3A_374 = arith.extui %lt3A_373 : i1 to i32
        %cond3A_375 = arith.constant 0 : i32
        %cond3A_376 = arith.cmpi ne, %convert_element_type3A_374, %cond3A_375 : i32
        scf.if %cond3A_376 {
          %ge3A = arith.constant 6 : i32
          %ge3A_377 = arith.cmpi sge, %add3A_321, %ge3A : i32
          %convert_element_type3A_378 = arith.extui %ge3A_377 : i1 to i32
          %cond3A_379 = arith.constant 0 : i32
          %cond3A_380 = arith.cmpi ne, %convert_element_type3A_378, %cond3A_379 : i32
          scf.if %cond3A_380 {
            %dma_wait3A_394 = arith.constant 2 : i32
            %dma_wait3A_395 = arith.constant 0 : i32
            %dma_wait3A_396 = arith.constant 0 : i32
            %dma_wait3A_397 = tpu.memref_slice %arg8[%dma_wait3A_394, %dma_wait3A_395, %dma_wait3A_396] : memref<12x80x16xf32, #tpu.memory_space<vmem>> -> memref<1x80x16xf32, #tpu.memory_space<vmem>>
            %dma_wait3A_398 = tpu.memref_squeeze %dma_wait3A_397 : memref<1x80x16xf32, #tpu.memory_space<vmem>> -> memref<80x16xf32, #tpu.memory_space<vmem>>
            %dma_wait3A_399 = arith.constant 0 : i32
            %dma_wait3A_400 = tpu.memref_slice %arg7[%add3A_321, %dma_wait3A_399] : memref<125x80xi32, #tpu.memory_space<vmem>> -> memref<1x80xi32, #tpu.memory_space<vmem>>
            %dma_wait3A_401 = tpu.memref_squeeze %dma_wait3A_400 : memref<1x80xi32, #tpu.memory_space<vmem>> -> memref<80xi32, #tpu.memory_space<vmem>>
            %dma_wait3A_402 = arith.constant 0 : i32
            %dma_wait3A_403 = arith.constant 0 : i32
            %dma_wait3A_404 = tpu.memref_slice %arg10[%dma_wait3A_402, %dma_wait3A_403] : memref<10240x16xf32, #tpu.memory_space<vmem_shared>> -> memref<10240x16xf32, #tpu.memory_space<vmem_shared>>
            tpu.wait_indirect_dma semaphore(%arg25 : memref<!tpu.dma_semaphore, #tpu.memory_space<semaphore_mem>>) src(%dma_wait3A_398 : memref<80x16xf32, #tpu.memory_space<vmem>>) dst(%dma_wait3A_404 : memref<10240x16xf32, #tpu.memory_space<vmem_shared>>)
          } else {
          }
          %add3A_381 = arith.constant 6 : i32
          %add3A_382 = arith.addi %add3A_321, %add3A_381 : i32
          %dma_start3A_383 = arith.constant 2 : i32
          %dma_start3A_384 = arith.constant 0 : i32
          %dma_start3A_385 = arith.constant 0 : i32
          %dma_start3A_386 = tpu.memref_slice %arg8[%dma_start3A_383, %dma_start3A_384, %dma_start3A_385] : memref<12x80x16xf32, #tpu.memory_space<vmem>> -> memref<1x80x16xf32, #tpu.memory_space<vmem>>
          %dma_start3A_387 = tpu.memref_squeeze %dma_start3A_386 : memref<1x80x16xf32, #tpu.memory_space<vmem>> -> memref<80x16xf32, #tpu.memory_space<vmem>>
          %dma_start3A_388 = arith.constant 0 : i32
          %dma_start3A_389 = tpu.memref_slice %arg6[%add3A_382, %dma_start3A_388] : memref<125x80xi32, #tpu.memory_space<vmem>> -> memref<1x80xi32, #tpu.memory_space<vmem>>
          %dma_start3A_390 = tpu.memref_squeeze %dma_start3A_389 : memref<1x80xi32, #tpu.memory_space<vmem>> -> memref<80xi32, #tpu.memory_space<vmem>>
          %dma_start3A_391 = arith.constant 0 : i32
          %dma_start3A_392 = arith.constant 0 : i32
          %dma_start3A_393 = tpu.memref_slice %arg2[%dma_start3A_391, %dma_start3A_392] : memref<10000x16xf32, #tpu.memory_space<hbm>> -> memref<10000x16xf32, #tpu.memory_space<hbm>>
          tpu.enqueue_indirect_dma source(%dma_start3A_393 : memref<10000x16xf32, #tpu.memory_space<hbm>>) target(%dma_start3A_387 : memref<80x16xf32, #tpu.memory_space<vmem>>) offsets(%dma_start3A_390 : memref<80xi32, #tpu.memory_space<vmem>>) semaphore(%arg13 : memref<!tpu.dma_semaphore, #tpu.memory_space<semaphore_mem>>)
        } else {
        }
      } else {
      }
      %add3A_327 = arith.constant 9 : i32
      %add3A_328 = arith.addi %mul3A_266, %add3A_327 : i32
      %lt3A_329 = arith.constant 125 : i32
      %lt3A_330 = arith.cmpi slt, %add3A_328, %lt3A_329 : i32
      %convert_element_type3A_331 = arith.extui %lt3A_330 : i1 to i32
      %cond3A_332 = arith.constant 0 : i32
      %cond3A_333 = arith.cmpi ne, %convert_element_type3A_331, %cond3A_332 : i32
      scf.if %cond3A_333 {
        %dma_wait3A_348 = arith.constant 9 : i32
        %dma_wait3A_349 = arith.constant 0 : i32
        %dma_wait3A_350 = arith.constant 0 : i32
        %dma_wait3A_351 = tpu.memref_slice %arg8[%dma_wait3A_348, %dma_wait3A_349, %dma_wait3A_350] : memref<12x80x16xf32, #tpu.memory_space<vmem>> -> memref<1x80x16xf32, #tpu.memory_space<vmem>>
        %dma_wait3A_352 = tpu.memref_squeeze %dma_wait3A_351 : memref<1x80x16xf32, #tpu.memory_space<vmem>> -> memref<80x16xf32, #tpu.memory_space<vmem>>
        %dma_wait3A_353 = arith.constant 0 : i32
        %dma_wait3A_354 = tpu.memref_slice %arg6[%add3A_328, %dma_wait3A_353] : memref<125x80xi32, #tpu.memory_space<vmem>> -> memref<1x80xi32, #tpu.memory_space<vmem>>
        %dma_wait3A_355 = tpu.memref_squeeze %dma_wait3A_354 : memref<1x80xi32, #tpu.memory_space<vmem>> -> memref<80xi32, #tpu.memory_space<vmem>>
        %dma_wait3A_356 = arith.constant 0 : i32
        %dma_wait3A_357 = arith.constant 0 : i32
        %dma_wait3A_358 = tpu.memref_slice %arg2[%dma_wait3A_356, %dma_wait3A_357] : memref<10000x16xf32, #tpu.memory_space<hbm>> -> memref<10000x16xf32, #tpu.memory_space<hbm>>
        tpu.wait_indirect_dma semaphore(%arg20 : memref<!tpu.dma_semaphore, #tpu.memory_space<semaphore_mem>>) src(%dma_wait3A_358 : memref<10000x16xf32, #tpu.memory_space<hbm>>) dst(%dma_wait3A_352 : memref<80x16xf32, #tpu.memory_space<vmem>>)
        %dma_start3A_359 = arith.constant 9 : i32
        %dma_start3A_360 = arith.constant 0 : i32
        %dma_start3A_361 = arith.constant 0 : i32
        %dma_start3A_362 = tpu.memref_slice %arg8[%dma_start3A_359, %dma_start3A_360, %dma_start3A_361] : memref<12x80x16xf32, #tpu.memory_space<vmem>> -> memref<1x80x16xf32, #tpu.memory_space<vmem>>
        %dma_start3A_363 = tpu.memref_squeeze %dma_start3A_362 : memref<1x80x16xf32, #tpu.memory_space<vmem>> -> memref<80x16xf32, #tpu.memory_space<vmem>>
        %dma_start3A_364 = arith.constant 0 : i32
        %dma_start3A_365 = tpu.memref_slice %arg7[%add3A_328, %dma_start3A_364] : memref<125x80xi32, #tpu.memory_space<vmem>> -> memref<1x80xi32, #tpu.memory_space<vmem>>
        %dma_start3A_366 = tpu.memref_squeeze %dma_start3A_365 : memref<1x80xi32, #tpu.memory_space<vmem>> -> memref<80xi32, #tpu.memory_space<vmem>>
        %dma_start3A_367 = arith.constant 0 : i32
        %dma_start3A_368 = arith.constant 0 : i32
        %dma_start3A_369 = tpu.memref_slice %arg10[%dma_start3A_367, %dma_start3A_368] : memref<10240x16xf32, #tpu.memory_space<vmem_shared>> -> memref<10240x16xf32, #tpu.memory_space<vmem_shared>>
        tpu.enqueue_indirect_dma source(%dma_start3A_363 : memref<80x16xf32, #tpu.memory_space<vmem>>) target(%dma_start3A_369 : memref<10240x16xf32, #tpu.memory_space<vmem_shared>>) offsets(%dma_start3A_366 : memref<80xi32, #tpu.memory_space<vmem>>) semaphore(%arg32 : memref<!tpu.dma_semaphore, #tpu.memory_space<semaphore_mem>>) {add = true}
        %add3A_370 = arith.constant 6 : i32
        %add3A_371 = arith.addi %add3A_328, %add3A_370 : i32
        %lt3A_372 = arith.constant 125 : i32
        %lt3A_373 = arith.cmpi slt, %add3A_371, %lt3A_372 : i32
        %convert_element_type3A_374 = arith.extui %lt3A_373 : i1 to i32
        %cond3A_375 = arith.constant 0 : i32
        %cond3A_376 = arith.cmpi ne, %convert_element_type3A_374, %cond3A_375 : i32
        scf.if %cond3A_376 {
          %ge3A = arith.constant 6 : i32
          %ge3A_377 = arith.cmpi sge, %add3A_328, %ge3A : i32
          %convert_element_type3A_378 = arith.extui %ge3A_377 : i1 to i32
          %cond3A_379 = arith.constant 0 : i32
          %cond3A_380 = arith.cmpi ne, %convert_element_type3A_378, %cond3A_379 : i32
          scf.if %cond3A_380 {
            %dma_wait3A_394 = arith.constant 3 : i32
            %dma_wait3A_395 = arith.constant 0 : i32
            %dma_wait3A_396 = arith.constant 0 : i32
            %dma_wait3A_397 = tpu.memref_slice %arg8[%dma_wait3A_394, %dma_wait3A_395, %dma_wait3A_396] : memref<12x80x16xf32, #tpu.memory_space<vmem>> -> memref<1x80x16xf32, #tpu.memory_space<vmem>>
            %dma_wait3A_398 = tpu.memref_squeeze %dma_wait3A_397 : memref<1x80x16xf32, #tpu.memory_space<vmem>> -> memref<80x16xf32, #tpu.memory_space<vmem>>
            %dma_wait3A_399 = arith.constant 0 : i32
            %dma_wait3A_400 = tpu.memref_slice %arg7[%add3A_328, %dma_wait3A_399] : memref<125x80xi32, #tpu.memory_space<vmem>> -> memref<1x80xi32, #tpu.memory_space<vmem>>
            %dma_wait3A_401 = tpu.memref_squeeze %dma_wait3A_400 : memref<1x80xi32, #tpu.memory_space<vmem>> -> memref<80xi32, #tpu.memory_space<vmem>>
            %dma_wait3A_402 = arith.constant 0 : i32
            %dma_wait3A_403 = arith.constant 0 : i32
            %dma_wait3A_404 = tpu.memref_slice %arg10[%dma_wait3A_402, %dma_wait3A_403] : memref<10240x16xf32, #tpu.memory_space<vmem_shared>> -> memref<10240x16xf32, #tpu.memory_space<vmem_shared>>
            tpu.wait_indirect_dma semaphore(%arg26 : memref<!tpu.dma_semaphore, #tpu.memory_space<semaphore_mem>>) src(%dma_wait3A_398 : memref<80x16xf32, #tpu.memory_space<vmem>>) dst(%dma_wait3A_404 : memref<10240x16xf32, #tpu.memory_space<vmem_shared>>)
          } else {
          }
          %add3A_381 = arith.constant 6 : i32
          %add3A_382 = arith.addi %add3A_328, %add3A_381 : i32
          %dma_start3A_383 = arith.constant 3 : i32
          %dma_start3A_384 = arith.constant 0 : i32
          %dma_start3A_385 = arith.constant 0 : i32
          %dma_start3A_386 = tpu.memref_slice %arg8[%dma_start3A_383, %dma_start3A_384, %dma_start3A_385] : memref<12x80x16xf32, #tpu.memory_space<vmem>> -> memref<1x80x16xf32, #tpu.memory_space<vmem>>
          %dma_start3A_387 = tpu.memref_squeeze %dma_start3A_386 : memref<1x80x16xf32, #tpu.memory_space<vmem>> -> memref<80x16xf32, #tpu.memory_space<vmem>>
          %dma_start3A_388 = arith.constant 0 : i32
          %dma_start3A_389 = tpu.memref_slice %arg6[%add3A_382, %dma_start3A_388] : memref<125x80xi32, #tpu.memory_space<vmem>> -> memref<1x80xi32, #tpu.memory_space<vmem>>
          %dma_start3A_390 = tpu.memref_squeeze %dma_start3A_389 : memref<1x80xi32, #tpu.memory_space<vmem>> -> memref<80xi32, #tpu.memory_space<vmem>>
          %dma_start3A_391 = arith.constant 0 : i32
          %dma_start3A_392 = arith.constant 0 : i32
          %dma_start3A_393 = tpu.memref_slice %arg2[%dma_start3A_391, %dma_start3A_392] : memref<10000x16xf32, #tpu.memory_space<hbm>> -> memref<10000x16xf32, #tpu.memory_space<hbm>>
          tpu.enqueue_indirect_dma source(%dma_start3A_393 : memref<10000x16xf32, #tpu.memory_space<hbm>>) target(%dma_start3A_387 : memref<80x16xf32, #tpu.memory_space<vmem>>) offsets(%dma_start3A_390 : memref<80xi32, #tpu.memory_space<vmem>>) semaphore(%arg14 : memref<!tpu.dma_semaphore, #tpu.memory_space<semaphore_mem>>)
        } else {
        }
      } else {
      }
      %add3A_334 = arith.constant 10 : i32
      %add3A_335 = arith.addi %mul3A_266, %add3A_334 : i32
      %lt3A_336 = arith.constant 125 : i32
      %lt3A_337 = arith.cmpi slt, %add3A_335, %lt3A_336 : i32
      %convert_element_type3A_338 = arith.extui %lt3A_337 : i1 to i32
      %cond3A_339 = arith.constant 0 : i32
      %cond3A_340 = arith.cmpi ne, %convert_element_type3A_338, %cond3A_339 : i32
      scf.if %cond3A_340 {
        %dma_wait3A_348 = arith.constant 10 : i32
        %dma_wait3A_349 = arith.constant 0 : i32
        %dma_wait3A_350 = arith.constant 0 : i32
        %dma_wait3A_351 = tpu.memref_slice %arg8[%dma_wait3A_348, %dma_wait3A_349, %dma_wait3A_350] : memref<12x80x16xf32, #tpu.memory_space<vmem>> -> memref<1x80x16xf32, #tpu.memory_space<vmem>>
        %dma_wait3A_352 = tpu.memref_squeeze %dma_wait3A_351 : memref<1x80x16xf32, #tpu.memory_space<vmem>> -> memref<80x16xf32, #tpu.memory_space<vmem>>
        %dma_wait3A_353 = arith.constant 0 : i32
        %dma_wait3A_354 = tpu.memref_slice %arg6[%add3A_335, %dma_wait3A_353] : memref<125x80xi32, #tpu.memory_space<vmem>> -> memref<1x80xi32, #tpu.memory_space<vmem>>
        %dma_wait3A_355 = tpu.memref_squeeze %dma_wait3A_354 : memref<1x80xi32, #tpu.memory_space<vmem>> -> memref<80xi32, #tpu.memory_space<vmem>>
        %dma_wait3A_356 = arith.constant 0 : i32
        %dma_wait3A_357 = arith.constant 0 : i32
        %dma_wait3A_358 = tpu.memref_slice %arg2[%dma_wait3A_356, %dma_wait3A_357] : memref<10000x16xf32, #tpu.memory_space<hbm>> -> memref<10000x16xf32, #tpu.memory_space<hbm>>
        tpu.wait_indirect_dma semaphore(%arg21 : memref<!tpu.dma_semaphore, #tpu.memory_space<semaphore_mem>>) src(%dma_wait3A_358 : memref<10000x16xf32, #tpu.memory_space<hbm>>) dst(%dma_wait3A_352 : memref<80x16xf32, #tpu.memory_space<vmem>>)
        %dma_start3A_359 = arith.constant 10 : i32
        %dma_start3A_360 = arith.constant 0 : i32
        %dma_start3A_361 = arith.constant 0 : i32
        %dma_start3A_362 = tpu.memref_slice %arg8[%dma_start3A_359, %dma_start3A_360, %dma_start3A_361] : memref<12x80x16xf32, #tpu.memory_space<vmem>> -> memref<1x80x16xf32, #tpu.memory_space<vmem>>
        %dma_start3A_363 = tpu.memref_squeeze %dma_start3A_362 : memref<1x80x16xf32, #tpu.memory_space<vmem>> -> memref<80x16xf32, #tpu.memory_space<vmem>>
        %dma_start3A_364 = arith.constant 0 : i32
        %dma_start3A_365 = tpu.memref_slice %arg7[%add3A_335, %dma_start3A_364] : memref<125x80xi32, #tpu.memory_space<vmem>> -> memref<1x80xi32, #tpu.memory_space<vmem>>
        %dma_start3A_366 = tpu.memref_squeeze %dma_start3A_365 : memref<1x80xi32, #tpu.memory_space<vmem>> -> memref<80xi32, #tpu.memory_space<vmem>>
        %dma_start3A_367 = arith.constant 0 : i32
        %dma_start3A_368 = arith.constant 0 : i32
        %dma_start3A_369 = tpu.memref_slice %arg10[%dma_start3A_367, %dma_start3A_368] : memref<10240x16xf32, #tpu.memory_space<vmem_shared>> -> memref<10240x16xf32, #tpu.memory_space<vmem_shared>>
        tpu.enqueue_indirect_dma source(%dma_start3A_363 : memref<80x16xf32, #tpu.memory_space<vmem>>) target(%dma_start3A_369 : memref<10240x16xf32, #tpu.memory_space<vmem_shared>>) offsets(%dma_start3A_366 : memref<80xi32, #tpu.memory_space<vmem>>) semaphore(%arg33 : memref<!tpu.dma_semaphore, #tpu.memory_space<semaphore_mem>>) {add = true}
        %add3A_370 = arith.constant 6 : i32
        %add3A_371 = arith.addi %add3A_335, %add3A_370 : i32
        %lt3A_372 = arith.constant 125 : i32
        %lt3A_373 = arith.cmpi slt, %add3A_371, %lt3A_372 : i32
        %convert_element_type3A_374 = arith.extui %lt3A_373 : i1 to i32
        %cond3A_375 = arith.constant 0 : i32
        %cond3A_376 = arith.cmpi ne, %convert_element_type3A_374, %cond3A_375 : i32
        scf.if %cond3A_376 {
          %ge3A = arith.constant 6 : i32
          %ge3A_377 = arith.cmpi sge, %add3A_335, %ge3A : i32
          %convert_element_type3A_378 = arith.extui %ge3A_377 : i1 to i32
          %cond3A_379 = arith.constant 0 : i32
          %cond3A_380 = arith.cmpi ne, %convert_element_type3A_378, %cond3A_379 : i32
          scf.if %cond3A_380 {
            %dma_wait3A_394 = arith.constant 4 : i32
            %dma_wait3A_395 = arith.constant 0 : i32
            %dma_wait3A_396 = arith.constant 0 : i32
            %dma_wait3A_397 = tpu.memref_slice %arg8[%dma_wait3A_394, %dma_wait3A_395, %dma_wait3A_396] : memref<12x80x16xf32, #tpu.memory_space<vmem>> -> memref<1x80x16xf32, #tpu.memory_space<vmem>>
            %dma_wait3A_398 = tpu.memref_squeeze %dma_wait3A_397 : memref<1x80x16xf32, #tpu.memory_space<vmem>> -> memref<80x16xf32, #tpu.memory_space<vmem>>
            %dma_wait3A_399 = arith.constant 0 : i32
            %dma_wait3A_400 = tpu.memref_slice %arg7[%add3A_335, %dma_wait3A_399] : memref<125x80xi32, #tpu.memory_space<vmem>> -> memref<1x80xi32, #tpu.memory_space<vmem>>
            %dma_wait3A_401 = tpu.memref_squeeze %dma_wait3A_400 : memref<1x80xi32, #tpu.memory_space<vmem>> -> memref<80xi32, #tpu.memory_space<vmem>>
            %dma_wait3A_402 = arith.constant 0 : i32
            %dma_wait3A_403 = arith.constant 0 : i32
            %dma_wait3A_404 = tpu.memref_slice %arg10[%dma_wait3A_402, %dma_wait3A_403] : memref<10240x16xf32, #tpu.memory_space<vmem_shared>> -> memref<10240x16xf32, #tpu.memory_space<vmem_shared>>
            tpu.wait_indirect_dma semaphore(%arg27 : memref<!tpu.dma_semaphore, #tpu.memory_space<semaphore_mem>>) src(%dma_wait3A_398 : memref<80x16xf32, #tpu.memory_space<vmem>>) dst(%dma_wait3A_404 : memref<10240x16xf32, #tpu.memory_space<vmem_shared>>)
          } else {
          }
          %add3A_381 = arith.constant 6 : i32
          %add3A_382 = arith.addi %add3A_335, %add3A_381 : i32
          %dma_start3A_383 = arith.constant 4 : i32
          %dma_start3A_384 = arith.constant 0 : i32
          %dma_start3A_385 = arith.constant 0 : i32
          %dma_start3A_386 = tpu.memref_slice %arg8[%dma_start3A_383, %dma_start3A_384, %dma_start3A_385] : memref<12x80x16xf32, #tpu.memory_space<vmem>> -> memref<1x80x16xf32, #tpu.memory_space<vmem>>
          %dma_start3A_387 = tpu.memref_squeeze %dma_start3A_386 : memref<1x80x16xf32, #tpu.memory_space<vmem>> -> memref<80x16xf32, #tpu.memory_space<vmem>>
          %dma_start3A_388 = arith.constant 0 : i32
          %dma_start3A_389 = tpu.memref_slice %arg6[%add3A_382, %dma_start3A_388] : memref<125x80xi32, #tpu.memory_space<vmem>> -> memref<1x80xi32, #tpu.memory_space<vmem>>
          %dma_start3A_390 = tpu.memref_squeeze %dma_start3A_389 : memref<1x80xi32, #tpu.memory_space<vmem>> -> memref<80xi32, #tpu.memory_space<vmem>>
          %dma_start3A_391 = arith.constant 0 : i32
          %dma_start3A_392 = arith.constant 0 : i32
          %dma_start3A_393 = tpu.memref_slice %arg2[%dma_start3A_391, %dma_start3A_392] : memref<10000x16xf32, #tpu.memory_space<hbm>> -> memref<10000x16xf32, #tpu.memory_space<hbm>>
          tpu.enqueue_indirect_dma source(%dma_start3A_393 : memref<10000x16xf32, #tpu.memory_space<hbm>>) target(%dma_start3A_387 : memref<80x16xf32, #tpu.memory_space<vmem>>) offsets(%dma_start3A_390 : memref<80xi32, #tpu.memory_space<vmem>>) semaphore(%arg15 : memref<!tpu.dma_semaphore, #tpu.memory_space<semaphore_mem>>)
        } else {
        }
      } else {
      }
      %add3A_341 = arith.constant 11 : i32
      %add3A_342 = arith.addi %mul3A_266, %add3A_341 : i32
      %lt3A_343 = arith.constant 125 : i32
      %lt3A_344 = arith.cmpi slt, %add3A_342, %lt3A_343 : i32
      %convert_element_type3A_345 = arith.extui %lt3A_344 : i1 to i32
      %cond3A_346 = arith.constant 0 : i32
      %cond3A_347 = arith.cmpi ne, %convert_element_type3A_345, %cond3A_346 : i32
      scf.if %cond3A_347 {
        %dma_wait3A_348 = arith.constant 11 : i32
        %dma_wait3A_349 = arith.constant 0 : i32
        %dma_wait3A_350 = arith.constant 0 : i32
        %dma_wait3A_351 = tpu.memref_slice %arg8[%dma_wait3A_348, %dma_wait3A_349, %dma_wait3A_350] : memref<12x80x16xf32, #tpu.memory_space<vmem>> -> memref<1x80x16xf32, #tpu.memory_space<vmem>>
        %dma_wait3A_352 = tpu.memref_squeeze %dma_wait3A_351 : memref<1x80x16xf32, #tpu.memory_space<vmem>> -> memref<80x16xf32, #tpu.memory_space<vmem>>
        %dma_wait3A_353 = arith.constant 0 : i32
        %dma_wait3A_354 = tpu.memref_slice %arg6[%add3A_342, %dma_wait3A_353] : memref<125x80xi32, #tpu.memory_space<vmem>> -> memref<1x80xi32, #tpu.memory_space<vmem>>
        %dma_wait3A_355 = tpu.memref_squeeze %dma_wait3A_354 : memref<1x80xi32, #tpu.memory_space<vmem>> -> memref<80xi32, #tpu.memory_space<vmem>>
        %dma_wait3A_356 = arith.constant 0 : i32
        %dma_wait3A_357 = arith.constant 0 : i32
        %dma_wait3A_358 = tpu.memref_slice %arg2[%dma_wait3A_356, %dma_wait3A_357] : memref<10000x16xf32, #tpu.memory_space<hbm>> -> memref<10000x16xf32, #tpu.memory_space<hbm>>
        tpu.wait_indirect_dma semaphore(%arg22 : memref<!tpu.dma_semaphore, #tpu.memory_space<semaphore_mem>>) src(%dma_wait3A_358 : memref<10000x16xf32, #tpu.memory_space<hbm>>) dst(%dma_wait3A_352 : memref<80x16xf32, #tpu.memory_space<vmem>>)
        %dma_start3A_359 = arith.constant 11 : i32
        %dma_start3A_360 = arith.constant 0 : i32
        %dma_start3A_361 = arith.constant 0 : i32
        %dma_start3A_362 = tpu.memref_slice %arg8[%dma_start3A_359, %dma_start3A_360, %dma_start3A_361] : memref<12x80x16xf32, #tpu.memory_space<vmem>> -> memref<1x80x16xf32, #tpu.memory_space<vmem>>
        %dma_start3A_363 = tpu.memref_squeeze %dma_start3A_362 : memref<1x80x16xf32, #tpu.memory_space<vmem>> -> memref<80x16xf32, #tpu.memory_space<vmem>>
        %dma_start3A_364 = arith.constant 0 : i32
        %dma_start3A_365 = tpu.memref_slice %arg7[%add3A_342, %dma_start3A_364] : memref<125x80xi32, #tpu.memory_space<vmem>> -> memref<1x80xi32, #tpu.memory_space<vmem>>
        %dma_start3A_366 = tpu.memref_squeeze %dma_start3A_365 : memref<1x80xi32, #tpu.memory_space<vmem>> -> memref<80xi32, #tpu.memory_space<vmem>>
        %dma_start3A_367 = arith.constant 0 : i32
        %dma_start3A_368 = arith.constant 0 : i32
        %dma_start3A_369 = tpu.memref_slice %arg10[%dma_start3A_367, %dma_start3A_368] : memref<10240x16xf32, #tpu.memory_space<vmem_shared>> -> memref<10240x16xf32, #tpu.memory_space<vmem_shared>>
        tpu.enqueue_indirect_dma source(%dma_start3A_363 : memref<80x16xf32, #tpu.memory_space<vmem>>) target(%dma_start3A_369 : memref<10240x16xf32, #tpu.memory_space<vmem_shared>>) offsets(%dma_start3A_366 : memref<80xi32, #tpu.memory_space<vmem>>) semaphore(%arg34 : memref<!tpu.dma_semaphore, #tpu.memory_space<semaphore_mem>>) {add = true}
        %add3A_370 = arith.constant 6 : i32
        %add3A_371 = arith.addi %add3A_342, %add3A_370 : i32
        %lt3A_372 = arith.constant 125 : i32
        %lt3A_373 = arith.cmpi slt, %add3A_371, %lt3A_372 : i32
        %convert_element_type3A_374 = arith.extui %lt3A_373 : i1 to i32
        %cond3A_375 = arith.constant 0 : i32
        %cond3A_376 = arith.cmpi ne, %convert_element_type3A_374, %cond3A_375 : i32
        scf.if %cond3A_376 {
          %ge3A = arith.constant 6 : i32
          %ge3A_377 = arith.cmpi sge, %add3A_342, %ge3A : i32
          %convert_element_type3A_378 = arith.extui %ge3A_377 : i1 to i32
          %cond3A_379 = arith.constant 0 : i32
          %cond3A_380 = arith.cmpi ne, %convert_element_type3A_378, %cond3A_379 : i32
          scf.if %cond3A_380 {
            %dma_wait3A_394 = arith.constant 5 : i32
            %dma_wait3A_395 = arith.constant 0 : i32
            %dma_wait3A_396 = arith.constant 0 : i32
            %dma_wait3A_397 = tpu.memref_slice %arg8[%dma_wait3A_394, %dma_wait3A_395, %dma_wait3A_396] : memref<12x80x16xf32, #tpu.memory_space<vmem>> -> memref<1x80x16xf32, #tpu.memory_space<vmem>>
            %dma_wait3A_398 = tpu.memref_squeeze %dma_wait3A_397 : memref<1x80x16xf32, #tpu.memory_space<vmem>> -> memref<80x16xf32, #tpu.memory_space<vmem>>
            %dma_wait3A_399 = arith.constant 0 : i32
            %dma_wait3A_400 = tpu.memref_slice %arg7[%add3A_342, %dma_wait3A_399] : memref<125x80xi32, #tpu.memory_space<vmem>> -> memref<1x80xi32, #tpu.memory_space<vmem>>
            %dma_wait3A_401 = tpu.memref_squeeze %dma_wait3A_400 : memref<1x80xi32, #tpu.memory_space<vmem>> -> memref<80xi32, #tpu.memory_space<vmem>>
            %dma_wait3A_402 = arith.constant 0 : i32
            %dma_wait3A_403 = arith.constant 0 : i32
            %dma_wait3A_404 = tpu.memref_slice %arg10[%dma_wait3A_402, %dma_wait3A_403] : memref<10240x16xf32, #tpu.memory_space<vmem_shared>> -> memref<10240x16xf32, #tpu.memory_space<vmem_shared>>
            tpu.wait_indirect_dma semaphore(%arg28 : memref<!tpu.dma_semaphore, #tpu.memory_space<semaphore_mem>>) src(%dma_wait3A_398 : memref<80x16xf32, #tpu.memory_space<vmem>>) dst(%dma_wait3A_404 : memref<10240x16xf32, #tpu.memory_space<vmem_shared>>)
          } else {
          }
          %add3A_381 = arith.constant 6 : i32
          %add3A_382 = arith.addi %add3A_342, %add3A_381 : i32
          %dma_start3A_383 = arith.constant 5 : i32
          %dma_start3A_384 = arith.constant 0 : i32
          %dma_start3A_385 = arith.constant 0 : i32
          %dma_start3A_386 = tpu.memref_slice %arg8[%dma_start3A_383, %dma_start3A_384, %dma_start3A_385] : memref<12x80x16xf32, #tpu.memory_space<vmem>> -> memref<1x80x16xf32, #tpu.memory_space<vmem>>
          %dma_start3A_387 = tpu.memref_squeeze %dma_start3A_386 : memref<1x80x16xf32, #tpu.memory_space<vmem>> -> memref<80x16xf32, #tpu.memory_space<vmem>>
          %dma_start3A_388 = arith.constant 0 : i32
          %dma_start3A_389 = tpu.memref_slice %arg6[%add3A_382, %dma_start3A_388] : memref<125x80xi32, #tpu.memory_space<vmem>> -> memref<1x80xi32, #tpu.memory_space<vmem>>
          %dma_start3A_390 = tpu.memref_squeeze %dma_start3A_389 : memref<1x80xi32, #tpu.memory_space<vmem>> -> memref<80xi32, #tpu.memory_space<vmem>>
          %dma_start3A_391 = arith.constant 0 : i32
          %dma_start3A_392 = arith.constant 0 : i32
          %dma_start3A_393 = tpu.memref_slice %arg2[%dma_start3A_391, %dma_start3A_392] : memref<10000x16xf32, #tpu.memory_space<hbm>> -> memref<10000x16xf32, #tpu.memory_space<hbm>>
          tpu.enqueue_indirect_dma source(%dma_start3A_393 : memref<10000x16xf32, #tpu.memory_space<hbm>>) target(%dma_start3A_387 : memref<80x16xf32, #tpu.memory_space<vmem>>) offsets(%dma_start3A_390 : memref<80xi32, #tpu.memory_space<vmem>>) semaphore(%arg16 : memref<!tpu.dma_semaphore, #tpu.memory_space<semaphore_mem>>)
        } else {
        }
      } else {
      }
    }
    %scan3A_115 = arith.constant 11 : i32
    %dma_wait3A = arith.constant 5 : i32
    %dma_wait3A_116 = arith.constant 0 : i32
    %dma_wait3A_117 = arith.constant 0 : i32
    %dma_wait3A_118 = arith.constant 0 : i32
    %dma_wait3A_119 = tpu.memref_slice %arg8[%dma_wait3A, %dma_wait3A_117, %dma_wait3A_118] : memref<12x80x16xf32, #tpu.memory_space<vmem>> -> memref<1x80x16xf32, #tpu.memory_space<vmem>>
    %dma_wait3A_120 = tpu.memref_squeeze %dma_wait3A_119 : memref<1x80x16xf32, #tpu.memory_space<vmem>> -> memref<80x16xf32, #tpu.memory_space<vmem>>
    %dma_wait3A_121 = arith.constant 0 : i32
    %dma_wait3A_122 = tpu.memref_slice %arg7[%dma_wait3A_116, %dma_wait3A_121] : memref<125x80xi32, #tpu.memory_space<vmem>> -> memref<1x80xi32, #tpu.memory_space<vmem>>
    %dma_wait3A_123 = tpu.memref_squeeze %dma_wait3A_122 : memref<1x80xi32, #tpu.memory_space<vmem>> -> memref<80xi32, #tpu.memory_space<vmem>>
    %dma_wait3A_124 = arith.constant 0 : i32
    %dma_wait3A_125 = arith.constant 0 : i32
    %dma_wait3A_126 = tpu.memref_slice %arg10[%dma_wait3A_124, %dma_wait3A_125] : memref<10240x16xf32, #tpu.memory_space<vmem_shared>> -> memref<10240x16xf32, #tpu.memory_space<vmem_shared>>
    tpu.wait_indirect_dma semaphore(%arg28 : memref<!tpu.dma_semaphore, #tpu.memory_space<semaphore_mem>>) src(%dma_wait3A_120 : memref<80x16xf32, #tpu.memory_space<vmem>>) dst(%dma_wait3A_126 : memref<10240x16xf32, #tpu.memory_space<vmem_shared>>)
    %dma_wait3A_127 = arith.constant 6 : i32
    %dma_wait3A_128 = arith.constant 0 : i32
    %dma_wait3A_129 = arith.constant 0 : i32
    %dma_wait3A_130 = arith.constant 0 : i32
    %dma_wait3A_131 = tpu.memref_slice %arg8[%dma_wait3A_127, %dma_wait3A_129, %dma_wait3A_130] : memref<12x80x16xf32, #tpu.memory_space<vmem>> -> memref<1x80x16xf32, #tpu.memory_space<vmem>>
    %dma_wait3A_132 = tpu.memref_squeeze %dma_wait3A_131 : memref<1x80x16xf32, #tpu.memory_space<vmem>> -> memref<80x16xf32, #tpu.memory_space<vmem>>
    %dma_wait3A_133 = arith.constant 0 : i32
    %dma_wait3A_134 = tpu.memref_slice %arg7[%dma_wait3A_128, %dma_wait3A_133] : memref<125x80xi32, #tpu.memory_space<vmem>> -> memref<1x80xi32, #tpu.memory_space<vmem>>
    %dma_wait3A_135 = tpu.memref_squeeze %dma_wait3A_134 : memref<1x80xi32, #tpu.memory_space<vmem>> -> memref<80xi32, #tpu.memory_space<vmem>>
    %dma_wait3A_136 = arith.constant 0 : i32
    %dma_wait3A_137 = arith.constant 0 : i32
    %dma_wait3A_138 = tpu.memref_slice %arg10[%dma_wait3A_136, %dma_wait3A_137] : memref<10240x16xf32, #tpu.memory_space<vmem_shared>> -> memref<10240x16xf32, #tpu.memory_space<vmem_shared>>
    tpu.wait_indirect_dma semaphore(%arg29 : memref<!tpu.dma_semaphore, #tpu.memory_space<semaphore_mem>>) src(%dma_wait3A_132 : memref<80x16xf32, #tpu.memory_space<vmem>>) dst(%dma_wait3A_138 : memref<10240x16xf32, #tpu.memory_space<vmem_shared>>)
    %dma_wait3A_139 = arith.constant 7 : i32
    %dma_wait3A_140 = arith.constant 0 : i32
    %dma_wait3A_141 = arith.constant 0 : i32
    %dma_wait3A_142 = arith.constant 0 : i32
    %dma_wait3A_143 = tpu.memref_slice %arg8[%dma_wait3A_139, %dma_wait3A_141, %dma_wait3A_142] : memref<12x80x16xf32, #tpu.memory_space<vmem>> -> memref<1x80x16xf32, #tpu.memory_space<vmem>>
    %dma_wait3A_144 = tpu.memref_squeeze %dma_wait3A_143 : memref<1x80x16xf32, #tpu.memory_space<vmem>> -> memref<80x16xf32, #tpu.memory_space<vmem>>
    %dma_wait3A_145 = arith.constant 0 : i32
    %dma_wait3A_146 = tpu.memref_slice %arg7[%dma_wait3A_140, %dma_wait3A_145] : memref<125x80xi32, #tpu.memory_space<vmem>> -> memref<1x80xi32, #tpu.memory_space<vmem>>
    %dma_wait3A_147 = tpu.memref_squeeze %dma_wait3A_146 : memref<1x80xi32, #tpu.memory_space<vmem>> -> memref<80xi32, #tpu.memory_space<vmem>>
    %dma_wait3A_148 = arith.constant 0 : i32
    %dma_wait3A_149 = arith.constant 0 : i32
    %dma_wait3A_150 = tpu.memref_slice %arg10[%dma_wait3A_148, %dma_wait3A_149] : memref<10240x16xf32, #tpu.memory_space<vmem_shared>> -> memref<10240x16xf32, #tpu.memory_space<vmem_shared>>
    tpu.wait_indirect_dma semaphore(%arg30 : memref<!tpu.dma_semaphore, #tpu.memory_space<semaphore_mem>>) src(%dma_wait3A_144 : memref<80x16xf32, #tpu.memory_space<vmem>>) dst(%dma_wait3A_150 : memref<10240x16xf32, #tpu.memory_space<vmem_shared>>)
    %dma_wait3A_151 = arith.constant 8 : i32
    %dma_wait3A_152 = arith.constant 0 : i32
    %dma_wait3A_153 = arith.constant 0 : i32
    %dma_wait3A_154 = arith.constant 0 : i32
    %dma_wait3A_155 = tpu.memref_slice %arg8[%dma_wait3A_151, %dma_wait3A_153, %dma_wait3A_154] : memref<12x80x16xf32, #tpu.memory_space<vmem>> -> memref<1x80x16xf32, #tpu.memory_space<vmem>>
    %dma_wait3A_156 = tpu.memref_squeeze %dma_wait3A_155 : memref<1x80x16xf32, #tpu.memory_space<vmem>> -> memref<80x16xf32, #tpu.memory_space<vmem>>
    %dma_wait3A_157 = arith.constant 0 : i32
    %dma_wait3A_158 = tpu.memref_slice %arg7[%dma_wait3A_152, %dma_wait3A_157] : memref<125x80xi32, #tpu.memory_space<vmem>> -> memref<1x80xi32, #tpu.memory_space<vmem>>
    %dma_wait3A_159 = tpu.memref_squeeze %dma_wait3A_158 : memref<1x80xi32, #tpu.memory_space<vmem>> -> memref<80xi32, #tpu.memory_space<vmem>>
    %dma_wait3A_160 = arith.constant 0 : i32
    %dma_wait3A_161 = arith.constant 0 : i32
    %dma_wait3A_162 = tpu.memref_slice %arg10[%dma_wait3A_160, %dma_wait3A_161] : memref<10240x16xf32, #tpu.memory_space<vmem_shared>> -> memref<10240x16xf32, #tpu.memory_space<vmem_shared>>
    tpu.wait_indirect_dma semaphore(%arg31 : memref<!tpu.dma_semaphore, #tpu.memory_space<semaphore_mem>>) src(%dma_wait3A_156 : memref<80x16xf32, #tpu.memory_space<vmem>>) dst(%dma_wait3A_162 : memref<10240x16xf32, #tpu.memory_space<vmem_shared>>)
    %dma_wait3A_163 = arith.constant 9 : i32
    %dma_wait3A_164 = arith.constant 0 : i32
    %dma_wait3A_165 = arith.constant 0 : i32
    %dma_wait3A_166 = arith.constant 0 : i32
    %dma_wait3A_167 = tpu.memref_slice %arg8[%dma_wait3A_163, %dma_wait3A_165, %dma_wait3A_166] : memref<12x80x16xf32, #tpu.memory_space<vmem>> -> memref<1x80x16xf32, #tpu.memory_space<vmem>>
    %dma_wait3A_168 = tpu.memref_squeeze %dma_wait3A_167 : memref<1x80x16xf32, #tpu.memory_space<vmem>> -> memref<80x16xf32, #tpu.memory_space<vmem>>
    %dma_wait3A_169 = arith.constant 0 : i32
    %dma_wait3A_170 = tpu.memref_slice %arg7[%dma_wait3A_164, %dma_wait3A_169] : memref<125x80xi32, #tpu.memory_space<vmem>> -> memref<1x80xi32, #tpu.memory_space<vmem>>
    %dma_wait3A_171 = tpu.memref_squeeze %dma_wait3A_170 : memref<1x80xi32, #tpu.memory_space<vmem>> -> memref<80xi32, #tpu.memory_space<vmem>>
    %dma_wait3A_172 = arith.constant 0 : i32
    %dma_wait3A_173 = arith.constant 0 : i32
    %dma_wait3A_174 = tpu.memref_slice %arg10[%dma_wait3A_172, %dma_wait3A_173] : memref<10240x16xf32, #tpu.memory_space<vmem_shared>> -> memref<10240x16xf32, #tpu.memory_space<vmem_shared>>
    tpu.wait_indirect_dma semaphore(%arg32 : memref<!tpu.dma_semaphore, #tpu.memory_space<semaphore_mem>>) src(%dma_wait3A_168 : memref<80x16xf32, #tpu.memory_space<vmem>>) dst(%dma_wait3A_174 : memref<10240x16xf32, #tpu.memory_space<vmem_shared>>)
    %dma_wait3A_175 = arith.constant 10 : i32
    %dma_wait3A_176 = arith.constant 0 : i32
    %dma_wait3A_177 = arith.constant 0 : i32
    %dma_wait3A_178 = arith.constant 0 : i32
    %dma_wait3A_179 = tpu.memref_slice %arg8[%dma_wait3A_175, %dma_wait3A_177, %dma_wait3A_178] : memref<12x80x16xf32, #tpu.memory_space<vmem>> -> memref<1x80x16xf32, #tpu.memory_space<vmem>>
    %dma_wait3A_180 = tpu.memref_squeeze %dma_wait3A_179 : memref<1x80x16xf32, #tpu.memory_space<vmem>> -> memref<80x16xf32, #tpu.memory_space<vmem>>
    %dma_wait3A_181 = arith.constant 0 : i32
    %dma_wait3A_182 = tpu.memref_slice %arg7[%dma_wait3A_176, %dma_wait3A_181] : memref<125x80xi32, #tpu.memory_space<vmem>> -> memref<1x80xi32, #tpu.memory_space<vmem>>
    %dma_wait3A_183 = tpu.memref_squeeze %dma_wait3A_182 : memref<1x80xi32, #tpu.memory_space<vmem>> -> memref<80xi32, #tpu.memory_space<vmem>>
    %dma_wait3A_184 = arith.constant 0 : i32
    %dma_wait3A_185 = arith.constant 0 : i32
    %dma_wait3A_186 = tpu.memref_slice %arg10[%dma_wait3A_184, %dma_wait3A_185] : memref<10240x16xf32, #tpu.memory_space<vmem_shared>> -> memref<10240x16xf32, #tpu.memory_space<vmem_shared>>
    tpu.wait_indirect_dma semaphore(%arg33 : memref<!tpu.dma_semaphore, #tpu.memory_space<semaphore_mem>>) src(%dma_wait3A_180 : memref<80x16xf32, #tpu.memory_space<vmem>>) dst(%dma_wait3A_186 : memref<10240x16xf32, #tpu.memory_space<vmem_shared>>)
    %dma_wait3A_187 = arith.constant 11 : i32
    %dma_wait3A_188 = arith.constant 0 : i32
    %dma_wait3A_189 = arith.constant 0 : i32
    %dma_wait3A_190 = arith.constant 0 : i32
    %dma_wait3A_191 = tpu.memref_slice %arg8[%dma_wait3A_187, %dma_wait3A_189, %dma_wait3A_190] : memref<12x80x16xf32, #tpu.memory_space<vmem>> -> memref<1x80x16xf32, #tpu.memory_space<vmem>>
    %dma_wait3A_192 = tpu.memref_squeeze %dma_wait3A_191 : memref<1x80x16xf32, #tpu.memory_space<vmem>> -> memref<80x16xf32, #tpu.memory_space<vmem>>
    %dma_wait3A_193 = arith.constant 0 : i32
    %dma_wait3A_194 = tpu.memref_slice %arg7[%dma_wait3A_188, %dma_wait3A_193] : memref<125x80xi32, #tpu.memory_space<vmem>> -> memref<1x80xi32, #tpu.memory_space<vmem>>
    %dma_wait3A_195 = tpu.memref_squeeze %dma_wait3A_194 : memref<1x80xi32, #tpu.memory_space<vmem>> -> memref<80xi32, #tpu.memory_space<vmem>>
    %dma_wait3A_196 = arith.constant 0 : i32
    %dma_wait3A_197 = arith.constant 0 : i32
    %dma_wait3A_198 = tpu.memref_slice %arg10[%dma_wait3A_196, %dma_wait3A_197] : memref<10240x16xf32, #tpu.memory_space<vmem_shared>> -> memref<10240x16xf32, #tpu.memory_space<vmem_shared>>
    tpu.wait_indirect_dma semaphore(%arg34 : memref<!tpu.dma_semaphore, #tpu.memory_space<semaphore_mem>>) src(%dma_wait3A_192 : memref<80x16xf32, #tpu.memory_space<vmem>>) dst(%dma_wait3A_198 : memref<10240x16xf32, #tpu.memory_space<vmem_shared>>)
    %dma_wait3A_199 = arith.constant 0 : i32
    %dma_wait3A_200 = arith.constant 0 : i32
    %dma_wait3A_201 = arith.constant 0 : i32
    %dma_wait3A_202 = arith.constant 0 : i32
    %dma_wait3A_203 = tpu.memref_slice %arg8[%dma_wait3A_199, %dma_wait3A_201, %dma_wait3A_202] : memref<12x80x16xf32, #tpu.memory_space<vmem>> -> memref<1x80x16xf32, #tpu.memory_space<vmem>>
    %dma_wait3A_204 = tpu.memref_squeeze %dma_wait3A_203 : memref<1x80x16xf32, #tpu.memory_space<vmem>> -> memref<80x16xf32, #tpu.memory_space<vmem>>
    %dma_wait3A_205 = arith.constant 0 : i32
    %dma_wait3A_206 = tpu.memref_slice %arg7[%dma_wait3A_200, %dma_wait3A_205] : memref<125x80xi32, #tpu.memory_space<vmem>> -> memref<1x80xi32, #tpu.memory_space<vmem>>
    %dma_wait3A_207 = tpu.memref_squeeze %dma_wait3A_206 : memref<1x80xi32, #tpu.memory_space<vmem>> -> memref<80xi32, #tpu.memory_space<vmem>>
    %dma_wait3A_208 = arith.constant 0 : i32
    %dma_wait3A_209 = arith.constant 0 : i32
    %dma_wait3A_210 = tpu.memref_slice %arg10[%dma_wait3A_208, %dma_wait3A_209] : memref<10240x16xf32, #tpu.memory_space<vmem_shared>> -> memref<10240x16xf32, #tpu.memory_space<vmem_shared>>
    tpu.wait_indirect_dma semaphore(%arg23 : memref<!tpu.dma_semaphore, #tpu.memory_space<semaphore_mem>>) src(%dma_wait3A_204 : memref<80x16xf32, #tpu.memory_space<vmem>>) dst(%dma_wait3A_210 : memref<10240x16xf32, #tpu.memory_space<vmem_shared>>)
    %dma_wait3A_211 = arith.constant 1 : i32
    %dma_wait3A_212 = arith.constant 0 : i32
    %dma_wait3A_213 = arith.constant 0 : i32
    %dma_wait3A_214 = arith.constant 0 : i32
    %dma_wait3A_215 = tpu.memref_slice %arg8[%dma_wait3A_211, %dma_wait3A_213, %dma_wait3A_214] : memref<12x80x16xf32, #tpu.memory_space<vmem>> -> memref<1x80x16xf32, #tpu.memory_space<vmem>>
    %dma_wait3A_216 = tpu.memref_squeeze %dma_wait3A_215 : memref<1x80x16xf32, #tpu.memory_space<vmem>> -> memref<80x16xf32, #tpu.memory_space<vmem>>
    %dma_wait3A_217 = arith.constant 0 : i32
    %dma_wait3A_218 = tpu.memref_slice %arg7[%dma_wait3A_212, %dma_wait3A_217] : memref<125x80xi32, #tpu.memory_space<vmem>> -> memref<1x80xi32, #tpu.memory_space<vmem>>
    %dma_wait3A_219 = tpu.memref_squeeze %dma_wait3A_218 : memref<1x80xi32, #tpu.memory_space<vmem>> -> memref<80xi32, #tpu.memory_space<vmem>>
    %dma_wait3A_220 = arith.constant 0 : i32
    %dma_wait3A_221 = arith.constant 0 : i32
    %dma_wait3A_222 = tpu.memref_slice %arg10[%dma_wait3A_220, %dma_wait3A_221] : memref<10240x16xf32, #tpu.memory_space<vmem_shared>> -> memref<10240x16xf32, #tpu.memory_space<vmem_shared>>
    tpu.wait_indirect_dma semaphore(%arg24 : memref<!tpu.dma_semaphore, #tpu.memory_space<semaphore_mem>>) src(%dma_wait3A_216 : memref<80x16xf32, #tpu.memory_space<vmem>>) dst(%dma_wait3A_222 : memref<10240x16xf32, #tpu.memory_space<vmem_shared>>)
    %dma_wait3A_223 = arith.constant 2 : i32
    %dma_wait3A_224 = arith.constant 0 : i32
    %dma_wait3A_225 = arith.constant 0 : i32
    %dma_wait3A_226 = arith.constant 0 : i32
    %dma_wait3A_227 = tpu.memref_slice %arg8[%dma_wait3A_223, %dma_wait3A_225, %dma_wait3A_226] : memref<12x80x16xf32, #tpu.memory_space<vmem>> -> memref<1x80x16xf32, #tpu.memory_space<vmem>>
    %dma_wait3A_228 = tpu.memref_squeeze %dma_wait3A_227 : memref<1x80x16xf32, #tpu.memory_space<vmem>> -> memref<80x16xf32, #tpu.memory_space<vmem>>
    %dma_wait3A_229 = arith.constant 0 : i32
    %dma_wait3A_230 = tpu.memref_slice %arg7[%dma_wait3A_224, %dma_wait3A_229] : memref<125x80xi32, #tpu.memory_space<vmem>> -> memref<1x80xi32, #tpu.memory_space<vmem>>
    %dma_wait3A_231 = tpu.memref_squeeze %dma_wait3A_230 : memref<1x80xi32, #tpu.memory_space<vmem>> -> memref<80xi32, #tpu.memory_space<vmem>>
    %dma_wait3A_232 = arith.constant 0 : i32
    %dma_wait3A_233 = arith.constant 0 : i32
    %dma_wait3A_234 = tpu.memref_slice %arg10[%dma_wait3A_232, %dma_wait3A_233] : memref<10240x16xf32, #tpu.memory_space<vmem_shared>> -> memref<10240x16xf32, #tpu.memory_space<vmem_shared>>
    tpu.wait_indirect_dma semaphore(%arg25 : memref<!tpu.dma_semaphore, #tpu.memory_space<semaphore_mem>>) src(%dma_wait3A_228 : memref<80x16xf32, #tpu.memory_space<vmem>>) dst(%dma_wait3A_234 : memref<10240x16xf32, #tpu.memory_space<vmem_shared>>)
    %dma_wait3A_235 = arith.constant 3 : i32
    %dma_wait3A_236 = arith.constant 0 : i32
    %dma_wait3A_237 = arith.constant 0 : i32
    %dma_wait3A_238 = arith.constant 0 : i32
    %dma_wait3A_239 = tpu.memref_slice %arg8[%dma_wait3A_235, %dma_wait3A_237, %dma_wait3A_238] : memref<12x80x16xf32, #tpu.memory_space<vmem>> -> memref<1x80x16xf32, #tpu.memory_space<vmem>>
    %dma_wait3A_240 = tpu.memref_squeeze %dma_wait3A_239 : memref<1x80x16xf32, #tpu.memory_space<vmem>> -> memref<80x16xf32, #tpu.memory_space<vmem>>
    %dma_wait3A_241 = arith.constant 0 : i32
    %dma_wait3A_242 = tpu.memref_slice %arg7[%dma_wait3A_236, %dma_wait3A_241] : memref<125x80xi32, #tpu.memory_space<vmem>> -> memref<1x80xi32, #tpu.memory_space<vmem>>
    %dma_wait3A_243 = tpu.memref_squeeze %dma_wait3A_242 : memref<1x80xi32, #tpu.memory_space<vmem>> -> memref<80xi32, #tpu.memory_space<vmem>>
    %dma_wait3A_244 = arith.constant 0 : i32
    %dma_wait3A_245 = arith.constant 0 : i32
    %dma_wait3A_246 = tpu.memref_slice %arg10[%dma_wait3A_244, %dma_wait3A_245] : memref<10240x16xf32, #tpu.memory_space<vmem_shared>> -> memref<10240x16xf32, #tpu.memory_space<vmem_shared>>
    tpu.wait_indirect_dma semaphore(%arg26 : memref<!tpu.dma_semaphore, #tpu.memory_space<semaphore_mem>>) src(%dma_wait3A_240 : memref<80x16xf32, #tpu.memory_space<vmem>>) dst(%dma_wait3A_246 : memref<10240x16xf32, #tpu.memory_space<vmem_shared>>)
    %dma_wait3A_247 = arith.constant 4 : i32
    %dma_wait3A_248 = arith.constant 0 : i32
    %dma_wait3A_249 = arith.constant 0 : i32
    %dma_wait3A_250 = arith.constant 0 : i32
    %dma_wait3A_251 = tpu.memref_slice %arg8[%dma_wait3A_247, %dma_wait3A_249, %dma_wait3A_250] : memref<12x80x16xf32, #tpu.memory_space<vmem>> -> memref<1x80x16xf32, #tpu.memory_space<vmem>>
    %dma_wait3A_252 = tpu.memref_squeeze %dma_wait3A_251 : memref<1x80x16xf32, #tpu.memory_space<vmem>> -> memref<80x16xf32, #tpu.memory_space<vmem>>
    %dma_wait3A_253 = arith.constant 0 : i32
    %dma_wait3A_254 = tpu.memref_slice %arg7[%dma_wait3A_248, %dma_wait3A_253] : memref<125x80xi32, #tpu.memory_space<vmem>> -> memref<1x80xi32, #tpu.memory_space<vmem>>
    %dma_wait3A_255 = tpu.memref_squeeze %dma_wait3A_254 : memref<1x80xi32, #tpu.memory_space<vmem>> -> memref<80xi32, #tpu.memory_space<vmem>>
    %dma_wait3A_256 = arith.constant 0 : i32
    %dma_wait3A_257 = arith.constant 0 : i32
    %dma_wait3A_258 = tpu.memref_slice %arg10[%dma_wait3A_256, %dma_wait3A_257] : memref<10240x16xf32, #tpu.memory_space<vmem_shared>> -> memref<10240x16xf32, #tpu.memory_space<vmem_shared>>
    tpu.wait_indirect_dma semaphore(%arg27 : memref<!tpu.dma_semaphore, #tpu.memory_space<semaphore_mem>>) src(%dma_wait3A_252 : memref<80x16xf32, #tpu.memory_space<vmem>>) dst(%dma_wait3A_258 : memref<10240x16xf32, #tpu.memory_space<vmem_shared>>)
    %barrier3A_259 = arith.constant 0 : index
    tpu.barrier barrier_id(%barrier3A_259)
    %mul3A_260 = arith.constant 640 : i32
    %mul3A_261 = arith.muli %arg1, %mul3A_260 : i32
    %mul3A_262 = arith.constant 640 : i32
    %mul3A_263 = arith.muli %arg1, %mul3A_262 : i32
    "tpu.region"() ({
      %run_scoped3A = tpu.sem_alloc : memref<!tpu.dma_semaphore, #tpu.memory_space<semaphore_mem>>
      %dma_start3A_264 = arith.constant 0 : i32
      %dma_start3A_265 = arith.constant 0 : i32
      %dma_start3A_266 = tpu.memref_slice %arg5[%arg0, %dma_start3A_264, %dma_start3A_265] : memref<2x10240x16xf32, #tpu.memory_space<hbm>> -> memref<1x10240x16xf32, #tpu.memory_space<hbm>>
      %dma_start3A_267 = tpu.memref_squeeze %dma_start3A_266 : memref<1x10240x16xf32, #tpu.memory_space<hbm>> -> memref<10240x16xf32, #tpu.memory_space<hbm>>
      %dma_start3A_268 = arith.constant 0 : i32
      %dma_start3A_269 = tpu.memref_slice %dma_start3A_267[%mul3A_263, %dma_start3A_268] : memref<10240x16xf32, #tpu.memory_space<hbm>> -> memref<640x16xf32, #tpu.memory_space<hbm>>
      %dma_start3A_270 = arith.constant 0 : i32
      %dma_start3A_271 = tpu.memref_slice %arg10[%mul3A_261, %dma_start3A_270] : memref<10240x16xf32, #tpu.memory_space<vmem_shared>> -> memref<640x16xf32, #tpu.memory_space<vmem_shared>>
      tpu.enqueue_dma source(%dma_start3A_271 : memref<640x16xf32, #tpu.memory_space<vmem_shared>>) target(%dma_start3A_269 : memref<640x16xf32, #tpu.memory_space<hbm>>) target_semaphore(%run_scoped3A : memref<!tpu.dma_semaphore, #tpu.memory_space<semaphore_mem>>)
      %dma_wait3A_272 = arith.constant 0 : i32
      %dma_wait3A_273 = arith.constant 0 : i32
      %dma_wait3A_274 = tpu.memref_slice %arg5[%arg0, %dma_wait3A_272, %dma_wait3A_273] : memref<2x10240x16xf32, #tpu.memory_space<hbm>> -> memref<1x10240x16xf32, #tpu.memory_space<hbm>>
      %dma_wait3A_275 = tpu.memref_squeeze %dma_wait3A_274 : memref<1x10240x16xf32, #tpu.memory_space<hbm>> -> memref<10240x16xf32, #tpu.memory_space<hbm>>
      %dma_wait3A_276 = arith.constant 0 : i32
      %dma_wait3A_277 = tpu.memref_slice %dma_wait3A_275[%mul3A_263, %dma_wait3A_276] : memref<10240x16xf32, #tpu.memory_space<hbm>> -> memref<640x16xf32, #tpu.memory_space<hbm>>
      %dma_wait3A_278 = arith.constant 0 : i32
      %dma_wait3A_279 = tpu.memref_slice %arg10[%mul3A_261, %dma_wait3A_278] : memref<10240x16xf32, #tpu.memory_space<vmem_shared>> -> memref<640x16xf32, #tpu.memory_space<vmem_shared>>
      tpu.wait_dma2 semaphore(%run_scoped3A : memref<!tpu.dma_semaphore, #tpu.memory_space<semaphore_mem>>) src(%dma_wait3A_279 : memref<640x16xf32, #tpu.memory_space<vmem_shared>>) dst(%dma_wait3A_277 : memref<640x16xf32, #tpu.memory_space<hbm>>)
      tpu.yield
    }) : () -> ()
    return
  }
}

#map = affine_map<(d0, d1) -> (0, 0)>
#map1 = affine_map<(d0, d1) -> (0, 0, 0)>
module attributes {stable_mosaic.version = 14 : i64} {
  func.func @sc_row_aggregate(%arg0: i32, %arg1: i32, %arg2: memref<10000x64xf32, #tpu.memory_space<hbm>>, %arg3: memref<32x125x80xi32, #tpu.memory_space<hbm>>, %arg4: memref<32x125x80xi32, #tpu.memory_space<hbm>>, %arg5: memref<2x10240x64xf32, #tpu.memory_space<hbm>>, %arg6: memref<125x80xi32, #tpu.memory_space<vmem>>, %arg7: memref<125x80xi32, #tpu.memory_space<vmem>>, %arg8: memref<12x80x64xf32, #tpu.memory_space<vmem>>, %arg9: memref<80x64xf32, #tpu.memory_space<vmem>>, %arg10: memref<10240x64xf32, #tpu.memory_space<vmem_shared>>, %arg11: memref<!tpu.dma_semaphore, #tpu.memory_space<semaphore_mem>>, %arg12: memref<!tpu.dma_semaphore, #tpu.memory_space<semaphore_mem>>, %arg13: memref<!tpu.dma_semaphore, #tpu.memory_space<semaphore_mem>>, %arg14: memref<!tpu.dma_semaphore, #tpu.memory_space<semaphore_mem>>, %arg15: memref<!tpu.dma_semaphore, #tpu.memory_space<semaphore_mem>>, %arg16: memref<!tpu.dma_semaphore, #tpu.memory_space<semaphore_mem>>, %arg17: memref<!tpu.dma_semaphore, #tpu.memory_space<semaphore_mem>>, %arg18: memref<!tpu.dma_semaphore, #tpu.memory_space<semaphore_mem>>, %arg19: memref<!tpu.dma_semaphore, #tpu.memory_space<semaphore_mem>>, %arg20: memref<!tpu.dma_semaphore, #tpu.memory_space<semaphore_mem>>, %arg21: memref<!tpu.dma_semaphore, #tpu.memory_space<semaphore_mem>>, %arg22: memref<!tpu.dma_semaphore, #tpu.memory_space<semaphore_mem>>, %arg23: memref<!tpu.dma_semaphore, #tpu.memory_space<semaphore_mem>>, %arg24: memref<!tpu.dma_semaphore, #tpu.memory_space<semaphore_mem>>, %arg25: memref<!tpu.dma_semaphore, #tpu.memory_space<semaphore_mem>>, %arg26: memref<!tpu.dma_semaphore, #tpu.memory_space<semaphore_mem>>, %arg27: memref<!tpu.dma_semaphore, #tpu.memory_space<semaphore_mem>>, %arg28: memref<!tpu.dma_semaphore, #tpu.memory_space<semaphore_mem>>, %arg29: memref<!tpu.dma_semaphore, #tpu.memory_space<semaphore_mem>>, %arg30: memref<!tpu.dma_semaphore, #tpu.memory_space<semaphore_mem>>, %arg31: memref<!tpu.dma_semaphore, #tpu.memory_space<semaphore_mem>>, %arg32: memref<!tpu.dma_semaphore, #tpu.memory_space<semaphore_mem>>, %arg33: memref<!tpu.dma_semaphore, #tpu.memory_space<semaphore_mem>>, %arg34: memref<!tpu.dma_semaphore, #tpu.memory_space<semaphore_mem>>) attributes {dimension_semantics = [#tpu.dimension_semantics<core_parallel>, #tpu.dimension_semantics<subcore_parallel>], iteration_bounds = array<i64: 2, 16>, scalar_prefetch = 0 : i64, scratch_operands = 29 : i64, tpu.core_type = #tpu.core_type<sc_vector_subcore>, window_params = [{transform_indices = #map}, {transform_indices = #map1}, {transform_indices = #map1}, {transform_indices = #map1}]} {
    %mul3A = arith.constant 2 : i32
    %mul3A_0 = arith.muli %arg1, %mul3A : i32
    %add3A = arith.addi %mul3A_0, %arg0 : i32
    %broadcast_in_dim3A = arith.constant 0.000000e+00 : f32
    %broadcast_in_dim3A_1 = vector.broadcast %broadcast_in_dim3A : f32 to vector<16xf32>
    %scan3A = arith.constant 0 : i32
    %scan3A_2 = arith.constant 0 : i32
    %scan3A_3 = arith.constant 80 : i32
    %scan3A_4 = arith.addi %scan3A_2, %scan3A_3 : i32
    %scan3A_5 = arith.constant 1 : i32
    scf.for %scan3A_264 = %scan3A_2 to %scan3A_4 step %scan3A_5  : i32 {
      %swap3A = arith.index_cast %scan3A_264 : i32 to index
      %swap3A_265 = arith.constant 0 : index
      %swap3A_266 = tpu.vector_load %arg9[%swap3A, %swap3A_265] {strides = array<i32>} : memref<80x64xf32, #tpu.memory_space<vmem>>, vector<1x16xf32>,
      %swap3A_267 = vector.shape_cast %swap3A_266 : vector<1x16xf32> to vector<16xf32>
      %swap3A_268 = vector.shape_cast %broadcast_in_dim3A_1 : vector<16xf32> to vector<1x16xf32>
      tpu.vector_store %arg9[%swap3A, %swap3A_265], %swap3A_268 {strides = array<i32>} : memref<80x64xf32, #tpu.memory_space<vmem>>, vector<1x16xf32>,
      %swap3A_269 = arith.index_cast %scan3A_264 : i32 to index
      %swap3A_270 = arith.constant 16 : index
      %swap3A_271 = tpu.vector_load %arg9[%swap3A_269, %swap3A_270] {strides = array<i32>} : memref<80x64xf32, #tpu.memory_space<vmem>>, vector<1x16xf32>,
      %swap3A_272 = vector.shape_cast %swap3A_271 : vector<1x16xf32> to vector<16xf32>
      %swap3A_273 = vector.shape_cast %broadcast_in_dim3A_1 : vector<16xf32> to vector<1x16xf32>
      tpu.vector_store %arg9[%swap3A_269, %swap3A_270], %swap3A_273 {strides = array<i32>} : memref<80x64xf32, #tpu.memory_space<vmem>>, vector<1x16xf32>,
      %swap3A_274 = arith.index_cast %scan3A_264 : i32 to index
      %swap3A_275 = arith.constant 32 : index
      %swap3A_276 = tpu.vector_load %arg9[%swap3A_274, %swap3A_275] {strides = array<i32>} : memref<80x64xf32, #tpu.memory_space<vmem>>, vector<1x16xf32>,
      %swap3A_277 = vector.shape_cast %swap3A_276 : vector<1x16xf32> to vector<16xf32>
      %swap3A_278 = vector.shape_cast %broadcast_in_dim3A_1 : vector<16xf32> to vector<1x16xf32>
      tpu.vector_store %arg9[%swap3A_274, %swap3A_275], %swap3A_278 {strides = array<i32>} : memref<80x64xf32, #tpu.memory_space<vmem>>, vector<1x16xf32>,
      %swap3A_279 = arith.index_cast %scan3A_264 : i32 to index
      %swap3A_280 = arith.constant 48 : index
      %swap3A_281 = tpu.vector_load %arg9[%swap3A_279, %swap3A_280] {strides = array<i32>} : memref<80x64xf32, #tpu.memory_space<vmem>>, vector<1x16xf32>,
      %swap3A_282 = vector.shape_cast %swap3A_281 : vector<1x16xf32> to vector<16xf32>
      %swap3A_283 = vector.shape_cast %broadcast_in_dim3A_1 : vector<16xf32> to vector<1x16xf32>
      tpu.vector_store %arg9[%swap3A_279, %swap3A_280], %swap3A_283 {strides = array<i32>} : memref<80x64xf32, #tpu.memory_space<vmem>>, vector<1x16xf32>,
    }
    %scan3A_6 = arith.constant 80 : i32
    %mul3A_7 = arith.constant 640 : i32
    %mul3A_8 = arith.muli %arg1, %mul3A_7 : i32
    %add3A_9 = arith.constant 0 : i32
    %add3A_10 = arith.addi %mul3A_8, %add3A_9 : i32
    "tpu.region"() ({
      %run_scoped3A = tpu.sem_alloc : memref<!tpu.dma_semaphore, #tpu.memory_space<semaphore_mem>>
      %dma_start3A_264 = arith.constant 0 : i32
      %dma_start3A_265 = tpu.memref_slice %arg10[%add3A_10, %dma_start3A_264] : memref<10240x64xf32, #tpu.memory_space<vmem_shared>> -> memref<80x64xf32, #tpu.memory_space<vmem_shared>>
      %dma_start3A_266 = arith.constant 0 : i32
      %dma_start3A_267 = tpu.memref_slice %arg10[%add3A_10, %dma_start3A_266] : memref<10240x64xf32, #tpu.memory_space<vmem_shared>> -> memref<80x64xf32, #tpu.memory_space<vmem_shared>>
      tpu.enqueue_dma source(%arg9 : memref<80x64xf32, #tpu.memory_space<vmem>>) target(%dma_start3A_267 : memref<80x64xf32, #tpu.memory_space<vmem_shared>>) target_semaphore(%run_scoped3A : memref<!tpu.dma_semaphore, #tpu.memory_space<semaphore_mem>>)
      %dma_wait3A_268 = arith.constant 0 : i32
      %dma_wait3A_269 = tpu.memref_slice %arg10[%add3A_10, %dma_wait3A_268] : memref<10240x64xf32, #tpu.memory_space<vmem_shared>> -> memref<80x64xf32, #tpu.memory_space<vmem_shared>>
      %dma_wait3A_270 = arith.constant 0 : i32
      %dma_wait3A_271 = tpu.memref_slice %arg10[%add3A_10, %dma_wait3A_270] : memref<10240x64xf32, #tpu.memory_space<vmem_shared>> -> memref<80x64xf32, #tpu.memory_space<vmem_shared>>
      tpu.wait_dma2 semaphore(%run_scoped3A : memref<!tpu.dma_semaphore, #tpu.memory_space<semaphore_mem>>) src(%arg9 : memref<80x64xf32, #tpu.memory_space<vmem>>) dst(%dma_wait3A_271 : memref<80x64xf32, #tpu.memory_space<vmem_shared>>)
      tpu.yield
    }) : () -> ()
    %mul3A_11 = arith.constant 640 : i32
    %mul3A_12 = arith.muli %arg1, %mul3A_11 : i32
    %add3A_13 = arith.constant 80 : i32
    %add3A_14 = arith.addi %mul3A_12, %add3A_13 : i32
    "tpu.region"() ({
      %run_scoped3A = tpu.sem_alloc : memref<!tpu.dma_semaphore, #tpu.memory_space<semaphore_mem>>
      %dma_start3A_264 = arith.constant 0 : i32
      %dma_start3A_265 = tpu.memref_slice %arg10[%add3A_14, %dma_start3A_264] : memref<10240x64xf32, #tpu.memory_space<vmem_shared>> -> memref<80x64xf32, #tpu.memory_space<vmem_shared>>
      %dma_start3A_266 = arith.constant 0 : i32
      %dma_start3A_267 = tpu.memref_slice %arg10[%add3A_14, %dma_start3A_266] : memref<10240x64xf32, #tpu.memory_space<vmem_shared>> -> memref<80x64xf32, #tpu.memory_space<vmem_shared>>
      tpu.enqueue_dma source(%arg9 : memref<80x64xf32, #tpu.memory_space<vmem>>) target(%dma_start3A_267 : memref<80x64xf32, #tpu.memory_space<vmem_shared>>) target_semaphore(%run_scoped3A : memref<!tpu.dma_semaphore, #tpu.memory_space<semaphore_mem>>)
      %dma_wait3A_268 = arith.constant 0 : i32
      %dma_wait3A_269 = tpu.memref_slice %arg10[%add3A_14, %dma_wait3A_268] : memref<10240x64xf32, #tpu.memory_space<vmem_shared>> -> memref<80x64xf32, #tpu.memory_space<vmem_shared>>
      %dma_wait3A_270 = arith.constant 0 : i32
      %dma_wait3A_271 = tpu.memref_slice %arg10[%add3A_14, %dma_wait3A_270] : memref<10240x64xf32, #tpu.memory_space<vmem_shared>> -> memref<80x64xf32, #tpu.memory_space<vmem_shared>>
      tpu.wait_dma2 semaphore(%run_scoped3A : memref<!tpu.dma_semaphore, #tpu.memory_space<semaphore_mem>>) src(%arg9 : memref<80x64xf32, #tpu.memory_space<vmem>>) dst(%dma_wait3A_271 : memref<80x64xf32, #tpu.memory_space<vmem_shared>>)
      tpu.yield
    }) : () -> ()
    %mul3A_15 = arith.constant 640 : i32
    %mul3A_16 = arith.muli %arg1, %mul3A_15 : i32
    %add3A_17 = arith.constant 160 : i32
    %add3A_18 = arith.addi %mul3A_16, %add3A_17 : i32
    "tpu.region"() ({
      %run_scoped3A = tpu.sem_alloc : memref<!tpu.dma_semaphore, #tpu.memory_space<semaphore_mem>>
      %dma_start3A_264 = arith.constant 0 : i32
      %dma_start3A_265 = tpu.memref_slice %arg10[%add3A_18, %dma_start3A_264] : memref<10240x64xf32, #tpu.memory_space<vmem_shared>> -> memref<80x64xf32, #tpu.memory_space<vmem_shared>>
      %dma_start3A_266 = arith.constant 0 : i32
      %dma_start3A_267 = tpu.memref_slice %arg10[%add3A_18, %dma_start3A_266] : memref<10240x64xf32, #tpu.memory_space<vmem_shared>> -> memref<80x64xf32, #tpu.memory_space<vmem_shared>>
      tpu.enqueue_dma source(%arg9 : memref<80x64xf32, #tpu.memory_space<vmem>>) target(%dma_start3A_267 : memref<80x64xf32, #tpu.memory_space<vmem_shared>>) target_semaphore(%run_scoped3A : memref<!tpu.dma_semaphore, #tpu.memory_space<semaphore_mem>>)
      %dma_wait3A_268 = arith.constant 0 : i32
      %dma_wait3A_269 = tpu.memref_slice %arg10[%add3A_18, %dma_wait3A_268] : memref<10240x64xf32, #tpu.memory_space<vmem_shared>> -> memref<80x64xf32, #tpu.memory_space<vmem_shared>>
      %dma_wait3A_270 = arith.constant 0 : i32
      %dma_wait3A_271 = tpu.memref_slice %arg10[%add3A_18, %dma_wait3A_270] : memref<10240x64xf32, #tpu.memory_space<vmem_shared>> -> memref<80x64xf32, #tpu.memory_space<vmem_shared>>
      tpu.wait_dma2 semaphore(%run_scoped3A : memref<!tpu.dma_semaphore, #tpu.memory_space<semaphore_mem>>) src(%arg9 : memref<80x64xf32, #tpu.memory_space<vmem>>) dst(%dma_wait3A_271 : memref<80x64xf32, #tpu.memory_space<vmem_shared>>)
      tpu.yield
    }) : () -> ()
    %mul3A_19 = arith.constant 640 : i32
    %mul3A_20 = arith.muli %arg1, %mul3A_19 : i32
    %add3A_21 = arith.constant 240 : i32
    %add3A_22 = arith.addi %mul3A_20, %add3A_21 : i32
    "tpu.region"() ({
      %run_scoped3A = tpu.sem_alloc : memref<!tpu.dma_semaphore, #tpu.memory_space<semaphore_mem>>
      %dma_start3A_264 = arith.constant 0 : i32
      %dma_start3A_265 = tpu.memref_slice %arg10[%add3A_22, %dma_start3A_264] : memref<10240x64xf32, #tpu.memory_space<vmem_shared>> -> memref<80x64xf32, #tpu.memory_space<vmem_shared>>
      %dma_start3A_266 = arith.constant 0 : i32
      %dma_start3A_267 = tpu.memref_slice %arg10[%add3A_22, %dma_start3A_266] : memref<10240x64xf32, #tpu.memory_space<vmem_shared>> -> memref<80x64xf32, #tpu.memory_space<vmem_shared>>
      tpu.enqueue_dma source(%arg9 : memref<80x64xf32, #tpu.memory_space<vmem>>) target(%dma_start3A_267 : memref<80x64xf32, #tpu.memory_space<vmem_shared>>) target_semaphore(%run_scoped3A : memref<!tpu.dma_semaphore, #tpu.memory_space<semaphore_mem>>)
      %dma_wait3A_268 = arith.constant 0 : i32
      %dma_wait3A_269 = tpu.memref_slice %arg10[%add3A_22, %dma_wait3A_268] : memref<10240x64xf32, #tpu.memory_space<vmem_shared>> -> memref<80x64xf32, #tpu.memory_space<vmem_shared>>
      %dma_wait3A_270 = arith.constant 0 : i32
      %dma_wait3A_271 = tpu.memref_slice %arg10[%add3A_22, %dma_wait3A_270] : memref<10240x64xf32, #tpu.memory_space<vmem_shared>> -> memref<80x64xf32, #tpu.memory_space<vmem_shared>>
      tpu.wait_dma2 semaphore(%run_scoped3A : memref<!tpu.dma_semaphore, #tpu.memory_space<semaphore_mem>>) src(%arg9 : memref<80x64xf32, #tpu.memory_space<vmem>>) dst(%dma_wait3A_271 : memref<80x64xf32, #tpu.memory_space<vmem_shared>>)
      tpu.yield
    }) : () -> ()
    %mul3A_23 = arith.constant 640 : i32
    %mul3A_24 = arith.muli %arg1, %mul3A_23 : i32
    %add3A_25 = arith.constant 320 : i32
    %add3A_26 = arith.addi %mul3A_24, %add3A_25 : i32
    "tpu.region"() ({
      %run_scoped3A = tpu.sem_alloc : memref<!tpu.dma_semaphore, #tpu.memory_space<semaphore_mem>>
      %dma_start3A_264 = arith.constant 0 : i32
      %dma_start3A_265 = tpu.memref_slice %arg10[%add3A_26, %dma_start3A_264] : memref<10240x64xf32, #tpu.memory_space<vmem_shared>> -> memref<80x64xf32, #tpu.memory_space<vmem_shared>>
      %dma_start3A_266 = arith.constant 0 : i32
      %dma_start3A_267 = tpu.memref_slice %arg10[%add3A_26, %dma_start3A_266] : memref<10240x64xf32, #tpu.memory_space<vmem_shared>> -> memref<80x64xf32, #tpu.memory_space<vmem_shared>>
      tpu.enqueue_dma source(%arg9 : memref<80x64xf32, #tpu.memory_space<vmem>>) target(%dma_start3A_267 : memref<80x64xf32, #tpu.memory_space<vmem_shared>>) target_semaphore(%run_scoped3A : memref<!tpu.dma_semaphore, #tpu.memory_space<semaphore_mem>>)
      %dma_wait3A_268 = arith.constant 0 : i32
      %dma_wait3A_269 = tpu.memref_slice %arg10[%add3A_26, %dma_wait3A_268] : memref<10240x64xf32, #tpu.memory_space<vmem_shared>> -> memref<80x64xf32, #tpu.memory_space<vmem_shared>>
      %dma_wait3A_270 = arith.constant 0 : i32
      %dma_wait3A_271 = tpu.memref_slice %arg10[%add3A_26, %dma_wait3A_270] : memref<10240x64xf32, #tpu.memory_space<vmem_shared>> -> memref<80x64xf32, #tpu.memory_space<vmem_shared>>
      tpu.wait_dma2 semaphore(%run_scoped3A : memref<!tpu.dma_semaphore, #tpu.memory_space<semaphore_mem>>) src(%arg9 : memref<80x64xf32, #tpu.memory_space<vmem>>) dst(%dma_wait3A_271 : memref<80x64xf32, #tpu.memory_space<vmem_shared>>)
      tpu.yield
    }) : () -> ()
    %mul3A_27 = arith.constant 640 : i32
    %mul3A_28 = arith.muli %arg1, %mul3A_27 : i32
    %add3A_29 = arith.constant 400 : i32
    %add3A_30 = arith.addi %mul3A_28, %add3A_29 : i32
    "tpu.region"() ({
      %run_scoped3A = tpu.sem_alloc : memref<!tpu.dma_semaphore, #tpu.memory_space<semaphore_mem>>
      %dma_start3A_264 = arith.constant 0 : i32
      %dma_start3A_265 = tpu.memref_slice %arg10[%add3A_30, %dma_start3A_264] : memref<10240x64xf32, #tpu.memory_space<vmem_shared>> -> memref<80x64xf32, #tpu.memory_space<vmem_shared>>
      %dma_start3A_266 = arith.constant 0 : i32
      %dma_start3A_267 = tpu.memref_slice %arg10[%add3A_30, %dma_start3A_266] : memref<10240x64xf32, #tpu.memory_space<vmem_shared>> -> memref<80x64xf32, #tpu.memory_space<vmem_shared>>
      tpu.enqueue_dma source(%arg9 : memref<80x64xf32, #tpu.memory_space<vmem>>) target(%dma_start3A_267 : memref<80x64xf32, #tpu.memory_space<vmem_shared>>) target_semaphore(%run_scoped3A : memref<!tpu.dma_semaphore, #tpu.memory_space<semaphore_mem>>)
      %dma_wait3A_268 = arith.constant 0 : i32
      %dma_wait3A_269 = tpu.memref_slice %arg10[%add3A_30, %dma_wait3A_268] : memref<10240x64xf32, #tpu.memory_space<vmem_shared>> -> memref<80x64xf32, #tpu.memory_space<vmem_shared>>
      %dma_wait3A_270 = arith.constant 0 : i32
      %dma_wait3A_271 = tpu.memref_slice %arg10[%add3A_30, %dma_wait3A_270] : memref<10240x64xf32, #tpu.memory_space<vmem_shared>> -> memref<80x64xf32, #tpu.memory_space<vmem_shared>>
      tpu.wait_dma2 semaphore(%run_scoped3A : memref<!tpu.dma_semaphore, #tpu.memory_space<semaphore_mem>>) src(%arg9 : memref<80x64xf32, #tpu.memory_space<vmem>>) dst(%dma_wait3A_271 : memref<80x64xf32, #tpu.memory_space<vmem_shared>>)
      tpu.yield
    }) : () -> ()
    %mul3A_31 = arith.constant 640 : i32
    %mul3A_32 = arith.muli %arg1, %mul3A_31 : i32
    %add3A_33 = arith.constant 480 : i32
    %add3A_34 = arith.addi %mul3A_32, %add3A_33 : i32
    "tpu.region"() ({
      %run_scoped3A = tpu.sem_alloc : memref<!tpu.dma_semaphore, #tpu.memory_space<semaphore_mem>>
      %dma_start3A_264 = arith.constant 0 : i32
      %dma_start3A_265 = tpu.memref_slice %arg10[%add3A_34, %dma_start3A_264] : memref<10240x64xf32, #tpu.memory_space<vmem_shared>> -> memref<80x64xf32, #tpu.memory_space<vmem_shared>>
      %dma_start3A_266 = arith.constant 0 : i32
      %dma_start3A_267 = tpu.memref_slice %arg10[%add3A_34, %dma_start3A_266] : memref<10240x64xf32, #tpu.memory_space<vmem_shared>> -> memref<80x64xf32, #tpu.memory_space<vmem_shared>>
      tpu.enqueue_dma source(%arg9 : memref<80x64xf32, #tpu.memory_space<vmem>>) target(%dma_start3A_267 : memref<80x64xf32, #tpu.memory_space<vmem_shared>>) target_semaphore(%run_scoped3A : memref<!tpu.dma_semaphore, #tpu.memory_space<semaphore_mem>>)
      %dma_wait3A_268 = arith.constant 0 : i32
      %dma_wait3A_269 = tpu.memref_slice %arg10[%add3A_34, %dma_wait3A_268] : memref<10240x64xf32, #tpu.memory_space<vmem_shared>> -> memref<80x64xf32, #tpu.memory_space<vmem_shared>>
      %dma_wait3A_270 = arith.constant 0 : i32
      %dma_wait3A_271 = tpu.memref_slice %arg10[%add3A_34, %dma_wait3A_270] : memref<10240x64xf32, #tpu.memory_space<vmem_shared>> -> memref<80x64xf32, #tpu.memory_space<vmem_shared>>
      tpu.wait_dma2 semaphore(%run_scoped3A : memref<!tpu.dma_semaphore, #tpu.memory_space<semaphore_mem>>) src(%arg9 : memref<80x64xf32, #tpu.memory_space<vmem>>) dst(%dma_wait3A_271 : memref<80x64xf32, #tpu.memory_space<vmem_shared>>)
      tpu.yield
    }) : () -> ()
    %mul3A_35 = arith.constant 640 : i32
    %mul3A_36 = arith.muli %arg1, %mul3A_35 : i32
    %add3A_37 = arith.constant 560 : i32
    %add3A_38 = arith.addi %mul3A_36, %add3A_37 : i32
    "tpu.region"() ({
      %run_scoped3A = tpu.sem_alloc : memref<!tpu.dma_semaphore, #tpu.memory_space<semaphore_mem>>
      %dma_start3A_264 = arith.constant 0 : i32
      %dma_start3A_265 = tpu.memref_slice %arg10[%add3A_38, %dma_start3A_264] : memref<10240x64xf32, #tpu.memory_space<vmem_shared>> -> memref<80x64xf32, #tpu.memory_space<vmem_shared>>
      %dma_start3A_266 = arith.constant 0 : i32
      %dma_start3A_267 = tpu.memref_slice %arg10[%add3A_38, %dma_start3A_266] : memref<10240x64xf32, #tpu.memory_space<vmem_shared>> -> memref<80x64xf32, #tpu.memory_space<vmem_shared>>
      tpu.enqueue_dma source(%arg9 : memref<80x64xf32, #tpu.memory_space<vmem>>) target(%dma_start3A_267 : memref<80x64xf32, #tpu.memory_space<vmem_shared>>) target_semaphore(%run_scoped3A : memref<!tpu.dma_semaphore, #tpu.memory_space<semaphore_mem>>)
      %dma_wait3A_268 = arith.constant 0 : i32
      %dma_wait3A_269 = tpu.memref_slice %arg10[%add3A_38, %dma_wait3A_268] : memref<10240x64xf32, #tpu.memory_space<vmem_shared>> -> memref<80x64xf32, #tpu.memory_space<vmem_shared>>
      %dma_wait3A_270 = arith.constant 0 : i32
      %dma_wait3A_271 = tpu.memref_slice %arg10[%add3A_38, %dma_wait3A_270] : memref<10240x64xf32, #tpu.memory_space<vmem_shared>> -> memref<80x64xf32, #tpu.memory_space<vmem_shared>>
      tpu.wait_dma2 semaphore(%run_scoped3A : memref<!tpu.dma_semaphore, #tpu.memory_space<semaphore_mem>>) src(%arg9 : memref<80x64xf32, #tpu.memory_space<vmem>>) dst(%dma_wait3A_271 : memref<80x64xf32, #tpu.memory_space<vmem_shared>>)
      tpu.yield
    }) : () -> ()
    "tpu.region"() ({
      %run_scoped3A = tpu.sem_alloc : memref<!tpu.dma_semaphore, #tpu.memory_space<semaphore_mem>>
      %dma_start3A_264 = arith.constant 0 : i32
      %dma_start3A_265 = arith.constant 0 : i32
      %dma_start3A_266 = tpu.memref_slice %arg3[%add3A, %dma_start3A_264, %dma_start3A_265] : memref<32x125x80xi32, #tpu.memory_space<hbm>> -> memref<1x125x80xi32, #tpu.memory_space<hbm>>
      %dma_start3A_267 = tpu.memref_squeeze %dma_start3A_266 : memref<1x125x80xi32, #tpu.memory_space<hbm>> -> memref<125x80xi32, #tpu.memory_space<hbm>>
      %dma_start3A_268 = arith.constant 0 : i32
      %dma_start3A_269 = arith.constant 0 : i32
      %dma_start3A_270 = tpu.memref_slice %arg3[%add3A, %dma_start3A_268, %dma_start3A_269] : memref<32x125x80xi32, #tpu.memory_space<hbm>> -> memref<1x125x80xi32, #tpu.memory_space<hbm>>
      %dma_start3A_271 = tpu.memref_squeeze %dma_start3A_270 : memref<1x125x80xi32, #tpu.memory_space<hbm>> -> memref<125x80xi32, #tpu.memory_space<hbm>>
      tpu.enqueue_dma source(%dma_start3A_271 : memref<125x80xi32, #tpu.memory_space<hbm>>) target(%arg6 : memref<125x80xi32, #tpu.memory_space<vmem>>) target_semaphore(%run_scoped3A : memref<!tpu.dma_semaphore, #tpu.memory_space<semaphore_mem>>)
      %dma_wait3A_272 = arith.constant 0 : i32
      %dma_wait3A_273 = arith.constant 0 : i32
      %dma_wait3A_274 = tpu.memref_slice %arg3[%add3A, %dma_wait3A_272, %dma_wait3A_273] : memref<32x125x80xi32, #tpu.memory_space<hbm>> -> memref<1x125x80xi32, #tpu.memory_space<hbm>>
      %dma_wait3A_275 = tpu.memref_squeeze %dma_wait3A_274 : memref<1x125x80xi32, #tpu.memory_space<hbm>> -> memref<125x80xi32, #tpu.memory_space<hbm>>
      %dma_wait3A_276 = arith.constant 0 : i32
      %dma_wait3A_277 = arith.constant 0 : i32
      %dma_wait3A_278 = tpu.memref_slice %arg3[%add3A, %dma_wait3A_276, %dma_wait3A_277] : memref<32x125x80xi32, #tpu.memory_space<hbm>> -> memref<1x125x80xi32, #tpu.memory_space<hbm>>
      %dma_wait3A_279 = tpu.memref_squeeze %dma_wait3A_278 : memref<1x125x80xi32, #tpu.memory_space<hbm>> -> memref<125x80xi32, #tpu.memory_space<hbm>>
      tpu.wait_dma2 semaphore(%run_scoped3A : memref<!tpu.dma_semaphore, #tpu.memory_space<semaphore_mem>>) src(%dma_wait3A_279 : memref<125x80xi32, #tpu.memory_space<hbm>>) dst(%arg6 : memref<125x80xi32, #tpu.memory_space<vmem>>)
      tpu.yield
    }) : () -> ()
    "tpu.region"() ({
      %run_scoped3A = tpu.sem_alloc : memref<!tpu.dma_semaphore, #tpu.memory_space<semaphore_mem>>
      %dma_start3A_264 = arith.constant 0 : i32
      %dma_start3A_265 = arith.constant 0 : i32
      %dma_start3A_266 = tpu.memref_slice %arg4[%add3A, %dma_start3A_264, %dma_start3A_265] : memref<32x125x80xi32, #tpu.memory_space<hbm>> -> memref<1x125x80xi32, #tpu.memory_space<hbm>>
      %dma_start3A_267 = tpu.memref_squeeze %dma_start3A_266 : memref<1x125x80xi32, #tpu.memory_space<hbm>> -> memref<125x80xi32, #tpu.memory_space<hbm>>
      %dma_start3A_268 = arith.constant 0 : i32
      %dma_start3A_269 = arith.constant 0 : i32
      %dma_start3A_270 = tpu.memref_slice %arg4[%add3A, %dma_start3A_268, %dma_start3A_269] : memref<32x125x80xi32, #tpu.memory_space<hbm>> -> memref<1x125x80xi32, #tpu.memory_space<hbm>>
      %dma_start3A_271 = tpu.memref_squeeze %dma_start3A_270 : memref<1x125x80xi32, #tpu.memory_space<hbm>> -> memref<125x80xi32, #tpu.memory_space<hbm>>
      tpu.enqueue_dma source(%dma_start3A_271 : memref<125x80xi32, #tpu.memory_space<hbm>>) target(%arg7 : memref<125x80xi32, #tpu.memory_space<vmem>>) target_semaphore(%run_scoped3A : memref<!tpu.dma_semaphore, #tpu.memory_space<semaphore_mem>>)
      %dma_wait3A_272 = arith.constant 0 : i32
      %dma_wait3A_273 = arith.constant 0 : i32
      %dma_wait3A_274 = tpu.memref_slice %arg4[%add3A, %dma_wait3A_272, %dma_wait3A_273] : memref<32x125x80xi32, #tpu.memory_space<hbm>> -> memref<1x125x80xi32, #tpu.memory_space<hbm>>
      %dma_wait3A_275 = tpu.memref_squeeze %dma_wait3A_274 : memref<1x125x80xi32, #tpu.memory_space<hbm>> -> memref<125x80xi32, #tpu.memory_space<hbm>>
      %dma_wait3A_276 = arith.constant 0 : i32
      %dma_wait3A_277 = arith.constant 0 : i32
      %dma_wait3A_278 = tpu.memref_slice %arg4[%add3A, %dma_wait3A_276, %dma_wait3A_277] : memref<32x125x80xi32, #tpu.memory_space<hbm>> -> memref<1x125x80xi32, #tpu.memory_space<hbm>>
      %dma_wait3A_279 = tpu.memref_squeeze %dma_wait3A_278 : memref<1x125x80xi32, #tpu.memory_space<hbm>> -> memref<125x80xi32, #tpu.memory_space<hbm>>
      tpu.wait_dma2 semaphore(%run_scoped3A : memref<!tpu.dma_semaphore, #tpu.memory_space<semaphore_mem>>) src(%dma_wait3A_279 : memref<125x80xi32, #tpu.memory_space<hbm>>) dst(%arg7 : memref<125x80xi32, #tpu.memory_space<vmem>>)
      tpu.yield
    }) : () -> ()
    %dma_start3A = arith.constant 0 : i32
    %dma_start3A_39 = arith.constant 0 : i32
    %dma_start3A_40 = arith.constant 0 : i32
    %dma_start3A_41 = arith.constant 0 : i32
    %dma_start3A_42 = tpu.memref_slice %arg8[%dma_start3A_39, %dma_start3A_40, %dma_start3A_41] : memref<12x80x64xf32, #tpu.memory_space<vmem>> -> memref<1x80x64xf32, #tpu.memory_space<vmem>>
    %dma_start3A_43 = tpu.memref_squeeze %dma_start3A_42 : memref<1x80x64xf32, #tpu.memory_space<vmem>> -> memref<80x64xf32, #tpu.memory_space<vmem>>
    %dma_start3A_44 = arith.constant 0 : i32
    %dma_start3A_45 = tpu.memref_slice %arg6[%dma_start3A, %dma_start3A_44] : memref<125x80xi32, #tpu.memory_space<vmem>> -> memref<1x80xi32, #tpu.memory_space<vmem>>
    %dma_start3A_46 = tpu.memref_squeeze %dma_start3A_45 : memref<1x80xi32, #tpu.memory_space<vmem>> -> memref<80xi32, #tpu.memory_space<vmem>>
    %dma_start3A_47 = arith.constant 0 : i32
    %dma_start3A_48 = arith.constant 0 : i32
    %dma_start3A_49 = tpu.memref_slice %arg2[%dma_start3A_47, %dma_start3A_48] : memref<10000x64xf32, #tpu.memory_space<hbm>> -> memref<10000x64xf32, #tpu.memory_space<hbm>>
    tpu.enqueue_indirect_dma source(%dma_start3A_49 : memref<10000x64xf32, #tpu.memory_space<hbm>>) target(%dma_start3A_43 : memref<80x64xf32, #tpu.memory_space<vmem>>) offsets(%dma_start3A_46 : memref<80xi32, #tpu.memory_space<vmem>>) semaphore(%arg11 : memref<!tpu.dma_semaphore, #tpu.memory_space<semaphore_mem>>)
    %dma_start3A_50 = arith.constant 1 : i32
    %dma_start3A_51 = arith.constant 1 : i32
    %dma_start3A_52 = arith.constant 0 : i32
    %dma_start3A_53 = arith.constant 0 : i32
    %dma_start3A_54 = tpu.memref_slice %arg8[%dma_start3A_51, %dma_start3A_52, %dma_start3A_53] : memref<12x80x64xf32, #tpu.memory_space<vmem>> -> memref<1x80x64xf32, #tpu.memory_space<vmem>>
    %dma_start3A_55 = tpu.memref_squeeze %dma_start3A_54 : memref<1x80x64xf32, #tpu.memory_space<vmem>> -> memref<80x64xf32, #tpu.memory_space<vmem>>
    %dma_start3A_56 = arith.constant 0 : i32
    %dma_start3A_57 = tpu.memref_slice %arg6[%dma_start3A_50, %dma_start3A_56] : memref<125x80xi32, #tpu.memory_space<vmem>> -> memref<1x80xi32, #tpu.memory_space<vmem>>
    %dma_start3A_58 = tpu.memref_squeeze %dma_start3A_57 : memref<1x80xi32, #tpu.memory_space<vmem>> -> memref<80xi32, #tpu.memory_space<vmem>>
    %dma_start3A_59 = arith.constant 0 : i32
    %dma_start3A_60 = arith.constant 0 : i32
    %dma_start3A_61 = tpu.memref_slice %arg2[%dma_start3A_59, %dma_start3A_60] : memref<10000x64xf32, #tpu.memory_space<hbm>> -> memref<10000x64xf32, #tpu.memory_space<hbm>>
    tpu.enqueue_indirect_dma source(%dma_start3A_61 : memref<10000x64xf32, #tpu.memory_space<hbm>>) target(%dma_start3A_55 : memref<80x64xf32, #tpu.memory_space<vmem>>) offsets(%dma_start3A_58 : memref<80xi32, #tpu.memory_space<vmem>>) semaphore(%arg12 : memref<!tpu.dma_semaphore, #tpu.memory_space<semaphore_mem>>)
    %dma_start3A_62 = arith.constant 2 : i32
    %dma_start3A_63 = arith.constant 2 : i32
    %dma_start3A_64 = arith.constant 0 : i32
    %dma_start3A_65 = arith.constant 0 : i32
    %dma_start3A_66 = tpu.memref_slice %arg8[%dma_start3A_63, %dma_start3A_64, %dma_start3A_65] : memref<12x80x64xf32, #tpu.memory_space<vmem>> -> memref<1x80x64xf32, #tpu.memory_space<vmem>>
    %dma_start3A_67 = tpu.memref_squeeze %dma_start3A_66 : memref<1x80x64xf32, #tpu.memory_space<vmem>> -> memref<80x64xf32, #tpu.memory_space<vmem>>
    %dma_start3A_68 = arith.constant 0 : i32
    %dma_start3A_69 = tpu.memref_slice %arg6[%dma_start3A_62, %dma_start3A_68] : memref<125x80xi32, #tpu.memory_space<vmem>> -> memref<1x80xi32, #tpu.memory_space<vmem>>
    %dma_start3A_70 = tpu.memref_squeeze %dma_start3A_69 : memref<1x80xi32, #tpu.memory_space<vmem>> -> memref<80xi32, #tpu.memory_space<vmem>>
    %dma_start3A_71 = arith.constant 0 : i32
    %dma_start3A_72 = arith.constant 0 : i32
    %dma_start3A_73 = tpu.memref_slice %arg2[%dma_start3A_71, %dma_start3A_72] : memref<10000x64xf32, #tpu.memory_space<hbm>> -> memref<10000x64xf32, #tpu.memory_space<hbm>>
    tpu.enqueue_indirect_dma source(%dma_start3A_73 : memref<10000x64xf32, #tpu.memory_space<hbm>>) target(%dma_start3A_67 : memref<80x64xf32, #tpu.memory_space<vmem>>) offsets(%dma_start3A_70 : memref<80xi32, #tpu.memory_space<vmem>>) semaphore(%arg13 : memref<!tpu.dma_semaphore, #tpu.memory_space<semaphore_mem>>)
    %dma_start3A_74 = arith.constant 3 : i32
    %dma_start3A_75 = arith.constant 3 : i32
    %dma_start3A_76 = arith.constant 0 : i32
    %dma_start3A_77 = arith.constant 0 : i32
    %dma_start3A_78 = tpu.memref_slice %arg8[%dma_start3A_75, %dma_start3A_76, %dma_start3A_77] : memref<12x80x64xf32, #tpu.memory_space<vmem>> -> memref<1x80x64xf32, #tpu.memory_space<vmem>>
    %dma_start3A_79 = tpu.memref_squeeze %dma_start3A_78 : memref<1x80x64xf32, #tpu.memory_space<vmem>> -> memref<80x64xf32, #tpu.memory_space<vmem>>
    %dma_start3A_80 = arith.constant 0 : i32
    %dma_start3A_81 = tpu.memref_slice %arg6[%dma_start3A_74, %dma_start3A_80] : memref<125x80xi32, #tpu.memory_space<vmem>> -> memref<1x80xi32, #tpu.memory_space<vmem>>
    %dma_start3A_82 = tpu.memref_squeeze %dma_start3A_81 : memref<1x80xi32, #tpu.memory_space<vmem>> -> memref<80xi32, #tpu.memory_space<vmem>>
    %dma_start3A_83 = arith.constant 0 : i32
    %dma_start3A_84 = arith.constant 0 : i32
    %dma_start3A_85 = tpu.memref_slice %arg2[%dma_start3A_83, %dma_start3A_84] : memref<10000x64xf32, #tpu.memory_space<hbm>> -> memref<10000x64xf32, #tpu.memory_space<hbm>>
    tpu.enqueue_indirect_dma source(%dma_start3A_85 : memref<10000x64xf32, #tpu.memory_space<hbm>>) target(%dma_start3A_79 : memref<80x64xf32, #tpu.memory_space<vmem>>) offsets(%dma_start3A_82 : memref<80xi32, #tpu.memory_space<vmem>>) semaphore(%arg14 : memref<!tpu.dma_semaphore, #tpu.memory_space<semaphore_mem>>)
    %dma_start3A_86 = arith.constant 4 : i32
    %dma_start3A_87 = arith.constant 4 : i32
    %dma_start3A_88 = arith.constant 0 : i32
    %dma_start3A_89 = arith.constant 0 : i32
    %dma_start3A_90 = tpu.memref_slice %arg8[%dma_start3A_87, %dma_start3A_88, %dma_start3A_89] : memref<12x80x64xf32, #tpu.memory_space<vmem>> -> memref<1x80x64xf32, #tpu.memory_space<vmem>>
    %dma_start3A_91 = tpu.memref_squeeze %dma_start3A_90 : memref<1x80x64xf32, #tpu.memory_space<vmem>> -> memref<80x64xf32, #tpu.memory_space<vmem>>
    %dma_start3A_92 = arith.constant 0 : i32
    %dma_start3A_93 = tpu.memref_slice %arg6[%dma_start3A_86, %dma_start3A_92] : memref<125x80xi32, #tpu.memory_space<vmem>> -> memref<1x80xi32, #tpu.memory_space<vmem>>
    %dma_start3A_94 = tpu.memref_squeeze %dma_start3A_93 : memref<1x80xi32, #tpu.memory_space<vmem>> -> memref<80xi32, #tpu.memory_space<vmem>>
    %dma_start3A_95 = arith.constant 0 : i32
    %dma_start3A_96 = arith.constant 0 : i32
    %dma_start3A_97 = tpu.memref_slice %arg2[%dma_start3A_95, %dma_start3A_96] : memref<10000x64xf32, #tpu.memory_space<hbm>> -> memref<10000x64xf32, #tpu.memory_space<hbm>>
    tpu.enqueue_indirect_dma source(%dma_start3A_97 : memref<10000x64xf32, #tpu.memory_space<hbm>>) target(%dma_start3A_91 : memref<80x64xf32, #tpu.memory_space<vmem>>) offsets(%dma_start3A_94 : memref<80xi32, #tpu.memory_space<vmem>>) semaphore(%arg15 : memref<!tpu.dma_semaphore, #tpu.memory_space<semaphore_mem>>)
    %dma_start3A_98 = arith.constant 5 : i32
    %dma_start3A_99 = arith.constant 5 : i32
    %dma_start3A_100 = arith.constant 0 : i32
    %dma_start3A_101 = arith.constant 0 : i32
    %dma_start3A_102 = tpu.memref_slice %arg8[%dma_start3A_99, %dma_start3A_100, %dma_start3A_101] : memref<12x80x64xf32, #tpu.memory_space<vmem>> -> memref<1x80x64xf32, #tpu.memory_space<vmem>>
    %dma_start3A_103 = tpu.memref_squeeze %dma_start3A_102 : memref<1x80x64xf32, #tpu.memory_space<vmem>> -> memref<80x64xf32, #tpu.memory_space<vmem>>
    %dma_start3A_104 = arith.constant 0 : i32
    %dma_start3A_105 = tpu.memref_slice %arg6[%dma_start3A_98, %dma_start3A_104] : memref<125x80xi32, #tpu.memory_space<vmem>> -> memref<1x80xi32, #tpu.memory_space<vmem>>
    %dma_start3A_106 = tpu.memref_squeeze %dma_start3A_105 : memref<1x80xi32, #tpu.memory_space<vmem>> -> memref<80xi32, #tpu.memory_space<vmem>>
    %dma_start3A_107 = arith.constant 0 : i32
    %dma_start3A_108 = arith.constant 0 : i32
    %dma_start3A_109 = tpu.memref_slice %arg2[%dma_start3A_107, %dma_start3A_108] : memref<10000x64xf32, #tpu.memory_space<hbm>> -> memref<10000x64xf32, #tpu.memory_space<hbm>>
    tpu.enqueue_indirect_dma source(%dma_start3A_109 : memref<10000x64xf32, #tpu.memory_space<hbm>>) target(%dma_start3A_103 : memref<80x64xf32, #tpu.memory_space<vmem>>) offsets(%dma_start3A_106 : memref<80xi32, #tpu.memory_space<vmem>>) semaphore(%arg16 : memref<!tpu.dma_semaphore, #tpu.memory_space<semaphore_mem>>)
    %barrier3A = arith.constant 0 : index
    tpu.barrier barrier_id(%barrier3A)
    %scan3A_110 = arith.constant 0 : i32
    %scan3A_111 = arith.constant 0 : i32
    %scan3A_112 = arith.constant 11 : i32
    %scan3A_113 = arith.addi %scan3A_111, %scan3A_112 : i32
    %scan3A_114 = arith.constant 1 : i32
    scf.for %scan3A_264 = %scan3A_111 to %scan3A_113 step %scan3A_114  : i32 {
      %mul3A_265 = arith.constant 12 : i32
      %mul3A_266 = arith.muli %scan3A_264, %mul3A_265 : i32
      %add3A_267 = arith.constant 0 : i32
      %add3A_268 = arith.addi %mul3A_266, %add3A_267 : i32
      %lt3A = arith.constant 125 : i32
      %lt3A_269 = arith.cmpi slt, %add3A_268, %lt3A : i32
      %convert_element_type3A = arith.extui %lt3A_269 : i1 to i32
      %cond3A = arith.constant 0 : i32
      %cond3A_270 = arith.cmpi ne, %convert_element_type3A, %cond3A : i32
      scf.if %cond3A_270 {
        %dma_wait3A_348 = arith.constant 0 : i32
        %dma_wait3A_349 = arith.constant 0 : i32
        %dma_wait3A_350 = arith.constant 0 : i32
        %dma_wait3A_351 = tpu.memref_slice %arg8[%dma_wait3A_348, %dma_wait3A_349, %dma_wait3A_350] : memref<12x80x64xf32, #tpu.memory_space<vmem>> -> memref<1x80x64xf32, #tpu.memory_space<vmem>>
        %dma_wait3A_352 = tpu.memref_squeeze %dma_wait3A_351 : memref<1x80x64xf32, #tpu.memory_space<vmem>> -> memref<80x64xf32, #tpu.memory_space<vmem>>
        %dma_wait3A_353 = arith.constant 0 : i32
        %dma_wait3A_354 = tpu.memref_slice %arg6[%add3A_268, %dma_wait3A_353] : memref<125x80xi32, #tpu.memory_space<vmem>> -> memref<1x80xi32, #tpu.memory_space<vmem>>
        %dma_wait3A_355 = tpu.memref_squeeze %dma_wait3A_354 : memref<1x80xi32, #tpu.memory_space<vmem>> -> memref<80xi32, #tpu.memory_space<vmem>>
        %dma_wait3A_356 = arith.constant 0 : i32
        %dma_wait3A_357 = arith.constant 0 : i32
        %dma_wait3A_358 = tpu.memref_slice %arg2[%dma_wait3A_356, %dma_wait3A_357] : memref<10000x64xf32, #tpu.memory_space<hbm>> -> memref<10000x64xf32, #tpu.memory_space<hbm>>
        tpu.wait_indirect_dma semaphore(%arg11 : memref<!tpu.dma_semaphore, #tpu.memory_space<semaphore_mem>>) src(%dma_wait3A_358 : memref<10000x64xf32, #tpu.memory_space<hbm>>) dst(%dma_wait3A_352 : memref<80x64xf32, #tpu.memory_space<vmem>>)
        %dma_start3A_359 = arith.constant 0 : i32
        %dma_start3A_360 = arith.constant 0 : i32
        %dma_start3A_361 = arith.constant 0 : i32
        %dma_start3A_362 = tpu.memref_slice %arg8[%dma_start3A_359, %dma_start3A_360, %dma_start3A_361] : memref<12x80x64xf32, #tpu.memory_space<vmem>> -> memref<1x80x64xf32, #tpu.memory_space<vmem>>
        %dma_start3A_363 = tpu.memref_squeeze %dma_start3A_362 : memref<1x80x64xf32, #tpu.memory_space<vmem>> -> memref<80x64xf32, #tpu.memory_space<vmem>>
        %dma_start3A_364 = arith.constant 0 : i32
        %dma_start3A_365 = tpu.memref_slice %arg7[%add3A_268, %dma_start3A_364] : memref<125x80xi32, #tpu.memory_space<vmem>> -> memref<1x80xi32, #tpu.memory_space<vmem>>
        %dma_start3A_366 = tpu.memref_squeeze %dma_start3A_365 : memref<1x80xi32, #tpu.memory_space<vmem>> -> memref<80xi32, #tpu.memory_space<vmem>>
        %dma_start3A_367 = arith.constant 0 : i32
        %dma_start3A_368 = arith.constant 0 : i32
        %dma_start3A_369 = tpu.memref_slice %arg10[%dma_start3A_367, %dma_start3A_368] : memref<10240x64xf32, #tpu.memory_space<vmem_shared>> -> memref<10240x64xf32, #tpu.memory_space<vmem_shared>>
        tpu.enqueue_indirect_dma source(%dma_start3A_363 : memref<80x64xf32, #tpu.memory_space<vmem>>) target(%dma_start3A_369 : memref<10240x64xf32, #tpu.memory_space<vmem_shared>>) offsets(%dma_start3A_366 : memref<80xi32, #tpu.memory_space<vmem>>) semaphore(%arg23 : memref<!tpu.dma_semaphore, #tpu.memory_space<semaphore_mem>>) {add = true}
        %add3A_370 = arith.constant 6 : i32
        %add3A_371 = arith.addi %add3A_268, %add3A_370 : i32
        %lt3A_372 = arith.constant 125 : i32
        %lt3A_373 = arith.cmpi slt, %add3A_371, %lt3A_372 : i32
        %convert_element_type3A_374 = arith.extui %lt3A_373 : i1 to i32
        %cond3A_375 = arith.constant 0 : i32
        %cond3A_376 = arith.cmpi ne, %convert_element_type3A_374, %cond3A_375 : i32
        scf.if %cond3A_376 {
          %ge3A = arith.constant 6 : i32
          %ge3A_377 = arith.cmpi sge, %add3A_268, %ge3A : i32
          %convert_element_type3A_378 = arith.extui %ge3A_377 : i1 to i32
          %cond3A_379 = arith.constant 0 : i32
          %cond3A_380 = arith.cmpi ne, %convert_element_type3A_378, %cond3A_379 : i32
          scf.if %cond3A_380 {
            %dma_wait3A_394 = arith.constant 6 : i32
            %dma_wait3A_395 = arith.constant 0 : i32
            %dma_wait3A_396 = arith.constant 0 : i32
            %dma_wait3A_397 = tpu.memref_slice %arg8[%dma_wait3A_394, %dma_wait3A_395, %dma_wait3A_396] : memref<12x80x64xf32, #tpu.memory_space<vmem>> -> memref<1x80x64xf32, #tpu.memory_space<vmem>>
            %dma_wait3A_398 = tpu.memref_squeeze %dma_wait3A_397 : memref<1x80x64xf32, #tpu.memory_space<vmem>> -> memref<80x64xf32, #tpu.memory_space<vmem>>
            %dma_wait3A_399 = arith.constant 0 : i32
            %dma_wait3A_400 = tpu.memref_slice %arg7[%add3A_268, %dma_wait3A_399] : memref<125x80xi32, #tpu.memory_space<vmem>> -> memref<1x80xi32, #tpu.memory_space<vmem>>
            %dma_wait3A_401 = tpu.memref_squeeze %dma_wait3A_400 : memref<1x80xi32, #tpu.memory_space<vmem>> -> memref<80xi32, #tpu.memory_space<vmem>>
            %dma_wait3A_402 = arith.constant 0 : i32
            %dma_wait3A_403 = arith.constant 0 : i32
            %dma_wait3A_404 = tpu.memref_slice %arg10[%dma_wait3A_402, %dma_wait3A_403] : memref<10240x64xf32, #tpu.memory_space<vmem_shared>> -> memref<10240x64xf32, #tpu.memory_space<vmem_shared>>
            tpu.wait_indirect_dma semaphore(%arg29 : memref<!tpu.dma_semaphore, #tpu.memory_space<semaphore_mem>>) src(%dma_wait3A_398 : memref<80x64xf32, #tpu.memory_space<vmem>>) dst(%dma_wait3A_404 : memref<10240x64xf32, #tpu.memory_space<vmem_shared>>)
          } else {
          }
          %add3A_381 = arith.constant 6 : i32
          %add3A_382 = arith.addi %add3A_268, %add3A_381 : i32
          %dma_start3A_383 = arith.constant 6 : i32
          %dma_start3A_384 = arith.constant 0 : i32
          %dma_start3A_385 = arith.constant 0 : i32
          %dma_start3A_386 = tpu.memref_slice %arg8[%dma_start3A_383, %dma_start3A_384, %dma_start3A_385] : memref<12x80x64xf32, #tpu.memory_space<vmem>> -> memref<1x80x64xf32, #tpu.memory_space<vmem>>
          %dma_start3A_387 = tpu.memref_squeeze %dma_start3A_386 : memref<1x80x64xf32, #tpu.memory_space<vmem>> -> memref<80x64xf32, #tpu.memory_space<vmem>>
          %dma_start3A_388 = arith.constant 0 : i32
          %dma_start3A_389 = tpu.memref_slice %arg6[%add3A_382, %dma_start3A_388] : memref<125x80xi32, #tpu.memory_space<vmem>> -> memref<1x80xi32, #tpu.memory_space<vmem>>
          %dma_start3A_390 = tpu.memref_squeeze %dma_start3A_389 : memref<1x80xi32, #tpu.memory_space<vmem>> -> memref<80xi32, #tpu.memory_space<vmem>>
          %dma_start3A_391 = arith.constant 0 : i32
          %dma_start3A_392 = arith.constant 0 : i32
          %dma_start3A_393 = tpu.memref_slice %arg2[%dma_start3A_391, %dma_start3A_392] : memref<10000x64xf32, #tpu.memory_space<hbm>> -> memref<10000x64xf32, #tpu.memory_space<hbm>>
          tpu.enqueue_indirect_dma source(%dma_start3A_393 : memref<10000x64xf32, #tpu.memory_space<hbm>>) target(%dma_start3A_387 : memref<80x64xf32, #tpu.memory_space<vmem>>) offsets(%dma_start3A_390 : memref<80xi32, #tpu.memory_space<vmem>>) semaphore(%arg17 : memref<!tpu.dma_semaphore, #tpu.memory_space<semaphore_mem>>)
        } else {
        }
      } else {
      }
      %add3A_271 = arith.constant 1 : i32
      %add3A_272 = arith.addi %mul3A_266, %add3A_271 : i32
      %lt3A_273 = arith.constant 125 : i32
      %lt3A_274 = arith.cmpi slt, %add3A_272, %lt3A_273 : i32
      %convert_element_type3A_275 = arith.extui %lt3A_274 : i1 to i32
      %cond3A_276 = arith.constant 0 : i32
      %cond3A_277 = arith.cmpi ne, %convert_element_type3A_275, %cond3A_276 : i32
      scf.if %cond3A_277 {
        %dma_wait3A_348 = arith.constant 1 : i32
        %dma_wait3A_349 = arith.constant 0 : i32
        %dma_wait3A_350 = arith.constant 0 : i32
        %dma_wait3A_351 = tpu.memref_slice %arg8[%dma_wait3A_348, %dma_wait3A_349, %dma_wait3A_350] : memref<12x80x64xf32, #tpu.memory_space<vmem>> -> memref<1x80x64xf32, #tpu.memory_space<vmem>>
        %dma_wait3A_352 = tpu.memref_squeeze %dma_wait3A_351 : memref<1x80x64xf32, #tpu.memory_space<vmem>> -> memref<80x64xf32, #tpu.memory_space<vmem>>
        %dma_wait3A_353 = arith.constant 0 : i32
        %dma_wait3A_354 = tpu.memref_slice %arg6[%add3A_272, %dma_wait3A_353] : memref<125x80xi32, #tpu.memory_space<vmem>> -> memref<1x80xi32, #tpu.memory_space<vmem>>
        %dma_wait3A_355 = tpu.memref_squeeze %dma_wait3A_354 : memref<1x80xi32, #tpu.memory_space<vmem>> -> memref<80xi32, #tpu.memory_space<vmem>>
        %dma_wait3A_356 = arith.constant 0 : i32
        %dma_wait3A_357 = arith.constant 0 : i32
        %dma_wait3A_358 = tpu.memref_slice %arg2[%dma_wait3A_356, %dma_wait3A_357] : memref<10000x64xf32, #tpu.memory_space<hbm>> -> memref<10000x64xf32, #tpu.memory_space<hbm>>
        tpu.wait_indirect_dma semaphore(%arg12 : memref<!tpu.dma_semaphore, #tpu.memory_space<semaphore_mem>>) src(%dma_wait3A_358 : memref<10000x64xf32, #tpu.memory_space<hbm>>) dst(%dma_wait3A_352 : memref<80x64xf32, #tpu.memory_space<vmem>>)
        %dma_start3A_359 = arith.constant 1 : i32
        %dma_start3A_360 = arith.constant 0 : i32
        %dma_start3A_361 = arith.constant 0 : i32
        %dma_start3A_362 = tpu.memref_slice %arg8[%dma_start3A_359, %dma_start3A_360, %dma_start3A_361] : memref<12x80x64xf32, #tpu.memory_space<vmem>> -> memref<1x80x64xf32, #tpu.memory_space<vmem>>
        %dma_start3A_363 = tpu.memref_squeeze %dma_start3A_362 : memref<1x80x64xf32, #tpu.memory_space<vmem>> -> memref<80x64xf32, #tpu.memory_space<vmem>>
        %dma_start3A_364 = arith.constant 0 : i32
        %dma_start3A_365 = tpu.memref_slice %arg7[%add3A_272, %dma_start3A_364] : memref<125x80xi32, #tpu.memory_space<vmem>> -> memref<1x80xi32, #tpu.memory_space<vmem>>
        %dma_start3A_366 = tpu.memref_squeeze %dma_start3A_365 : memref<1x80xi32, #tpu.memory_space<vmem>> -> memref<80xi32, #tpu.memory_space<vmem>>
        %dma_start3A_367 = arith.constant 0 : i32
        %dma_start3A_368 = arith.constant 0 : i32
        %dma_start3A_369 = tpu.memref_slice %arg10[%dma_start3A_367, %dma_start3A_368] : memref<10240x64xf32, #tpu.memory_space<vmem_shared>> -> memref<10240x64xf32, #tpu.memory_space<vmem_shared>>
        tpu.enqueue_indirect_dma source(%dma_start3A_363 : memref<80x64xf32, #tpu.memory_space<vmem>>) target(%dma_start3A_369 : memref<10240x64xf32, #tpu.memory_space<vmem_shared>>) offsets(%dma_start3A_366 : memref<80xi32, #tpu.memory_space<vmem>>) semaphore(%arg24 : memref<!tpu.dma_semaphore, #tpu.memory_space<semaphore_mem>>) {add = true}
        %add3A_370 = arith.constant 6 : i32
        %add3A_371 = arith.addi %add3A_272, %add3A_370 : i32
        %lt3A_372 = arith.constant 125 : i32
        %lt3A_373 = arith.cmpi slt, %add3A_371, %lt3A_372 : i32
        %convert_element_type3A_374 = arith.extui %lt3A_373 : i1 to i32
        %cond3A_375 = arith.constant 0 : i32
        %cond3A_376 = arith.cmpi ne, %convert_element_type3A_374, %cond3A_375 : i32
        scf.if %cond3A_376 {
          %ge3A = arith.constant 6 : i32
          %ge3A_377 = arith.cmpi sge, %add3A_272, %ge3A : i32
          %convert_element_type3A_378 = arith.extui %ge3A_377 : i1 to i32
          %cond3A_379 = arith.constant 0 : i32
          %cond3A_380 = arith.cmpi ne, %convert_element_type3A_378, %cond3A_379 : i32
          scf.if %cond3A_380 {
            %dma_wait3A_394 = arith.constant 7 : i32
            %dma_wait3A_395 = arith.constant 0 : i32
            %dma_wait3A_396 = arith.constant 0 : i32
            %dma_wait3A_397 = tpu.memref_slice %arg8[%dma_wait3A_394, %dma_wait3A_395, %dma_wait3A_396] : memref<12x80x64xf32, #tpu.memory_space<vmem>> -> memref<1x80x64xf32, #tpu.memory_space<vmem>>
            %dma_wait3A_398 = tpu.memref_squeeze %dma_wait3A_397 : memref<1x80x64xf32, #tpu.memory_space<vmem>> -> memref<80x64xf32, #tpu.memory_space<vmem>>
            %dma_wait3A_399 = arith.constant 0 : i32
            %dma_wait3A_400 = tpu.memref_slice %arg7[%add3A_272, %dma_wait3A_399] : memref<125x80xi32, #tpu.memory_space<vmem>> -> memref<1x80xi32, #tpu.memory_space<vmem>>
            %dma_wait3A_401 = tpu.memref_squeeze %dma_wait3A_400 : memref<1x80xi32, #tpu.memory_space<vmem>> -> memref<80xi32, #tpu.memory_space<vmem>>
            %dma_wait3A_402 = arith.constant 0 : i32
            %dma_wait3A_403 = arith.constant 0 : i32
            %dma_wait3A_404 = tpu.memref_slice %arg10[%dma_wait3A_402, %dma_wait3A_403] : memref<10240x64xf32, #tpu.memory_space<vmem_shared>> -> memref<10240x64xf32, #tpu.memory_space<vmem_shared>>
            tpu.wait_indirect_dma semaphore(%arg30 : memref<!tpu.dma_semaphore, #tpu.memory_space<semaphore_mem>>) src(%dma_wait3A_398 : memref<80x64xf32, #tpu.memory_space<vmem>>) dst(%dma_wait3A_404 : memref<10240x64xf32, #tpu.memory_space<vmem_shared>>)
          } else {
          }
          %add3A_381 = arith.constant 6 : i32
          %add3A_382 = arith.addi %add3A_272, %add3A_381 : i32
          %dma_start3A_383 = arith.constant 7 : i32
          %dma_start3A_384 = arith.constant 0 : i32
          %dma_start3A_385 = arith.constant 0 : i32
          %dma_start3A_386 = tpu.memref_slice %arg8[%dma_start3A_383, %dma_start3A_384, %dma_start3A_385] : memref<12x80x64xf32, #tpu.memory_space<vmem>> -> memref<1x80x64xf32, #tpu.memory_space<vmem>>
          %dma_start3A_387 = tpu.memref_squeeze %dma_start3A_386 : memref<1x80x64xf32, #tpu.memory_space<vmem>> -> memref<80x64xf32, #tpu.memory_space<vmem>>
          %dma_start3A_388 = arith.constant 0 : i32
          %dma_start3A_389 = tpu.memref_slice %arg6[%add3A_382, %dma_start3A_388] : memref<125x80xi32, #tpu.memory_space<vmem>> -> memref<1x80xi32, #tpu.memory_space<vmem>>
          %dma_start3A_390 = tpu.memref_squeeze %dma_start3A_389 : memref<1x80xi32, #tpu.memory_space<vmem>> -> memref<80xi32, #tpu.memory_space<vmem>>
          %dma_start3A_391 = arith.constant 0 : i32
          %dma_start3A_392 = arith.constant 0 : i32
          %dma_start3A_393 = tpu.memref_slice %arg2[%dma_start3A_391, %dma_start3A_392] : memref<10000x64xf32, #tpu.memory_space<hbm>> -> memref<10000x64xf32, #tpu.memory_space<hbm>>
          tpu.enqueue_indirect_dma source(%dma_start3A_393 : memref<10000x64xf32, #tpu.memory_space<hbm>>) target(%dma_start3A_387 : memref<80x64xf32, #tpu.memory_space<vmem>>) offsets(%dma_start3A_390 : memref<80xi32, #tpu.memory_space<vmem>>) semaphore(%arg18 : memref<!tpu.dma_semaphore, #tpu.memory_space<semaphore_mem>>)
        } else {
        }
      } else {
      }
      %add3A_278 = arith.constant 2 : i32
      %add3A_279 = arith.addi %mul3A_266, %add3A_278 : i32
      %lt3A_280 = arith.constant 125 : i32
      %lt3A_281 = arith.cmpi slt, %add3A_279, %lt3A_280 : i32
      %convert_element_type3A_282 = arith.extui %lt3A_281 : i1 to i32
      %cond3A_283 = arith.constant 0 : i32
      %cond3A_284 = arith.cmpi ne, %convert_element_type3A_282, %cond3A_283 : i32
      scf.if %cond3A_284 {
        %dma_wait3A_348 = arith.constant 2 : i32
        %dma_wait3A_349 = arith.constant 0 : i32
        %dma_wait3A_350 = arith.constant 0 : i32
        %dma_wait3A_351 = tpu.memref_slice %arg8[%dma_wait3A_348, %dma_wait3A_349, %dma_wait3A_350] : memref<12x80x64xf32, #tpu.memory_space<vmem>> -> memref<1x80x64xf32, #tpu.memory_space<vmem>>
        %dma_wait3A_352 = tpu.memref_squeeze %dma_wait3A_351 : memref<1x80x64xf32, #tpu.memory_space<vmem>> -> memref<80x64xf32, #tpu.memory_space<vmem>>
        %dma_wait3A_353 = arith.constant 0 : i32
        %dma_wait3A_354 = tpu.memref_slice %arg6[%add3A_279, %dma_wait3A_353] : memref<125x80xi32, #tpu.memory_space<vmem>> -> memref<1x80xi32, #tpu.memory_space<vmem>>
        %dma_wait3A_355 = tpu.memref_squeeze %dma_wait3A_354 : memref<1x80xi32, #tpu.memory_space<vmem>> -> memref<80xi32, #tpu.memory_space<vmem>>
        %dma_wait3A_356 = arith.constant 0 : i32
        %dma_wait3A_357 = arith.constant 0 : i32
        %dma_wait3A_358 = tpu.memref_slice %arg2[%dma_wait3A_356, %dma_wait3A_357] : memref<10000x64xf32, #tpu.memory_space<hbm>> -> memref<10000x64xf32, #tpu.memory_space<hbm>>
        tpu.wait_indirect_dma semaphore(%arg13 : memref<!tpu.dma_semaphore, #tpu.memory_space<semaphore_mem>>) src(%dma_wait3A_358 : memref<10000x64xf32, #tpu.memory_space<hbm>>) dst(%dma_wait3A_352 : memref<80x64xf32, #tpu.memory_space<vmem>>)
        %dma_start3A_359 = arith.constant 2 : i32
        %dma_start3A_360 = arith.constant 0 : i32
        %dma_start3A_361 = arith.constant 0 : i32
        %dma_start3A_362 = tpu.memref_slice %arg8[%dma_start3A_359, %dma_start3A_360, %dma_start3A_361] : memref<12x80x64xf32, #tpu.memory_space<vmem>> -> memref<1x80x64xf32, #tpu.memory_space<vmem>>
        %dma_start3A_363 = tpu.memref_squeeze %dma_start3A_362 : memref<1x80x64xf32, #tpu.memory_space<vmem>> -> memref<80x64xf32, #tpu.memory_space<vmem>>
        %dma_start3A_364 = arith.constant 0 : i32
        %dma_start3A_365 = tpu.memref_slice %arg7[%add3A_279, %dma_start3A_364] : memref<125x80xi32, #tpu.memory_space<vmem>> -> memref<1x80xi32, #tpu.memory_space<vmem>>
        %dma_start3A_366 = tpu.memref_squeeze %dma_start3A_365 : memref<1x80xi32, #tpu.memory_space<vmem>> -> memref<80xi32, #tpu.memory_space<vmem>>
        %dma_start3A_367 = arith.constant 0 : i32
        %dma_start3A_368 = arith.constant 0 : i32
        %dma_start3A_369 = tpu.memref_slice %arg10[%dma_start3A_367, %dma_start3A_368] : memref<10240x64xf32, #tpu.memory_space<vmem_shared>> -> memref<10240x64xf32, #tpu.memory_space<vmem_shared>>
        tpu.enqueue_indirect_dma source(%dma_start3A_363 : memref<80x64xf32, #tpu.memory_space<vmem>>) target(%dma_start3A_369 : memref<10240x64xf32, #tpu.memory_space<vmem_shared>>) offsets(%dma_start3A_366 : memref<80xi32, #tpu.memory_space<vmem>>) semaphore(%arg25 : memref<!tpu.dma_semaphore, #tpu.memory_space<semaphore_mem>>) {add = true}
        %add3A_370 = arith.constant 6 : i32
        %add3A_371 = arith.addi %add3A_279, %add3A_370 : i32
        %lt3A_372 = arith.constant 125 : i32
        %lt3A_373 = arith.cmpi slt, %add3A_371, %lt3A_372 : i32
        %convert_element_type3A_374 = arith.extui %lt3A_373 : i1 to i32
        %cond3A_375 = arith.constant 0 : i32
        %cond3A_376 = arith.cmpi ne, %convert_element_type3A_374, %cond3A_375 : i32
        scf.if %cond3A_376 {
          %ge3A = arith.constant 6 : i32
          %ge3A_377 = arith.cmpi sge, %add3A_279, %ge3A : i32
          %convert_element_type3A_378 = arith.extui %ge3A_377 : i1 to i32
          %cond3A_379 = arith.constant 0 : i32
          %cond3A_380 = arith.cmpi ne, %convert_element_type3A_378, %cond3A_379 : i32
          scf.if %cond3A_380 {
            %dma_wait3A_394 = arith.constant 8 : i32
            %dma_wait3A_395 = arith.constant 0 : i32
            %dma_wait3A_396 = arith.constant 0 : i32
            %dma_wait3A_397 = tpu.memref_slice %arg8[%dma_wait3A_394, %dma_wait3A_395, %dma_wait3A_396] : memref<12x80x64xf32, #tpu.memory_space<vmem>> -> memref<1x80x64xf32, #tpu.memory_space<vmem>>
            %dma_wait3A_398 = tpu.memref_squeeze %dma_wait3A_397 : memref<1x80x64xf32, #tpu.memory_space<vmem>> -> memref<80x64xf32, #tpu.memory_space<vmem>>
            %dma_wait3A_399 = arith.constant 0 : i32
            %dma_wait3A_400 = tpu.memref_slice %arg7[%add3A_279, %dma_wait3A_399] : memref<125x80xi32, #tpu.memory_space<vmem>> -> memref<1x80xi32, #tpu.memory_space<vmem>>
            %dma_wait3A_401 = tpu.memref_squeeze %dma_wait3A_400 : memref<1x80xi32, #tpu.memory_space<vmem>> -> memref<80xi32, #tpu.memory_space<vmem>>
            %dma_wait3A_402 = arith.constant 0 : i32
            %dma_wait3A_403 = arith.constant 0 : i32
            %dma_wait3A_404 = tpu.memref_slice %arg10[%dma_wait3A_402, %dma_wait3A_403] : memref<10240x64xf32, #tpu.memory_space<vmem_shared>> -> memref<10240x64xf32, #tpu.memory_space<vmem_shared>>
            tpu.wait_indirect_dma semaphore(%arg31 : memref<!tpu.dma_semaphore, #tpu.memory_space<semaphore_mem>>) src(%dma_wait3A_398 : memref<80x64xf32, #tpu.memory_space<vmem>>) dst(%dma_wait3A_404 : memref<10240x64xf32, #tpu.memory_space<vmem_shared>>)
          } else {
          }
          %add3A_381 = arith.constant 6 : i32
          %add3A_382 = arith.addi %add3A_279, %add3A_381 : i32
          %dma_start3A_383 = arith.constant 8 : i32
          %dma_start3A_384 = arith.constant 0 : i32
          %dma_start3A_385 = arith.constant 0 : i32
          %dma_start3A_386 = tpu.memref_slice %arg8[%dma_start3A_383, %dma_start3A_384, %dma_start3A_385] : memref<12x80x64xf32, #tpu.memory_space<vmem>> -> memref<1x80x64xf32, #tpu.memory_space<vmem>>
          %dma_start3A_387 = tpu.memref_squeeze %dma_start3A_386 : memref<1x80x64xf32, #tpu.memory_space<vmem>> -> memref<80x64xf32, #tpu.memory_space<vmem>>
          %dma_start3A_388 = arith.constant 0 : i32
          %dma_start3A_389 = tpu.memref_slice %arg6[%add3A_382, %dma_start3A_388] : memref<125x80xi32, #tpu.memory_space<vmem>> -> memref<1x80xi32, #tpu.memory_space<vmem>>
          %dma_start3A_390 = tpu.memref_squeeze %dma_start3A_389 : memref<1x80xi32, #tpu.memory_space<vmem>> -> memref<80xi32, #tpu.memory_space<vmem>>
          %dma_start3A_391 = arith.constant 0 : i32
          %dma_start3A_392 = arith.constant 0 : i32
          %dma_start3A_393 = tpu.memref_slice %arg2[%dma_start3A_391, %dma_start3A_392] : memref<10000x64xf32, #tpu.memory_space<hbm>> -> memref<10000x64xf32, #tpu.memory_space<hbm>>
          tpu.enqueue_indirect_dma source(%dma_start3A_393 : memref<10000x64xf32, #tpu.memory_space<hbm>>) target(%dma_start3A_387 : memref<80x64xf32, #tpu.memory_space<vmem>>) offsets(%dma_start3A_390 : memref<80xi32, #tpu.memory_space<vmem>>) semaphore(%arg19 : memref<!tpu.dma_semaphore, #tpu.memory_space<semaphore_mem>>)
        } else {
        }
      } else {
      }
      %add3A_285 = arith.constant 3 : i32
      %add3A_286 = arith.addi %mul3A_266, %add3A_285 : i32
      %lt3A_287 = arith.constant 125 : i32
      %lt3A_288 = arith.cmpi slt, %add3A_286, %lt3A_287 : i32
      %convert_element_type3A_289 = arith.extui %lt3A_288 : i1 to i32
      %cond3A_290 = arith.constant 0 : i32
      %cond3A_291 = arith.cmpi ne, %convert_element_type3A_289, %cond3A_290 : i32
      scf.if %cond3A_291 {
        %dma_wait3A_348 = arith.constant 3 : i32
        %dma_wait3A_349 = arith.constant 0 : i32
        %dma_wait3A_350 = arith.constant 0 : i32
        %dma_wait3A_351 = tpu.memref_slice %arg8[%dma_wait3A_348, %dma_wait3A_349, %dma_wait3A_350] : memref<12x80x64xf32, #tpu.memory_space<vmem>> -> memref<1x80x64xf32, #tpu.memory_space<vmem>>
        %dma_wait3A_352 = tpu.memref_squeeze %dma_wait3A_351 : memref<1x80x64xf32, #tpu.memory_space<vmem>> -> memref<80x64xf32, #tpu.memory_space<vmem>>
        %dma_wait3A_353 = arith.constant 0 : i32
        %dma_wait3A_354 = tpu.memref_slice %arg6[%add3A_286, %dma_wait3A_353] : memref<125x80xi32, #tpu.memory_space<vmem>> -> memref<1x80xi32, #tpu.memory_space<vmem>>
        %dma_wait3A_355 = tpu.memref_squeeze %dma_wait3A_354 : memref<1x80xi32, #tpu.memory_space<vmem>> -> memref<80xi32, #tpu.memory_space<vmem>>
        %dma_wait3A_356 = arith.constant 0 : i32
        %dma_wait3A_357 = arith.constant 0 : i32
        %dma_wait3A_358 = tpu.memref_slice %arg2[%dma_wait3A_356, %dma_wait3A_357] : memref<10000x64xf32, #tpu.memory_space<hbm>> -> memref<10000x64xf32, #tpu.memory_space<hbm>>
        tpu.wait_indirect_dma semaphore(%arg14 : memref<!tpu.dma_semaphore, #tpu.memory_space<semaphore_mem>>) src(%dma_wait3A_358 : memref<10000x64xf32, #tpu.memory_space<hbm>>) dst(%dma_wait3A_352 : memref<80x64xf32, #tpu.memory_space<vmem>>)
        %dma_start3A_359 = arith.constant 3 : i32
        %dma_start3A_360 = arith.constant 0 : i32
        %dma_start3A_361 = arith.constant 0 : i32
        %dma_start3A_362 = tpu.memref_slice %arg8[%dma_start3A_359, %dma_start3A_360, %dma_start3A_361] : memref<12x80x64xf32, #tpu.memory_space<vmem>> -> memref<1x80x64xf32, #tpu.memory_space<vmem>>
        %dma_start3A_363 = tpu.memref_squeeze %dma_start3A_362 : memref<1x80x64xf32, #tpu.memory_space<vmem>> -> memref<80x64xf32, #tpu.memory_space<vmem>>
        %dma_start3A_364 = arith.constant 0 : i32
        %dma_start3A_365 = tpu.memref_slice %arg7[%add3A_286, %dma_start3A_364] : memref<125x80xi32, #tpu.memory_space<vmem>> -> memref<1x80xi32, #tpu.memory_space<vmem>>
        %dma_start3A_366 = tpu.memref_squeeze %dma_start3A_365 : memref<1x80xi32, #tpu.memory_space<vmem>> -> memref<80xi32, #tpu.memory_space<vmem>>
        %dma_start3A_367 = arith.constant 0 : i32
        %dma_start3A_368 = arith.constant 0 : i32
        %dma_start3A_369 = tpu.memref_slice %arg10[%dma_start3A_367, %dma_start3A_368] : memref<10240x64xf32, #tpu.memory_space<vmem_shared>> -> memref<10240x64xf32, #tpu.memory_space<vmem_shared>>
        tpu.enqueue_indirect_dma source(%dma_start3A_363 : memref<80x64xf32, #tpu.memory_space<vmem>>) target(%dma_start3A_369 : memref<10240x64xf32, #tpu.memory_space<vmem_shared>>) offsets(%dma_start3A_366 : memref<80xi32, #tpu.memory_space<vmem>>) semaphore(%arg26 : memref<!tpu.dma_semaphore, #tpu.memory_space<semaphore_mem>>) {add = true}
        %add3A_370 = arith.constant 6 : i32
        %add3A_371 = arith.addi %add3A_286, %add3A_370 : i32
        %lt3A_372 = arith.constant 125 : i32
        %lt3A_373 = arith.cmpi slt, %add3A_371, %lt3A_372 : i32
        %convert_element_type3A_374 = arith.extui %lt3A_373 : i1 to i32
        %cond3A_375 = arith.constant 0 : i32
        %cond3A_376 = arith.cmpi ne, %convert_element_type3A_374, %cond3A_375 : i32
        scf.if %cond3A_376 {
          %ge3A = arith.constant 6 : i32
          %ge3A_377 = arith.cmpi sge, %add3A_286, %ge3A : i32
          %convert_element_type3A_378 = arith.extui %ge3A_377 : i1 to i32
          %cond3A_379 = arith.constant 0 : i32
          %cond3A_380 = arith.cmpi ne, %convert_element_type3A_378, %cond3A_379 : i32
          scf.if %cond3A_380 {
            %dma_wait3A_394 = arith.constant 9 : i32
            %dma_wait3A_395 = arith.constant 0 : i32
            %dma_wait3A_396 = arith.constant 0 : i32
            %dma_wait3A_397 = tpu.memref_slice %arg8[%dma_wait3A_394, %dma_wait3A_395, %dma_wait3A_396] : memref<12x80x64xf32, #tpu.memory_space<vmem>> -> memref<1x80x64xf32, #tpu.memory_space<vmem>>
            %dma_wait3A_398 = tpu.memref_squeeze %dma_wait3A_397 : memref<1x80x64xf32, #tpu.memory_space<vmem>> -> memref<80x64xf32, #tpu.memory_space<vmem>>
            %dma_wait3A_399 = arith.constant 0 : i32
            %dma_wait3A_400 = tpu.memref_slice %arg7[%add3A_286, %dma_wait3A_399] : memref<125x80xi32, #tpu.memory_space<vmem>> -> memref<1x80xi32, #tpu.memory_space<vmem>>
            %dma_wait3A_401 = tpu.memref_squeeze %dma_wait3A_400 : memref<1x80xi32, #tpu.memory_space<vmem>> -> memref<80xi32, #tpu.memory_space<vmem>>
            %dma_wait3A_402 = arith.constant 0 : i32
            %dma_wait3A_403 = arith.constant 0 : i32
            %dma_wait3A_404 = tpu.memref_slice %arg10[%dma_wait3A_402, %dma_wait3A_403] : memref<10240x64xf32, #tpu.memory_space<vmem_shared>> -> memref<10240x64xf32, #tpu.memory_space<vmem_shared>>
            tpu.wait_indirect_dma semaphore(%arg32 : memref<!tpu.dma_semaphore, #tpu.memory_space<semaphore_mem>>) src(%dma_wait3A_398 : memref<80x64xf32, #tpu.memory_space<vmem>>) dst(%dma_wait3A_404 : memref<10240x64xf32, #tpu.memory_space<vmem_shared>>)
          } else {
          }
          %add3A_381 = arith.constant 6 : i32
          %add3A_382 = arith.addi %add3A_286, %add3A_381 : i32
          %dma_start3A_383 = arith.constant 9 : i32
          %dma_start3A_384 = arith.constant 0 : i32
          %dma_start3A_385 = arith.constant 0 : i32
          %dma_start3A_386 = tpu.memref_slice %arg8[%dma_start3A_383, %dma_start3A_384, %dma_start3A_385] : memref<12x80x64xf32, #tpu.memory_space<vmem>> -> memref<1x80x64xf32, #tpu.memory_space<vmem>>
          %dma_start3A_387 = tpu.memref_squeeze %dma_start3A_386 : memref<1x80x64xf32, #tpu.memory_space<vmem>> -> memref<80x64xf32, #tpu.memory_space<vmem>>
          %dma_start3A_388 = arith.constant 0 : i32
          %dma_start3A_389 = tpu.memref_slice %arg6[%add3A_382, %dma_start3A_388] : memref<125x80xi32, #tpu.memory_space<vmem>> -> memref<1x80xi32, #tpu.memory_space<vmem>>
          %dma_start3A_390 = tpu.memref_squeeze %dma_start3A_389 : memref<1x80xi32, #tpu.memory_space<vmem>> -> memref<80xi32, #tpu.memory_space<vmem>>
          %dma_start3A_391 = arith.constant 0 : i32
          %dma_start3A_392 = arith.constant 0 : i32
          %dma_start3A_393 = tpu.memref_slice %arg2[%dma_start3A_391, %dma_start3A_392] : memref<10000x64xf32, #tpu.memory_space<hbm>> -> memref<10000x64xf32, #tpu.memory_space<hbm>>
          tpu.enqueue_indirect_dma source(%dma_start3A_393 : memref<10000x64xf32, #tpu.memory_space<hbm>>) target(%dma_start3A_387 : memref<80x64xf32, #tpu.memory_space<vmem>>) offsets(%dma_start3A_390 : memref<80xi32, #tpu.memory_space<vmem>>) semaphore(%arg20 : memref<!tpu.dma_semaphore, #tpu.memory_space<semaphore_mem>>)
        } else {
        }
      } else {
      }
      %add3A_292 = arith.constant 4 : i32
      %add3A_293 = arith.addi %mul3A_266, %add3A_292 : i32
      %lt3A_294 = arith.constant 125 : i32
      %lt3A_295 = arith.cmpi slt, %add3A_293, %lt3A_294 : i32
      %convert_element_type3A_296 = arith.extui %lt3A_295 : i1 to i32
      %cond3A_297 = arith.constant 0 : i32
      %cond3A_298 = arith.cmpi ne, %convert_element_type3A_296, %cond3A_297 : i32
      scf.if %cond3A_298 {
        %dma_wait3A_348 = arith.constant 4 : i32
        %dma_wait3A_349 = arith.constant 0 : i32
        %dma_wait3A_350 = arith.constant 0 : i32
        %dma_wait3A_351 = tpu.memref_slice %arg8[%dma_wait3A_348, %dma_wait3A_349, %dma_wait3A_350] : memref<12x80x64xf32, #tpu.memory_space<vmem>> -> memref<1x80x64xf32, #tpu.memory_space<vmem>>
        %dma_wait3A_352 = tpu.memref_squeeze %dma_wait3A_351 : memref<1x80x64xf32, #tpu.memory_space<vmem>> -> memref<80x64xf32, #tpu.memory_space<vmem>>
        %dma_wait3A_353 = arith.constant 0 : i32
        %dma_wait3A_354 = tpu.memref_slice %arg6[%add3A_293, %dma_wait3A_353] : memref<125x80xi32, #tpu.memory_space<vmem>> -> memref<1x80xi32, #tpu.memory_space<vmem>>
        %dma_wait3A_355 = tpu.memref_squeeze %dma_wait3A_354 : memref<1x80xi32, #tpu.memory_space<vmem>> -> memref<80xi32, #tpu.memory_space<vmem>>
        %dma_wait3A_356 = arith.constant 0 : i32
        %dma_wait3A_357 = arith.constant 0 : i32
        %dma_wait3A_358 = tpu.memref_slice %arg2[%dma_wait3A_356, %dma_wait3A_357] : memref<10000x64xf32, #tpu.memory_space<hbm>> -> memref<10000x64xf32, #tpu.memory_space<hbm>>
        tpu.wait_indirect_dma semaphore(%arg15 : memref<!tpu.dma_semaphore, #tpu.memory_space<semaphore_mem>>) src(%dma_wait3A_358 : memref<10000x64xf32, #tpu.memory_space<hbm>>) dst(%dma_wait3A_352 : memref<80x64xf32, #tpu.memory_space<vmem>>)
        %dma_start3A_359 = arith.constant 4 : i32
        %dma_start3A_360 = arith.constant 0 : i32
        %dma_start3A_361 = arith.constant 0 : i32
        %dma_start3A_362 = tpu.memref_slice %arg8[%dma_start3A_359, %dma_start3A_360, %dma_start3A_361] : memref<12x80x64xf32, #tpu.memory_space<vmem>> -> memref<1x80x64xf32, #tpu.memory_space<vmem>>
        %dma_start3A_363 = tpu.memref_squeeze %dma_start3A_362 : memref<1x80x64xf32, #tpu.memory_space<vmem>> -> memref<80x64xf32, #tpu.memory_space<vmem>>
        %dma_start3A_364 = arith.constant 0 : i32
        %dma_start3A_365 = tpu.memref_slice %arg7[%add3A_293, %dma_start3A_364] : memref<125x80xi32, #tpu.memory_space<vmem>> -> memref<1x80xi32, #tpu.memory_space<vmem>>
        %dma_start3A_366 = tpu.memref_squeeze %dma_start3A_365 : memref<1x80xi32, #tpu.memory_space<vmem>> -> memref<80xi32, #tpu.memory_space<vmem>>
        %dma_start3A_367 = arith.constant 0 : i32
        %dma_start3A_368 = arith.constant 0 : i32
        %dma_start3A_369 = tpu.memref_slice %arg10[%dma_start3A_367, %dma_start3A_368] : memref<10240x64xf32, #tpu.memory_space<vmem_shared>> -> memref<10240x64xf32, #tpu.memory_space<vmem_shared>>
        tpu.enqueue_indirect_dma source(%dma_start3A_363 : memref<80x64xf32, #tpu.memory_space<vmem>>) target(%dma_start3A_369 : memref<10240x64xf32, #tpu.memory_space<vmem_shared>>) offsets(%dma_start3A_366 : memref<80xi32, #tpu.memory_space<vmem>>) semaphore(%arg27 : memref<!tpu.dma_semaphore, #tpu.memory_space<semaphore_mem>>) {add = true}
        %add3A_370 = arith.constant 6 : i32
        %add3A_371 = arith.addi %add3A_293, %add3A_370 : i32
        %lt3A_372 = arith.constant 125 : i32
        %lt3A_373 = arith.cmpi slt, %add3A_371, %lt3A_372 : i32
        %convert_element_type3A_374 = arith.extui %lt3A_373 : i1 to i32
        %cond3A_375 = arith.constant 0 : i32
        %cond3A_376 = arith.cmpi ne, %convert_element_type3A_374, %cond3A_375 : i32
        scf.if %cond3A_376 {
          %ge3A = arith.constant 6 : i32
          %ge3A_377 = arith.cmpi sge, %add3A_293, %ge3A : i32
          %convert_element_type3A_378 = arith.extui %ge3A_377 : i1 to i32
          %cond3A_379 = arith.constant 0 : i32
          %cond3A_380 = arith.cmpi ne, %convert_element_type3A_378, %cond3A_379 : i32
          scf.if %cond3A_380 {
            %dma_wait3A_394 = arith.constant 10 : i32
            %dma_wait3A_395 = arith.constant 0 : i32
            %dma_wait3A_396 = arith.constant 0 : i32
            %dma_wait3A_397 = tpu.memref_slice %arg8[%dma_wait3A_394, %dma_wait3A_395, %dma_wait3A_396] : memref<12x80x64xf32, #tpu.memory_space<vmem>> -> memref<1x80x64xf32, #tpu.memory_space<vmem>>
            %dma_wait3A_398 = tpu.memref_squeeze %dma_wait3A_397 : memref<1x80x64xf32, #tpu.memory_space<vmem>> -> memref<80x64xf32, #tpu.memory_space<vmem>>
            %dma_wait3A_399 = arith.constant 0 : i32
            %dma_wait3A_400 = tpu.memref_slice %arg7[%add3A_293, %dma_wait3A_399] : memref<125x80xi32, #tpu.memory_space<vmem>> -> memref<1x80xi32, #tpu.memory_space<vmem>>
            %dma_wait3A_401 = tpu.memref_squeeze %dma_wait3A_400 : memref<1x80xi32, #tpu.memory_space<vmem>> -> memref<80xi32, #tpu.memory_space<vmem>>
            %dma_wait3A_402 = arith.constant 0 : i32
            %dma_wait3A_403 = arith.constant 0 : i32
            %dma_wait3A_404 = tpu.memref_slice %arg10[%dma_wait3A_402, %dma_wait3A_403] : memref<10240x64xf32, #tpu.memory_space<vmem_shared>> -> memref<10240x64xf32, #tpu.memory_space<vmem_shared>>
            tpu.wait_indirect_dma semaphore(%arg33 : memref<!tpu.dma_semaphore, #tpu.memory_space<semaphore_mem>>) src(%dma_wait3A_398 : memref<80x64xf32, #tpu.memory_space<vmem>>) dst(%dma_wait3A_404 : memref<10240x64xf32, #tpu.memory_space<vmem_shared>>)
          } else {
          }
          %add3A_381 = arith.constant 6 : i32
          %add3A_382 = arith.addi %add3A_293, %add3A_381 : i32
          %dma_start3A_383 = arith.constant 10 : i32
          %dma_start3A_384 = arith.constant 0 : i32
          %dma_start3A_385 = arith.constant 0 : i32
          %dma_start3A_386 = tpu.memref_slice %arg8[%dma_start3A_383, %dma_start3A_384, %dma_start3A_385] : memref<12x80x64xf32, #tpu.memory_space<vmem>> -> memref<1x80x64xf32, #tpu.memory_space<vmem>>
          %dma_start3A_387 = tpu.memref_squeeze %dma_start3A_386 : memref<1x80x64xf32, #tpu.memory_space<vmem>> -> memref<80x64xf32, #tpu.memory_space<vmem>>
          %dma_start3A_388 = arith.constant 0 : i32
          %dma_start3A_389 = tpu.memref_slice %arg6[%add3A_382, %dma_start3A_388] : memref<125x80xi32, #tpu.memory_space<vmem>> -> memref<1x80xi32, #tpu.memory_space<vmem>>
          %dma_start3A_390 = tpu.memref_squeeze %dma_start3A_389 : memref<1x80xi32, #tpu.memory_space<vmem>> -> memref<80xi32, #tpu.memory_space<vmem>>
          %dma_start3A_391 = arith.constant 0 : i32
          %dma_start3A_392 = arith.constant 0 : i32
          %dma_start3A_393 = tpu.memref_slice %arg2[%dma_start3A_391, %dma_start3A_392] : memref<10000x64xf32, #tpu.memory_space<hbm>> -> memref<10000x64xf32, #tpu.memory_space<hbm>>
          tpu.enqueue_indirect_dma source(%dma_start3A_393 : memref<10000x64xf32, #tpu.memory_space<hbm>>) target(%dma_start3A_387 : memref<80x64xf32, #tpu.memory_space<vmem>>) offsets(%dma_start3A_390 : memref<80xi32, #tpu.memory_space<vmem>>) semaphore(%arg21 : memref<!tpu.dma_semaphore, #tpu.memory_space<semaphore_mem>>)
        } else {
        }
      } else {
      }
      %add3A_299 = arith.constant 5 : i32
      %add3A_300 = arith.addi %mul3A_266, %add3A_299 : i32
      %lt3A_301 = arith.constant 125 : i32
      %lt3A_302 = arith.cmpi slt, %add3A_300, %lt3A_301 : i32
      %convert_element_type3A_303 = arith.extui %lt3A_302 : i1 to i32
      %cond3A_304 = arith.constant 0 : i32
      %cond3A_305 = arith.cmpi ne, %convert_element_type3A_303, %cond3A_304 : i32
      scf.if %cond3A_305 {
        %dma_wait3A_348 = arith.constant 5 : i32
        %dma_wait3A_349 = arith.constant 0 : i32
        %dma_wait3A_350 = arith.constant 0 : i32
        %dma_wait3A_351 = tpu.memref_slice %arg8[%dma_wait3A_348, %dma_wait3A_349, %dma_wait3A_350] : memref<12x80x64xf32, #tpu.memory_space<vmem>> -> memref<1x80x64xf32, #tpu.memory_space<vmem>>
        %dma_wait3A_352 = tpu.memref_squeeze %dma_wait3A_351 : memref<1x80x64xf32, #tpu.memory_space<vmem>> -> memref<80x64xf32, #tpu.memory_space<vmem>>
        %dma_wait3A_353 = arith.constant 0 : i32
        %dma_wait3A_354 = tpu.memref_slice %arg6[%add3A_300, %dma_wait3A_353] : memref<125x80xi32, #tpu.memory_space<vmem>> -> memref<1x80xi32, #tpu.memory_space<vmem>>
        %dma_wait3A_355 = tpu.memref_squeeze %dma_wait3A_354 : memref<1x80xi32, #tpu.memory_space<vmem>> -> memref<80xi32, #tpu.memory_space<vmem>>
        %dma_wait3A_356 = arith.constant 0 : i32
        %dma_wait3A_357 = arith.constant 0 : i32
        %dma_wait3A_358 = tpu.memref_slice %arg2[%dma_wait3A_356, %dma_wait3A_357] : memref<10000x64xf32, #tpu.memory_space<hbm>> -> memref<10000x64xf32, #tpu.memory_space<hbm>>
        tpu.wait_indirect_dma semaphore(%arg16 : memref<!tpu.dma_semaphore, #tpu.memory_space<semaphore_mem>>) src(%dma_wait3A_358 : memref<10000x64xf32, #tpu.memory_space<hbm>>) dst(%dma_wait3A_352 : memref<80x64xf32, #tpu.memory_space<vmem>>)
        %dma_start3A_359 = arith.constant 5 : i32
        %dma_start3A_360 = arith.constant 0 : i32
        %dma_start3A_361 = arith.constant 0 : i32
        %dma_start3A_362 = tpu.memref_slice %arg8[%dma_start3A_359, %dma_start3A_360, %dma_start3A_361] : memref<12x80x64xf32, #tpu.memory_space<vmem>> -> memref<1x80x64xf32, #tpu.memory_space<vmem>>
        %dma_start3A_363 = tpu.memref_squeeze %dma_start3A_362 : memref<1x80x64xf32, #tpu.memory_space<vmem>> -> memref<80x64xf32, #tpu.memory_space<vmem>>
        %dma_start3A_364 = arith.constant 0 : i32
        %dma_start3A_365 = tpu.memref_slice %arg7[%add3A_300, %dma_start3A_364] : memref<125x80xi32, #tpu.memory_space<vmem>> -> memref<1x80xi32, #tpu.memory_space<vmem>>
        %dma_start3A_366 = tpu.memref_squeeze %dma_start3A_365 : memref<1x80xi32, #tpu.memory_space<vmem>> -> memref<80xi32, #tpu.memory_space<vmem>>
        %dma_start3A_367 = arith.constant 0 : i32
        %dma_start3A_368 = arith.constant 0 : i32
        %dma_start3A_369 = tpu.memref_slice %arg10[%dma_start3A_367, %dma_start3A_368] : memref<10240x64xf32, #tpu.memory_space<vmem_shared>> -> memref<10240x64xf32, #tpu.memory_space<vmem_shared>>
        tpu.enqueue_indirect_dma source(%dma_start3A_363 : memref<80x64xf32, #tpu.memory_space<vmem>>) target(%dma_start3A_369 : memref<10240x64xf32, #tpu.memory_space<vmem_shared>>) offsets(%dma_start3A_366 : memref<80xi32, #tpu.memory_space<vmem>>) semaphore(%arg28 : memref<!tpu.dma_semaphore, #tpu.memory_space<semaphore_mem>>) {add = true}
        %add3A_370 = arith.constant 6 : i32
        %add3A_371 = arith.addi %add3A_300, %add3A_370 : i32
        %lt3A_372 = arith.constant 125 : i32
        %lt3A_373 = arith.cmpi slt, %add3A_371, %lt3A_372 : i32
        %convert_element_type3A_374 = arith.extui %lt3A_373 : i1 to i32
        %cond3A_375 = arith.constant 0 : i32
        %cond3A_376 = arith.cmpi ne, %convert_element_type3A_374, %cond3A_375 : i32
        scf.if %cond3A_376 {
          %ge3A = arith.constant 6 : i32
          %ge3A_377 = arith.cmpi sge, %add3A_300, %ge3A : i32
          %convert_element_type3A_378 = arith.extui %ge3A_377 : i1 to i32
          %cond3A_379 = arith.constant 0 : i32
          %cond3A_380 = arith.cmpi ne, %convert_element_type3A_378, %cond3A_379 : i32
          scf.if %cond3A_380 {
            %dma_wait3A_394 = arith.constant 11 : i32
            %dma_wait3A_395 = arith.constant 0 : i32
            %dma_wait3A_396 = arith.constant 0 : i32
            %dma_wait3A_397 = tpu.memref_slice %arg8[%dma_wait3A_394, %dma_wait3A_395, %dma_wait3A_396] : memref<12x80x64xf32, #tpu.memory_space<vmem>> -> memref<1x80x64xf32, #tpu.memory_space<vmem>>
            %dma_wait3A_398 = tpu.memref_squeeze %dma_wait3A_397 : memref<1x80x64xf32, #tpu.memory_space<vmem>> -> memref<80x64xf32, #tpu.memory_space<vmem>>
            %dma_wait3A_399 = arith.constant 0 : i32
            %dma_wait3A_400 = tpu.memref_slice %arg7[%add3A_300, %dma_wait3A_399] : memref<125x80xi32, #tpu.memory_space<vmem>> -> memref<1x80xi32, #tpu.memory_space<vmem>>
            %dma_wait3A_401 = tpu.memref_squeeze %dma_wait3A_400 : memref<1x80xi32, #tpu.memory_space<vmem>> -> memref<80xi32, #tpu.memory_space<vmem>>
            %dma_wait3A_402 = arith.constant 0 : i32
            %dma_wait3A_403 = arith.constant 0 : i32
            %dma_wait3A_404 = tpu.memref_slice %arg10[%dma_wait3A_402, %dma_wait3A_403] : memref<10240x64xf32, #tpu.memory_space<vmem_shared>> -> memref<10240x64xf32, #tpu.memory_space<vmem_shared>>
            tpu.wait_indirect_dma semaphore(%arg34 : memref<!tpu.dma_semaphore, #tpu.memory_space<semaphore_mem>>) src(%dma_wait3A_398 : memref<80x64xf32, #tpu.memory_space<vmem>>) dst(%dma_wait3A_404 : memref<10240x64xf32, #tpu.memory_space<vmem_shared>>)
          } else {
          }
          %add3A_381 = arith.constant 6 : i32
          %add3A_382 = arith.addi %add3A_300, %add3A_381 : i32
          %dma_start3A_383 = arith.constant 11 : i32
          %dma_start3A_384 = arith.constant 0 : i32
          %dma_start3A_385 = arith.constant 0 : i32
          %dma_start3A_386 = tpu.memref_slice %arg8[%dma_start3A_383, %dma_start3A_384, %dma_start3A_385] : memref<12x80x64xf32, #tpu.memory_space<vmem>> -> memref<1x80x64xf32, #tpu.memory_space<vmem>>
          %dma_start3A_387 = tpu.memref_squeeze %dma_start3A_386 : memref<1x80x64xf32, #tpu.memory_space<vmem>> -> memref<80x64xf32, #tpu.memory_space<vmem>>
          %dma_start3A_388 = arith.constant 0 : i32
          %dma_start3A_389 = tpu.memref_slice %arg6[%add3A_382, %dma_start3A_388] : memref<125x80xi32, #tpu.memory_space<vmem>> -> memref<1x80xi32, #tpu.memory_space<vmem>>
          %dma_start3A_390 = tpu.memref_squeeze %dma_start3A_389 : memref<1x80xi32, #tpu.memory_space<vmem>> -> memref<80xi32, #tpu.memory_space<vmem>>
          %dma_start3A_391 = arith.constant 0 : i32
          %dma_start3A_392 = arith.constant 0 : i32
          %dma_start3A_393 = tpu.memref_slice %arg2[%dma_start3A_391, %dma_start3A_392] : memref<10000x64xf32, #tpu.memory_space<hbm>> -> memref<10000x64xf32, #tpu.memory_space<hbm>>
          tpu.enqueue_indirect_dma source(%dma_start3A_393 : memref<10000x64xf32, #tpu.memory_space<hbm>>) target(%dma_start3A_387 : memref<80x64xf32, #tpu.memory_space<vmem>>) offsets(%dma_start3A_390 : memref<80xi32, #tpu.memory_space<vmem>>) semaphore(%arg22 : memref<!tpu.dma_semaphore, #tpu.memory_space<semaphore_mem>>)
        } else {
        }
      } else {
      }
      %add3A_306 = arith.constant 6 : i32
      %add3A_307 = arith.addi %mul3A_266, %add3A_306 : i32
      %lt3A_308 = arith.constant 125 : i32
      %lt3A_309 = arith.cmpi slt, %add3A_307, %lt3A_308 : i32
      %convert_element_type3A_310 = arith.extui %lt3A_309 : i1 to i32
      %cond3A_311 = arith.constant 0 : i32
      %cond3A_312 = arith.cmpi ne, %convert_element_type3A_310, %cond3A_311 : i32
      scf.if %cond3A_312 {
        %dma_wait3A_348 = arith.constant 6 : i32
        %dma_wait3A_349 = arith.constant 0 : i32
        %dma_wait3A_350 = arith.constant 0 : i32
        %dma_wait3A_351 = tpu.memref_slice %arg8[%dma_wait3A_348, %dma_wait3A_349, %dma_wait3A_350] : memref<12x80x64xf32, #tpu.memory_space<vmem>> -> memref<1x80x64xf32, #tpu.memory_space<vmem>>
        %dma_wait3A_352 = tpu.memref_squeeze %dma_wait3A_351 : memref<1x80x64xf32, #tpu.memory_space<vmem>> -> memref<80x64xf32, #tpu.memory_space<vmem>>
        %dma_wait3A_353 = arith.constant 0 : i32
        %dma_wait3A_354 = tpu.memref_slice %arg6[%add3A_307, %dma_wait3A_353] : memref<125x80xi32, #tpu.memory_space<vmem>> -> memref<1x80xi32, #tpu.memory_space<vmem>>
        %dma_wait3A_355 = tpu.memref_squeeze %dma_wait3A_354 : memref<1x80xi32, #tpu.memory_space<vmem>> -> memref<80xi32, #tpu.memory_space<vmem>>
        %dma_wait3A_356 = arith.constant 0 : i32
        %dma_wait3A_357 = arith.constant 0 : i32
        %dma_wait3A_358 = tpu.memref_slice %arg2[%dma_wait3A_356, %dma_wait3A_357] : memref<10000x64xf32, #tpu.memory_space<hbm>> -> memref<10000x64xf32, #tpu.memory_space<hbm>>
        tpu.wait_indirect_dma semaphore(%arg17 : memref<!tpu.dma_semaphore, #tpu.memory_space<semaphore_mem>>) src(%dma_wait3A_358 : memref<10000x64xf32, #tpu.memory_space<hbm>>) dst(%dma_wait3A_352 : memref<80x64xf32, #tpu.memory_space<vmem>>)
        %dma_start3A_359 = arith.constant 6 : i32
        %dma_start3A_360 = arith.constant 0 : i32
        %dma_start3A_361 = arith.constant 0 : i32
        %dma_start3A_362 = tpu.memref_slice %arg8[%dma_start3A_359, %dma_start3A_360, %dma_start3A_361] : memref<12x80x64xf32, #tpu.memory_space<vmem>> -> memref<1x80x64xf32, #tpu.memory_space<vmem>>
        %dma_start3A_363 = tpu.memref_squeeze %dma_start3A_362 : memref<1x80x64xf32, #tpu.memory_space<vmem>> -> memref<80x64xf32, #tpu.memory_space<vmem>>
        %dma_start3A_364 = arith.constant 0 : i32
        %dma_start3A_365 = tpu.memref_slice %arg7[%add3A_307, %dma_start3A_364] : memref<125x80xi32, #tpu.memory_space<vmem>> -> memref<1x80xi32, #tpu.memory_space<vmem>>
        %dma_start3A_366 = tpu.memref_squeeze %dma_start3A_365 : memref<1x80xi32, #tpu.memory_space<vmem>> -> memref<80xi32, #tpu.memory_space<vmem>>
        %dma_start3A_367 = arith.constant 0 : i32
        %dma_start3A_368 = arith.constant 0 : i32
        %dma_start3A_369 = tpu.memref_slice %arg10[%dma_start3A_367, %dma_start3A_368] : memref<10240x64xf32, #tpu.memory_space<vmem_shared>> -> memref<10240x64xf32, #tpu.memory_space<vmem_shared>>
        tpu.enqueue_indirect_dma source(%dma_start3A_363 : memref<80x64xf32, #tpu.memory_space<vmem>>) target(%dma_start3A_369 : memref<10240x64xf32, #tpu.memory_space<vmem_shared>>) offsets(%dma_start3A_366 : memref<80xi32, #tpu.memory_space<vmem>>) semaphore(%arg29 : memref<!tpu.dma_semaphore, #tpu.memory_space<semaphore_mem>>) {add = true}
        %add3A_370 = arith.constant 6 : i32
        %add3A_371 = arith.addi %add3A_307, %add3A_370 : i32
        %lt3A_372 = arith.constant 125 : i32
        %lt3A_373 = arith.cmpi slt, %add3A_371, %lt3A_372 : i32
        %convert_element_type3A_374 = arith.extui %lt3A_373 : i1 to i32
        %cond3A_375 = arith.constant 0 : i32
        %cond3A_376 = arith.cmpi ne, %convert_element_type3A_374, %cond3A_375 : i32
        scf.if %cond3A_376 {
          %ge3A = arith.constant 6 : i32
          %ge3A_377 = arith.cmpi sge, %add3A_307, %ge3A : i32
          %convert_element_type3A_378 = arith.extui %ge3A_377 : i1 to i32
          %cond3A_379 = arith.constant 0 : i32
          %cond3A_380 = arith.cmpi ne, %convert_element_type3A_378, %cond3A_379 : i32
          scf.if %cond3A_380 {
            %dma_wait3A_394 = arith.constant 0 : i32
            %dma_wait3A_395 = arith.constant 0 : i32
            %dma_wait3A_396 = arith.constant 0 : i32
            %dma_wait3A_397 = tpu.memref_slice %arg8[%dma_wait3A_394, %dma_wait3A_395, %dma_wait3A_396] : memref<12x80x64xf32, #tpu.memory_space<vmem>> -> memref<1x80x64xf32, #tpu.memory_space<vmem>>
            %dma_wait3A_398 = tpu.memref_squeeze %dma_wait3A_397 : memref<1x80x64xf32, #tpu.memory_space<vmem>> -> memref<80x64xf32, #tpu.memory_space<vmem>>
            %dma_wait3A_399 = arith.constant 0 : i32
            %dma_wait3A_400 = tpu.memref_slice %arg7[%add3A_307, %dma_wait3A_399] : memref<125x80xi32, #tpu.memory_space<vmem>> -> memref<1x80xi32, #tpu.memory_space<vmem>>
            %dma_wait3A_401 = tpu.memref_squeeze %dma_wait3A_400 : memref<1x80xi32, #tpu.memory_space<vmem>> -> memref<80xi32, #tpu.memory_space<vmem>>
            %dma_wait3A_402 = arith.constant 0 : i32
            %dma_wait3A_403 = arith.constant 0 : i32
            %dma_wait3A_404 = tpu.memref_slice %arg10[%dma_wait3A_402, %dma_wait3A_403] : memref<10240x64xf32, #tpu.memory_space<vmem_shared>> -> memref<10240x64xf32, #tpu.memory_space<vmem_shared>>
            tpu.wait_indirect_dma semaphore(%arg23 : memref<!tpu.dma_semaphore, #tpu.memory_space<semaphore_mem>>) src(%dma_wait3A_398 : memref<80x64xf32, #tpu.memory_space<vmem>>) dst(%dma_wait3A_404 : memref<10240x64xf32, #tpu.memory_space<vmem_shared>>)
          } else {
          }
          %add3A_381 = arith.constant 6 : i32
          %add3A_382 = arith.addi %add3A_307, %add3A_381 : i32
          %dma_start3A_383 = arith.constant 0 : i32
          %dma_start3A_384 = arith.constant 0 : i32
          %dma_start3A_385 = arith.constant 0 : i32
          %dma_start3A_386 = tpu.memref_slice %arg8[%dma_start3A_383, %dma_start3A_384, %dma_start3A_385] : memref<12x80x64xf32, #tpu.memory_space<vmem>> -> memref<1x80x64xf32, #tpu.memory_space<vmem>>
          %dma_start3A_387 = tpu.memref_squeeze %dma_start3A_386 : memref<1x80x64xf32, #tpu.memory_space<vmem>> -> memref<80x64xf32, #tpu.memory_space<vmem>>
          %dma_start3A_388 = arith.constant 0 : i32
          %dma_start3A_389 = tpu.memref_slice %arg6[%add3A_382, %dma_start3A_388] : memref<125x80xi32, #tpu.memory_space<vmem>> -> memref<1x80xi32, #tpu.memory_space<vmem>>
          %dma_start3A_390 = tpu.memref_squeeze %dma_start3A_389 : memref<1x80xi32, #tpu.memory_space<vmem>> -> memref<80xi32, #tpu.memory_space<vmem>>
          %dma_start3A_391 = arith.constant 0 : i32
          %dma_start3A_392 = arith.constant 0 : i32
          %dma_start3A_393 = tpu.memref_slice %arg2[%dma_start3A_391, %dma_start3A_392] : memref<10000x64xf32, #tpu.memory_space<hbm>> -> memref<10000x64xf32, #tpu.memory_space<hbm>>
          tpu.enqueue_indirect_dma source(%dma_start3A_393 : memref<10000x64xf32, #tpu.memory_space<hbm>>) target(%dma_start3A_387 : memref<80x64xf32, #tpu.memory_space<vmem>>) offsets(%dma_start3A_390 : memref<80xi32, #tpu.memory_space<vmem>>) semaphore(%arg11 : memref<!tpu.dma_semaphore, #tpu.memory_space<semaphore_mem>>)
        } else {
        }
      } else {
      }
      %add3A_313 = arith.constant 7 : i32
      %add3A_314 = arith.addi %mul3A_266, %add3A_313 : i32
      %lt3A_315 = arith.constant 125 : i32
      %lt3A_316 = arith.cmpi slt, %add3A_314, %lt3A_315 : i32
      %convert_element_type3A_317 = arith.extui %lt3A_316 : i1 to i32
      %cond3A_318 = arith.constant 0 : i32
      %cond3A_319 = arith.cmpi ne, %convert_element_type3A_317, %cond3A_318 : i32
      scf.if %cond3A_319 {
        %dma_wait3A_348 = arith.constant 7 : i32
        %dma_wait3A_349 = arith.constant 0 : i32
        %dma_wait3A_350 = arith.constant 0 : i32
        %dma_wait3A_351 = tpu.memref_slice %arg8[%dma_wait3A_348, %dma_wait3A_349, %dma_wait3A_350] : memref<12x80x64xf32, #tpu.memory_space<vmem>> -> memref<1x80x64xf32, #tpu.memory_space<vmem>>
        %dma_wait3A_352 = tpu.memref_squeeze %dma_wait3A_351 : memref<1x80x64xf32, #tpu.memory_space<vmem>> -> memref<80x64xf32, #tpu.memory_space<vmem>>
        %dma_wait3A_353 = arith.constant 0 : i32
        %dma_wait3A_354 = tpu.memref_slice %arg6[%add3A_314, %dma_wait3A_353] : memref<125x80xi32, #tpu.memory_space<vmem>> -> memref<1x80xi32, #tpu.memory_space<vmem>>
        %dma_wait3A_355 = tpu.memref_squeeze %dma_wait3A_354 : memref<1x80xi32, #tpu.memory_space<vmem>> -> memref<80xi32, #tpu.memory_space<vmem>>
        %dma_wait3A_356 = arith.constant 0 : i32
        %dma_wait3A_357 = arith.constant 0 : i32
        %dma_wait3A_358 = tpu.memref_slice %arg2[%dma_wait3A_356, %dma_wait3A_357] : memref<10000x64xf32, #tpu.memory_space<hbm>> -> memref<10000x64xf32, #tpu.memory_space<hbm>>
        tpu.wait_indirect_dma semaphore(%arg18 : memref<!tpu.dma_semaphore, #tpu.memory_space<semaphore_mem>>) src(%dma_wait3A_358 : memref<10000x64xf32, #tpu.memory_space<hbm>>) dst(%dma_wait3A_352 : memref<80x64xf32, #tpu.memory_space<vmem>>)
        %dma_start3A_359 = arith.constant 7 : i32
        %dma_start3A_360 = arith.constant 0 : i32
        %dma_start3A_361 = arith.constant 0 : i32
        %dma_start3A_362 = tpu.memref_slice %arg8[%dma_start3A_359, %dma_start3A_360, %dma_start3A_361] : memref<12x80x64xf32, #tpu.memory_space<vmem>> -> memref<1x80x64xf32, #tpu.memory_space<vmem>>
        %dma_start3A_363 = tpu.memref_squeeze %dma_start3A_362 : memref<1x80x64xf32, #tpu.memory_space<vmem>> -> memref<80x64xf32, #tpu.memory_space<vmem>>
        %dma_start3A_364 = arith.constant 0 : i32
        %dma_start3A_365 = tpu.memref_slice %arg7[%add3A_314, %dma_start3A_364] : memref<125x80xi32, #tpu.memory_space<vmem>> -> memref<1x80xi32, #tpu.memory_space<vmem>>
        %dma_start3A_366 = tpu.memref_squeeze %dma_start3A_365 : memref<1x80xi32, #tpu.memory_space<vmem>> -> memref<80xi32, #tpu.memory_space<vmem>>
        %dma_start3A_367 = arith.constant 0 : i32
        %dma_start3A_368 = arith.constant 0 : i32
        %dma_start3A_369 = tpu.memref_slice %arg10[%dma_start3A_367, %dma_start3A_368] : memref<10240x64xf32, #tpu.memory_space<vmem_shared>> -> memref<10240x64xf32, #tpu.memory_space<vmem_shared>>
        tpu.enqueue_indirect_dma source(%dma_start3A_363 : memref<80x64xf32, #tpu.memory_space<vmem>>) target(%dma_start3A_369 : memref<10240x64xf32, #tpu.memory_space<vmem_shared>>) offsets(%dma_start3A_366 : memref<80xi32, #tpu.memory_space<vmem>>) semaphore(%arg30 : memref<!tpu.dma_semaphore, #tpu.memory_space<semaphore_mem>>) {add = true}
        %add3A_370 = arith.constant 6 : i32
        %add3A_371 = arith.addi %add3A_314, %add3A_370 : i32
        %lt3A_372 = arith.constant 125 : i32
        %lt3A_373 = arith.cmpi slt, %add3A_371, %lt3A_372 : i32
        %convert_element_type3A_374 = arith.extui %lt3A_373 : i1 to i32
        %cond3A_375 = arith.constant 0 : i32
        %cond3A_376 = arith.cmpi ne, %convert_element_type3A_374, %cond3A_375 : i32
        scf.if %cond3A_376 {
          %ge3A = arith.constant 6 : i32
          %ge3A_377 = arith.cmpi sge, %add3A_314, %ge3A : i32
          %convert_element_type3A_378 = arith.extui %ge3A_377 : i1 to i32
          %cond3A_379 = arith.constant 0 : i32
          %cond3A_380 = arith.cmpi ne, %convert_element_type3A_378, %cond3A_379 : i32
          scf.if %cond3A_380 {
            %dma_wait3A_394 = arith.constant 1 : i32
            %dma_wait3A_395 = arith.constant 0 : i32
            %dma_wait3A_396 = arith.constant 0 : i32
            %dma_wait3A_397 = tpu.memref_slice %arg8[%dma_wait3A_394, %dma_wait3A_395, %dma_wait3A_396] : memref<12x80x64xf32, #tpu.memory_space<vmem>> -> memref<1x80x64xf32, #tpu.memory_space<vmem>>
            %dma_wait3A_398 = tpu.memref_squeeze %dma_wait3A_397 : memref<1x80x64xf32, #tpu.memory_space<vmem>> -> memref<80x64xf32, #tpu.memory_space<vmem>>
            %dma_wait3A_399 = arith.constant 0 : i32
            %dma_wait3A_400 = tpu.memref_slice %arg7[%add3A_314, %dma_wait3A_399] : memref<125x80xi32, #tpu.memory_space<vmem>> -> memref<1x80xi32, #tpu.memory_space<vmem>>
            %dma_wait3A_401 = tpu.memref_squeeze %dma_wait3A_400 : memref<1x80xi32, #tpu.memory_space<vmem>> -> memref<80xi32, #tpu.memory_space<vmem>>
            %dma_wait3A_402 = arith.constant 0 : i32
            %dma_wait3A_403 = arith.constant 0 : i32
            %dma_wait3A_404 = tpu.memref_slice %arg10[%dma_wait3A_402, %dma_wait3A_403] : memref<10240x64xf32, #tpu.memory_space<vmem_shared>> -> memref<10240x64xf32, #tpu.memory_space<vmem_shared>>
            tpu.wait_indirect_dma semaphore(%arg24 : memref<!tpu.dma_semaphore, #tpu.memory_space<semaphore_mem>>) src(%dma_wait3A_398 : memref<80x64xf32, #tpu.memory_space<vmem>>) dst(%dma_wait3A_404 : memref<10240x64xf32, #tpu.memory_space<vmem_shared>>)
          } else {
          }
          %add3A_381 = arith.constant 6 : i32
          %add3A_382 = arith.addi %add3A_314, %add3A_381 : i32
          %dma_start3A_383 = arith.constant 1 : i32
          %dma_start3A_384 = arith.constant 0 : i32
          %dma_start3A_385 = arith.constant 0 : i32
          %dma_start3A_386 = tpu.memref_slice %arg8[%dma_start3A_383, %dma_start3A_384, %dma_start3A_385] : memref<12x80x64xf32, #tpu.memory_space<vmem>> -> memref<1x80x64xf32, #tpu.memory_space<vmem>>
          %dma_start3A_387 = tpu.memref_squeeze %dma_start3A_386 : memref<1x80x64xf32, #tpu.memory_space<vmem>> -> memref<80x64xf32, #tpu.memory_space<vmem>>
          %dma_start3A_388 = arith.constant 0 : i32
          %dma_start3A_389 = tpu.memref_slice %arg6[%add3A_382, %dma_start3A_388] : memref<125x80xi32, #tpu.memory_space<vmem>> -> memref<1x80xi32, #tpu.memory_space<vmem>>
          %dma_start3A_390 = tpu.memref_squeeze %dma_start3A_389 : memref<1x80xi32, #tpu.memory_space<vmem>> -> memref<80xi32, #tpu.memory_space<vmem>>
          %dma_start3A_391 = arith.constant 0 : i32
          %dma_start3A_392 = arith.constant 0 : i32
          %dma_start3A_393 = tpu.memref_slice %arg2[%dma_start3A_391, %dma_start3A_392] : memref<10000x64xf32, #tpu.memory_space<hbm>> -> memref<10000x64xf32, #tpu.memory_space<hbm>>
          tpu.enqueue_indirect_dma source(%dma_start3A_393 : memref<10000x64xf32, #tpu.memory_space<hbm>>) target(%dma_start3A_387 : memref<80x64xf32, #tpu.memory_space<vmem>>) offsets(%dma_start3A_390 : memref<80xi32, #tpu.memory_space<vmem>>) semaphore(%arg12 : memref<!tpu.dma_semaphore, #tpu.memory_space<semaphore_mem>>)
        } else {
        }
      } else {
      }
      %add3A_320 = arith.constant 8 : i32
      %add3A_321 = arith.addi %mul3A_266, %add3A_320 : i32
      %lt3A_322 = arith.constant 125 : i32
      %lt3A_323 = arith.cmpi slt, %add3A_321, %lt3A_322 : i32
      %convert_element_type3A_324 = arith.extui %lt3A_323 : i1 to i32
      %cond3A_325 = arith.constant 0 : i32
      %cond3A_326 = arith.cmpi ne, %convert_element_type3A_324, %cond3A_325 : i32
      scf.if %cond3A_326 {
        %dma_wait3A_348 = arith.constant 8 : i32
        %dma_wait3A_349 = arith.constant 0 : i32
        %dma_wait3A_350 = arith.constant 0 : i32
        %dma_wait3A_351 = tpu.memref_slice %arg8[%dma_wait3A_348, %dma_wait3A_349, %dma_wait3A_350] : memref<12x80x64xf32, #tpu.memory_space<vmem>> -> memref<1x80x64xf32, #tpu.memory_space<vmem>>
        %dma_wait3A_352 = tpu.memref_squeeze %dma_wait3A_351 : memref<1x80x64xf32, #tpu.memory_space<vmem>> -> memref<80x64xf32, #tpu.memory_space<vmem>>
        %dma_wait3A_353 = arith.constant 0 : i32
        %dma_wait3A_354 = tpu.memref_slice %arg6[%add3A_321, %dma_wait3A_353] : memref<125x80xi32, #tpu.memory_space<vmem>> -> memref<1x80xi32, #tpu.memory_space<vmem>>
        %dma_wait3A_355 = tpu.memref_squeeze %dma_wait3A_354 : memref<1x80xi32, #tpu.memory_space<vmem>> -> memref<80xi32, #tpu.memory_space<vmem>>
        %dma_wait3A_356 = arith.constant 0 : i32
        %dma_wait3A_357 = arith.constant 0 : i32
        %dma_wait3A_358 = tpu.memref_slice %arg2[%dma_wait3A_356, %dma_wait3A_357] : memref<10000x64xf32, #tpu.memory_space<hbm>> -> memref<10000x64xf32, #tpu.memory_space<hbm>>
        tpu.wait_indirect_dma semaphore(%arg19 : memref<!tpu.dma_semaphore, #tpu.memory_space<semaphore_mem>>) src(%dma_wait3A_358 : memref<10000x64xf32, #tpu.memory_space<hbm>>) dst(%dma_wait3A_352 : memref<80x64xf32, #tpu.memory_space<vmem>>)
        %dma_start3A_359 = arith.constant 8 : i32
        %dma_start3A_360 = arith.constant 0 : i32
        %dma_start3A_361 = arith.constant 0 : i32
        %dma_start3A_362 = tpu.memref_slice %arg8[%dma_start3A_359, %dma_start3A_360, %dma_start3A_361] : memref<12x80x64xf32, #tpu.memory_space<vmem>> -> memref<1x80x64xf32, #tpu.memory_space<vmem>>
        %dma_start3A_363 = tpu.memref_squeeze %dma_start3A_362 : memref<1x80x64xf32, #tpu.memory_space<vmem>> -> memref<80x64xf32, #tpu.memory_space<vmem>>
        %dma_start3A_364 = arith.constant 0 : i32
        %dma_start3A_365 = tpu.memref_slice %arg7[%add3A_321, %dma_start3A_364] : memref<125x80xi32, #tpu.memory_space<vmem>> -> memref<1x80xi32, #tpu.memory_space<vmem>>
        %dma_start3A_366 = tpu.memref_squeeze %dma_start3A_365 : memref<1x80xi32, #tpu.memory_space<vmem>> -> memref<80xi32, #tpu.memory_space<vmem>>
        %dma_start3A_367 = arith.constant 0 : i32
        %dma_start3A_368 = arith.constant 0 : i32
        %dma_start3A_369 = tpu.memref_slice %arg10[%dma_start3A_367, %dma_start3A_368] : memref<10240x64xf32, #tpu.memory_space<vmem_shared>> -> memref<10240x64xf32, #tpu.memory_space<vmem_shared>>
        tpu.enqueue_indirect_dma source(%dma_start3A_363 : memref<80x64xf32, #tpu.memory_space<vmem>>) target(%dma_start3A_369 : memref<10240x64xf32, #tpu.memory_space<vmem_shared>>) offsets(%dma_start3A_366 : memref<80xi32, #tpu.memory_space<vmem>>) semaphore(%arg31 : memref<!tpu.dma_semaphore, #tpu.memory_space<semaphore_mem>>) {add = true}
        %add3A_370 = arith.constant 6 : i32
        %add3A_371 = arith.addi %add3A_321, %add3A_370 : i32
        %lt3A_372 = arith.constant 125 : i32
        %lt3A_373 = arith.cmpi slt, %add3A_371, %lt3A_372 : i32
        %convert_element_type3A_374 = arith.extui %lt3A_373 : i1 to i32
        %cond3A_375 = arith.constant 0 : i32
        %cond3A_376 = arith.cmpi ne, %convert_element_type3A_374, %cond3A_375 : i32
        scf.if %cond3A_376 {
          %ge3A = arith.constant 6 : i32
          %ge3A_377 = arith.cmpi sge, %add3A_321, %ge3A : i32
          %convert_element_type3A_378 = arith.extui %ge3A_377 : i1 to i32
          %cond3A_379 = arith.constant 0 : i32
          %cond3A_380 = arith.cmpi ne, %convert_element_type3A_378, %cond3A_379 : i32
          scf.if %cond3A_380 {
            %dma_wait3A_394 = arith.constant 2 : i32
            %dma_wait3A_395 = arith.constant 0 : i32
            %dma_wait3A_396 = arith.constant 0 : i32
            %dma_wait3A_397 = tpu.memref_slice %arg8[%dma_wait3A_394, %dma_wait3A_395, %dma_wait3A_396] : memref<12x80x64xf32, #tpu.memory_space<vmem>> -> memref<1x80x64xf32, #tpu.memory_space<vmem>>
            %dma_wait3A_398 = tpu.memref_squeeze %dma_wait3A_397 : memref<1x80x64xf32, #tpu.memory_space<vmem>> -> memref<80x64xf32, #tpu.memory_space<vmem>>
            %dma_wait3A_399 = arith.constant 0 : i32
            %dma_wait3A_400 = tpu.memref_slice %arg7[%add3A_321, %dma_wait3A_399] : memref<125x80xi32, #tpu.memory_space<vmem>> -> memref<1x80xi32, #tpu.memory_space<vmem>>
            %dma_wait3A_401 = tpu.memref_squeeze %dma_wait3A_400 : memref<1x80xi32, #tpu.memory_space<vmem>> -> memref<80xi32, #tpu.memory_space<vmem>>
            %dma_wait3A_402 = arith.constant 0 : i32
            %dma_wait3A_403 = arith.constant 0 : i32
            %dma_wait3A_404 = tpu.memref_slice %arg10[%dma_wait3A_402, %dma_wait3A_403] : memref<10240x64xf32, #tpu.memory_space<vmem_shared>> -> memref<10240x64xf32, #tpu.memory_space<vmem_shared>>
            tpu.wait_indirect_dma semaphore(%arg25 : memref<!tpu.dma_semaphore, #tpu.memory_space<semaphore_mem>>) src(%dma_wait3A_398 : memref<80x64xf32, #tpu.memory_space<vmem>>) dst(%dma_wait3A_404 : memref<10240x64xf32, #tpu.memory_space<vmem_shared>>)
          } else {
          }
          %add3A_381 = arith.constant 6 : i32
          %add3A_382 = arith.addi %add3A_321, %add3A_381 : i32
          %dma_start3A_383 = arith.constant 2 : i32
          %dma_start3A_384 = arith.constant 0 : i32
          %dma_start3A_385 = arith.constant 0 : i32
          %dma_start3A_386 = tpu.memref_slice %arg8[%dma_start3A_383, %dma_start3A_384, %dma_start3A_385] : memref<12x80x64xf32, #tpu.memory_space<vmem>> -> memref<1x80x64xf32, #tpu.memory_space<vmem>>
          %dma_start3A_387 = tpu.memref_squeeze %dma_start3A_386 : memref<1x80x64xf32, #tpu.memory_space<vmem>> -> memref<80x64xf32, #tpu.memory_space<vmem>>
          %dma_start3A_388 = arith.constant 0 : i32
          %dma_start3A_389 = tpu.memref_slice %arg6[%add3A_382, %dma_start3A_388] : memref<125x80xi32, #tpu.memory_space<vmem>> -> memref<1x80xi32, #tpu.memory_space<vmem>>
          %dma_start3A_390 = tpu.memref_squeeze %dma_start3A_389 : memref<1x80xi32, #tpu.memory_space<vmem>> -> memref<80xi32, #tpu.memory_space<vmem>>
          %dma_start3A_391 = arith.constant 0 : i32
          %dma_start3A_392 = arith.constant 0 : i32
          %dma_start3A_393 = tpu.memref_slice %arg2[%dma_start3A_391, %dma_start3A_392] : memref<10000x64xf32, #tpu.memory_space<hbm>> -> memref<10000x64xf32, #tpu.memory_space<hbm>>
          tpu.enqueue_indirect_dma source(%dma_start3A_393 : memref<10000x64xf32, #tpu.memory_space<hbm>>) target(%dma_start3A_387 : memref<80x64xf32, #tpu.memory_space<vmem>>) offsets(%dma_start3A_390 : memref<80xi32, #tpu.memory_space<vmem>>) semaphore(%arg13 : memref<!tpu.dma_semaphore, #tpu.memory_space<semaphore_mem>>)
        } else {
        }
      } else {
      }
      %add3A_327 = arith.constant 9 : i32
      %add3A_328 = arith.addi %mul3A_266, %add3A_327 : i32
      %lt3A_329 = arith.constant 125 : i32
      %lt3A_330 = arith.cmpi slt, %add3A_328, %lt3A_329 : i32
      %convert_element_type3A_331 = arith.extui %lt3A_330 : i1 to i32
      %cond3A_332 = arith.constant 0 : i32
      %cond3A_333 = arith.cmpi ne, %convert_element_type3A_331, %cond3A_332 : i32
      scf.if %cond3A_333 {
        %dma_wait3A_348 = arith.constant 9 : i32
        %dma_wait3A_349 = arith.constant 0 : i32
        %dma_wait3A_350 = arith.constant 0 : i32
        %dma_wait3A_351 = tpu.memref_slice %arg8[%dma_wait3A_348, %dma_wait3A_349, %dma_wait3A_350] : memref<12x80x64xf32, #tpu.memory_space<vmem>> -> memref<1x80x64xf32, #tpu.memory_space<vmem>>
        %dma_wait3A_352 = tpu.memref_squeeze %dma_wait3A_351 : memref<1x80x64xf32, #tpu.memory_space<vmem>> -> memref<80x64xf32, #tpu.memory_space<vmem>>
        %dma_wait3A_353 = arith.constant 0 : i32
        %dma_wait3A_354 = tpu.memref_slice %arg6[%add3A_328, %dma_wait3A_353] : memref<125x80xi32, #tpu.memory_space<vmem>> -> memref<1x80xi32, #tpu.memory_space<vmem>>
        %dma_wait3A_355 = tpu.memref_squeeze %dma_wait3A_354 : memref<1x80xi32, #tpu.memory_space<vmem>> -> memref<80xi32, #tpu.memory_space<vmem>>
        %dma_wait3A_356 = arith.constant 0 : i32
        %dma_wait3A_357 = arith.constant 0 : i32
        %dma_wait3A_358 = tpu.memref_slice %arg2[%dma_wait3A_356, %dma_wait3A_357] : memref<10000x64xf32, #tpu.memory_space<hbm>> -> memref<10000x64xf32, #tpu.memory_space<hbm>>
        tpu.wait_indirect_dma semaphore(%arg20 : memref<!tpu.dma_semaphore, #tpu.memory_space<semaphore_mem>>) src(%dma_wait3A_358 : memref<10000x64xf32, #tpu.memory_space<hbm>>) dst(%dma_wait3A_352 : memref<80x64xf32, #tpu.memory_space<vmem>>)
        %dma_start3A_359 = arith.constant 9 : i32
        %dma_start3A_360 = arith.constant 0 : i32
        %dma_start3A_361 = arith.constant 0 : i32
        %dma_start3A_362 = tpu.memref_slice %arg8[%dma_start3A_359, %dma_start3A_360, %dma_start3A_361] : memref<12x80x64xf32, #tpu.memory_space<vmem>> -> memref<1x80x64xf32, #tpu.memory_space<vmem>>
        %dma_start3A_363 = tpu.memref_squeeze %dma_start3A_362 : memref<1x80x64xf32, #tpu.memory_space<vmem>> -> memref<80x64xf32, #tpu.memory_space<vmem>>
        %dma_start3A_364 = arith.constant 0 : i32
        %dma_start3A_365 = tpu.memref_slice %arg7[%add3A_328, %dma_start3A_364] : memref<125x80xi32, #tpu.memory_space<vmem>> -> memref<1x80xi32, #tpu.memory_space<vmem>>
        %dma_start3A_366 = tpu.memref_squeeze %dma_start3A_365 : memref<1x80xi32, #tpu.memory_space<vmem>> -> memref<80xi32, #tpu.memory_space<vmem>>
        %dma_start3A_367 = arith.constant 0 : i32
        %dma_start3A_368 = arith.constant 0 : i32
        %dma_start3A_369 = tpu.memref_slice %arg10[%dma_start3A_367, %dma_start3A_368] : memref<10240x64xf32, #tpu.memory_space<vmem_shared>> -> memref<10240x64xf32, #tpu.memory_space<vmem_shared>>
        tpu.enqueue_indirect_dma source(%dma_start3A_363 : memref<80x64xf32, #tpu.memory_space<vmem>>) target(%dma_start3A_369 : memref<10240x64xf32, #tpu.memory_space<vmem_shared>>) offsets(%dma_start3A_366 : memref<80xi32, #tpu.memory_space<vmem>>) semaphore(%arg32 : memref<!tpu.dma_semaphore, #tpu.memory_space<semaphore_mem>>) {add = true}
        %add3A_370 = arith.constant 6 : i32
        %add3A_371 = arith.addi %add3A_328, %add3A_370 : i32
        %lt3A_372 = arith.constant 125 : i32
        %lt3A_373 = arith.cmpi slt, %add3A_371, %lt3A_372 : i32
        %convert_element_type3A_374 = arith.extui %lt3A_373 : i1 to i32
        %cond3A_375 = arith.constant 0 : i32
        %cond3A_376 = arith.cmpi ne, %convert_element_type3A_374, %cond3A_375 : i32
        scf.if %cond3A_376 {
          %ge3A = arith.constant 6 : i32
          %ge3A_377 = arith.cmpi sge, %add3A_328, %ge3A : i32
          %convert_element_type3A_378 = arith.extui %ge3A_377 : i1 to i32
          %cond3A_379 = arith.constant 0 : i32
          %cond3A_380 = arith.cmpi ne, %convert_element_type3A_378, %cond3A_379 : i32
          scf.if %cond3A_380 {
            %dma_wait3A_394 = arith.constant 3 : i32
            %dma_wait3A_395 = arith.constant 0 : i32
            %dma_wait3A_396 = arith.constant 0 : i32
            %dma_wait3A_397 = tpu.memref_slice %arg8[%dma_wait3A_394, %dma_wait3A_395, %dma_wait3A_396] : memref<12x80x64xf32, #tpu.memory_space<vmem>> -> memref<1x80x64xf32, #tpu.memory_space<vmem>>
            %dma_wait3A_398 = tpu.memref_squeeze %dma_wait3A_397 : memref<1x80x64xf32, #tpu.memory_space<vmem>> -> memref<80x64xf32, #tpu.memory_space<vmem>>
            %dma_wait3A_399 = arith.constant 0 : i32
            %dma_wait3A_400 = tpu.memref_slice %arg7[%add3A_328, %dma_wait3A_399] : memref<125x80xi32, #tpu.memory_space<vmem>> -> memref<1x80xi32, #tpu.memory_space<vmem>>
            %dma_wait3A_401 = tpu.memref_squeeze %dma_wait3A_400 : memref<1x80xi32, #tpu.memory_space<vmem>> -> memref<80xi32, #tpu.memory_space<vmem>>
            %dma_wait3A_402 = arith.constant 0 : i32
            %dma_wait3A_403 = arith.constant 0 : i32
            %dma_wait3A_404 = tpu.memref_slice %arg10[%dma_wait3A_402, %dma_wait3A_403] : memref<10240x64xf32, #tpu.memory_space<vmem_shared>> -> memref<10240x64xf32, #tpu.memory_space<vmem_shared>>
            tpu.wait_indirect_dma semaphore(%arg26 : memref<!tpu.dma_semaphore, #tpu.memory_space<semaphore_mem>>) src(%dma_wait3A_398 : memref<80x64xf32, #tpu.memory_space<vmem>>) dst(%dma_wait3A_404 : memref<10240x64xf32, #tpu.memory_space<vmem_shared>>)
          } else {
          }
          %add3A_381 = arith.constant 6 : i32
          %add3A_382 = arith.addi %add3A_328, %add3A_381 : i32
          %dma_start3A_383 = arith.constant 3 : i32
          %dma_start3A_384 = arith.constant 0 : i32
          %dma_start3A_385 = arith.constant 0 : i32
          %dma_start3A_386 = tpu.memref_slice %arg8[%dma_start3A_383, %dma_start3A_384, %dma_start3A_385] : memref<12x80x64xf32, #tpu.memory_space<vmem>> -> memref<1x80x64xf32, #tpu.memory_space<vmem>>
          %dma_start3A_387 = tpu.memref_squeeze %dma_start3A_386 : memref<1x80x64xf32, #tpu.memory_space<vmem>> -> memref<80x64xf32, #tpu.memory_space<vmem>>
          %dma_start3A_388 = arith.constant 0 : i32
          %dma_start3A_389 = tpu.memref_slice %arg6[%add3A_382, %dma_start3A_388] : memref<125x80xi32, #tpu.memory_space<vmem>> -> memref<1x80xi32, #tpu.memory_space<vmem>>
          %dma_start3A_390 = tpu.memref_squeeze %dma_start3A_389 : memref<1x80xi32, #tpu.memory_space<vmem>> -> memref<80xi32, #tpu.memory_space<vmem>>
          %dma_start3A_391 = arith.constant 0 : i32
          %dma_start3A_392 = arith.constant 0 : i32
          %dma_start3A_393 = tpu.memref_slice %arg2[%dma_start3A_391, %dma_start3A_392] : memref<10000x64xf32, #tpu.memory_space<hbm>> -> memref<10000x64xf32, #tpu.memory_space<hbm>>
          tpu.enqueue_indirect_dma source(%dma_start3A_393 : memref<10000x64xf32, #tpu.memory_space<hbm>>) target(%dma_start3A_387 : memref<80x64xf32, #tpu.memory_space<vmem>>) offsets(%dma_start3A_390 : memref<80xi32, #tpu.memory_space<vmem>>) semaphore(%arg14 : memref<!tpu.dma_semaphore, #tpu.memory_space<semaphore_mem>>)
        } else {
        }
      } else {
      }
      %add3A_334 = arith.constant 10 : i32
      %add3A_335 = arith.addi %mul3A_266, %add3A_334 : i32
      %lt3A_336 = arith.constant 125 : i32
      %lt3A_337 = arith.cmpi slt, %add3A_335, %lt3A_336 : i32
      %convert_element_type3A_338 = arith.extui %lt3A_337 : i1 to i32
      %cond3A_339 = arith.constant 0 : i32
      %cond3A_340 = arith.cmpi ne, %convert_element_type3A_338, %cond3A_339 : i32
      scf.if %cond3A_340 {
        %dma_wait3A_348 = arith.constant 10 : i32
        %dma_wait3A_349 = arith.constant 0 : i32
        %dma_wait3A_350 = arith.constant 0 : i32
        %dma_wait3A_351 = tpu.memref_slice %arg8[%dma_wait3A_348, %dma_wait3A_349, %dma_wait3A_350] : memref<12x80x64xf32, #tpu.memory_space<vmem>> -> memref<1x80x64xf32, #tpu.memory_space<vmem>>
        %dma_wait3A_352 = tpu.memref_squeeze %dma_wait3A_351 : memref<1x80x64xf32, #tpu.memory_space<vmem>> -> memref<80x64xf32, #tpu.memory_space<vmem>>
        %dma_wait3A_353 = arith.constant 0 : i32
        %dma_wait3A_354 = tpu.memref_slice %arg6[%add3A_335, %dma_wait3A_353] : memref<125x80xi32, #tpu.memory_space<vmem>> -> memref<1x80xi32, #tpu.memory_space<vmem>>
        %dma_wait3A_355 = tpu.memref_squeeze %dma_wait3A_354 : memref<1x80xi32, #tpu.memory_space<vmem>> -> memref<80xi32, #tpu.memory_space<vmem>>
        %dma_wait3A_356 = arith.constant 0 : i32
        %dma_wait3A_357 = arith.constant 0 : i32
        %dma_wait3A_358 = tpu.memref_slice %arg2[%dma_wait3A_356, %dma_wait3A_357] : memref<10000x64xf32, #tpu.memory_space<hbm>> -> memref<10000x64xf32, #tpu.memory_space<hbm>>
        tpu.wait_indirect_dma semaphore(%arg21 : memref<!tpu.dma_semaphore, #tpu.memory_space<semaphore_mem>>) src(%dma_wait3A_358 : memref<10000x64xf32, #tpu.memory_space<hbm>>) dst(%dma_wait3A_352 : memref<80x64xf32, #tpu.memory_space<vmem>>)
        %dma_start3A_359 = arith.constant 10 : i32
        %dma_start3A_360 = arith.constant 0 : i32
        %dma_start3A_361 = arith.constant 0 : i32
        %dma_start3A_362 = tpu.memref_slice %arg8[%dma_start3A_359, %dma_start3A_360, %dma_start3A_361] : memref<12x80x64xf32, #tpu.memory_space<vmem>> -> memref<1x80x64xf32, #tpu.memory_space<vmem>>
        %dma_start3A_363 = tpu.memref_squeeze %dma_start3A_362 : memref<1x80x64xf32, #tpu.memory_space<vmem>> -> memref<80x64xf32, #tpu.memory_space<vmem>>
        %dma_start3A_364 = arith.constant 0 : i32
        %dma_start3A_365 = tpu.memref_slice %arg7[%add3A_335, %dma_start3A_364] : memref<125x80xi32, #tpu.memory_space<vmem>> -> memref<1x80xi32, #tpu.memory_space<vmem>>
        %dma_start3A_366 = tpu.memref_squeeze %dma_start3A_365 : memref<1x80xi32, #tpu.memory_space<vmem>> -> memref<80xi32, #tpu.memory_space<vmem>>
        %dma_start3A_367 = arith.constant 0 : i32
        %dma_start3A_368 = arith.constant 0 : i32
        %dma_start3A_369 = tpu.memref_slice %arg10[%dma_start3A_367, %dma_start3A_368] : memref<10240x64xf32, #tpu.memory_space<vmem_shared>> -> memref<10240x64xf32, #tpu.memory_space<vmem_shared>>
        tpu.enqueue_indirect_dma source(%dma_start3A_363 : memref<80x64xf32, #tpu.memory_space<vmem>>) target(%dma_start3A_369 : memref<10240x64xf32, #tpu.memory_space<vmem_shared>>) offsets(%dma_start3A_366 : memref<80xi32, #tpu.memory_space<vmem>>) semaphore(%arg33 : memref<!tpu.dma_semaphore, #tpu.memory_space<semaphore_mem>>) {add = true}
        %add3A_370 = arith.constant 6 : i32
        %add3A_371 = arith.addi %add3A_335, %add3A_370 : i32
        %lt3A_372 = arith.constant 125 : i32
        %lt3A_373 = arith.cmpi slt, %add3A_371, %lt3A_372 : i32
        %convert_element_type3A_374 = arith.extui %lt3A_373 : i1 to i32
        %cond3A_375 = arith.constant 0 : i32
        %cond3A_376 = arith.cmpi ne, %convert_element_type3A_374, %cond3A_375 : i32
        scf.if %cond3A_376 {
          %ge3A = arith.constant 6 : i32
          %ge3A_377 = arith.cmpi sge, %add3A_335, %ge3A : i32
          %convert_element_type3A_378 = arith.extui %ge3A_377 : i1 to i32
          %cond3A_379 = arith.constant 0 : i32
          %cond3A_380 = arith.cmpi ne, %convert_element_type3A_378, %cond3A_379 : i32
          scf.if %cond3A_380 {
            %dma_wait3A_394 = arith.constant 4 : i32
            %dma_wait3A_395 = arith.constant 0 : i32
            %dma_wait3A_396 = arith.constant 0 : i32
            %dma_wait3A_397 = tpu.memref_slice %arg8[%dma_wait3A_394, %dma_wait3A_395, %dma_wait3A_396] : memref<12x80x64xf32, #tpu.memory_space<vmem>> -> memref<1x80x64xf32, #tpu.memory_space<vmem>>
            %dma_wait3A_398 = tpu.memref_squeeze %dma_wait3A_397 : memref<1x80x64xf32, #tpu.memory_space<vmem>> -> memref<80x64xf32, #tpu.memory_space<vmem>>
            %dma_wait3A_399 = arith.constant 0 : i32
            %dma_wait3A_400 = tpu.memref_slice %arg7[%add3A_335, %dma_wait3A_399] : memref<125x80xi32, #tpu.memory_space<vmem>> -> memref<1x80xi32, #tpu.memory_space<vmem>>
            %dma_wait3A_401 = tpu.memref_squeeze %dma_wait3A_400 : memref<1x80xi32, #tpu.memory_space<vmem>> -> memref<80xi32, #tpu.memory_space<vmem>>
            %dma_wait3A_402 = arith.constant 0 : i32
            %dma_wait3A_403 = arith.constant 0 : i32
            %dma_wait3A_404 = tpu.memref_slice %arg10[%dma_wait3A_402, %dma_wait3A_403] : memref<10240x64xf32, #tpu.memory_space<vmem_shared>> -> memref<10240x64xf32, #tpu.memory_space<vmem_shared>>
            tpu.wait_indirect_dma semaphore(%arg27 : memref<!tpu.dma_semaphore, #tpu.memory_space<semaphore_mem>>) src(%dma_wait3A_398 : memref<80x64xf32, #tpu.memory_space<vmem>>) dst(%dma_wait3A_404 : memref<10240x64xf32, #tpu.memory_space<vmem_shared>>)
          } else {
          }
          %add3A_381 = arith.constant 6 : i32
          %add3A_382 = arith.addi %add3A_335, %add3A_381 : i32
          %dma_start3A_383 = arith.constant 4 : i32
          %dma_start3A_384 = arith.constant 0 : i32
          %dma_start3A_385 = arith.constant 0 : i32
          %dma_start3A_386 = tpu.memref_slice %arg8[%dma_start3A_383, %dma_start3A_384, %dma_start3A_385] : memref<12x80x64xf32, #tpu.memory_space<vmem>> -> memref<1x80x64xf32, #tpu.memory_space<vmem>>
          %dma_start3A_387 = tpu.memref_squeeze %dma_start3A_386 : memref<1x80x64xf32, #tpu.memory_space<vmem>> -> memref<80x64xf32, #tpu.memory_space<vmem>>
          %dma_start3A_388 = arith.constant 0 : i32
          %dma_start3A_389 = tpu.memref_slice %arg6[%add3A_382, %dma_start3A_388] : memref<125x80xi32, #tpu.memory_space<vmem>> -> memref<1x80xi32, #tpu.memory_space<vmem>>
          %dma_start3A_390 = tpu.memref_squeeze %dma_start3A_389 : memref<1x80xi32, #tpu.memory_space<vmem>> -> memref<80xi32, #tpu.memory_space<vmem>>
          %dma_start3A_391 = arith.constant 0 : i32
          %dma_start3A_392 = arith.constant 0 : i32
          %dma_start3A_393 = tpu.memref_slice %arg2[%dma_start3A_391, %dma_start3A_392] : memref<10000x64xf32, #tpu.memory_space<hbm>> -> memref<10000x64xf32, #tpu.memory_space<hbm>>
          tpu.enqueue_indirect_dma source(%dma_start3A_393 : memref<10000x64xf32, #tpu.memory_space<hbm>>) target(%dma_start3A_387 : memref<80x64xf32, #tpu.memory_space<vmem>>) offsets(%dma_start3A_390 : memref<80xi32, #tpu.memory_space<vmem>>) semaphore(%arg15 : memref<!tpu.dma_semaphore, #tpu.memory_space<semaphore_mem>>)
        } else {
        }
      } else {
      }
      %add3A_341 = arith.constant 11 : i32
      %add3A_342 = arith.addi %mul3A_266, %add3A_341 : i32
      %lt3A_343 = arith.constant 125 : i32
      %lt3A_344 = arith.cmpi slt, %add3A_342, %lt3A_343 : i32
      %convert_element_type3A_345 = arith.extui %lt3A_344 : i1 to i32
      %cond3A_346 = arith.constant 0 : i32
      %cond3A_347 = arith.cmpi ne, %convert_element_type3A_345, %cond3A_346 : i32
      scf.if %cond3A_347 {
        %dma_wait3A_348 = arith.constant 11 : i32
        %dma_wait3A_349 = arith.constant 0 : i32
        %dma_wait3A_350 = arith.constant 0 : i32
        %dma_wait3A_351 = tpu.memref_slice %arg8[%dma_wait3A_348, %dma_wait3A_349, %dma_wait3A_350] : memref<12x80x64xf32, #tpu.memory_space<vmem>> -> memref<1x80x64xf32, #tpu.memory_space<vmem>>
        %dma_wait3A_352 = tpu.memref_squeeze %dma_wait3A_351 : memref<1x80x64xf32, #tpu.memory_space<vmem>> -> memref<80x64xf32, #tpu.memory_space<vmem>>
        %dma_wait3A_353 = arith.constant 0 : i32
        %dma_wait3A_354 = tpu.memref_slice %arg6[%add3A_342, %dma_wait3A_353] : memref<125x80xi32, #tpu.memory_space<vmem>> -> memref<1x80xi32, #tpu.memory_space<vmem>>
        %dma_wait3A_355 = tpu.memref_squeeze %dma_wait3A_354 : memref<1x80xi32, #tpu.memory_space<vmem>> -> memref<80xi32, #tpu.memory_space<vmem>>
        %dma_wait3A_356 = arith.constant 0 : i32
        %dma_wait3A_357 = arith.constant 0 : i32
        %dma_wait3A_358 = tpu.memref_slice %arg2[%dma_wait3A_356, %dma_wait3A_357] : memref<10000x64xf32, #tpu.memory_space<hbm>> -> memref<10000x64xf32, #tpu.memory_space<hbm>>
        tpu.wait_indirect_dma semaphore(%arg22 : memref<!tpu.dma_semaphore, #tpu.memory_space<semaphore_mem>>) src(%dma_wait3A_358 : memref<10000x64xf32, #tpu.memory_space<hbm>>) dst(%dma_wait3A_352 : memref<80x64xf32, #tpu.memory_space<vmem>>)
        %dma_start3A_359 = arith.constant 11 : i32
        %dma_start3A_360 = arith.constant 0 : i32
        %dma_start3A_361 = arith.constant 0 : i32
        %dma_start3A_362 = tpu.memref_slice %arg8[%dma_start3A_359, %dma_start3A_360, %dma_start3A_361] : memref<12x80x64xf32, #tpu.memory_space<vmem>> -> memref<1x80x64xf32, #tpu.memory_space<vmem>>
        %dma_start3A_363 = tpu.memref_squeeze %dma_start3A_362 : memref<1x80x64xf32, #tpu.memory_space<vmem>> -> memref<80x64xf32, #tpu.memory_space<vmem>>
        %dma_start3A_364 = arith.constant 0 : i32
        %dma_start3A_365 = tpu.memref_slice %arg7[%add3A_342, %dma_start3A_364] : memref<125x80xi32, #tpu.memory_space<vmem>> -> memref<1x80xi32, #tpu.memory_space<vmem>>
        %dma_start3A_366 = tpu.memref_squeeze %dma_start3A_365 : memref<1x80xi32, #tpu.memory_space<vmem>> -> memref<80xi32, #tpu.memory_space<vmem>>
        %dma_start3A_367 = arith.constant 0 : i32
        %dma_start3A_368 = arith.constant 0 : i32
        %dma_start3A_369 = tpu.memref_slice %arg10[%dma_start3A_367, %dma_start3A_368] : memref<10240x64xf32, #tpu.memory_space<vmem_shared>> -> memref<10240x64xf32, #tpu.memory_space<vmem_shared>>
        tpu.enqueue_indirect_dma source(%dma_start3A_363 : memref<80x64xf32, #tpu.memory_space<vmem>>) target(%dma_start3A_369 : memref<10240x64xf32, #tpu.memory_space<vmem_shared>>) offsets(%dma_start3A_366 : memref<80xi32, #tpu.memory_space<vmem>>) semaphore(%arg34 : memref<!tpu.dma_semaphore, #tpu.memory_space<semaphore_mem>>) {add = true}
        %add3A_370 = arith.constant 6 : i32
        %add3A_371 = arith.addi %add3A_342, %add3A_370 : i32
        %lt3A_372 = arith.constant 125 : i32
        %lt3A_373 = arith.cmpi slt, %add3A_371, %lt3A_372 : i32
        %convert_element_type3A_374 = arith.extui %lt3A_373 : i1 to i32
        %cond3A_375 = arith.constant 0 : i32
        %cond3A_376 = arith.cmpi ne, %convert_element_type3A_374, %cond3A_375 : i32
        scf.if %cond3A_376 {
          %ge3A = arith.constant 6 : i32
          %ge3A_377 = arith.cmpi sge, %add3A_342, %ge3A : i32
          %convert_element_type3A_378 = arith.extui %ge3A_377 : i1 to i32
          %cond3A_379 = arith.constant 0 : i32
          %cond3A_380 = arith.cmpi ne, %convert_element_type3A_378, %cond3A_379 : i32
          scf.if %cond3A_380 {
            %dma_wait3A_394 = arith.constant 5 : i32
            %dma_wait3A_395 = arith.constant 0 : i32
            %dma_wait3A_396 = arith.constant 0 : i32
            %dma_wait3A_397 = tpu.memref_slice %arg8[%dma_wait3A_394, %dma_wait3A_395, %dma_wait3A_396] : memref<12x80x64xf32, #tpu.memory_space<vmem>> -> memref<1x80x64xf32, #tpu.memory_space<vmem>>
            %dma_wait3A_398 = tpu.memref_squeeze %dma_wait3A_397 : memref<1x80x64xf32, #tpu.memory_space<vmem>> -> memref<80x64xf32, #tpu.memory_space<vmem>>
            %dma_wait3A_399 = arith.constant 0 : i32
            %dma_wait3A_400 = tpu.memref_slice %arg7[%add3A_342, %dma_wait3A_399] : memref<125x80xi32, #tpu.memory_space<vmem>> -> memref<1x80xi32, #tpu.memory_space<vmem>>
            %dma_wait3A_401 = tpu.memref_squeeze %dma_wait3A_400 : memref<1x80xi32, #tpu.memory_space<vmem>> -> memref<80xi32, #tpu.memory_space<vmem>>
            %dma_wait3A_402 = arith.constant 0 : i32
            %dma_wait3A_403 = arith.constant 0 : i32
            %dma_wait3A_404 = tpu.memref_slice %arg10[%dma_wait3A_402, %dma_wait3A_403] : memref<10240x64xf32, #tpu.memory_space<vmem_shared>> -> memref<10240x64xf32, #tpu.memory_space<vmem_shared>>
            tpu.wait_indirect_dma semaphore(%arg28 : memref<!tpu.dma_semaphore, #tpu.memory_space<semaphore_mem>>) src(%dma_wait3A_398 : memref<80x64xf32, #tpu.memory_space<vmem>>) dst(%dma_wait3A_404 : memref<10240x64xf32, #tpu.memory_space<vmem_shared>>)
          } else {
          }
          %add3A_381 = arith.constant 6 : i32
          %add3A_382 = arith.addi %add3A_342, %add3A_381 : i32
          %dma_start3A_383 = arith.constant 5 : i32
          %dma_start3A_384 = arith.constant 0 : i32
          %dma_start3A_385 = arith.constant 0 : i32
          %dma_start3A_386 = tpu.memref_slice %arg8[%dma_start3A_383, %dma_start3A_384, %dma_start3A_385] : memref<12x80x64xf32, #tpu.memory_space<vmem>> -> memref<1x80x64xf32, #tpu.memory_space<vmem>>
          %dma_start3A_387 = tpu.memref_squeeze %dma_start3A_386 : memref<1x80x64xf32, #tpu.memory_space<vmem>> -> memref<80x64xf32, #tpu.memory_space<vmem>>
          %dma_start3A_388 = arith.constant 0 : i32
          %dma_start3A_389 = tpu.memref_slice %arg6[%add3A_382, %dma_start3A_388] : memref<125x80xi32, #tpu.memory_space<vmem>> -> memref<1x80xi32, #tpu.memory_space<vmem>>
          %dma_start3A_390 = tpu.memref_squeeze %dma_start3A_389 : memref<1x80xi32, #tpu.memory_space<vmem>> -> memref<80xi32, #tpu.memory_space<vmem>>
          %dma_start3A_391 = arith.constant 0 : i32
          %dma_start3A_392 = arith.constant 0 : i32
          %dma_start3A_393 = tpu.memref_slice %arg2[%dma_start3A_391, %dma_start3A_392] : memref<10000x64xf32, #tpu.memory_space<hbm>> -> memref<10000x64xf32, #tpu.memory_space<hbm>>
          tpu.enqueue_indirect_dma source(%dma_start3A_393 : memref<10000x64xf32, #tpu.memory_space<hbm>>) target(%dma_start3A_387 : memref<80x64xf32, #tpu.memory_space<vmem>>) offsets(%dma_start3A_390 : memref<80xi32, #tpu.memory_space<vmem>>) semaphore(%arg16 : memref<!tpu.dma_semaphore, #tpu.memory_space<semaphore_mem>>)
        } else {
        }
      } else {
      }
    }
    %scan3A_115 = arith.constant 11 : i32
    %dma_wait3A = arith.constant 5 : i32
    %dma_wait3A_116 = arith.constant 0 : i32
    %dma_wait3A_117 = arith.constant 0 : i32
    %dma_wait3A_118 = arith.constant 0 : i32
    %dma_wait3A_119 = tpu.memref_slice %arg8[%dma_wait3A, %dma_wait3A_117, %dma_wait3A_118] : memref<12x80x64xf32, #tpu.memory_space<vmem>> -> memref<1x80x64xf32, #tpu.memory_space<vmem>>
    %dma_wait3A_120 = tpu.memref_squeeze %dma_wait3A_119 : memref<1x80x64xf32, #tpu.memory_space<vmem>> -> memref<80x64xf32, #tpu.memory_space<vmem>>
    %dma_wait3A_121 = arith.constant 0 : i32
    %dma_wait3A_122 = tpu.memref_slice %arg7[%dma_wait3A_116, %dma_wait3A_121] : memref<125x80xi32, #tpu.memory_space<vmem>> -> memref<1x80xi32, #tpu.memory_space<vmem>>
    %dma_wait3A_123 = tpu.memref_squeeze %dma_wait3A_122 : memref<1x80xi32, #tpu.memory_space<vmem>> -> memref<80xi32, #tpu.memory_space<vmem>>
    %dma_wait3A_124 = arith.constant 0 : i32
    %dma_wait3A_125 = arith.constant 0 : i32
    %dma_wait3A_126 = tpu.memref_slice %arg10[%dma_wait3A_124, %dma_wait3A_125] : memref<10240x64xf32, #tpu.memory_space<vmem_shared>> -> memref<10240x64xf32, #tpu.memory_space<vmem_shared>>
    tpu.wait_indirect_dma semaphore(%arg28 : memref<!tpu.dma_semaphore, #tpu.memory_space<semaphore_mem>>) src(%dma_wait3A_120 : memref<80x64xf32, #tpu.memory_space<vmem>>) dst(%dma_wait3A_126 : memref<10240x64xf32, #tpu.memory_space<vmem_shared>>)
    %dma_wait3A_127 = arith.constant 6 : i32
    %dma_wait3A_128 = arith.constant 0 : i32
    %dma_wait3A_129 = arith.constant 0 : i32
    %dma_wait3A_130 = arith.constant 0 : i32
    %dma_wait3A_131 = tpu.memref_slice %arg8[%dma_wait3A_127, %dma_wait3A_129, %dma_wait3A_130] : memref<12x80x64xf32, #tpu.memory_space<vmem>> -> memref<1x80x64xf32, #tpu.memory_space<vmem>>
    %dma_wait3A_132 = tpu.memref_squeeze %dma_wait3A_131 : memref<1x80x64xf32, #tpu.memory_space<vmem>> -> memref<80x64xf32, #tpu.memory_space<vmem>>
    %dma_wait3A_133 = arith.constant 0 : i32
    %dma_wait3A_134 = tpu.memref_slice %arg7[%dma_wait3A_128, %dma_wait3A_133] : memref<125x80xi32, #tpu.memory_space<vmem>> -> memref<1x80xi32, #tpu.memory_space<vmem>>
    %dma_wait3A_135 = tpu.memref_squeeze %dma_wait3A_134 : memref<1x80xi32, #tpu.memory_space<vmem>> -> memref<80xi32, #tpu.memory_space<vmem>>
    %dma_wait3A_136 = arith.constant 0 : i32
    %dma_wait3A_137 = arith.constant 0 : i32
    %dma_wait3A_138 = tpu.memref_slice %arg10[%dma_wait3A_136, %dma_wait3A_137] : memref<10240x64xf32, #tpu.memory_space<vmem_shared>> -> memref<10240x64xf32, #tpu.memory_space<vmem_shared>>
    tpu.wait_indirect_dma semaphore(%arg29 : memref<!tpu.dma_semaphore, #tpu.memory_space<semaphore_mem>>) src(%dma_wait3A_132 : memref<80x64xf32, #tpu.memory_space<vmem>>) dst(%dma_wait3A_138 : memref<10240x64xf32, #tpu.memory_space<vmem_shared>>)
    %dma_wait3A_139 = arith.constant 7 : i32
    %dma_wait3A_140 = arith.constant 0 : i32
    %dma_wait3A_141 = arith.constant 0 : i32
    %dma_wait3A_142 = arith.constant 0 : i32
    %dma_wait3A_143 = tpu.memref_slice %arg8[%dma_wait3A_139, %dma_wait3A_141, %dma_wait3A_142] : memref<12x80x64xf32, #tpu.memory_space<vmem>> -> memref<1x80x64xf32, #tpu.memory_space<vmem>>
    %dma_wait3A_144 = tpu.memref_squeeze %dma_wait3A_143 : memref<1x80x64xf32, #tpu.memory_space<vmem>> -> memref<80x64xf32, #tpu.memory_space<vmem>>
    %dma_wait3A_145 = arith.constant 0 : i32
    %dma_wait3A_146 = tpu.memref_slice %arg7[%dma_wait3A_140, %dma_wait3A_145] : memref<125x80xi32, #tpu.memory_space<vmem>> -> memref<1x80xi32, #tpu.memory_space<vmem>>
    %dma_wait3A_147 = tpu.memref_squeeze %dma_wait3A_146 : memref<1x80xi32, #tpu.memory_space<vmem>> -> memref<80xi32, #tpu.memory_space<vmem>>
    %dma_wait3A_148 = arith.constant 0 : i32
    %dma_wait3A_149 = arith.constant 0 : i32
    %dma_wait3A_150 = tpu.memref_slice %arg10[%dma_wait3A_148, %dma_wait3A_149] : memref<10240x64xf32, #tpu.memory_space<vmem_shared>> -> memref<10240x64xf32, #tpu.memory_space<vmem_shared>>
    tpu.wait_indirect_dma semaphore(%arg30 : memref<!tpu.dma_semaphore, #tpu.memory_space<semaphore_mem>>) src(%dma_wait3A_144 : memref<80x64xf32, #tpu.memory_space<vmem>>) dst(%dma_wait3A_150 : memref<10240x64xf32, #tpu.memory_space<vmem_shared>>)
    %dma_wait3A_151 = arith.constant 8 : i32
    %dma_wait3A_152 = arith.constant 0 : i32
    %dma_wait3A_153 = arith.constant 0 : i32
    %dma_wait3A_154 = arith.constant 0 : i32
    %dma_wait3A_155 = tpu.memref_slice %arg8[%dma_wait3A_151, %dma_wait3A_153, %dma_wait3A_154] : memref<12x80x64xf32, #tpu.memory_space<vmem>> -> memref<1x80x64xf32, #tpu.memory_space<vmem>>
    %dma_wait3A_156 = tpu.memref_squeeze %dma_wait3A_155 : memref<1x80x64xf32, #tpu.memory_space<vmem>> -> memref<80x64xf32, #tpu.memory_space<vmem>>
    %dma_wait3A_157 = arith.constant 0 : i32
    %dma_wait3A_158 = tpu.memref_slice %arg7[%dma_wait3A_152, %dma_wait3A_157] : memref<125x80xi32, #tpu.memory_space<vmem>> -> memref<1x80xi32, #tpu.memory_space<vmem>>
    %dma_wait3A_159 = tpu.memref_squeeze %dma_wait3A_158 : memref<1x80xi32, #tpu.memory_space<vmem>> -> memref<80xi32, #tpu.memory_space<vmem>>
    %dma_wait3A_160 = arith.constant 0 : i32
    %dma_wait3A_161 = arith.constant 0 : i32
    %dma_wait3A_162 = tpu.memref_slice %arg10[%dma_wait3A_160, %dma_wait3A_161] : memref<10240x64xf32, #tpu.memory_space<vmem_shared>> -> memref<10240x64xf32, #tpu.memory_space<vmem_shared>>
    tpu.wait_indirect_dma semaphore(%arg31 : memref<!tpu.dma_semaphore, #tpu.memory_space<semaphore_mem>>) src(%dma_wait3A_156 : memref<80x64xf32, #tpu.memory_space<vmem>>) dst(%dma_wait3A_162 : memref<10240x64xf32, #tpu.memory_space<vmem_shared>>)
    %dma_wait3A_163 = arith.constant 9 : i32
    %dma_wait3A_164 = arith.constant 0 : i32
    %dma_wait3A_165 = arith.constant 0 : i32
    %dma_wait3A_166 = arith.constant 0 : i32
    %dma_wait3A_167 = tpu.memref_slice %arg8[%dma_wait3A_163, %dma_wait3A_165, %dma_wait3A_166] : memref<12x80x64xf32, #tpu.memory_space<vmem>> -> memref<1x80x64xf32, #tpu.memory_space<vmem>>
    %dma_wait3A_168 = tpu.memref_squeeze %dma_wait3A_167 : memref<1x80x64xf32, #tpu.memory_space<vmem>> -> memref<80x64xf32, #tpu.memory_space<vmem>>
    %dma_wait3A_169 = arith.constant 0 : i32
    %dma_wait3A_170 = tpu.memref_slice %arg7[%dma_wait3A_164, %dma_wait3A_169] : memref<125x80xi32, #tpu.memory_space<vmem>> -> memref<1x80xi32, #tpu.memory_space<vmem>>
    %dma_wait3A_171 = tpu.memref_squeeze %dma_wait3A_170 : memref<1x80xi32, #tpu.memory_space<vmem>> -> memref<80xi32, #tpu.memory_space<vmem>>
    %dma_wait3A_172 = arith.constant 0 : i32
    %dma_wait3A_173 = arith.constant 0 : i32
    %dma_wait3A_174 = tpu.memref_slice %arg10[%dma_wait3A_172, %dma_wait3A_173] : memref<10240x64xf32, #tpu.memory_space<vmem_shared>> -> memref<10240x64xf32, #tpu.memory_space<vmem_shared>>
    tpu.wait_indirect_dma semaphore(%arg32 : memref<!tpu.dma_semaphore, #tpu.memory_space<semaphore_mem>>) src(%dma_wait3A_168 : memref<80x64xf32, #tpu.memory_space<vmem>>) dst(%dma_wait3A_174 : memref<10240x64xf32, #tpu.memory_space<vmem_shared>>)
    %dma_wait3A_175 = arith.constant 10 : i32
    %dma_wait3A_176 = arith.constant 0 : i32
    %dma_wait3A_177 = arith.constant 0 : i32
    %dma_wait3A_178 = arith.constant 0 : i32
    %dma_wait3A_179 = tpu.memref_slice %arg8[%dma_wait3A_175, %dma_wait3A_177, %dma_wait3A_178] : memref<12x80x64xf32, #tpu.memory_space<vmem>> -> memref<1x80x64xf32, #tpu.memory_space<vmem>>
    %dma_wait3A_180 = tpu.memref_squeeze %dma_wait3A_179 : memref<1x80x64xf32, #tpu.memory_space<vmem>> -> memref<80x64xf32, #tpu.memory_space<vmem>>
    %dma_wait3A_181 = arith.constant 0 : i32
    %dma_wait3A_182 = tpu.memref_slice %arg7[%dma_wait3A_176, %dma_wait3A_181] : memref<125x80xi32, #tpu.memory_space<vmem>> -> memref<1x80xi32, #tpu.memory_space<vmem>>
    %dma_wait3A_183 = tpu.memref_squeeze %dma_wait3A_182 : memref<1x80xi32, #tpu.memory_space<vmem>> -> memref<80xi32, #tpu.memory_space<vmem>>
    %dma_wait3A_184 = arith.constant 0 : i32
    %dma_wait3A_185 = arith.constant 0 : i32
    %dma_wait3A_186 = tpu.memref_slice %arg10[%dma_wait3A_184, %dma_wait3A_185] : memref<10240x64xf32, #tpu.memory_space<vmem_shared>> -> memref<10240x64xf32, #tpu.memory_space<vmem_shared>>
    tpu.wait_indirect_dma semaphore(%arg33 : memref<!tpu.dma_semaphore, #tpu.memory_space<semaphore_mem>>) src(%dma_wait3A_180 : memref<80x64xf32, #tpu.memory_space<vmem>>) dst(%dma_wait3A_186 : memref<10240x64xf32, #tpu.memory_space<vmem_shared>>)
    %dma_wait3A_187 = arith.constant 11 : i32
    %dma_wait3A_188 = arith.constant 0 : i32
    %dma_wait3A_189 = arith.constant 0 : i32
    %dma_wait3A_190 = arith.constant 0 : i32
    %dma_wait3A_191 = tpu.memref_slice %arg8[%dma_wait3A_187, %dma_wait3A_189, %dma_wait3A_190] : memref<12x80x64xf32, #tpu.memory_space<vmem>> -> memref<1x80x64xf32, #tpu.memory_space<vmem>>
    %dma_wait3A_192 = tpu.memref_squeeze %dma_wait3A_191 : memref<1x80x64xf32, #tpu.memory_space<vmem>> -> memref<80x64xf32, #tpu.memory_space<vmem>>
    %dma_wait3A_193 = arith.constant 0 : i32
    %dma_wait3A_194 = tpu.memref_slice %arg7[%dma_wait3A_188, %dma_wait3A_193] : memref<125x80xi32, #tpu.memory_space<vmem>> -> memref<1x80xi32, #tpu.memory_space<vmem>>
    %dma_wait3A_195 = tpu.memref_squeeze %dma_wait3A_194 : memref<1x80xi32, #tpu.memory_space<vmem>> -> memref<80xi32, #tpu.memory_space<vmem>>
    %dma_wait3A_196 = arith.constant 0 : i32
    %dma_wait3A_197 = arith.constant 0 : i32
    %dma_wait3A_198 = tpu.memref_slice %arg10[%dma_wait3A_196, %dma_wait3A_197] : memref<10240x64xf32, #tpu.memory_space<vmem_shared>> -> memref<10240x64xf32, #tpu.memory_space<vmem_shared>>
    tpu.wait_indirect_dma semaphore(%arg34 : memref<!tpu.dma_semaphore, #tpu.memory_space<semaphore_mem>>) src(%dma_wait3A_192 : memref<80x64xf32, #tpu.memory_space<vmem>>) dst(%dma_wait3A_198 : memref<10240x64xf32, #tpu.memory_space<vmem_shared>>)
    %dma_wait3A_199 = arith.constant 0 : i32
    %dma_wait3A_200 = arith.constant 0 : i32
    %dma_wait3A_201 = arith.constant 0 : i32
    %dma_wait3A_202 = arith.constant 0 : i32
    %dma_wait3A_203 = tpu.memref_slice %arg8[%dma_wait3A_199, %dma_wait3A_201, %dma_wait3A_202] : memref<12x80x64xf32, #tpu.memory_space<vmem>> -> memref<1x80x64xf32, #tpu.memory_space<vmem>>
    %dma_wait3A_204 = tpu.memref_squeeze %dma_wait3A_203 : memref<1x80x64xf32, #tpu.memory_space<vmem>> -> memref<80x64xf32, #tpu.memory_space<vmem>>
    %dma_wait3A_205 = arith.constant 0 : i32
    %dma_wait3A_206 = tpu.memref_slice %arg7[%dma_wait3A_200, %dma_wait3A_205] : memref<125x80xi32, #tpu.memory_space<vmem>> -> memref<1x80xi32, #tpu.memory_space<vmem>>
    %dma_wait3A_207 = tpu.memref_squeeze %dma_wait3A_206 : memref<1x80xi32, #tpu.memory_space<vmem>> -> memref<80xi32, #tpu.memory_space<vmem>>
    %dma_wait3A_208 = arith.constant 0 : i32
    %dma_wait3A_209 = arith.constant 0 : i32
    %dma_wait3A_210 = tpu.memref_slice %arg10[%dma_wait3A_208, %dma_wait3A_209] : memref<10240x64xf32, #tpu.memory_space<vmem_shared>> -> memref<10240x64xf32, #tpu.memory_space<vmem_shared>>
    tpu.wait_indirect_dma semaphore(%arg23 : memref<!tpu.dma_semaphore, #tpu.memory_space<semaphore_mem>>) src(%dma_wait3A_204 : memref<80x64xf32, #tpu.memory_space<vmem>>) dst(%dma_wait3A_210 : memref<10240x64xf32, #tpu.memory_space<vmem_shared>>)
    %dma_wait3A_211 = arith.constant 1 : i32
    %dma_wait3A_212 = arith.constant 0 : i32
    %dma_wait3A_213 = arith.constant 0 : i32
    %dma_wait3A_214 = arith.constant 0 : i32
    %dma_wait3A_215 = tpu.memref_slice %arg8[%dma_wait3A_211, %dma_wait3A_213, %dma_wait3A_214] : memref<12x80x64xf32, #tpu.memory_space<vmem>> -> memref<1x80x64xf32, #tpu.memory_space<vmem>>
    %dma_wait3A_216 = tpu.memref_squeeze %dma_wait3A_215 : memref<1x80x64xf32, #tpu.memory_space<vmem>> -> memref<80x64xf32, #tpu.memory_space<vmem>>
    %dma_wait3A_217 = arith.constant 0 : i32
    %dma_wait3A_218 = tpu.memref_slice %arg7[%dma_wait3A_212, %dma_wait3A_217] : memref<125x80xi32, #tpu.memory_space<vmem>> -> memref<1x80xi32, #tpu.memory_space<vmem>>
    %dma_wait3A_219 = tpu.memref_squeeze %dma_wait3A_218 : memref<1x80xi32, #tpu.memory_space<vmem>> -> memref<80xi32, #tpu.memory_space<vmem>>
    %dma_wait3A_220 = arith.constant 0 : i32
    %dma_wait3A_221 = arith.constant 0 : i32
    %dma_wait3A_222 = tpu.memref_slice %arg10[%dma_wait3A_220, %dma_wait3A_221] : memref<10240x64xf32, #tpu.memory_space<vmem_shared>> -> memref<10240x64xf32, #tpu.memory_space<vmem_shared>>
    tpu.wait_indirect_dma semaphore(%arg24 : memref<!tpu.dma_semaphore, #tpu.memory_space<semaphore_mem>>) src(%dma_wait3A_216 : memref<80x64xf32, #tpu.memory_space<vmem>>) dst(%dma_wait3A_222 : memref<10240x64xf32, #tpu.memory_space<vmem_shared>>)
    %dma_wait3A_223 = arith.constant 2 : i32
    %dma_wait3A_224 = arith.constant 0 : i32
    %dma_wait3A_225 = arith.constant 0 : i32
    %dma_wait3A_226 = arith.constant 0 : i32
    %dma_wait3A_227 = tpu.memref_slice %arg8[%dma_wait3A_223, %dma_wait3A_225, %dma_wait3A_226] : memref<12x80x64xf32, #tpu.memory_space<vmem>> -> memref<1x80x64xf32, #tpu.memory_space<vmem>>
    %dma_wait3A_228 = tpu.memref_squeeze %dma_wait3A_227 : memref<1x80x64xf32, #tpu.memory_space<vmem>> -> memref<80x64xf32, #tpu.memory_space<vmem>>
    %dma_wait3A_229 = arith.constant 0 : i32
    %dma_wait3A_230 = tpu.memref_slice %arg7[%dma_wait3A_224, %dma_wait3A_229] : memref<125x80xi32, #tpu.memory_space<vmem>> -> memref<1x80xi32, #tpu.memory_space<vmem>>
    %dma_wait3A_231 = tpu.memref_squeeze %dma_wait3A_230 : memref<1x80xi32, #tpu.memory_space<vmem>> -> memref<80xi32, #tpu.memory_space<vmem>>
    %dma_wait3A_232 = arith.constant 0 : i32
    %dma_wait3A_233 = arith.constant 0 : i32
    %dma_wait3A_234 = tpu.memref_slice %arg10[%dma_wait3A_232, %dma_wait3A_233] : memref<10240x64xf32, #tpu.memory_space<vmem_shared>> -> memref<10240x64xf32, #tpu.memory_space<vmem_shared>>
    tpu.wait_indirect_dma semaphore(%arg25 : memref<!tpu.dma_semaphore, #tpu.memory_space<semaphore_mem>>) src(%dma_wait3A_228 : memref<80x64xf32, #tpu.memory_space<vmem>>) dst(%dma_wait3A_234 : memref<10240x64xf32, #tpu.memory_space<vmem_shared>>)
    %dma_wait3A_235 = arith.constant 3 : i32
    %dma_wait3A_236 = arith.constant 0 : i32
    %dma_wait3A_237 = arith.constant 0 : i32
    %dma_wait3A_238 = arith.constant 0 : i32
    %dma_wait3A_239 = tpu.memref_slice %arg8[%dma_wait3A_235, %dma_wait3A_237, %dma_wait3A_238] : memref<12x80x64xf32, #tpu.memory_space<vmem>> -> memref<1x80x64xf32, #tpu.memory_space<vmem>>
    %dma_wait3A_240 = tpu.memref_squeeze %dma_wait3A_239 : memref<1x80x64xf32, #tpu.memory_space<vmem>> -> memref<80x64xf32, #tpu.memory_space<vmem>>
    %dma_wait3A_241 = arith.constant 0 : i32
    %dma_wait3A_242 = tpu.memref_slice %arg7[%dma_wait3A_236, %dma_wait3A_241] : memref<125x80xi32, #tpu.memory_space<vmem>> -> memref<1x80xi32, #tpu.memory_space<vmem>>
    %dma_wait3A_243 = tpu.memref_squeeze %dma_wait3A_242 : memref<1x80xi32, #tpu.memory_space<vmem>> -> memref<80xi32, #tpu.memory_space<vmem>>
    %dma_wait3A_244 = arith.constant 0 : i32
    %dma_wait3A_245 = arith.constant 0 : i32
    %dma_wait3A_246 = tpu.memref_slice %arg10[%dma_wait3A_244, %dma_wait3A_245] : memref<10240x64xf32, #tpu.memory_space<vmem_shared>> -> memref<10240x64xf32, #tpu.memory_space<vmem_shared>>
    tpu.wait_indirect_dma semaphore(%arg26 : memref<!tpu.dma_semaphore, #tpu.memory_space<semaphore_mem>>) src(%dma_wait3A_240 : memref<80x64xf32, #tpu.memory_space<vmem>>) dst(%dma_wait3A_246 : memref<10240x64xf32, #tpu.memory_space<vmem_shared>>)
    %dma_wait3A_247 = arith.constant 4 : i32
    %dma_wait3A_248 = arith.constant 0 : i32
    %dma_wait3A_249 = arith.constant 0 : i32
    %dma_wait3A_250 = arith.constant 0 : i32
    %dma_wait3A_251 = tpu.memref_slice %arg8[%dma_wait3A_247, %dma_wait3A_249, %dma_wait3A_250] : memref<12x80x64xf32, #tpu.memory_space<vmem>> -> memref<1x80x64xf32, #tpu.memory_space<vmem>>
    %dma_wait3A_252 = tpu.memref_squeeze %dma_wait3A_251 : memref<1x80x64xf32, #tpu.memory_space<vmem>> -> memref<80x64xf32, #tpu.memory_space<vmem>>
    %dma_wait3A_253 = arith.constant 0 : i32
    %dma_wait3A_254 = tpu.memref_slice %arg7[%dma_wait3A_248, %dma_wait3A_253] : memref<125x80xi32, #tpu.memory_space<vmem>> -> memref<1x80xi32, #tpu.memory_space<vmem>>
    %dma_wait3A_255 = tpu.memref_squeeze %dma_wait3A_254 : memref<1x80xi32, #tpu.memory_space<vmem>> -> memref<80xi32, #tpu.memory_space<vmem>>
    %dma_wait3A_256 = arith.constant 0 : i32
    %dma_wait3A_257 = arith.constant 0 : i32
    %dma_wait3A_258 = tpu.memref_slice %arg10[%dma_wait3A_256, %dma_wait3A_257] : memref<10240x64xf32, #tpu.memory_space<vmem_shared>> -> memref<10240x64xf32, #tpu.memory_space<vmem_shared>>
    tpu.wait_indirect_dma semaphore(%arg27 : memref<!tpu.dma_semaphore, #tpu.memory_space<semaphore_mem>>) src(%dma_wait3A_252 : memref<80x64xf32, #tpu.memory_space<vmem>>) dst(%dma_wait3A_258 : memref<10240x64xf32, #tpu.memory_space<vmem_shared>>)
    %barrier3A_259 = arith.constant 0 : index
    tpu.barrier barrier_id(%barrier3A_259)
    %mul3A_260 = arith.constant 640 : i32
    %mul3A_261 = arith.muli %arg1, %mul3A_260 : i32
    %mul3A_262 = arith.constant 640 : i32
    %mul3A_263 = arith.muli %arg1, %mul3A_262 : i32
    "tpu.region"() ({
      %run_scoped3A = tpu.sem_alloc : memref<!tpu.dma_semaphore, #tpu.memory_space<semaphore_mem>>
      %dma_start3A_264 = arith.constant 0 : i32
      %dma_start3A_265 = arith.constant 0 : i32
      %dma_start3A_266 = tpu.memref_slice %arg5[%arg0, %dma_start3A_264, %dma_start3A_265] : memref<2x10240x64xf32, #tpu.memory_space<hbm>> -> memref<1x10240x64xf32, #tpu.memory_space<hbm>>
      %dma_start3A_267 = tpu.memref_squeeze %dma_start3A_266 : memref<1x10240x64xf32, #tpu.memory_space<hbm>> -> memref<10240x64xf32, #tpu.memory_space<hbm>>
      %dma_start3A_268 = arith.constant 0 : i32
      %dma_start3A_269 = tpu.memref_slice %dma_start3A_267[%mul3A_263, %dma_start3A_268] : memref<10240x64xf32, #tpu.memory_space<hbm>> -> memref<640x64xf32, #tpu.memory_space<hbm>>
      %dma_start3A_270 = arith.constant 0 : i32
      %dma_start3A_271 = tpu.memref_slice %arg10[%mul3A_261, %dma_start3A_270] : memref<10240x64xf32, #tpu.memory_space<vmem_shared>> -> memref<640x64xf32, #tpu.memory_space<vmem_shared>>
      tpu.enqueue_dma source(%dma_start3A_271 : memref<640x64xf32, #tpu.memory_space<vmem_shared>>) target(%dma_start3A_269 : memref<640x64xf32, #tpu.memory_space<hbm>>) target_semaphore(%run_scoped3A : memref<!tpu.dma_semaphore, #tpu.memory_space<semaphore_mem>>)
      %dma_wait3A_272 = arith.constant 0 : i32
      %dma_wait3A_273 = arith.constant 0 : i32
      %dma_wait3A_274 = tpu.memref_slice %arg5[%arg0, %dma_wait3A_272, %dma_wait3A_273] : memref<2x10240x64xf32, #tpu.memory_space<hbm>> -> memref<1x10240x64xf32, #tpu.memory_space<hbm>>
      %dma_wait3A_275 = tpu.memref_squeeze %dma_wait3A_274 : memref<1x10240x64xf32, #tpu.memory_space<hbm>> -> memref<10240x64xf32, #tpu.memory_space<hbm>>
      %dma_wait3A_276 = arith.constant 0 : i32
      %dma_wait3A_277 = tpu.memref_slice %dma_wait3A_275[%mul3A_263, %dma_wait3A_276] : memref<10240x64xf32, #tpu.memory_space<hbm>> -> memref<640x64xf32, #tpu.memory_space<hbm>>
      %dma_wait3A_278 = arith.constant 0 : i32
      %dma_wait3A_279 = tpu.memref_slice %arg10[%mul3A_261, %dma_wait3A_278] : memref<10240x64xf32, #tpu.memory_space<vmem_shared>> -> memref<640x64xf32, #tpu.memory_space<vmem_shared>>
      tpu.wait_dma2 semaphore(%run_scoped3A : memref<!tpu.dma_semaphore, #tpu.memory_space<semaphore_mem>>) src(%dma_wait3A_279 : memref<640x64xf32, #tpu.memory_space<vmem_shared>>) dst(%dma_wait3A_277 : memref<640x64xf32, #tpu.memory_space<hbm>>)
      tpu.yield
    }) : () -> ()
    return
  }
}

module attributes {stable_mosaic.version = 14 : i64} {
  func.func @body(%arg0: memref<2x320000xi32, #tpu.memory_space<vmem>>, %arg1: memref<320000xi32, #tpu.memory_space<vmem>>, %arg2: memref<320000xi32, #tpu.memory_space<vmem>>) attributes {dimension_semantics = [], scalar_prefetch = 0 : i64, scratch_operands = 0 : i64, tpu.core_type = #tpu.core_type<tc>} {
    %get3A = arith.constant 0 : index
    %get3A_0 = arith.constant 0 : index
    %get3A_1 = vector.load %arg0[%get3A, %get3A_0] : memref<2x320000xi32, #tpu.memory_space<vmem>>, vector<1x320000xi32>
    %get3A_2 = vector.shape_cast %get3A_1 : vector<1x320000xi32> to vector<320000xi32>
    %swap3A = arith.constant 0 : index
    %swap3A_3 = vector.load %arg1[%swap3A] : memref<320000xi32, #tpu.memory_space<vmem>>, vector<320000xi32>
    tpu.vector_store %arg1[%swap3A], %get3A_2 {strides = array<i32>} : memref<320000xi32, #tpu.memory_space<vmem>>, vector<320000xi32>,
    %get3A_4 = arith.constant 1 : index
    %get3A_5 = arith.constant 0 : index
    %get3A_6 = vector.load %arg0[%get3A_4, %get3A_5] : memref<2x320000xi32, #tpu.memory_space<vmem>>, vector<1x320000xi32>
    %get3A_7 = vector.shape_cast %get3A_6 : vector<1x320000xi32> to vector<320000xi32>
    %swap3A_8 = arith.constant 0 : index
    %swap3A_9 = vector.load %arg2[%swap3A_8] : memref<320000xi32, #tpu.memory_space<vmem>>, vector<320000xi32>
    tpu.vector_store %arg2[%swap3A_8], %get3A_7 {strides = array<i32>} : memref<320000xi32, #tpu.memory_space<vmem>>, vector<320000xi32>,
    return
  }
}

module attributes {stable_mosaic.version = 14 : i64} {
  func.func @body(%arg0: memref<10000x128xf32, #tpu.memory_space<vmem>>, %arg1: memref<128x64xf32, #tpu.memory_space<vmem>>, %arg2: memref<10000x64xf32, #tpu.memory_space<vmem>>) attributes {dimension_semantics = [], scalar_prefetch = 0 : i64, scratch_operands = 0 : i64, tpu.core_type = #tpu.core_type<tc>} {
    %get3A = arith.constant 0 : index
    %get3A_0 = arith.constant 0 : index
    %get3A_1 = vector.load %arg0[%get3A, %get3A_0] : memref<10000x128xf32, #tpu.memory_space<vmem>>, vector<10000x128xf32>
    %get3A_2 = arith.constant 0 : index
    %get3A_3 = arith.constant 0 : index
    %get3A_4 = vector.load %arg1[%get3A_2, %get3A_3] : memref<128x64xf32, #tpu.memory_space<vmem>>, vector<128x64xf32>
    %dot_general3A = arith.constant dense<0.000000e+00> : vector<10000x64xf32>
    %dot_general3A_5 = tpu.matmul %get3A_1, %get3A_4, %dot_general3A {dimension_numbers = #tpu.dot_dimension_numbers<[1], [0], [0], [1], [0, 0, 1, 1], [], []>, transpose_lhs_hint = false} : vector<10000x128xf32>, vector<128x64xf32>, vector<10000x64xf32> -> vector<10000x64xf32>
    %swap3A = arith.constant 0 : index
    %swap3A_6 = arith.constant 0 : index
    %swap3A_7 = vector.load %arg2[%swap3A, %swap3A_6] : memref<10000x64xf32, #tpu.memory_space<vmem>>, vector<10000x64xf32>
    tpu.vector_store %arg2[%swap3A, %swap3A_6], %dot_general3A_5 {strides = array<i32>} : memref<10000x64xf32, #tpu.memory_space<vmem>>, vector<10000x64xf32>,
    return
  }
}

module attributes {stable_mosaic.version = 14 : i64} {
  func.func @body(%arg0: memref<1280x128xf32, #tpu.memory_space<vmem>>, %arg1: memref<80x128xf32, #tpu.memory_space<vmem>>) attributes {dimension_semantics = [], scalar_prefetch = 0 : i64, scratch_operands = 0 : i64, tpu.core_type = #tpu.core_type<tc>} {
    %get3A = arith.constant 0 : index
    %get3A_0 = arith.constant 0 : index
    %get3A_1 = vector.load %arg0[%get3A, %get3A_0] : memref<1280x128xf32, #tpu.memory_space<vmem>>, vector<80x128xf32>
    %get3A_2 = arith.constant 640 : index
    %get3A_3 = arith.constant 0 : index
    %get3A_4 = vector.load %arg0[%get3A_2, %get3A_3] : memref<1280x128xf32, #tpu.memory_space<vmem>>, vector<80x128xf32>
    %add3A = arith.addf %get3A_1, %get3A_4 : vector<80x128xf32>
    %add3A_5 = arith.constant 1.000000e+00 : f32
    %add3A_6 = vector.broadcast %add3A_5 : f32 to vector<80x128xf32>
    %add3A_7 = arith.addf %add3A, %add3A_6 : vector<80x128xf32>
    %rsqrt3A = math.rsqrt %add3A_7 : vector<80x128xf32>
    %swap3A = arith.constant 0 : index
    %swap3A_8 = arith.constant 0 : index
    %swap3A_9 = vector.load %arg1[%swap3A, %swap3A_8] : memref<80x128xf32, #tpu.memory_space<vmem>>, vector<80x128xf32>
    tpu.vector_store %arg1[%swap3A, %swap3A_8], %rsqrt3A {strides = array<i32>} : memref<80x128xf32, #tpu.memory_space<vmem>>, vector<80x128xf32>,
    return
  }
}

module attributes {stable_mosaic.version = 14 : i64} {
  func.func @body(%arg0: memref<10000x1xf32, #tpu.memory_space<vmem>>, %arg1: memref<10000x64xf32, #tpu.memory_space<vmem>>, %arg2: memref<10000x64xf32, #tpu.memory_space<vmem>>) attributes {dimension_semantics = [], scalar_prefetch = 0 : i64, scratch_operands = 0 : i64, tpu.core_type = #tpu.core_type<tc>} {
    %get3A = arith.constant 0 : index
    %get3A_0 = arith.constant 0 : index
    %get3A_1 = vector.load %arg0[%get3A, %get3A_0] : memref<10000x1xf32, #tpu.memory_space<vmem>>, vector<10000x1xf32>
    %get3A_2 = arith.constant 0 : index
    %get3A_3 = arith.constant 0 : index
    %get3A_4 = vector.load %arg1[%get3A_2, %get3A_3] : memref<10000x64xf32, #tpu.memory_space<vmem>>, vector<10000x64xf32>
    %mul3A = vector.broadcast %get3A_1 : vector<10000x1xf32> to vector<10000x64xf32>
    %mul3A_5 = arith.mulf %mul3A, %get3A_4 : vector<10000x64xf32>
    %swap3A = arith.constant 0 : index
    %swap3A_6 = arith.constant 0 : index
    %swap3A_7 = vector.load %arg2[%swap3A, %swap3A_6] : memref<10000x64xf32, #tpu.memory_space<vmem>>, vector<10000x64xf32>
    tpu.vector_store %arg2[%swap3A, %swap3A_6], %mul3A_5 {strides = array<i32>} : memref<10000x64xf32, #tpu.memory_space<vmem>>, vector<10000x64xf32>,
    return
  }
}

module attributes {stable_mosaic.version = 14 : i64} {
  func.func @body(%arg0: memref<10000x64xf32, #tpu.memory_space<vmem>>, %arg1: memref<10000x64xf32, #tpu.memory_space<vmem>>, %arg2: memref<10000x64xf32, #tpu.memory_space<vmem>>, %arg3: memref<10000x1xf32, #tpu.memory_space<vmem>>, %arg4: memref<1x64xf32, #tpu.memory_space<vmem>>, %arg5: memref<64x16xf32, #tpu.memory_space<vmem>>, %arg6: memref<10000x16xf32, #tpu.memory_space<vmem>>) attributes {dimension_semantics = [], scalar_prefetch = 0 : i64, scratch_operands = 0 : i64, tpu.core_type = #tpu.core_type<tc>} {
    %get3A = arith.constant 0 : index
    %get3A_0 = arith.constant 0 : index
    %get3A_1 = vector.load %arg0[%get3A, %get3A_0] : memref<10000x64xf32, #tpu.memory_space<vmem>>, vector<10000x64xf32>
    %get3A_2 = arith.constant 0 : index
    %get3A_3 = arith.constant 0 : index
    %get3A_4 = vector.load %arg1[%get3A_2, %get3A_3] : memref<10000x64xf32, #tpu.memory_space<vmem>>, vector<10000x64xf32>
    %add3A = arith.addf %get3A_1, %get3A_4 : vector<10000x64xf32>
    %get3A_5 = arith.constant 0 : index
    %get3A_6 = arith.constant 0 : index
    %get3A_7 = vector.load %arg2[%get3A_5, %get3A_6] : memref<10000x64xf32, #tpu.memory_space<vmem>>, vector<10000x64xf32>
    %add3A_8 = arith.addf %add3A, %get3A_7 : vector<10000x64xf32>
    %get3A_9 = arith.constant 0 : index
    %get3A_10 = arith.constant 0 : index
    %get3A_11 = vector.load %arg3[%get3A_9, %get3A_10] : memref<10000x1xf32, #tpu.memory_space<vmem>>, vector<10000x1xf32>
    %mul3A = vector.broadcast %get3A_11 : vector<10000x1xf32> to vector<10000x64xf32>
    %mul3A_12 = arith.mulf %mul3A, %add3A_8 : vector<10000x64xf32>
    %get3A_13 = arith.constant 0 : index
    %get3A_14 = arith.constant 0 : index
    %get3A_15 = vector.load %arg4[%get3A_13, %get3A_14] : memref<1x64xf32, #tpu.memory_space<vmem>>, vector<1x64xf32>
    %add3A_16 = vector.broadcast %get3A_15 : vector<1x64xf32> to vector<10000x64xf32>
    %add3A_17 = arith.addf %mul3A_12, %add3A_16 : vector<10000x64xf32>
    %max3A = arith.constant 0.000000e+00 : f32
    %max3A_18 = vector.broadcast %max3A : f32 to vector<10000x64xf32>
    %max3A_19 = arith.maximumf %add3A_17, %max3A_18 : vector<10000x64xf32>
    %get3A_20 = arith.constant 0 : index
    %get3A_21 = arith.constant 0 : index
    %get3A_22 = vector.load %arg5[%get3A_20, %get3A_21] : memref<64x16xf32, #tpu.memory_space<vmem>>, vector<64x16xf32>
    %dot_general3A = arith.constant dense<0.000000e+00> : vector<10000x16xf32>
    %dot_general3A_23 = tpu.matmul %max3A_19, %get3A_22, %dot_general3A {dimension_numbers = #tpu.dot_dimension_numbers<[1], [0], [0], [1], [0, 0, 1, 1], [], []>, transpose_lhs_hint = false} : vector<10000x64xf32>, vector<64x16xf32>, vector<10000x16xf32> -> vector<10000x16xf32>
    %get3A_24 = arith.constant 0 : index
    %get3A_25 = arith.constant 0 : index
    %get3A_26 = vector.load %arg3[%get3A_24, %get3A_25] : memref<10000x1xf32, #tpu.memory_space<vmem>>, vector<10000x1xf32>
    %mul3A_27 = vector.broadcast %get3A_26 : vector<10000x1xf32> to vector<10000x16xf32>
    %mul3A_28 = arith.mulf %mul3A_27, %dot_general3A_23 : vector<10000x16xf32>
    %swap3A = arith.constant 0 : index
    %swap3A_29 = arith.constant 0 : index
    %swap3A_30 = vector.load %arg6[%swap3A, %swap3A_29] : memref<10000x16xf32, #tpu.memory_space<vmem>>, vector<10000x16xf32>
    tpu.vector_store %arg6[%swap3A, %swap3A_29], %mul3A_28 {strides = array<i32>} : memref<10000x16xf32, #tpu.memory_space<vmem>>, vector<10000x16xf32>,
    return
  }
}

module attributes {stable_mosaic.version = 14 : i64} {
  func.func @body(%arg0: memref<10000x16xf32, #tpu.memory_space<vmem>>, %arg1: memref<10000x16xf32, #tpu.memory_space<vmem>>, %arg2: memref<10000x16xf32, #tpu.memory_space<vmem>>, %arg3: memref<10000x1xf32, #tpu.memory_space<vmem>>, %arg4: memref<1x16xf32, #tpu.memory_space<vmem>>, %arg5: memref<16x10000xf32, #tpu.memory_space<vmem>>) attributes {dimension_semantics = [], scalar_prefetch = 0 : i64, scratch_operands = 0 : i64, tpu.core_type = #tpu.core_type<tc>} {
    %get3A = arith.constant 0 : index
    %get3A_0 = arith.constant 0 : index
    %get3A_1 = vector.load %arg0[%get3A, %get3A_0] : memref<10000x16xf32, #tpu.memory_space<vmem>>, vector<10000x16xf32>
    %get3A_2 = arith.constant 0 : index
    %get3A_3 = arith.constant 0 : index
    %get3A_4 = vector.load %arg1[%get3A_2, %get3A_3] : memref<10000x16xf32, #tpu.memory_space<vmem>>, vector<10000x16xf32>
    %add3A = arith.addf %get3A_1, %get3A_4 : vector<10000x16xf32>
    %get3A_5 = arith.constant 0 : index
    %get3A_6 = arith.constant 0 : index
    %get3A_7 = vector.load %arg2[%get3A_5, %get3A_6] : memref<10000x16xf32, #tpu.memory_space<vmem>>, vector<10000x16xf32>
    %add3A_8 = arith.addf %add3A, %get3A_7 : vector<10000x16xf32>
    %get3A_9 = arith.constant 0 : index
    %get3A_10 = arith.constant 0 : index
    %get3A_11 = vector.load %arg3[%get3A_9, %get3A_10] : memref<10000x1xf32, #tpu.memory_space<vmem>>, vector<10000x1xf32>
    %mul3A = vector.broadcast %get3A_11 : vector<10000x1xf32> to vector<10000x16xf32>
    %mul3A_12 = arith.mulf %mul3A, %add3A_8 : vector<10000x16xf32>
    %get3A_13 = arith.constant 0 : index
    %get3A_14 = arith.constant 0 : index
    %get3A_15 = vector.load %arg4[%get3A_13, %get3A_14] : memref<1x16xf32, #tpu.memory_space<vmem>>, vector<1x16xf32>
    %add3A_16 = vector.broadcast %get3A_15 : vector<1x16xf32> to vector<10000x16xf32>
    %add3A_17 = arith.addf %mul3A_12, %add3A_16 : vector<10000x16xf32>
    %mul3A_18 = arith.constant 5.000000e+00 : f32
    %mul3A_19 = vector.broadcast %mul3A_18 : f32 to vector<10000x16xf32>
    %mul3A_20 = arith.mulf %add3A_17, %mul3A_19 : vector<10000x16xf32>
    %reduce_max3A = arith.constant dense<0xFF800000> : vector<10000xf32>
    %reduce_max3A_21 = vector.multi_reduction <maximumf>, %mul3A_20, %reduce_max3A [1] : vector<10000x16xf32> to vector<10000xf32>
    %broadcast_in_dim3A = vector.shape_cast %reduce_max3A_21 : vector<10000xf32> to vector<10000x1xf32>
    %sub3A = vector.broadcast %broadcast_in_dim3A : vector<10000x1xf32> to vector<10000x16xf32>
    %sub3A_22 = arith.subf %mul3A_20, %sub3A : vector<10000x16xf32>
    %exp3A = math.exp %sub3A_22 : vector<10000x16xf32>
    %reduce_sum3A = arith.constant dense<0.000000e+00> : vector<10000xf32>
    %reduce_sum3A_23 = vector.multi_reduction <add>, %exp3A, %reduce_sum3A [1] : vector<10000x16xf32> to vector<10000xf32>
    %broadcast_in_dim3A_24 = vector.shape_cast %reduce_sum3A_23 : vector<10000xf32> to vector<10000x1xf32>
    %log3A = math.log %broadcast_in_dim3A_24 : vector<10000x1xf32>
    %add3A_25 = arith.addf %log3A, %broadcast_in_dim3A : vector<10000x1xf32>
    %sub3A_26 = vector.broadcast %add3A_25 : vector<10000x1xf32> to vector<10000x16xf32>
    %sub3A_27 = arith.subf %mul3A_20, %sub3A_26 : vector<10000x16xf32>
    %transpose3A = tpu.transpose %sub3A_27, [1, 0] : vector<10000x16xf32> -> vector<16x10000xf32>
    %swap3A = arith.constant 0 : index
    %swap3A_28 = arith.constant 0 : index
    %swap3A_29 = vector.load %arg5[%swap3A, %swap3A_28] : memref<16x10000xf32, #tpu.memory_space<vmem>>, vector<16x10000xf32>
    tpu.vector_store %arg5[%swap3A, %swap3A_28], %transpose3A {strides = array<i32>} : memref<16x10000xf32, #tpu.memory_space<vmem>>, vector<16x10000xf32>,
    return
  }
}

</mosaic_0001>

<sc_bundles>
// kernel: sc_degree_histogram.3.cloned.1.call-start
scs
__scs_entry_jumppad:
0x0: {  	(pc) =	sbr.rel $0x88, $3  }
0x1: {  	(tag) =	ssettag $0x0;
	lr =	simm.s32 $0x1  }
0x2: {  	[smem:$0x3F9B] =	sst lr;
	_ =	strace $0xD0000000  }
0x3: {  	_ = 	snop  }
0x4: {  	_ = 	snop  }
0x5: {  	_ = 	snop  }
0x6: {  	_ = 	snop  }
0x7: {  	_ = 	snop  }
__scs_overlays_trampoline_lowered:
0x8: {  	[smem:$0x3FAA] =	sst s0  }
0x9: {  	[smem:$0x3FAB] =	sst s1  }
0xa: {  	[smem:$0x3FAC] =	sst s2  }
0xb: {  	[smem:$0x3FAD] =	sst s3  }
0xc: {  	[smem:$0x3FAE] =	sst s4  }
0xd: {  	[smem:$0x3FAF] =	sst s5  }
0xe: {  	[smem:$0x3FB0] =	sst s6  }
0xf: {  	[smem:$0x3FB1] =	sst s7  }
0x10: {  	[smem:$0x3FB2] =	sst s8  }
0x11: {  	[smem:$0x3FB3] =	sst s9;
	s0 =	simm.s32 @!p0 $0x0  }
0x12: {  	s1 =	sld [smem:$0x3F99];
	s0 =	simm.s32 @p0 $0x1  }
0x13: {  	[smem:$0x3FB4] =	sst s0;
	s0 =	simm.s32 @!p1 $0x0  }
0x14: {  	s2 =	sld [smem:$0x3F98];
	s0 =	simm.s32 @p1 $0x1  }
0x15: {  	[smem:$0x3FB5] =	sst s0;
	s0 =	simm.s32 @!p2 $0x0  }
0x16: {  	s3 =	sld [smem:$0x3FDB];
	s0 =	simm.s32 @p2 $0x1  }
0x17: {  	s4 =	simm.s32 $0x1BF5;
	[smem:$0x3FB7] =	sst s0  }
0x18: {  	s0 =	sld [smem:$0x3F9A];
	_ =	swait.ge [sflag:s4], $0x0  }
0x19: {  	s7 =	sld [smem:$0x3F9B]  }
0x1a: {  	s8 =	sadd.s32 $0xFFFFE003, lr  }
0x1b: {  	s9 =	sadd.s32 $0xFFFFFEF7, lr;
	s5 =	simm.s32 $0xFFFFFFFF;
	p2 =	slt.u32 s8, $0xFFFFF086  }
0x1c: {  	p1 =	slt.u32 s9, $0xF7A;
	s5 =	simm.s32 @!p2 $0x0  }
0x1d: {  	s5 =	simm.s32 @p1 $0x1;
	p0 =	seq.s32 s7, s2  }
0x1e: {  	s7 =	smul.u32 @!p0 $0xF7A, s2;
	p2 =	seq.s32 @!p0 s5, $0x0  }
0x1f: {  	s9 =	smul.u32 $0xF7A, s1;
	s8 =	simm.s32 @!p0 $0x1BF5;
	p2 =	por !p2, p0  }
0x20: {  	[sflag:s8] =	ssyncset.s32 @!p0 $0xFFFFF086;
	s6 =	sadd.s32 @!p0 s3, s7;
	s7 =	simm.s32 @!p0 $0x108  }
0x21: {  	s3 =	sadd.s32 s3, s9;
	s6 =	sadd.s32 @!p0 $0x88, s6;
	s7 =	simm.s32 @p2 $0x1082  }
0x22: {  	[simem:s7], [sflag:s8] =	dma.local @!p0 [hbm:s6], $0xF7A  }
0x23: {  	s9 =	sor.u32 $0xD0000000, s2;
	s6 =	simm.s32 $0x108;
	_ =	swait.ge @!p0 [sflag:s8], $0x0  }
0x24: {  	s3 =	sadd.s32 $0x88, s3;
	s6 =	simm.s32 @!p1 $0x1082;
	[sflag:s4] =	ssyncset.s32 $0xFFFFF086  }
0x25: {  	[simem:s6], [sflag:s4] =	dma.local [hbm:s3], $0xF7A  }
0x26: {  	[smem:$0x3F9B] =	sst s1;
	(tag) =	ssettag s2;
	_ =	strace s9  }
0x27: {  	s1 =	sld [smem:$0x3FAB]  }
0x28: {  	s2 =	sld [smem:$0x3FAC]  }
0x29: {  	s4 =	sld [smem:$0x3FAE]  }
0x2a: {  	p0 =	seq.s32 s5, $0x0;
	s5 =	sld [smem:$0x3FAF]  }
0x2b: {  	s6 =	sld [smem:$0x3FB0]  }
0x2c: {  	s7 =	sld [smem:$0x3FB1]  }
0x2d: {  	s3 =	simm.s32 $0x108;
	s8 =	sld [smem:$0x3FB2]  }
0x2e: {  	s3 =	simm.s32 @!p0 $0x1082;
	s9 =	sld [smem:$0x3FB3]  }
0x2f: {  	lr =	sadd.s32 s0, s3;
	s0 =	sld [smem:$0x3FAA]  }
0x30: {  	s3 =	sld [smem:$0x3FAD]  }
0x31: {  	[smem:$0x3FB6] =	sst s10  }
0x32: {  	s10 =	sld [smem:$0x3FB4];
	_ =	sdelay $0x3  }
0x33: {  	p0 =	seq.s32 s10, $0x1;
	s10 =	sld [smem:$0x3FB6];
	_ =	sdelay $0x3  }
0x34: {  	[smem:$0x3FB6] =	sst s10  }
0x35: {  	s10 =	sld [smem:$0x3FB5];
	_ =	sdelay $0x3  }
0x36: {  	p1 =	seq.s32 s10, $0x1;
	s10 =	sld [smem:$0x3FB6];
	_ =	sdelay $0x3  }
0x37: {  	[smem:$0x3FB6] =	sst s10  }
0x38: {  	s10 =	sld [smem:$0x3FB7]  }
0x39: {  	_ = 	snop;
	(pc) =	sbr.ind lr, $3  }
0x3a: {  	_ = 	snop  }
0x3b: {  	_ = 	snop  }
0x3c: {  	p2 =	seq.s32 s10, $0x1;
	s10 =	sld [smem:$0x3FB6]  }
0x3d: {  	_ =	shalt  }
0x3e: {  	_ =	shalt  }
0x3f: {  	_ =	shalt  }
0x40: {  	_ =	shalt  }
0x41: {  	_ =	shalt  }
0x42: {  	_ =	shalt  }
0x43: {  	_ =	shalt  }
0x44: {  	_ =	shalt  }
0x45: {  	_ =	shalt  }
0x46: {  	_ =	shalt  }
0x47: {  	_ =	shalt  }
0x48: {  	_ =	shalt  }
0x49: {  	_ =	shalt  }
0x4a: {  	_ =	shalt  }
0x4b: {  	_ =	shalt  }
0x4c: {  	_ =	shalt  }
0x4d: {  	_ =	shalt  }
0x4e: {  	_ =	shalt  }
0x4f: {  	_ =	shalt  }
0x50: {  	_ =	shalt  }
0x51: {  	_ =	shalt  }
0x52: {  	_ =	shalt  }
0x53: {  	_ =	shalt  }
0x54: {  	_ =	shalt  }
0x55: {  	_ =	shalt  }
0x56: {  	_ =	shalt  }
0x57: {  	_ =	shalt  }
0x58: {  	_ =	shalt  }
0x59: {  	_ =	shalt  }
0x5a: {  	_ =	shalt  }
0x5b: {  	_ =	shalt  }
0x5c: {  	_ =	shalt  }
0x5d: {  	_ =	shalt  }
0x5e: {  	_ =	shalt  }
0x5f: {  	_ =	shalt  }
0x60: {  	_ =	shalt  }
0x61: {  	_ =	shalt  }
0x62: {  	_ =	shalt  }
0x63: {  	_ =	shalt  }
0x64: {  	_ =	shalt  }
0x65: {  	_ =	shalt  }
0x66: {  	_ =	shalt  }
0x67: {  	_ =	shalt  }
0x68: {  	_ =	shalt  }
0x69: {  	_ =	shalt  }
0x6a: {  	_ =	shalt  }
0x6b: {  	_ =	shalt  }
0x6c: {  	_ =	shalt  }
0x6d: {  	_ =	shalt  }
0x6e: {  	_ =	shalt  }
0x6f: {  	_ =	shalt  }
0x70: {  	_ =	shalt  }
0x71: {  	_ =	shalt  }
0x72: {  	_ =	shalt  }
0x73: {  	_ =	shalt  }
0x74: {  	_ =	shalt  }
0x75: {  	_ =	shalt  }
0x76: {  	_ =	shalt  }
0x77: {  	_ =	shalt  }
0x78: {  	_ =	shalt  }
0x79: {  	_ =	shalt  }
0x7a: {  	_ =	shalt  }
0x7b: {  	_ =	shalt  }
0x7c: {  	_ =	shalt  }
0x7d: {  	_ =	shalt  }
0x7e: {  	_ =	shalt  }
0x7f: {  	_ =	shalt  }
0x80: {  	_ =	shalt  }
0x81: {  	_ =	shalt  }
0x82: {  	_ =	shalt  }
0x83: {  	_ =	shalt  }
0x84: {  	_ =	shalt  }
0x85: {  	_ =	shalt  }
0x86: {  	_ =	shalt  }
0x87: {  	_ =	shalt  }
.Lfunc_end0:
.L_simem_size_0:
called_computation_lowered:
.L_overlay_start_0:
0x88: {  	s2 =	sld [smem:$0x3FD9]  }
0x89: {  	s3 =	sld [smem:$0x3FFE];
	_ =	sdelay $0x1  }
0x8a: {  	s1 =	srdreg.scid  }
0x8b: {  	s0 =	sand.u32 $0x1, s1  }
0x8c: {  	s16 =	sshll.u32 s0, $0xA;
	s2 =	sadd.s32 s3, s2  }
0x8d: {  	s2 =	sadd.s32 s2, s16  }
0x8e: {  	[smem:$0x3FC2] =	sst s2  }
0x8f: {  	_ = 	snop  }
0x90: {  	(tm) =	ssettm $0x1  }
0x91: {  	s17 =	sld [smem:$0x3FFB];
	_ =	sdelay $0x3  }
0x92: {  	_ =	strace s17  }
0x93: {  	s2 =	sld [smem:$0x3FFC];
	_ =	sdelay $0x3  }
0x94: {  	_ =	strace s2  }
0x95: {  	s2 =	sld [smem:$0x3FFD];
	_ =	sdelay $0x3  }
0x96: {  	_ =	strace s2  }
0x97: {  	_ =	strace $0x8FFFFFFF  }
0x98: {  	s18 =	sld [smem:$0x3FDB];
	_ =	sdelay $0x1  }
0x99: {  	s19 =	simm.s32 $_scs_section_size  }
0x9a: {  	s4 =	simm.s32 $_size__tile_overlayer_lowered;
	s5 =	simm.s32 $_tile_overlayer_lowered  }
0x9b: {  	s22 =	simm.s32 $0x1BFF;
	s21 =	sshll.u32 s5, $0x1;
	s2 =	sadd.s32 s19, s18  }
0x9c: {  	s6 =	simm.s32 $0x0;
	s20 =	sshll.u32 s4, $0x1;
	s4 =	sadd.s32 s21, s2  }
0x9d: {  	[timem:s6], [sflag:s22] =	dma.local [hbm:s4], s20  }
0x9e: {  	_ =	swait.ge [sflag:s22], s20  }
0x9f: {  	s3 =	ssub.s32 $0x0, s20;
	[sflag:s22] =	ssyncset.done $0x0  }
0xa0: {  	[sflag:s22] =	ssyncadd.s32 s3;
	_ =	sdelay $0x1  }
0xa1: {  	s23 =	simm.s32 $0x1B8B  }
0xa2: {  	_ =	swait.ge [sflag:s23], $0x1  }
0xa3: {  	[sflag:s23] =	ssyncset.done $0x0  }
0xa4: {  	s25 =	simm.s32 $0x1B8E;
	s24 =	sld [smem:$0x3FFE];
	[sflag:s23] =	ssyncadd.s32 $0xFFFFFFFF  }
0xa5: {  	s26 =	simm.s32 $execute0_lowered;
	[smem:$0x3FD2] =	sst s25  }
0xa6: {  	s4 =	sshll.u32 s26, $0x1;
	_ =	strace $0x80000046;
	[dreg:$0x1] =	wrdreg $0xFFFFFFFF  }
0xa7: {  	s28 =	simm.s32 $_size_execute0_lowered;
	s2 =	sadd.s32 s2, s4;
	[dreg:$0x0] =	wrdreg $0x0  }
0xa8: {  	s4 =	sshll.u32 s28, $0x1;
	[dreg:$0x2] =	wrdreg s2  }
0xa9: {  	[dreg:$0x3] =	wrdreg s4  }
0xaa: {  	[dreg:$0x4] =	wrdreg $0xC0  }
0xab: {  	_ =	task [dreg:s6], $0x5FFFF  }
0xac: {  	[dreg:$0x1] =	wrdreg $0xFFFFFFFF  }
0xad: {  	[dreg:$0x0] =	wrdreg $0x60  }
0xae: {  	[dreg:$0x2] =	wrdreg s24  }
0xaf: {  	[dreg:$0x3] =	wrdreg $0x29E00  }
0xb0: {  	[dreg:$0x4] =	wrdreg $0x9  }
0xb1: {  	_ =	task.clear_ibuf [dreg:s6], $0x5FFFF;
	_ =	strace $0x90000046  }
0xb2: {  	s29 =	simm.s32 $0x9;
	_ =	strace $0x80000048  }
0xb3: {  	_ =	swait.ge [sflag:s29], $0x1  }
0xb4: {  	[sflag:s29] =	ssyncadd.s32 $0xFFFFFFFF  }
0xb5: {  	_ =	strace $0x90000048  }
0xb6: {  	_ =	sfence  }
0xb7: {  	s30 =	sld [smem:$0x0];
	_ =	sdelay $0x2  }
0xb8: {  	s31 =	sshll.u32 s1, $0xD;
	s1 =	sshrl.u32 s1, $0x2  }
0xb9: {  	s3 =	sand.u32 $0x4000, s31;
	s1 =	sadd.s32 s1, s30  }
0xba: {  	s0 =	sor.u32 s3, s0;
	s1 =	sshll.u32 s1, $0x11  }
0xbb: {  	s0 =	sor.u32 s1, s0  }
0xbc: {  	s0 =	sadd.s32 $0x8F2B, s0  }
0xbd: {  	[sflag:s0] =	ssyncadd.remote.s32 $0x1  }
0xbe: {  	_ =	sfence.sel $0xFFFF  }
0xbf: {  	[dreg:$0x0] =	wrdreg $0xFFFFFFFF;
	(pc) =	sbr.abs _section_cstart, $3  }
0xc0: {  	[dreg:$0x1] =	wrdreg $0xFFFFFFFF  }
0xc1: {  	_ =	task.clear_ibuf [dreg:s6], $0x2FFFF;
	_ =	strace $0x9FFFFFFF  }
0xc2: {  	(tm) =	ssettm $0x7FFFFFFF  }
0xc3: {  	_ =	shalt  }
tec
execute0_lowered:
.L_overlay_start_1:
0x0: {  	(tag) =	ssettag $0x1  }
0x1: {  	s4 =	rddreg [dreg:$0x0]  }
0x2: {  	s2 =	rddreg [dreg:$0x1]  }
0x3: {  	s0 =	rddreg [dreg:$0x2];
	s3 =	srdreg.scid  }
0x4: {  	s1 =	stileid.u32;
	s10 =	simm.s32 $0x50;
	s11 =	simm.s32 $0x2710  }
0x5: {  	s12 =	simm.s32 $0x1;
	s15 =	simm.s32 $0x0;
	s5 =	sand.u32 $0x1, s3  }
0x6: {  	s6 =	sshll.u32 s1, $0x1;
	s7 =	smul.u32 $0x280, s1;
	s3 =	simm.s32 $0x0  }
0x7: {  	s13 =	sshll.u32 s1, $0x6;
	s6 =	sor.u32 s5, s6;
	s8 =	smul.u32 $0x14000, s5  }
0x8: {  	[smem:$0x7FF] =	sst s3;
	s5 =	ssub.s32 $0x2, s5;
	s13 =	sor.u32 $0x1C02, s13  }
0x9: {  	s6 =	smul.u32 $0x4E2, s6;
	s9 =	sshrl.u32 s5, $0x1;
	s8 =	sor.u32 s7, s8  }
0xa: {  	_ =	strace $0x80000047;
	s9 =	ssub.s32 s5, s9;
	s8 =	sshrl.u32 s8, $0x3  }
0xb: {  	s6 =	sadd.s32 s6, s4;
	s8 =	sadd.s32 s8, s4;
	s4 =	sadd.s32 s7, s2  }
0xc: {  	s5 =	sadd.s32 $0x2E00, s6;
	s7 =	smax.u32 s9, $0x1;
	s9 =	simm.s32 $0x2  }
0xd: {  	v0 =	vimm.f32 $0.0e+00;
	v1 =	vimm.f32 $1.000000000e+00;
	s6 =	sadd.s32 $0x16A00, s8;
	s8 =	simm.s32 $0x2760;
	s14 =	sshrl.u32 s4, $0x3  }
.LBB2_1:
0xe: {  	[tilespmem:$0x2760] =	vst v0  }
0xf: {  	[tilespmem:$0x2770] =	vst v0  }
0x10: {  	[tilespmem:$0x2780] =	vst v0  }
0x11: {  	[tilespmem:$0x2790] =	vst v0  }
0x12: {  	[tilespmem:$0x27A0] =	vst v0  }
0x13: {  	[tilespmem:$0x27B0] =	vst v0  }
0x14: {  	[tilespmem:$0x27C0] =	vst v0  }
0x15: {  	[tilespmem:$0x27D0] =	vst v0  }
0x16: {  	[tilespmem:$0x27E0] =	vst v0  }
0x17: {  	[tilespmem:$0x27F0] =	vst v0  }
0x18: {  	[tilespmem:$0x2800] =	vst v0  }
0x19: {  	[tilespmem:$0x2810] =	vst v0  }
0x1a: {  	[tilespmem:$0x2820] =	vst v0  }
0x1b: {  	[tilespmem:$0x2830] =	vst v0  }
0x1c: {  	[tilespmem:$0x2840] =	vst v0  }
0x1d: {  	[tilespmem:$0x2850] =	vst v0  }
0x1e: {  	[tilespmem:$0x2860] =	vst v0  }
0x1f: {  	[tilespmem:$0x2870] =	vst v0  }
0x20: {  	[tilespmem:$0x2880] =	vst v0  }
0x21: {  	[tilespmem:$0x2890] =	vst v0  }
0x22: {  	[tilespmem:$0x28A0] =	vst v0  }
0x23: {  	[tilespmem:$0x28B0] =	vst v0  }
0x24: {  	[tilespmem:$0x28C0] =	vst v0  }
0x25: {  	[tilespmem:$0x28D0] =	vst v0  }
0x26: {  	[tilespmem:$0x28E0] =	vst v0  }
0x27: {  	[tilespmem:$0x28F0] =	vst v0  }
0x28: {  	[tilespmem:$0x2900] =	vst v0  }
0x29: {  	[tilespmem:$0x2910] =	vst v0  }
0x2a: {  	[tilespmem:$0x2920] =	vst v0  }
0x2b: {  	[tilespmem:$0x2930] =	vst v0  }
0x2c: {  	[tilespmem:$0x2940] =	vst v0  }
0x2d: {  	[tilespmem:$0x2950] =	vst v0  }
0x2e: {  	[tilespmem:$0x2960] =	vst v0  }
0x2f: {  	[tilespmem:$0x2970] =	vst v0  }
0x30: {  	[tilespmem:$0x2980] =	vst v0  }
0x31: {  	[tilespmem:$0x2990] =	vst v0  }
0x32: {  	[tilespmem:$0x29A0] =	vst v0  }
0x33: {  	[tilespmem:$0x29B0] =	vst v0  }
0x34: {  	[tilespmem:$0x29C0] =	vst v0  }
0x35: {  	[tilespmem:$0x29D0] =	vst v0  }
0x36: {  	[tilespmem:$0x2710] =	vst v1  }
0x37: {  	[tilespmem:$0x2720] =	vst v1  }
0x38: {  	[tilespmem:$0x2730] =	vst v1  }
0x39: {  	[tilespmem:$0x2740] =	vst v1  }
0x3a: {  	[tilespmem:$0x2750] =	vst v1  }
0x3b: {  	[spmem:s4] =	stream.linear.scatter [tilespmem:s8], [sflag:$0x2], $0x280, $0x38;
	[tilespmem:$0x2C60] =	vst v63  }
0x3c: {  	_ =	swait.ge [sflag:s9], $0x280  }
0x3d: {  	[sflag:s9] =	ssyncset.done $0x0  }
0x3e: {  	[sflag:s9] =	ssyncadd.s32 $0xFFFFFD80  }
0x3f: {  	[tilespmem:s3], [sflag:$0x2] =	stream.linear.gather [hbm4b:s5+s3], $0x2710, $0x38;
	[tilespmem:$0x2C60] =	vst v63  }
0x40: {  	_ =	swait.ge [sflag:s9], $0x2710  }
0x41: {  	[sflag:s9] =	ssyncset.done $0x0  }
0x42: {  	p0 =	por $0x1, $0x1;
	[sflag:s9] =	ssyncadd.s32 $0xFFFFD8F0  }
0x43: {  	s18 =	simm.s32 @!p0 $0x1;
	[bflag:$0x0] =	sbarrier.arrive $0xFFFF  }
0x44: {  	[spmem:s2] =	stream.indirect.scatter.add.f32 [tilespmem:s11], [sflag:$0x1], $0x1, s3, s10, $0xb8;
	[tilespmem:$0x2C60] =	vst v63  }
0x45: {  	_ =	swait.ge @!p0 [sflag:s18], $0x50  }
0x46: {  	s16 =	simm.s32 $0x1;
	s17 =	simm.s32 $0x0;
	[sflag:s18] =	ssyncset.done @!p0 $0x0  }
.LBB2_2:
0x47: {  	[sflag:s18] =	ssyncadd.s32 @!p0 $0xFFFFFFB0  }
0x48: {  	s17 =	sadd.s32 $0x50, s17;
	s18 =	smov.u32 s16;
	s16 =	sadd.s32 $0x1, s16  }
0x49: {  	p1 =	sne.s32 s16, $0x7D  }
0x4a: {  	[spmem:s2] =	stream.indirect.scatter.add.f32 [tilespmem:s11], [sflag:$0x1], $0x1, s17, s10, $0xb8;
	[tilespmem:$0x2C60] =	vst v63  }
.Ltmp0:
0x4b: {  	_ = 	snop;
	(pc) =	sbr.rel @p1 .LBB2_2-.Ltmp0, $4  }
0x4c: {  	p0 =	slt.u32 s18, $0x8  }
0x4d: {  	s18 =	simm.s32 @!p0 $0x1  }
0x4e: {  	_ =	swait.ge @!p0 [sflag:s18], $0x50  }
0x4f: {  	[sflag:s18] =	ssyncset.done @!p0 $0x0  }
0x50: {  	[sflag:s18] =	ssyncadd.s32 @!p0 $0xFFFFFFB0  }
0x51: {  	_ =	swait.ge [sflag:s12], $0x50  }
0x52: {  	[sflag:s12] =	ssyncset.done $0x0  }
0x53: {  	[sflag:s12] =	ssyncadd.s32 $0xFFFFFFB0  }
0x54: {  	_ =	swait.ge [sflag:s12], $0x50  }
0x55: {  	[sflag:s12] =	ssyncset.done $0x0  }
0x56: {  	[sflag:s12] =	ssyncadd.s32 $0xFFFFFFB0  }
0x57: {  	_ =	swait.ge [sflag:s12], $0x50  }
0x58: {  	[sflag:s12] =	ssyncset.done $0x0  }
0x59: {  	[sflag:s12] =	ssyncadd.s32 $0xFFFFFFB0  }
0x5a: {  	_ =	swait.ge [sflag:s12], $0x50  }
0x5b: {  	[sflag:s12] =	ssyncset.done $0x0  }
0x5c: {  	[sflag:s12] =	ssyncadd.s32 $0xFFFFFFB0  }
0x5d: {  	_ =	swait.ge [sflag:s12], $0x50  }
0x5e: {  	[sflag:s12] =	ssyncset.done $0x0  }
0x5f: {  	[sflag:s12] =	ssyncadd.s32 $0xFFFFFFB0  }
0x60: {  	_ =	swait.ge [sflag:s12], $0x50  }
0x61: {  	[sflag:s12] =	ssyncset.done $0x0  }
0x62: {  	[sflag:s12] =	ssyncadd.s32 $0xFFFFFFB0  }
0x63: {  	_ =	swait.ge [sflag:s12], $0x50  }
0x64: {  	[sflag:s12] =	ssyncset.done $0x0  }
0x65: {  	[sflag:s12] =	ssyncadd.s32 $0xFFFFFFB0  }
0x66: {  	_ =	swait.ge [sflag:s12], $0x50  }
0x67: {  	s15 =	sadd.s32 $0x1, s15;
	[sflag:s12] =	ssyncset.done $0x0  }
0x68: {  	p0 =	sne.s32 s15, s7;
	[sflag:s12] =	ssyncadd.s32 $0xFFFFFFB0  }
.Ltmp1:
0x69: {  	[bflag:$0x0] =	sbarrier.arrive $0xFFFF;
	(pc) =	sbr.rel @p0 .LBB2_1-.Ltmp1, $4  }
0x6a: {  	[hbm:s6], [sflag:s13] =	dma.local [spmem:s14], $0x50  }
0x6b: {  	_ =	swait.ge [sflag:s9], $0x50  }
0x6c: {  	[sflag:s9] =	ssyncset.done $0x0  }
0x6d: {  	[sflag:s9] =	ssyncadd.s32 $0xFFFFFFB0  }
0x6e: {  	_ =	sfence.sel $0x180000  }
0x6f: {  	[bflag:$0x0] =	sbarrier.arrive $0xFFFF  }
0x70: {  	p0 =	sne.s32 s1, $0x0;
	_ =	strace $0x90000047  }
0x71: {  	s0 =	sadd.s32 @!p0 $0x100000, s0;
	[bflag:$0x2] =	sbarrier.arrive $0xFFFF  }
0x72: {  	[sflag:s0] =	ssyncadd.tile.s32 @!p0 $0x1;
	_ =	shalt  }
.Lfunc_end2:
_tile_overlayer_lowered:
.L_overlay_start_2:
0x73: {  	(tag) =	ssettag $0x2  }
0x74: {  	s0 =	rddreg [dreg:$0x0];
	s2 =	stileid.u32  }
0x75: {  	s1 =	rddreg [dreg:$0x1];
	p0 =	sne.s32 s2, $0x0  }
0x76: {  	s3 =	rddreg [dreg:$0x2];
	[bflag:$0x3] =	sbarrier.arrive $0xFFFF;
	s2 =	simm.s32 @!p0 $0x1C02  }
0x77: {  	[timem:s3], [sflag:s2] =	dma.local @!p0 [hbm:s0], s1  }
0x78: {  	s0 =	simm.s32 @!p0 $0x2  }
0x79: {  	_ =	swait.ge @!p0 [sflag:s0], s1  }
0x7a: {  	s1 =	ssub.s32 @!p0 $0x0, s1;
	[sflag:s0] =	ssyncset.done @!p0 $0x0  }
0x7b: {  	[sflag:s0] =	ssyncadd.s32 @!p0 s1  }
0x7c: {  	[bflag:$0x3] =	sbarrier.arrive $0xFFFF  }
0x7d: {  	_ =	shalt  }

// kernel: sc_row_aggregate.4.cloned.1.call-start
scs
__scs_entry_jumppad:
0x0: {  	(pc) =	sbr.rel $0x88, $3  }
0x1: {  	(tag) =	ssettag $0x0;
	lr =	simm.s32 $0x1  }
0x2: {  	[smem:$0x3F9B] =	sst lr;
	_ =	strace $0xD0000000  }
0x3: {  	_ = 	snop  }
0x4: {  	_ = 	snop  }
0x5: {  	_ = 	snop  }
0x6: {  	_ = 	snop  }
0x7: {  	_ = 	snop  }
__scs_overlays_trampoline_lowered:
0x8: {  	[smem:$0x3FAA] =	sst s0  }
0x9: {  	[smem:$0x3FAB] =	sst s1  }
0xa: {  	[smem:$0x3FAC] =	sst s2  }
0xb: {  	[smem:$0x3FAD] =	sst s3  }
0xc: {  	[smem:$0x3FAE] =	sst s4  }
0xd: {  	[smem:$0x3FAF] =	sst s5  }
0xe: {  	[smem:$0x3FB0] =	sst s6  }
0xf: {  	[smem:$0x3FB1] =	sst s7  }
0x10: {  	[smem:$0x3FB2] =	sst s8  }
0x11: {  	[smem:$0x3FB3] =	sst s9;
	s0 =	simm.s32 @!p0 $0x0  }
0x12: {  	s1 =	sld [smem:$0x3F99];
	s0 =	simm.s32 @p0 $0x1  }
0x13: {  	[smem:$0x3FB4] =	sst s0;
	s0 =	simm.s32 @!p1 $0x0  }
0x14: {  	s2 =	sld [smem:$0x3F98];
	s0 =	simm.s32 @p1 $0x1  }
0x15: {  	[smem:$0x3FB5] =	sst s0;
	s0 =	simm.s32 @!p2 $0x0  }
0x16: {  	s3 =	sld [smem:$0x3FDB];
	s0 =	simm.s32 @p2 $0x1  }
0x17: {  	s4 =	simm.s32 $0x1BF5;
	[smem:$0x3FB7] =	sst s0  }
0x18: {  	s0 =	sld [smem:$0x3F9A];
	_ =	swait.ge [sflag:s4], $0x0  }
0x19: {  	s7 =	sld [smem:$0x3F9B]  }
0x1a: {  	s8 =	sadd.s32 $0xFFFFE003, lr  }
0x1b: {  	s9 =	sadd.s32 $0xFFFFFEF7, lr;
	s5 =	simm.s32 $0xFFFFFFFF;
	p2 =	slt.u32 s8, $0xFFFFF086  }
0x1c: {  	p1 =	slt.u32 s9, $0xF7A;
	s5 =	simm.s32 @!p2 $0x0  }
0x1d: {  	s5 =	simm.s32 @p1 $0x1;
	p0 =	seq.s32 s7, s2  }
0x1e: {  	s7 =	smul.u32 @!p0 $0xF7A, s2;
	p2 =	seq.s32 @!p0 s5, $0x0  }
0x1f: {  	s9 =	smul.u32 $0xF7A, s1;
	s8 =	simm.s32 @!p0 $0x1BF5;
	p2 =	por !p2, p0  }
0x20: {  	[sflag:s8] =	ssyncset.s32 @!p0 $0xFFFFF086;
	s6 =	sadd.s32 @!p0 s3, s7;
	s7 =	simm.s32 @!p0 $0x108  }
0x21: {  	s3 =	sadd.s32 s3, s9;
	s6 =	sadd.s32 @!p0 $0x88, s6;
	s7 =	simm.s32 @p2 $0x1082  }
0x22: {  	[simem:s7], [sflag:s8] =	dma.local @!p0 [hbm:s6], $0xF7A  }
0x23: {  	s9 =	sor.u32 $0xD0000000, s2;
	s6 =	simm.s32 $0x108;
	_ =	swait.ge @!p0 [sflag:s8], $0x0  }
0x24: {  	s3 =	sadd.s32 $0x88, s3;
	s6 =	simm.s32 @!p1 $0x1082;
	[sflag:s4] =	ssyncset.s32 $0xFFFFF086  }
0x25: {  	[simem:s6], [sflag:s4] =	dma.local [hbm:s3], $0xF7A  }
0x26: {  	[smem:$0x3F9B] =	sst s1;
	(tag) =	ssettag s2;
	_ =	strace s9  }
0x27: {  	s1 =	sld [smem:$0x3FAB]  }
0x28: {  	s2 =	sld [smem:$0x3FAC]  }
0x29: {  	s4 =	sld [smem:$0x3FAE]  }
0x2a: {  	p0 =	seq.s32 s5, $0x0;
	s5 =	sld [smem:$0x3FAF]  }
0x2b: {  	s6 =	sld [smem:$0x3FB0]  }
0x2c: {  	s7 =	sld [smem:$0x3FB1]  }
0x2d: {  	s3 =	simm.s32 $0x108;
	s8 =	sld [smem:$0x3FB2]  }
0x2e: {  	s3 =	simm.s32 @!p0 $0x1082;
	s9 =	sld [smem:$0x3FB3]  }
0x2f: {  	lr =	sadd.s32 s0, s3;
	s0 =	sld [smem:$0x3FAA]  }
0x30: {  	s3 =	sld [smem:$0x3FAD]  }
0x31: {  	[smem:$0x3FB6] =	sst s10  }
0x32: {  	s10 =	sld [smem:$0x3FB4];
	_ =	sdelay $0x3  }
0x33: {  	p0 =	seq.s32 s10, $0x1;
	s10 =	sld [smem:$0x3FB6];
	_ =	sdelay $0x3  }
0x34: {  	[smem:$0x3FB6] =	sst s10  }
0x35: {  	s10 =	sld [smem:$0x3FB5];
	_ =	sdelay $0x3  }
0x36: {  	p1 =	seq.s32 s10, $0x1;
	s10 =	sld [smem:$0x3FB6];
	_ =	sdelay $0x3  }
0x37: {  	[smem:$0x3FB6] =	sst s10  }
0x38: {  	s10 =	sld [smem:$0x3FB7]  }
0x39: {  	_ = 	snop;
	(pc) =	sbr.ind lr, $3  }
0x3a: {  	_ = 	snop  }
0x3b: {  	_ = 	snop  }
0x3c: {  	p2 =	seq.s32 s10, $0x1;
	s10 =	sld [smem:$0x3FB6]  }
0x3d: {  	_ =	shalt  }
0x3e: {  	_ =	shalt  }
0x3f: {  	_ =	shalt  }
0x40: {  	_ =	shalt  }
0x41: {  	_ =	shalt  }
0x42: {  	_ =	shalt  }
0x43: {  	_ =	shalt  }
0x44: {  	_ =	shalt  }
0x45: {  	_ =	shalt  }
0x46: {  	_ =	shalt  }
0x47: {  	_ =	shalt  }
0x48: {  	_ =	shalt  }
0x49: {  	_ =	shalt  }
0x4a: {  	_ =	shalt  }
0x4b: {  	_ =	shalt  }
0x4c: {  	_ =	shalt  }
0x4d: {  	_ =	shalt  }
0x4e: {  	_ =	shalt  }
0x4f: {  	_ =	shalt  }
0x50: {  	_ =	shalt  }
0x51: {  	_ =	shalt  }
0x52: {  	_ =	shalt  }
0x53: {  	_ =	shalt  }
0x54: {  	_ =	shalt  }
0x55: {  	_ =	shalt  }
0x56: {  	_ =	shalt  }
0x57: {  	_ =	shalt  }
0x58: {  	_ =	shalt  }
0x59: {  	_ =	shalt  }
0x5a: {  	_ =	shalt  }
0x5b: {  	_ =	shalt  }
0x5c: {  	_ =	shalt  }
0x5d: {  	_ =	shalt  }
0x5e: {  	_ =	shalt  }
0x5f: {  	_ =	shalt  }
0x60: {  	_ =	shalt  }
0x61: {  	_ =	shalt  }
0x62: {  	_ =	shalt  }
0x63: {  	_ =	shalt  }
0x64: {  	_ =	shalt  }
0x65: {  	_ =	shalt  }
0x66: {  	_ =	shalt  }
0x67: {  	_ =	shalt  }
0x68: {  	_ =	shalt  }
0x69: {  	_ =	shalt  }
0x6a: {  	_ =	shalt  }
0x6b: {  	_ =	shalt  }
0x6c: {  	_ =	shalt  }
0x6d: {  	_ =	shalt  }
0x6e: {  	_ =	shalt  }
0x6f: {  	_ =	shalt  }
0x70: {  	_ =	shalt  }
0x71: {  	_ =	shalt  }
0x72: {  	_ =	shalt  }
0x73: {  	_ =	shalt  }
0x74: {  	_ =	shalt  }
0x75: {  	_ =	shalt  }
0x76: {  	_ =	shalt  }
0x77: {  	_ =	shalt  }
0x78: {  	_ =	shalt  }
0x79: {  	_ =	shalt  }
0x7a: {  	_ =	shalt  }
0x7b: {  	_ =	shalt  }
0x7c: {  	_ =	shalt  }
0x7d: {  	_ =	shalt  }
0x7e: {  	_ =	shalt  }
0x7f: {  	_ =	shalt  }
0x80: {  	_ =	shalt  }
0x81: {  	_ =	shalt  }
0x82: {  	_ =	shalt  }
0x83: {  	_ =	shalt  }
0x84: {  	_ =	shalt  }
0x85: {  	_ =	shalt  }
0x86: {  	_ =	shalt  }
0x87: {  	_ =	shalt  }
.Lfunc_end0:
.L_simem_size_0:
called_computation.1_lowered:
.L_overlay_start_0:
0x88: {  	s2 =	sld [smem:$0x3FD9]  }
0x89: {  	s3 =	sld [smem:$0x3FFE];
	_ =	sdelay $0x1  }
0x8a: {  	s1 =	srdreg.scid  }
0x8b: {  	s0 =	sand.u32 $0x1, s1  }
0x8c: {  	s16 =	sshll.u32 s0, $0xA;
	s2 =	sadd.s32 s3, s2  }
0x8d: {  	s2 =	sadd.s32 s2, s16  }
0x8e: {  	[smem:$0x3FC2] =	sst s2  }
0x8f: {  	_ = 	snop  }
0x90: {  	(tm) =	ssettm $0x1  }
0x91: {  	s17 =	sld [smem:$0x3FFB];
	_ =	sdelay $0x3  }
0x92: {  	_ =	strace s17  }
0x93: {  	s2 =	sld [smem:$0x3FFC];
	_ =	sdelay $0x3  }
0x94: {  	_ =	strace s2  }
0x95: {  	s2 =	sld [smem:$0x3FFD];
	_ =	sdelay $0x3  }
0x96: {  	_ =	strace s2  }
0x97: {  	_ =	strace $0x8FFFFFFF  }
0x98: {  	s18 =	sld [smem:$0x3FDB];
	_ =	sdelay $0x1  }
0x99: {  	s19 =	simm.s32 $_scs_section_size  }
0x9a: {  	s4 =	simm.s32 $_size__tile_overlayer_lowered;
	s5 =	simm.s32 $_tile_overlayer_lowered  }
0x9b: {  	s22 =	simm.s32 $0x1BFF;
	s21 =	sshll.u32 s5, $0x1;
	s2 =	sadd.s32 s19, s18  }
0x9c: {  	s6 =	simm.s32 $0x0;
	s20 =	sshll.u32 s4, $0x1;
	s4 =	sadd.s32 s21, s2  }
0x9d: {  	[timem:s6], [sflag:s22] =	dma.local [hbm:s4], s20  }
0x9e: {  	_ =	swait.ge [sflag:s22], s20  }
0x9f: {  	s3 =	ssub.s32 $0x0, s20;
	[sflag:s22] =	ssyncset.done $0x0  }
0xa0: {  	[sflag:s22] =	ssyncadd.s32 s3;
	_ =	sdelay $0x1  }
0xa1: {  	s23 =	simm.s32 $0x1B8B  }
0xa2: {  	_ =	swait.ge [sflag:s23], $0x1  }
0xa3: {  	[sflag:s23] =	ssyncset.done $0x0  }
0xa4: {  	s25 =	simm.s32 $0x1B8E;
	s24 =	sld [smem:$0x3FFE];
	[sflag:s23] =	ssyncadd.s32 $0xFFFFFFFF  }
0xa5: {  	s26 =	simm.s32 $execute0_lowered;
	[smem:$0x3FD2] =	sst s25  }
0xa6: {  	s4 =	sshll.u32 s26, $0x1;
	_ =	strace $0x80000049;
	[dreg:$0x1] =	wrdreg $0xFFFFFFFF  }
0xa7: {  	s28 =	simm.s32 $_size_execute0_lowered;
	s2 =	sadd.s32 s2, s4;
	[dreg:$0x0] =	wrdreg $0x0  }
0xa8: {  	s4 =	sshll.u32 s28, $0x1;
	[dreg:$0x2] =	wrdreg s2  }
0xa9: {  	[dreg:$0x3] =	wrdreg s4  }
0xaa: {  	[dreg:$0x4] =	wrdreg $0xC0  }
0xab: {  	_ =	task [dreg:s6], $0x5FFFF  }
0xac: {  	[dreg:$0x1] =	wrdreg $0xFFFFFFFF  }
0xad: {  	[dreg:$0x0] =	wrdreg $0x60  }
0xae: {  	[dreg:$0x2] =	wrdreg s24  }
0xaf: {  	[dreg:$0x3] =	wrdreg $0x152200  }
0xb0: {  	[dreg:$0x4] =	wrdreg $0x9  }
0xb1: {  	_ =	task.clear_ibuf [dreg:s6], $0x5FFFF;
	_ =	strace $0x90000049  }
0xb2: {  	s29 =	simm.s32 $0x9;
	_ =	strace $0x8000004B  }
0xb3: {  	_ =	swait.ge [sflag:s29], $0x1  }
0xb4: {  	[sflag:s29] =	ssyncadd.s32 $0xFFFFFFFF  }
0xb5: {  	_ =	strace $0x9000004B  }
0xb6: {  	_ =	sfence  }
0xb7: {  	s30 =	sld [smem:$0x0];
	_ =	sdelay $0x2  }
0xb8: {  	s31 =	sshll.u32 s1, $0xD;
	s1 =	sshrl.u32 s1, $0x2  }
0xb9: {  	s3 =	sand.u32 $0x4000, s31;
	s1 =	sadd.s32 s1, s30  }
0xba: {  	s0 =	sor.u32 s3, s0;
	s1 =	sshll.u32 s1, $0x11  }
0xbb: {  	s0 =	sor.u32 s1, s0  }
0xbc: {  	s0 =	sadd.s32 $0x8F2B, s0  }
0xbd: {  	[sflag:s0] =	ssyncadd.remote.s32 $0x1  }
0xbe: {  	_ =	sfence.sel $0xFFFF  }
0xbf: {  	[dreg:$0x0] =	wrdreg $0xFFFFFFFF;
	(pc) =	sbr.abs _section_cstart, $3  }
0xc0: {  	[dreg:$0x1] =	wrdreg $0xFFFFFFFF  }
0xc1: {  	_ =	task.clear_ibuf [dreg:s6], $0x2FFFF;
	_ =	strace $0x9FFFFFFF  }
0xc2: {  	(tm) =	ssettm $0x7FFFFFFF  }
0xc3: {  	_ =	shalt  }
tec
execute0_lowered:
.L_overlay_start_1:
0x0: {  	(tag) =	ssettag $0x1  }
0x1: {  	s0 =	rddreg [dreg:$0x0];
	s1 =	srdreg.scid  }
0x2: {  	s8 =	stileid.u32;
	s2 =	rddreg [dreg:$0x1]  }
0x3: {  	s11 =	simm.s32 $0x0;
	s26 =	simm.s32 $0x4E20;
	s29 =	simm.s32 $0x6220  }
0x4: {  	s30 =	simm.s32 $0x8A20;
	s28 =	simm.s32 $0x5;
	s12 =	simm.s32 $0xD  }
0x5: {  	s13 =	simm.s32 $0xE;
	s14 =	simm.s32 $0xF;
	s15 =	simm.s32 $0x10  }
0x6: {  	s10 =	simm.s32 $0x7;
	s16 =	simm.s32 $0x9;
	s31 =	simm.s32 $0xC  }
0x7: {  	s9 =	simm.s32 $0x10220;
	s1 =	sand.u32 $0x1, s1;
	s3 =	sshll.u32 s8, $0x1  }
0x8: {  	[smem:$0x7FF] =	sst s11;
	s4 =	sadd.s32 $0x3DC00, s0;
	s5 =	smul.u32 $0x28000, s8  }
0x9: {  	s8 =	smul.u32 $0xA000, s8;
	s3 =	sor.u32 s1, s3;
	_ =	strace $0x8000004A  }
0xa: {  	s6 =	smul.u32 $0x14000, s1;
	s1 =	ssub.s32 $0x2, s1;
	s5 =	sshrl.u32 s5, $0x2  }
0xb: {  	s3 =	smul.u32 $0x4E2, s3;
	s21 =	sadd.s32 s8, s2;
	s5 =	sadd.s32 s5, s2  }
0xc: {  	s7 =	sshrl.u32 s1, $0x1;
	[dreg:$0x4] =	wrdreg s21;
	s17 =	sadd.s32 $0x1400, s5  }
0xd: {  	s25 =	sshrl.u32 s8, $0x3;
	s18 =	sadd.s32 $0x2800, s5;
	[dreg:$0x5] =	wrdreg s17  }
0xe: {  	s8 =	simm.s32 $0x6;
	s19 =	sadd.s32 $0x3C00, s5;
	[dreg:$0x6] =	wrdreg s18  }
0xf: {  	s1 =	ssub.s32 s1, s7;
	s20 =	sadd.s32 $0x5000, s5;
	[dreg:$0x7] =	wrdreg s19  }
0x10: {  	s3 =	sadd.s32 s3, s0;
	s22 =	sadd.s32 $0x6400, s5;
	[dreg:$0x8] =	wrdreg s20  }
0x11: {  	s0 =	sadd.s32 s6, s0;
	s23 =	sadd.s32 $0x7800, s5;
	[dreg:$0x9] =	wrdreg s22  }
0x12: {  	s5 =	sadd.s32 $0x8C00, s5;
	s1 =	smax.u32 s1, $0x1;
	[dreg:$0xa] =	wrdreg s23  }
0x13: {  	s6 =	simm.s32 $0x9E20;
	[dreg:$0xb] =	wrdreg s5;
	s24 =	sadd.s32 $0xCC00, s3  }
.Ltmp0:
0x14: {  	s3 =	sadd.s32 $0x2E00, s3;
	s0 =	sadd.s32 $0x51600, s0;
	(pc) =	sbr.rel .LBB2_1-.Ltmp0, $4  }
0x15: {  	[dreg:$0xe] =	wrdreg s1;
	s22 =	simm.s32 $0x19;
	s19 =	simm.s32 $0x50  }
0x16: {  	s5 =	simm.s32 $0x8;
	s18 =	simm.s32 $0xB;
	[dreg:$0xc] =	wrdreg s24  }
0x17: {  	[dreg:$0xd] =	wrdreg s3;
	s0 =	sadd.s32 s25, s0;
	s25 =	simm.s32 $0x4  }
0x18: {  	v0 =	vimm.f32 $0.0e+00;
	s24 =	simm.s32 $0x11;
	s3 =	simm.s32 $0xA;
	[dreg:$0xf] =	wrdreg s0  }
.LBB2_11:
0x19: {  	_ =	swait.ge [sflag:s25], $0x1400  }
0x1a: {  	[sflag:s25] =	ssyncset.done $0x0  }
0x1b: {  	s30 =	simm.s32 $0x8A20;
	s7 =	simm.s32 $0x4D80;
	[sflag:s25] =	ssyncadd.s32 $0xFFFFEC00  }
0x1c: {  	[spmem:s2] =	stream.indirect.scatter.add.f32 [tilespmem:s30], [sflag:$0x10], $0x40, s7, s19, $0xb8;
	[tilespmem:$0x1F220] =	vst v63  }
0x1d: {  	_ =	swait.ge [sflag:s28], $0x1400  }
0x1e: {  	[sflag:s28] =	ssyncset.done $0x0  }
0x1f: {  	s11 =	sadd.s32 $0x2850, s17;
	[sflag:s28] =	ssyncadd.s32 $0xFFFFEC00  }
0x20: {  	[spmem:s2] =	stream.indirect.scatter.add.f32 [tilespmem:s6], [sflag:$0x11], $0x40, s11, s19, $0xb8;
	[tilespmem:$0x1F220] =	vst v63  }
.LBB2_8:
0x21: {  	s7 =	simm.s32 $0x12  }
0x22: {  	_ =	swait.ge [sflag:s7], $0x1400  }
0x23: {  	[sflag:s7] =	ssyncset.done $0x0  }
0x24: {  	s22 =	simm.s32 $0x13;
	[sflag:s7] =	ssyncadd.s32 $0xFFFFEC00  }
0x25: {  	_ =	swait.ge [sflag:s22], $0x1400  }
0x26: {  	[sflag:s22] =	ssyncset.done $0x0  }
0x27: {  	s23 =	simm.s32 $0x14;
	[sflag:s22] =	ssyncadd.s32 $0xFFFFEC00  }
0x28: {  	_ =	swait.ge [sflag:s23], $0x1400  }
0x29: {  	[sflag:s23] =	ssyncset.done $0x0  }
0x2a: {  	s0 =	simm.s32 $0x15;
	[sflag:s23] =	ssyncadd.s32 $0xFFFFEC00  }
0x2b: {  	_ =	swait.ge [sflag:s0], $0x1400  }
0x2c: {  	[sflag:s0] =	ssyncset.done $0x0  }
0x2d: {  	s1 =	simm.s32 $0x16;
	[sflag:s0] =	ssyncadd.s32 $0xFFFFEC00  }
0x2e: {  	_ =	swait.ge [sflag:s1], $0x1400  }
0x2f: {  	[sflag:s1] =	ssyncset.done $0x0  }
0x30: {  	s11 =	simm.s32 $0x17;
	[sflag:s1] =	ssyncadd.s32 $0xFFFFEC00  }
0x31: {  	_ =	swait.ge [sflag:s11], $0x1400  }
0x32: {  	[sflag:s11] =	ssyncset.done $0x0  }
0x33: {  	s17 =	simm.s32 $0x18;
	[sflag:s11] =	ssyncadd.s32 $0xFFFFEC00  }
0x34: {  	_ =	swait.ge [sflag:s17], $0x1400  }
0x35: {  	[sflag:s17] =	ssyncset.done $0x0  }
0x36: {  	[sflag:s17] =	ssyncadd.s32 $0xFFFFEC00  }
0x37: {  	_ =	swait.ge [sflag:s12], $0x1400  }
0x38: {  	[sflag:s12] =	ssyncset.done $0x0  }
0x39: {  	[sflag:s12] =	ssyncadd.s32 $0xFFFFEC00  }
0x3a: {  	_ =	swait.ge [sflag:s13], $0x1400  }
0x3b: {  	[sflag:s13] =	ssyncset.done $0x0  }
0x3c: {  	[sflag:s13] =	ssyncadd.s32 $0xFFFFEC00  }
0x3d: {  	_ =	swait.ge [sflag:s14], $0x1400  }
0x3e: {  	[sflag:s14] =	ssyncset.done $0x0  }
0x3f: {  	[sflag:s14] =	ssyncadd.s32 $0xFFFFEC00  }
0x40: {  	_ =	swait.ge [sflag:s15], $0x1400  }
0x41: {  	[sflag:s15] =	ssyncset.done $0x0  }
0x42: {  	[sflag:s15] =	ssyncadd.s32 $0xFFFFEC00  }
0x43: {  	_ =	swait.ge [sflag:s24], $0x1400  }
0x44: {  	[sflag:s24] =	ssyncset.done $0x0  }
0x45: {  	[sflag:s24] =	ssyncadd.s32 $0xFFFFEC00  }
0x46: {  	s11 =	stileid.u32;
	[bflag:$0x0] =	sbarrier.arrive $0xFFFF  }
0x47: {  	s22 =	simm.s32 $0x19;
	s11 =	sshll.u32 s11, $0x6;
	s21 =	rddreg [dreg:$0x4]  }
0x48: {  	s11 =	sor.u32 $0x1C19, s11;
	s20 =	rddreg [dreg:$0xf];
	s17 =	sshrl.u32 s21, $0x3  }
0x49: {  	[hbm:s20], [sflag:s11] =	dma.local [spmem:s17], $0x1400  }
0x4a: {  	_ =	swait.ge [sflag:s22], $0x1400  }
0x4b: {  	s20 =	rddreg [dreg:$0x3]  }
0x4c: {  	s23 =	rddreg [dreg:$0xe];
	s11 =	sadd.s32 $0x1, s20  }
0x4d: {  	p0 =	sne.s32 s11, s23  }
.Ltmp1:
0x4e: {  	_ = 	snop;
	(pc) =	sbr.rel @!p0 .LBB2_9-.Ltmp1, $3  }
0x4f: {  	_ =	sdelay $0x1  }
0x50: {  	[sflag:s22] =	ssyncset.done $0x0  }
0x51: {  	[sflag:s22] =	ssyncadd.s32 $0xFFFFEC00  }
.LBB2_1:
0x52: {  	[dreg:$0x3] =	wrdreg s11;
	s17 =	simm.s32 $0x100;
	s11 =	simm.s32 $0x0  }
.LBB2_2:
0x53: {  	p0 =	sne.s32 s17, $0x4F00;
	[tilespmem:s11+$0x13E50] =	vst v0;
	s20 =	smov.u32 s17;
	s17 =	sadd.s32 $0x100, s17  }
.Ltmp2:
0x54: {  	[tilespmem:s11+$0x13E40] =	vst v0;
	(pc) =	sbr.rel @p0 .LBB2_2-.Ltmp2, $3  }
0x55: {  	[tilespmem:s11+$0x13E20] =	vst v0  }
0x56: {  	[tilespmem:s11+$0x13E30] =	vst v0;
	_ =	sdelay $0x1  }
0x57: {  	s11 =	sshra.s32 s20, $0x2  }
0x58: {  	[tilespmem:s11+$0x13E50] =	vst v0  }
0x59: {  	[tilespmem:s11+$0x13E40] =	vst v0  }
0x5a: {  	[tilespmem:s11+$0x13E20] =	vst v0  }
0x5b: {  	[tilespmem:s11+$0x13E30] =	vst v0;
	s17 =	simm.s32 $0x13E20  }
0x5c: {  	[spmem:s21] =	stream.linear.scatter [tilespmem:s17], [sflag:$0x19], $0x1400, $0x38;
	[tilespmem:$0x1F220] =	vst v63  }
0x5d: {  	_ =	swait.ge [sflag:s22], $0x1400  }
0x5e: {  	[sflag:s22] =	ssyncset.done $0x0  }
0x5f: {  	s0 =	rddreg [dreg:$0x5];
	[sflag:s22] =	ssyncadd.s32 $0xFFFFEC00  }
0x60: {  	[spmem:s0] =	stream.linear.scatter [tilespmem:s17], [sflag:$0x19], $0x1400, $0x38;
	[tilespmem:$0x1F220] =	vst v63  }
0x61: {  	_ =	swait.ge [sflag:s22], $0x1400  }
0x62: {  	[sflag:s22] =	ssyncset.done $0x0  }
0x63: {  	s1 =	rddreg [dreg:$0x6];
	[sflag:s22] =	ssyncadd.s32 $0xFFFFEC00  }
0x64: {  	[spmem:s1] =	stream.linear.scatter [tilespmem:s17], [sflag:$0x19], $0x1400, $0x38;
	[tilespmem:$0x1F220] =	vst v63  }
0x65: {  	_ =	swait.ge [sflag:s22], $0x1400  }
0x66: {  	[sflag:s22] =	ssyncset.done $0x0  }
0x67: {  	s7 =	rddreg [dreg:$0x7];
	[sflag:s22] =	ssyncadd.s32 $0xFFFFEC00  }
0x68: {  	[spmem:s7] =	stream.linear.scatter [tilespmem:s17], [sflag:$0x19], $0x1400, $0x38;
	[tilespmem:$0x1F220] =	vst v63  }
0x69: {  	_ =	swait.ge [sflag:s22], $0x1400  }
0x6a: {  	[sflag:s22] =	ssyncset.done $0x0  }
0x6b: {  	s20 =	rddreg [dreg:$0x8];
	[sflag:s22] =	ssyncadd.s32 $0xFFFFEC00  }
0x6c: {  	[spmem:s20] =	stream.linear.scatter [tilespmem:s17], [sflag:$0x19], $0x1400, $0x38;
	[tilespmem:$0x1F220] =	vst v63  }
0x6d: {  	_ =	swait.ge [sflag:s22], $0x1400  }
0x6e: {  	[sflag:s22] =	ssyncset.done $0x0  }
0x6f: {  	s21 =	rddreg [dreg:$0x9];
	[sflag:s22] =	ssyncadd.s32 $0xFFFFEC00  }
0x70: {  	[spmem:s21] =	stream.linear.scatter [tilespmem:s17], [sflag:$0x19], $0x1400, $0x38;
	[tilespmem:$0x1F220] =	vst v63  }
0x71: {  	_ =	swait.ge [sflag:s22], $0x1400  }
0x72: {  	[sflag:s22] =	ssyncset.done $0x0  }
0x73: {  	s23 =	rddreg [dreg:$0xa];
	[sflag:s22] =	ssyncadd.s32 $0xFFFFEC00  }
0x74: {  	[spmem:s23] =	stream.linear.scatter [tilespmem:s17], [sflag:$0x19], $0x1400, $0x38;
	[tilespmem:$0x1F220] =	vst v63  }
0x75: {  	_ =	swait.ge [sflag:s22], $0x1400  }
0x76: {  	[sflag:s22] =	ssyncset.done $0x0  }
0x77: {  	s0 =	rddreg [dreg:$0xb];
	[sflag:s22] =	ssyncadd.s32 $0xFFFFEC00  }
0x78: {  	[spmem:s0] =	stream.linear.scatter [tilespmem:s17], [sflag:$0x19], $0x1400, $0x38;
	[tilespmem:$0x1F220] =	vst v63  }
0x79: {  	_ =	swait.ge [sflag:s22], $0x1400  }
0x7a: {  	[sflag:s22] =	ssyncset.done $0x0  }
0x7b: {  	s11 =	simm.s32 $0x0;
	s1 =	rddreg [dreg:$0xc];
	[sflag:s22] =	ssyncadd.s32 $0xFFFFEC00  }
0x7c: {  	[tilespmem:s11], [sflag:$0x19] =	stream.linear.gather [hbm4b:s1+s11], $0x2710, $0x38;
	[tilespmem:$0x1F220] =	vst v63  }
0x7d: {  	_ =	swait.ge [sflag:s22], $0x2710  }
0x7e: {  	[sflag:s22] =	ssyncset.done $0x0  }
0x7f: {  	s20 =	simm.s32 $0x2710;
	s7 =	rddreg [dreg:$0xd];
	[sflag:s22] =	ssyncadd.s32 $0xFFFFD8F0  }
0x80: {  	[tilespmem:s20], [sflag:$0x19] =	stream.linear.gather [hbm4b:s7+s11], $0x2710, $0x38;
	[tilespmem:$0x1F220] =	vst v63  }
0x81: {  	_ =	swait.ge [sflag:s22], $0x2710  }
0x82: {  	[sflag:s22] =	ssyncset.done $0x0  }
0x83: {  	[sflag:s22] =	ssyncadd.s32 $0xFFFFD8F0  }
0x84: {  	[tilespmem:s26], [sflag:$0x1] =	stream.indirect.gather [hbm4b:s4+s19], $0x40, s11, s19, $0xb8;
	[tilespmem:$0x1F220] =	vst v63  }
0x85: {  	_ = 	snop  }
0x86: {  	[tilespmem:s29], [sflag:$0x2] =	stream.indirect.gather [hbm4b:s4+s19], $0x40, s19, s19, $0xb8;
	[tilespmem:$0x1F220] =	vst v63  }
0x87: {  	s21 =	simm.s32 $0x7620;
	s20 =	simm.s32 $0xA0  }
0x88: {  	[tilespmem:s21], [sflag:$0x3] =	stream.indirect.gather [hbm4b:s4+s19], $0x40, s20, s19, $0xb8;
	[tilespmem:$0x1F220] =	vst v63  }
0x89: {  	s22 =	simm.s32 $0xF0  }
0x8a: {  	[tilespmem:s30], [sflag:$0x4] =	stream.indirect.gather [hbm4b:s4+s19], $0x40, s22, s19, $0xb8;
	[tilespmem:$0x1F220] =	vst v63  }
0x8b: {  	s23 =	simm.s32 $0x140  }
0x8c: {  	[tilespmem:s6], [sflag:$0x5] =	stream.indirect.gather [hbm4b:s4+s19], $0x40, s23, s19, $0xb8;
	[tilespmem:$0x1F220] =	vst v63  }
0x8d: {  	s7 =	simm.s32 $0x190;
	s30 =	simm.s32 $0xB220  }
0x8e: {  	[tilespmem:s30], [sflag:$0x6] =	stream.indirect.gather [hbm4b:s4+s19], $0x40, s7, s19, $0xb8;
	[tilespmem:$0x1F220] =	vst v63  }
0x8f: {  	s21 =	simm.s32 $0x3;
	s22 =	simm.s32 $0x0;
	[bflag:$0x0] =	sbarrier.arrive $0xFFFF  }
.LBB2_4:
0x90: {  	p0 =	seq.s32 s22, $0xA  }
.Ltmp3:
0x91: {  	s1 =	simm.s32 $0x1;
	(pc) =	sbr.rel @p0 .LBB2_10-.Ltmp3, $4  }
0x92: {  	_ =	swait.ge [sflag:s1], $0x1400  }
0x93: {  	s17 =	sshra.s32 s11, $0x2;
	[sflag:s1] =	ssyncset.done $0x0  }
0x94: {  	s20 =	sadd.s32 $0x2710, s17;
	[sflag:s1] =	ssyncadd.s32 $0xFFFFEC00  }
0x95: {  	[spmem:s2] =	stream.indirect.scatter.add.f32 [tilespmem:s26], [sflag:$0xD], $0x40, s20, s19, $0xb8;
	[tilespmem:$0x1F220] =	vst v63  }
0x96: {  	p0 =	sne.s32 s22, $0x0  }
0x97: {  	s20 =	simm.s32 @p0 $0x13  }
0x98: {  	_ =	swait.ge @p0 [sflag:s20], $0x1400  }
0x99: {  	[sflag:s20] =	ssyncset.done @p0 $0x0  }
0x9a: {  	[sflag:s20] =	ssyncadd.s32 @p0 $0xFFFFEC00;
	s20 =	sshra.s32 @p0 s11, $0x2  }
0x9b: {  	s26 =	simm.s32 @p0 $0x50;
	s29 =	simm.s32 @p0 $0xC620;
	s23 =	sadd.s32 @p0 $0x1E0, s20  }
0x9c: {  	[tilespmem:s29], [sflag:$0x7] =	stream.indirect.gather @p0 [hbm4b:s4+s26], $0x40, s23, s26, $0xb8;
	[tilespmem:$0x1F220] =	vst v63  }
0x9d: {  	s23 =	simm.s32 @p0 $0x2  }
0x9e: {  	_ =	swait.ge @p0 [sflag:s23], $0x1400  }
0x9f: {  	[sflag:s23] =	ssyncset.done @p0 $0x0  }
0xa0: {  	s20 =	sadd.s32 @p0 $0x2760, s20;
	[sflag:s23] =	ssyncadd.s32 @p0 $0xFFFFEC00;
	s23 =	simm.s32 @p0 $0x6220  }
0xa1: {  	[spmem:s2] =	stream.indirect.scatter.add.f32 @p0 [tilespmem:s23], [sflag:$0xE], $0x40, s20, s26, $0xb8;
	[tilespmem:$0x1F220] =	vst v63  }
0xa2: {  	s20 =	simm.s32 @p0 $0x14  }
0xa3: {  	_ =	swait.ge @p0 [sflag:s20], $0x1400  }
0xa4: {  	[sflag:s20] =	ssyncset.done @p0 $0x0  }
0xa5: {  	[sflag:s20] =	ssyncadd.s32 @p0 $0xFFFFEC00;
	s20 =	sshra.s32 @!p0 s11, $0x2  }
0xa6: {  	s23 =	simm.s32 @!p0 $0x50;
	s26 =	simm.s32 @!p0 $0xC620;
	s20 =	sadd.s32 @!p0 $0x1E0, s20  }
0xa7: {  	[tilespmem:s26], [sflag:$0x7] =	stream.indirect.gather @!p0 [hbm4b:s4+s23], $0x40, s20, s23, $0xb8;
	[tilespmem:$0x1F220] =	vst v63  }
0xa8: {  	s20 =	simm.s32 @!p0 $0x2  }
0xa9: {  	s30 =	sadd.s32 $0x230, s17;
	_ =	swait.ge @!p0 [sflag:s20], $0x1400  }
.Ltmp4:
0xaa: {  	s0 =	simm.s32 $0xDA20;
	[sflag:s20] =	ssyncset.done @!p0 $0x0;
	(pc) =	sbr.rel .LBB2_6-.Ltmp4, $4  }
0xab: {  	s26 =	simm.s32 @!p0 $0x6220;
	[sflag:s20] =	ssyncadd.s32 @!p0 $0xFFFFEC00;
	s20 =	simm.s32 @!p0 $0x2760  }
0xac: {  	[spmem:s2] =	stream.indirect.scatter.add.f32 @!p0 [tilespmem:s26], [sflag:$0xE], $0x40, s20, s23, $0xb8;
	[tilespmem:$0x1F220] =	vst v63  }
0xad: {  	s29 =	simm.s32 $0x6220;
	s20 =	sadd.s32 $0xFFFFFFFF, s21;
	s26 =	simm.s32 $0x4E20  }
0xae: {  	[tilespmem:s0], [sflag:$0x8] =	stream.indirect.gather [hbm4b:s4+s19], $0x40, s30, s19, $0xb8;
	[tilespmem:$0x1F220] =	vst v63  }
.LBB2_10:
0xaf: {  	s7 =	simm.s32 $0x2  }
0xb0: {  	_ =	swait.ge [sflag:s7], $0x1400  }
0xb1: {  	[sflag:s7] =	ssyncset.done $0x0  }
0xb2: {  	s30 =	simm.s32 $0x4CE0;
	s20 =	simm.s32 $0x7A;
	[sflag:s7] =	ssyncadd.s32 $0xFFFFEC00  }
0xb3: {  	[spmem:s2] =	stream.indirect.scatter.add.f32 [tilespmem:s29], [sflag:$0xE], $0x40, s30, s19, $0xb8;
	[tilespmem:$0x1F220] =	vst v63  }
.LBB2_6:
0xb4: {  	s23 =	smul.u32 $0x140, s20;
	p0 =	seq.s32 s11, $0x9600  }
.Ltmp5:
0xb5: {  	s0 =	simm.s32 $0x3;
	(pc) =	sbr.rel @p0 .LBB2_11-.Ltmp5, $4  }
0xb6: {  	_ =	swait.ge [sflag:s0], $0x1400  }
0xb7: {  	[sflag:s0] =	ssyncset.done $0x0;
	s23 =	sshra.s32 s23, $0x2  }
0xb8: {  	s30 =	simm.s32 $0x7620;
	[sflag:s0] =	ssyncadd.s32 $0xFFFFEC00;
	s23 =	sadd.s32 $0x2710, s23  }
0xb9: {  	[spmem:s2] =	stream.indirect.scatter.add.f32 [tilespmem:s30], [sflag:$0xF], $0x40, s23, s19, $0xb8;
	[tilespmem:$0x1F220] =	vst v63  }
0xba: {  	p0 =	slt.u32 s20, $0x6  }
0xbb: {  	s20 =	simm.s32 @!p0 $0x15  }
0xbc: {  	_ =	swait.ge @!p0 [sflag:s20], $0x1400  }
0xbd: {  	[sflag:s20] =	ssyncset.done @!p0 $0x0  }
0xbe: {  	s6 =	sadd.s32 $0x280, s17;
	s23 =	simm.s32 $0xEE20;
	[sflag:s20] =	ssyncadd.s32 @!p0 $0xFFFFEC00  }
0xbf: {  	[tilespmem:s23], [sflag:$0x9] =	stream.indirect.gather [hbm4b:s4+s19], $0x40, s6, s19, $0xb8;
	[tilespmem:$0x1F220] =	vst v63  }
0xc0: {  	_ =	swait.ge [sflag:s25], $0x1400  }
0xc1: {  	s7 =	sadd.s32 $0x2800, s17;
	p0 =	sgt.u32 s21, $0x5;
	[sflag:s25] =	ssyncset.done $0x0  }
0xc2: {  	s30 =	simm.s32 $0x8A20;
	s20 =	simm.s32 @p0 $0x16;
	[sflag:s25] =	ssyncadd.s32 $0xFFFFEC00  }
0xc3: {  	[spmem:s2] =	stream.indirect.scatter.add.f32 [tilespmem:s30], [sflag:$0x10], $0x40, s7, s19, $0xb8;
	[tilespmem:$0x1F220] =	vst v63  }
0xc4: {  	_ =	swait.ge @p0 [sflag:s20], $0x1400  }
0xc5: {  	[sflag:s20] =	ssyncset.done @p0 $0x0  }
0xc6: {  	s0 =	sadd.s32 $0x2D0, s17;
	[sflag:s20] =	ssyncadd.s32 @p0 $0xFFFFEC00  }
0xc7: {  	[tilespmem:s9], [sflag:$0xA] =	stream.indirect.gather [hbm4b:s4+s19], $0x40, s0, s19, $0xb8;
	[tilespmem:$0x1F220] =	vst v63  }
0xc8: {  	_ =	swait.ge [sflag:s28], $0x1400  }
0xc9: {  	s1 =	sadd.s32 $0x2850, s17;
	p0 =	seq.s32 s11, $0x0;
	[sflag:s28] =	ssyncset.done $0x0  }
0xca: {  	s7 =	simm.s32 $0x9E20;
	s20 =	simm.s32 @!p0 $0x17;
	[sflag:s28] =	ssyncadd.s32 $0xFFFFEC00  }
0xcb: {  	[spmem:s2] =	stream.indirect.scatter.add.f32 [tilespmem:s7], [sflag:$0x11], $0x40, s1, s19, $0xb8;
	[tilespmem:$0x1F220] =	vst v63  }
0xcc: {  	_ =	swait.ge @!p0 [sflag:s20], $0x1400  }
0xcd: {  	[sflag:s20] =	ssyncset.done @!p0 $0x0  }
0xce: {  	s6 =	sadd.s32 $0x320, s17;
	s1 =	simm.s32 $0x11620;
	[sflag:s20] =	ssyncadd.s32 @!p0 $0xFFFFEC00  }
0xcf: {  	[tilespmem:s1], [sflag:$0xB] =	stream.indirect.gather [hbm4b:s4+s19], $0x40, s6, s19, $0xb8;
	[tilespmem:$0x1F220] =	vst v63  }
0xd0: {  	_ =	swait.ge [sflag:s8], $0x1400  }
0xd1: {  	s0 =	sadd.s32 $0x28A0, s17;
	[sflag:s8] =	ssyncset.done $0x0  }
0xd2: {  	s20 =	simm.s32 @!p0 $0x18;
	s6 =	simm.s32 $0xB220;
	[sflag:s8] =	ssyncadd.s32 $0xFFFFEC00  }
0xd3: {  	[spmem:s2] =	stream.indirect.scatter.add.f32 [tilespmem:s6], [sflag:$0x12], $0x40, s0, s19, $0xb8;
	[tilespmem:$0x1F220] =	vst v63  }
0xd4: {  	_ =	swait.ge @!p0 [sflag:s20], $0x1400  }
0xd5: {  	[sflag:s20] =	ssyncset.done @!p0 $0x0  }
0xd6: {  	s6 =	sadd.s32 $0x370, s17;
	s0 =	simm.s32 $0x12A20;
	[sflag:s20] =	ssyncadd.s32 @!p0 $0xFFFFEC00  }
0xd7: {  	[tilespmem:s0], [sflag:$0xC] =	stream.indirect.gather [hbm4b:s4+s19], $0x40, s6, s19, $0xb8;
	[tilespmem:$0x1F220] =	vst v63  }
0xd8: {  	_ =	swait.ge [sflag:s10], $0x1400  }
0xd9: {  	[sflag:s10] =	ssyncset.done $0x0  }
0xda: {  	s20 =	sadd.s32 $0x28F0, s17;
	s6 =	simm.s32 $0xC620;
	[sflag:s10] =	ssyncadd.s32 $0xFFFFEC00  }
0xdb: {  	[spmem:s2] =	stream.indirect.scatter.add.f32 [tilespmem:s6], [sflag:$0x13], $0x40, s20, s19, $0xb8;
	[tilespmem:$0x1F220] =	vst v63  }
0xdc: {  	_ =	swait.ge [sflag:s12], $0x1400  }
0xdd: {  	[sflag:s12] =	ssyncset.done $0x0  }
0xde: {  	s6 =	sadd.s32 $0x3C0, s17;
	[sflag:s12] =	ssyncadd.s32 $0xFFFFEC00  }
0xdf: {  	[tilespmem:s26], [sflag:$0x1] =	stream.indirect.gather [hbm4b:s4+s19], $0x40, s6, s19, $0xb8;
	[tilespmem:$0x1F220] =	vst v63  }
0xe0: {  	_ =	swait.ge [sflag:s5], $0x1400  }
0xe1: {  	[sflag:s5] =	ssyncset.done $0x0  }
0xe2: {  	s20 =	sadd.s32 $0x2940, s17;
	s6 =	simm.s32 $0xDA20;
	[sflag:s5] =	ssyncadd.s32 $0xFFFFEC00  }
0xe3: {  	[spmem:s2] =	stream.indirect.scatter.add.f32 [tilespmem:s6], [sflag:$0x14], $0x40, s20, s19, $0xb8;
	[tilespmem:$0x1F220] =	vst v63  }
0xe4: {  	_ =	swait.ge [sflag:s13], $0x1400  }
0xe5: {  	[sflag:s13] =	ssyncset.done $0x0  }
0xe6: {  	s6 =	sadd.s32 $0x410, s17;
	[sflag:s13] =	ssyncadd.s32 $0xFFFFEC00  }
0xe7: {  	[tilespmem:s29], [sflag:$0x2] =	stream.indirect.gather [hbm4b:s4+s19], $0x40, s6, s19, $0xb8;
	[tilespmem:$0x1F220] =	vst v63  }
0xe8: {  	_ =	swait.ge [sflag:s16], $0x1400  }
0xe9: {  	[sflag:s16] =	ssyncset.done $0x0  }
0xea: {  	s6 =	sadd.s32 $0x2990, s17;
	[sflag:s16] =	ssyncadd.s32 $0xFFFFEC00  }
0xeb: {  	[spmem:s2] =	stream.indirect.scatter.add.f32 [tilespmem:s23], [sflag:$0x15], $0x40, s6, s19, $0xb8;
	[tilespmem:$0x1F220] =	vst v63  }
0xec: {  	_ =	swait.ge [sflag:s14], $0x1400  }
0xed: {  	[sflag:s14] =	ssyncset.done $0x0  }
0xee: {  	s23 =	sadd.s32 $0x460, s17;
	s6 =	simm.s32 $0x7620;
	[sflag:s14] =	ssyncadd.s32 $0xFFFFEC00  }
0xef: {  	[tilespmem:s6], [sflag:$0x3] =	stream.indirect.gather [hbm4b:s4+s19], $0x40, s23, s19, $0xb8;
	[tilespmem:$0x1F220] =	vst v63  }
0xf0: {  	_ =	swait.ge [sflag:s3], $0x1400  }
0xf1: {  	[sflag:s3] =	ssyncset.done $0x0  }
0xf2: {  	s23 =	sadd.s32 $0x29E0, s17;
	[sflag:s3] =	ssyncadd.s32 $0xFFFFEC00  }
0xf3: {  	[spmem:s2] =	stream.indirect.scatter.add.f32 [tilespmem:s9], [sflag:$0x16], $0x40, s23, s19, $0xb8;
	[tilespmem:$0x1F220] =	vst v63  }
0xf4: {  	_ =	swait.ge [sflag:s15], $0x1400  }
0xf5: {  	[sflag:s15] =	ssyncset.done $0x0  }
0xf6: {  	s6 =	sadd.s32 $0x4B0, s17;
	[sflag:s15] =	ssyncadd.s32 $0xFFFFEC00  }
0xf7: {  	[tilespmem:s30], [sflag:$0x4] =	stream.indirect.gather [hbm4b:s4+s19], $0x40, s6, s19, $0xb8;
	[tilespmem:$0x1F220] =	vst v63  }
0xf8: {  	_ =	swait.ge [sflag:s18], $0x1400  }
0xf9: {  	[sflag:s18] =	ssyncset.done $0x0  }
0xfa: {  	s23 =	sadd.s32 $0x2A30, s17;
	[sflag:s18] =	ssyncadd.s32 $0xFFFFEC00  }
0xfb: {  	[spmem:s2] =	stream.indirect.scatter.add.f32 [tilespmem:s1], [sflag:$0x17], $0x40, s23, s19, $0xb8;
	[tilespmem:$0x1F220] =	vst v63  }
0xfc: {  	_ =	swait.ge [sflag:s24], $0x1400  }
0xfd: {  	[sflag:s24] =	ssyncset.done $0x0  }
0xfe: {  	s1 =	sadd.s32 $0x500, s17;
	[sflag:s24] =	ssyncadd.s32 $0xFFFFEC00  }
0xff: {  	[tilespmem:s7], [sflag:$0x5] =	stream.indirect.gather [hbm4b:s4+s19], $0x40, s1, s19, $0xb8;
	[tilespmem:$0x1F220] =	vst v63  }
0x100: {  	_ =	swait.ge [sflag:s31], $0x1400  }
0x101: {  	p0 =	sgt.u32 s22, $0x8;
	[sflag:s31] =	ssyncset.done $0x0  }
0x102: {  	s23 =	sadd.s32 $0x2A80, s17;
	s17 =	simm.s32 @!p0 $0x12;
	[sflag:s31] =	ssyncadd.s32 $0xFFFFEC00  }
0x103: {  	[spmem:s2] =	stream.indirect.scatter.add.f32 [tilespmem:s0], [sflag:$0x18], $0x40, s23, s19, $0xb8;
	[tilespmem:$0x1F220] =	vst v63  }
0x104: {  	_ =	swait.ge @!p0 [sflag:s17], $0x1400  }
0x105: {  	[sflag:s17] =	ssyncset.done @!p0 $0x0  }
0x106: {  	s20 =	simm.s32 @!p0 $0x50;
	[sflag:s17] =	ssyncadd.s32 @!p0 $0xFFFFEC00;
	s17 =	sshra.s32 @!p0 s11, $0x2  }
0x107: {  	s23 =	simm.s32 @!p0 $0xB220;
	s11 =	sadd.s32 $0xF00, s11;
	s17 =	sadd.s32 @!p0 $0x550, s17  }
0x108: {  	[tilespmem:s23], [sflag:$0x6] =	stream.indirect.gather @!p0 [hbm4b:s4+s20], $0x40, s17, s20, $0xb8;
	[tilespmem:$0x1F220] =	vst v63  }
0x109: {  	p0 =	sne.s32 s11, $0xA500  }
.Ltmp6:
0x10a: {  	_ = 	snop;
	(pc) =	sbr.rel @p0 .LBB2_4-.Ltmp6, $4  }
.Ltmp7:
0x10b: {  	_ = 	snop;
	(pc) =	sbr.rel @!p0 .LBB2_8-.Ltmp7, $4  }
0x10c: {  	_ = 	snop  }
0x10d: {  	_ = 	snop  }
0x10e: {  	s21 =	sadd.s32 $0xC, s21;
	s22 =	sadd.s32 $0x1, s22;
	s6 =	simm.s32 $0x9E20  }
0x10f: {  	_ = 	snop  }
.LBB2_9:
0x110: {  	_ =	sfence.sel $0x180000  }
0x111: {  	[bflag:$0x0] =	sbarrier.arrive $0xFFFF  }
0x112: {  	_ =	strace $0x9000004A  }
0x113: {  	s0 =	stileid.u32;
	[bflag:$0x2] =	sbarrier.arrive $0xFFFF  }
0x114: {  	p0 =	sne.s32 s0, $0x0;
	s0 =	rddreg [dreg:$0x2]  }
0x115: {  	s0 =	sadd.s32 @!p0 $0x100000, s0  }
0x116: {  	[sflag:s0] =	ssyncadd.tile.s32 @!p0 $0x1;
	_ =	shalt  }
.Lfunc_end2:
_tile_overlayer_lowered:
.L_overlay_start_2:
0x117: {  	(tag) =	ssettag $0x2  }
0x118: {  	s0 =	rddreg [dreg:$0x0];
	s2 =	stileid.u32  }
0x119: {  	s1 =	rddreg [dreg:$0x1];
	p0 =	sne.s32 s2, $0x0  }
0x11a: {  	s3 =	rddreg [dreg:$0x2];
	[bflag:$0x3] =	sbarrier.arrive $0xFFFF;
	s2 =	simm.s32 @!p0 $0x1C19  }
0x11b: {  	[timem:s3], [sflag:s2] =	dma.local @!p0 [hbm:s0], s1  }
0x11c: {  	s0 =	simm.s32 @!p0 $0x19  }
0x11d: {  	_ =	swait.ge @!p0 [sflag:s0], s1  }
0x11e: {  	s1 =	ssub.s32 @!p0 $0x0, s1;
	[sflag:s0] =	ssyncset.done @!p0 $0x0  }
0x11f: {  	[sflag:s0] =	ssyncadd.s32 @!p0 s1  }
0x120: {  	[bflag:$0x3] =	sbarrier.arrive $0xFFFF  }
0x121: {  	_ =	shalt  }

// kernel: sc_row_aggregate.7.cloned.1.call-start
scs
__scs_entry_jumppad:
0x0: {  	(pc) =	sbr.rel $0x88, $3  }
0x1: {  	(tag) =	ssettag $0x0;
	lr =	simm.s32 $0x1  }
0x2: {  	[smem:$0x3F9B] =	sst lr;
	_ =	strace $0xD0000000  }
0x3: {  	_ = 	snop  }
0x4: {  	_ = 	snop  }
0x5: {  	_ = 	snop  }
0x6: {  	_ = 	snop  }
0x7: {  	_ = 	snop  }
__scs_overlays_trampoline_lowered:
0x8: {  	[smem:$0x3FAA] =	sst s0  }
0x9: {  	[smem:$0x3FAB] =	sst s1  }
0xa: {  	[smem:$0x3FAC] =	sst s2  }
0xb: {  	[smem:$0x3FAD] =	sst s3  }
0xc: {  	[smem:$0x3FAE] =	sst s4  }
0xd: {  	[smem:$0x3FAF] =	sst s5  }
0xe: {  	[smem:$0x3FB0] =	sst s6  }
0xf: {  	[smem:$0x3FB1] =	sst s7  }
0x10: {  	[smem:$0x3FB2] =	sst s8  }
0x11: {  	[smem:$0x3FB3] =	sst s9;
	s0 =	simm.s32 @!p0 $0x0  }
0x12: {  	s1 =	sld [smem:$0x3F99];
	s0 =	simm.s32 @p0 $0x1  }
0x13: {  	[smem:$0x3FB4] =	sst s0;
	s0 =	simm.s32 @!p1 $0x0  }
0x14: {  	s2 =	sld [smem:$0x3F98];
	s0 =	simm.s32 @p1 $0x1  }
0x15: {  	[smem:$0x3FB5] =	sst s0;
	s0 =	simm.s32 @!p2 $0x0  }
0x16: {  	s3 =	sld [smem:$0x3FDB];
	s0 =	simm.s32 @p2 $0x1  }
0x17: {  	s4 =	simm.s32 $0x1BF5;
	[smem:$0x3FB7] =	sst s0  }
0x18: {  	s0 =	sld [smem:$0x3F9A];
	_ =	swait.ge [sflag:s4], $0x0  }
0x19: {  	s7 =	sld [smem:$0x3F9B]  }
0x1a: {  	s8 =	sadd.s32 $0xFFFFE003, lr  }
0x1b: {  	s9 =	sadd.s32 $0xFFFFFEF7, lr;
	s5 =	simm.s32 $0xFFFFFFFF;
	p2 =	slt.u32 s8, $0xFFFFF086  }
0x1c: {  	p1 =	slt.u32 s9, $0xF7A;
	s5 =	simm.s32 @!p2 $0x0  }
0x1d: {  	s5 =	simm.s32 @p1 $0x1;
	p0 =	seq.s32 s7, s2  }
0x1e: {  	s7 =	smul.u32 @!p0 $0xF7A, s2;
	p2 =	seq.s32 @!p0 s5, $0x0  }
0x1f: {  	s9 =	smul.u32 $0xF7A, s1;
	s8 =	simm.s32 @!p0 $0x1BF5;
	p2 =	por !p2, p0  }
0x20: {  	[sflag:s8] =	ssyncset.s32 @!p0 $0xFFFFF086;
	s6 =	sadd.s32 @!p0 s3, s7;
	s7 =	simm.s32 @!p0 $0x108  }
0x21: {  	s3 =	sadd.s32 s3, s9;
	s6 =	sadd.s32 @!p0 $0x88, s6;
	s7 =	simm.s32 @p2 $0x1082  }
0x22: {  	[simem:s7], [sflag:s8] =	dma.local @!p0 [hbm:s6], $0xF7A  }
0x23: {  	s9 =	sor.u32 $0xD0000000, s2;
	s6 =	simm.s32 $0x108;
	_ =	swait.ge @!p0 [sflag:s8], $0x0  }
0x24: {  	s3 =	sadd.s32 $0x88, s3;
	s6 =	simm.s32 @!p1 $0x1082;
	[sflag:s4] =	ssyncset.s32 $0xFFFFF086  }
0x25: {  	[simem:s6], [sflag:s4] =	dma.local [hbm:s3], $0xF7A  }
0x26: {  	[smem:$0x3F9B] =	sst s1;
	(tag) =	ssettag s2;
	_ =	strace s9  }
0x27: {  	s1 =	sld [smem:$0x3FAB]  }
0x28: {  	s2 =	sld [smem:$0x3FAC]  }
0x29: {  	s4 =	sld [smem:$0x3FAE]  }
0x2a: {  	p0 =	seq.s32 s5, $0x0;
	s5 =	sld [smem:$0x3FAF]  }
0x2b: {  	s6 =	sld [smem:$0x3FB0]  }
0x2c: {  	s7 =	sld [smem:$0x3FB1]  }
0x2d: {  	s3 =	simm.s32 $0x108;
	s8 =	sld [smem:$0x3FB2]  }
0x2e: {  	s3 =	simm.s32 @!p0 $0x1082;
	s9 =	sld [smem:$0x3FB3]  }
0x2f: {  	lr =	sadd.s32 s0, s3;
	s0 =	sld [smem:$0x3FAA]  }
0x30: {  	s3 =	sld [smem:$0x3FAD]  }
0x31: {  	[smem:$0x3FB6] =	sst s10  }
0x32: {  	s10 =	sld [smem:$0x3FB4];
	_ =	sdelay $0x3  }
0x33: {  	p0 =	seq.s32 s10, $0x1;
	s10 =	sld [smem:$0x3FB6];
	_ =	sdelay $0x3  }
0x34: {  	[smem:$0x3FB6] =	sst s10  }
0x35: {  	s10 =	sld [smem:$0x3FB5];
	_ =	sdelay $0x3  }
0x36: {  	p1 =	seq.s32 s10, $0x1;
	s10 =	sld [smem:$0x3FB6];
	_ =	sdelay $0x3  }
0x37: {  	[smem:$0x3FB6] =	sst s10  }
0x38: {  	s10 =	sld [smem:$0x3FB7]  }
0x39: {  	_ = 	snop;
	(pc) =	sbr.ind lr, $3  }
0x3a: {  	_ = 	snop  }
0x3b: {  	_ = 	snop  }
0x3c: {  	p2 =	seq.s32 s10, $0x1;
	s10 =	sld [smem:$0x3FB6]  }
0x3d: {  	_ =	shalt  }
0x3e: {  	_ =	shalt  }
0x3f: {  	_ =	shalt  }
0x40: {  	_ =	shalt  }
0x41: {  	_ =	shalt  }
0x42: {  	_ =	shalt  }
0x43: {  	_ =	shalt  }
0x44: {  	_ =	shalt  }
0x45: {  	_ =	shalt  }
0x46: {  	_ =	shalt  }
0x47: {  	_ =	shalt  }
0x48: {  	_ =	shalt  }
0x49: {  	_ =	shalt  }
0x4a: {  	_ =	shalt  }
0x4b: {  	_ =	shalt  }
0x4c: {  	_ =	shalt  }
0x4d: {  	_ =	shalt  }
0x4e: {  	_ =	shalt  }
0x4f: {  	_ =	shalt  }
0x50: {  	_ =	shalt  }
0x51: {  	_ =	shalt  }
0x52: {  	_ =	shalt  }
0x53: {  	_ =	shalt  }
0x54: {  	_ =	shalt  }
0x55: {  	_ =	shalt  }
0x56: {  	_ =	shalt  }
0x57: {  	_ =	shalt  }
0x58: {  	_ =	shalt  }
0x59: {  	_ =	shalt  }
0x5a: {  	_ =	shalt  }
0x5b: {  	_ =	shalt  }
0x5c: {  	_ =	shalt  }
0x5d: {  	_ =	shalt  }
0x5e: {  	_ =	shalt  }
0x5f: {  	_ =	shalt  }
0x60: {  	_ =	shalt  }
0x61: {  	_ =	shalt  }
0x62: {  	_ =	shalt  }
0x63: {  	_ =	shalt  }
0x64: {  	_ =	shalt  }
0x65: {  	_ =	shalt  }
0x66: {  	_ =	shalt  }
0x67: {  	_ =	shalt  }
0x68: {  	_ =	shalt  }
0x69: {  	_ =	shalt  }
0x6a: {  	_ =	shalt  }
0x6b: {  	_ =	shalt  }
0x6c: {  	_ =	shalt  }
0x6d: {  	_ =	shalt  }
0x6e: {  	_ =	shalt  }
0x6f: {  	_ =	shalt  }
0x70: {  	_ =	shalt  }
0x71: {  	_ =	shalt  }
0x72: {  	_ =	shalt  }
0x73: {  	_ =	shalt  }
0x74: {  	_ =	shalt  }
0x75: {  	_ =	shalt  }
0x76: {  	_ =	shalt  }
0x77: {  	_ =	shalt  }
0x78: {  	_ =	shalt  }
0x79: {  	_ =	shalt  }
0x7a: {  	_ =	shalt  }
0x7b: {  	_ =	shalt  }
0x7c: {  	_ =	shalt  }
0x7d: {  	_ =	shalt  }
0x7e: {  	_ =	shalt  }
0x7f: {  	_ =	shalt  }
0x80: {  	_ =	shalt  }
0x81: {  	_ =	shalt  }
0x82: {  	_ =	shalt  }
0x83: {  	_ =	shalt  }
0x84: {  	_ =	shalt  }
0x85: {  	_ =	shalt  }
0x86: {  	_ =	shalt  }
0x87: {  	_ =	shalt  }
.Lfunc_end0:
.L_simem_size_0:
called_computation.2_lowered:
.L_overlay_start_0:
0x88: {  	s2 =	sld [smem:$0x3FD9]  }
0x89: {  	s3 =	sld [smem:$0x3FFE];
	_ =	sdelay $0x1  }
0x8a: {  	s1 =	srdreg.scid  }
0x8b: {  	s0 =	sand.u32 $0x1, s1  }
0x8c: {  	s17 =	sshll.u32 s0, $0xA;
	s2 =	sadd.s32 s3, s2  }
0x8d: {  	s2 =	sadd.s32 s2, s17  }
0x8e: {  	[smem:$0x3FC2] =	sst s2  }
0x8f: {  	_ = 	snop  }
0x90: {  	s2 =	sld [smem:$0x3FD0];
	(tm) =	ssettm $0x1  }
0x91: {  	s18 =	sld [smem:$0x3FFB];
	_ =	sdelay $0x3  }
0x92: {  	_ =	strace s18  }
0x93: {  	s3 =	sld [smem:$0x3FFC];
	_ =	sdelay $0x3  }
0x94: {  	_ =	strace s3  }
0x95: {  	s3 =	sld [smem:$0x3FFD];
	_ =	sdelay $0x3  }
0x96: {  	_ =	strace s3  }
0x97: {  	_ =	strace $0x8FFFFFFF  }
0x98: {  	s19 =	sld [smem:$0x3FDB];
	_ =	sdelay $0x1  }
0x99: {  	s4 =	simm.s32 $_scs_section_size  }
0x9a: {  	s5 =	simm.s32 $_size__tile_overlayer_lowered;
	s6 =	simm.s32 $_tile_overlayer_lowered  }
0x9b: {  	s22 =	simm.s32 $0x1BFF;
	s21 =	sshll.u32 s6, $0x1;
	s3 =	sadd.s32 s4, s19  }
0x9c: {  	s7 =	simm.s32 $0x0;
	s20 =	sshll.u32 s5, $0x1;
	s5 =	sadd.s32 s21, s3  }
0x9d: {  	[timem:s7], [sflag:s22] =	dma.local [hbm:s5], s20  }
0x9e: {  	_ =	swait.ge [sflag:s22], s20  }
0x9f: {  	s4 =	ssub.s32 $0x0, s20;
	[sflag:s22] =	ssyncset.done $0x0  }
0xa0: {  	[sflag:s22] =	ssyncadd.s32 s4;
	_ =	sdelay $0x1  }
0xa1: {  	s23 =	simm.s32 $0x1B8B  }
0xa2: {  	_ =	swait.ge [sflag:s23], $0x1  }
0xa3: {  	[sflag:s23] =	ssyncset.done $0x0  }
0xa4: {  	s25 =	simm.s32 $0x1B8E;
	s24 =	sld [smem:$0x3FFE];
	[sflag:s23] =	ssyncadd.s32 $0xFFFFFFFF  }
0xa5: {  	s26 =	simm.s32 $execute0_lowered;
	[smem:$0x3FD2] =	sst s25  }
0xa6: {  	s5 =	sshll.u32 s26, $0x1;
	_ =	strace $0x8000004C;
	[dreg:$0x1] =	wrdreg $0xFFFFFFFF  }
0xa7: {  	s28 =	simm.s32 $_size_execute0_lowered;
	s3 =	sadd.s32 s3, s5;
	[dreg:$0x0] =	wrdreg $0x0  }
0xa8: {  	s5 =	sshll.u32 s28, $0x1;
	[dreg:$0x2] =	wrdreg s3  }
0xa9: {  	[dreg:$0x3] =	wrdreg s5  }
0xaa: {  	[dreg:$0x4] =	wrdreg $0xC0  }
0xab: {  	_ =	task [dreg:s7], $0x5FFFF  }
0xac: {  	[dreg:$0x1] =	wrdreg $0xFFFFFFFF  }
0xad: {  	[dreg:$0x0] =	wrdreg $0x60  }
0xae: {  	[dreg:$0x2] =	wrdreg s2  }
0xaf: {  	[dreg:$0x3] =	wrdreg s24  }
0xb0: {  	[dreg:$0x4] =	wrdreg $0x8F200  }
0xb1: {  	[dreg:$0x5] =	wrdreg $0x9  }
0xb2: {  	_ =	task.clear_ibuf [dreg:s7], $0x6FFFF;
	_ =	strace $0x9000004C  }
0xb3: {  	s29 =	simm.s32 $0x9;
	_ =	strace $0x8000004E  }
0xb4: {  	_ =	swait.ge [sflag:s29], $0x1  }
0xb5: {  	[sflag:s29] =	ssyncadd.s32 $0xFFFFFFFF  }
0xb6: {  	_ =	strace $0x9000004E  }
0xb7: {  	_ =	sfence  }
0xb8: {  	s30 =	sld [smem:$0x0];
	_ =	sdelay $0x2  }
0xb9: {  	s31 =	sshll.u32 s1, $0xD;
	s1 =	sshrl.u32 s1, $0x2  }
0xba: {  	s3 =	sand.u32 $0x4000, s31;
	s1 =	sadd.s32 s1, s30  }
0xbb: {  	s0 =	sor.u32 s3, s0;
	s1 =	sshll.u32 s1, $0x11  }
0xbc: {  	s0 =	sor.u32 s1, s0  }
0xbd: {  	s0 =	sadd.s32 $0x8F2B, s0  }
0xbe: {  	[sflag:s0] =	ssyncadd.remote.s32 $0x1  }
0xbf: {  	_ =	sfence.sel $0xFFFF  }
0xc0: {  	[dreg:$0x0] =	wrdreg $0xFFFFFFFF;
	(pc) =	sbr.abs _section_cstart, $3  }
0xc1: {  	[dreg:$0x1] =	wrdreg $0xFFFFFFFF  }
0xc2: {  	_ =	task.clear_ibuf [dreg:s7], $0x2FFFF;
	_ =	strace $0x9FFFFFFF  }
0xc3: {  	(tm) =	ssettm $0x7FFFFFFF  }
tec
execute0_lowered:
.L_overlay_start_1:
0x0: {  	(tag) =	ssettag $0x1  }
0x1: {  	s1 =	rddreg [dreg:$0x0]  }
0x2: {  	s0 =	rddreg [dreg:$0x1]  }
0x3: {  	s2 =	srdreg.scid;
	s8 =	stileid.u32  }
0x4: {  	s3 =	rddreg [dreg:$0x2];
	s11 =	simm.s32 $0x0;
	s26 =	simm.s32 $0x4E20  }
0x5: {  	s29 =	simm.s32 $0x5320;
	s30 =	simm.s32 $0x5D20;
	s28 =	simm.s32 $0x5  }
0x6: {  	s12 =	simm.s32 $0xD;
	s13 =	simm.s32 $0xE;
	s14 =	simm.s32 $0xF  }
0x7: {  	s15 =	simm.s32 $0x10;
	s10 =	simm.s32 $0x7;
	s16 =	simm.s32 $0x9  }
0x8: {  	s31 =	simm.s32 $0xC;
	s9 =	simm.s32 $0x7B20;
	s2 =	sand.u32 $0x1, s2  }
0x9: {  	s4 =	sshll.u32 s8, $0x1;
	[smem:$0x7FF] =	sst s11;
	s5 =	smul.u32 $0xA000, s8  }
0xa: {  	s8 =	smul.u32 $0x2800, s8;
	s4 =	sor.u32 s2, s4;
	_ =	strace $0x8000004D  }
0xb: {  	s6 =	smul.u32 $0x5000, s2;
	s2 =	ssub.s32 $0x2, s2;
	s5 =	sshrl.u32 s5, $0x2  }
0xc: {  	s4 =	smul.u32 $0x4E2, s4;
	s20 =	sadd.s32 s8, s3;
	s5 =	sadd.s32 s5, s3  }
0xd: {  	s7 =	sshrl.u32 s2, $0x1;
	[dreg:$0x5] =	wrdreg s20;
	s17 =	sadd.s32 $0x500, s5  }
0xe: {  	s25 =	sshrl.u32 s8, $0x3;
	s18 =	sadd.s32 $0xA00, s5;
	[dreg:$0x6] =	wrdreg s17  }
0xf: {  	s8 =	simm.s32 $0x6;
	s19 =	sadd.s32 $0xF00, s5;
	[dreg:$0x7] =	wrdreg s18  }
0x10: {  	s2 =	ssub.s32 s2, s7;
	s21 =	sadd.s32 $0x1400, s5;
	[dreg:$0x8] =	wrdreg s19  }
0x11: {  	s4 =	sadd.s32 s4, s0;
	s22 =	sadd.s32 $0x1900, s5;
	[dreg:$0x9] =	wrdreg s21  }
0x12: {  	s0 =	sadd.s32 s6, s0;
	s23 =	sadd.s32 $0x1E00, s5;
	[dreg:$0xa] =	wrdreg s22  }
0x13: {  	s5 =	sadd.s32 $0x2300, s5;
	s2 =	smax.u32 s2, $0x1;
	[dreg:$0xb] =	wrdreg s23  }
0x14: {  	s6 =	simm.s32 $0x6220;
	[dreg:$0xc] =	wrdreg s5;
	s24 =	sadd.s32 $0xCC00, s4  }
.Ltmp0:
0x15: {  	s4 =	sadd.s32 $0x2E00, s4;
	s0 =	sadd.s32 $0x3DC00, s0;
	(pc) =	sbr.rel .LBB2_1-.Ltmp0, $4  }
0x16: {  	[dreg:$0xf] =	wrdreg s2;
	s21 =	simm.s32 $0x19;
	s19 =	simm.s32 $0x50  }
0x17: {  	s5 =	simm.s32 $0x8;
	s18 =	simm.s32 $0xB;
	[dreg:$0xd] =	wrdreg s24  }
0x18: {  	[dreg:$0xe] =	wrdreg s4;
	s0 =	sadd.s32 s25, s0;
	s25 =	simm.s32 $0x4  }
0x19: {  	v0 =	vimm.f32 $0.0e+00;
	s24 =	simm.s32 $0x11;
	s4 =	simm.s32 $0xA;
	[dreg:$0x10] =	wrdreg s0  }
.LBB2_11:
0x1a: {  	_ =	swait.ge [sflag:s25], $0x500  }
0x1b: {  	[sflag:s25] =	ssyncset.done $0x0  }
0x1c: {  	s30 =	simm.s32 $0x5D20;
	s7 =	simm.s32 $0x4D80;
	[sflag:s25] =	ssyncadd.s32 $0xFFFFFB00  }
0x1d: {  	[spmem:s3] =	stream.indirect.scatter.add.f32 [tilespmem:s30], [sflag:$0x10], $0x10, s7, s19, $0xb8;
	[tilespmem:$0xB720] =	vst v63  }
0x1e: {  	_ =	swait.ge [sflag:s28], $0x500  }
0x1f: {  	[sflag:s28] =	ssyncset.done $0x0  }
0x20: {  	s11 =	sadd.s32 $0x2850, s17;
	[sflag:s28] =	ssyncadd.s32 $0xFFFFFB00  }
0x21: {  	[spmem:s3] =	stream.indirect.scatter.add.f32 [tilespmem:s6], [sflag:$0x11], $0x10, s11, s19, $0xb8;
	[tilespmem:$0xB720] =	vst v63  }
.LBB2_8:
0x22: {  	s7 =	simm.s32 $0x12  }
0x23: {  	_ =	swait.ge [sflag:s7], $0x500  }
0x24: {  	[sflag:s7] =	ssyncset.done $0x0  }
0x25: {  	s0 =	simm.s32 $0x13;
	[sflag:s7] =	ssyncadd.s32 $0xFFFFFB00  }
0x26: {  	_ =	swait.ge [sflag:s0], $0x500  }
0x27: {  	[sflag:s0] =	ssyncset.done $0x0  }
0x28: {  	s2 =	simm.s32 $0x14;
	[sflag:s0] =	ssyncadd.s32 $0xFFFFFB00  }
0x29: {  	_ =	swait.ge [sflag:s2], $0x500  }
0x2a: {  	[sflag:s2] =	ssyncset.done $0x0  }
0x2b: {  	s11 =	simm.s32 $0x15;
	[sflag:s2] =	ssyncadd.s32 $0xFFFFFB00  }
0x2c: {  	_ =	swait.ge [sflag:s11], $0x500  }
0x2d: {  	[sflag:s11] =	ssyncset.done $0x0  }
0x2e: {  	s17 =	simm.s32 $0x16;
	[sflag:s11] =	ssyncadd.s32 $0xFFFFFB00  }
0x2f: {  	_ =	swait.ge [sflag:s17], $0x500  }
0x30: {  	[sflag:s17] =	ssyncset.done $0x0  }
0x31: {  	s20 =	simm.s32 $0x17;
	[sflag:s17] =	ssyncadd.s32 $0xFFFFFB00  }
0x32: {  	_ =	swait.ge [sflag:s20], $0x500  }
0x33: {  	[sflag:s20] =	ssyncset.done $0x0  }
0x34: {  	s21 =	simm.s32 $0x18;
	[sflag:s20] =	ssyncadd.s32 $0xFFFFFB00  }
0x35: {  	_ =	swait.ge [sflag:s21], $0x500  }
0x36: {  	[sflag:s21] =	ssyncset.done $0x0  }
0x37: {  	[sflag:s21] =	ssyncadd.s32 $0xFFFFFB00  }
0x38: {  	_ =	swait.ge [sflag:s12], $0x500  }
0x39: {  	[sflag:s12] =	ssyncset.done $0x0  }
0x3a: {  	[sflag:s12] =	ssyncadd.s32 $0xFFFFFB00  }
0x3b: {  	_ =	swait.ge [sflag:s13], $0x500  }
0x3c: {  	[sflag:s13] =	ssyncset.done $0x0  }
0x3d: {  	[sflag:s13] =	ssyncadd.s32 $0xFFFFFB00  }
0x3e: {  	_ =	swait.ge [sflag:s14], $0x500  }
0x3f: {  	[sflag:s14] =	ssyncset.done $0x0  }
0x40: {  	[sflag:s14] =	ssyncadd.s32 $0xFFFFFB00  }
0x41: {  	_ =	swait.ge [sflag:s15], $0x500  }
0x42: {  	[sflag:s15] =	ssyncset.done $0x0  }
0x43: {  	[sflag:s15] =	ssyncadd.s32 $0xFFFFFB00  }
0x44: {  	_ =	swait.ge [sflag:s24], $0x500  }
0x45: {  	[sflag:s24] =	ssyncset.done $0x0  }
0x46: {  	[sflag:s24] =	ssyncadd.s32 $0xFFFFFB00  }
0x47: {  	s11 =	stileid.u32;
	[bflag:$0x0] =	sbarrier.arrive $0xFFFF  }
0x48: {  	s11 =	sshll.u32 s11, $0x6;
	s20 =	rddreg [dreg:$0x5]  }
0x49: {  	s11 =	sor.u32 $0x1C19, s11;
	s21 =	rddreg [dreg:$0x10];
	s17 =	sshrl.u32 s20, $0x3  }
0x4a: {  	[hbm:s21], [sflag:s11] =	dma.local [spmem:s17], $0x500  }
0x4b: {  	s21 =	simm.s32 $0x19  }
0x4c: {  	_ =	swait.ge [sflag:s21], $0x500  }
0x4d: {  	s22 =	rddreg [dreg:$0x4]  }
0x4e: {  	s23 =	rddreg [dreg:$0xf];
	s11 =	sadd.s32 $0x1, s22  }
0x4f: {  	p0 =	sne.s32 s11, s23  }
.Ltmp1:
0x50: {  	_ = 	snop;
	(pc) =	sbr.rel @!p0 .LBB2_9-.Ltmp1, $3  }
0x51: {  	_ =	sdelay $0x1  }
0x52: {  	[sflag:s21] =	ssyncset.done $0x0  }
0x53: {  	[sflag:s21] =	ssyncadd.s32 $0xFFFFFB00  }
.LBB2_1:
0x54: {  	[dreg:$0x4] =	wrdreg s11;
	s11 =	simm.s32 $0x40;
	s17 =	simm.s32 $0x0  }
.LBB2_2:
0x55: {  	p0 =	sne.s32 s11, $0x13C0;
	[tilespmem:s17+$0x8A20] =	vst v0;
	s17 =	smov.u32 s11;
	s11 =	sadd.s32 $0x40, s11  }
.Ltmp2:
0x56: {  	(pc) =	sbr.rel @p0 .LBB2_2-.Ltmp2, $2  }
0x57: {  	_ =	sdelay $0x2  }
0x58: {  	s17 =	sshra.s32 s17, $0x2  }
0x59: {  	[tilespmem:s17+$0x8A20] =	vst v0;
	s17 =	simm.s32 $0x8A20  }
0x5a: {  	[spmem:s20] =	stream.linear.scatter [tilespmem:s17], [sflag:$0x19], $0x500, $0x38;
	[tilespmem:$0xB720] =	vst v63  }
0x5b: {  	_ =	swait.ge [sflag:s21], $0x500  }
0x5c: {  	[sflag:s21] =	ssyncset.done $0x0  }
0x5d: {  	s11 =	rddreg [dreg:$0x6];
	[sflag:s21] =	ssyncadd.s32 $0xFFFFFB00  }
0x5e: {  	[spmem:s11] =	stream.linear.scatter [tilespmem:s17], [sflag:$0x19], $0x500, $0x38;
	[tilespmem:$0xB720] =	vst v63  }
0x5f: {  	_ =	swait.ge [sflag:s21], $0x500  }
0x60: {  	[sflag:s21] =	ssyncset.done $0x0  }
0x61: {  	s0 =	rddreg [dreg:$0x7];
	[sflag:s21] =	ssyncadd.s32 $0xFFFFFB00  }
0x62: {  	[spmem:s0] =	stream.linear.scatter [tilespmem:s17], [sflag:$0x19], $0x500, $0x38;
	[tilespmem:$0xB720] =	vst v63  }
0x63: {  	_ =	swait.ge [sflag:s21], $0x500  }
0x64: {  	[sflag:s21] =	ssyncset.done $0x0  }
0x65: {  	s2 =	rddreg [dreg:$0x8];
	[sflag:s21] =	ssyncadd.s32 $0xFFFFFB00  }
0x66: {  	[spmem:s2] =	stream.linear.scatter [tilespmem:s17], [sflag:$0x19], $0x500, $0x38;
	[tilespmem:$0xB720] =	vst v63  }
0x67: {  	_ =	swait.ge [sflag:s21], $0x500  }
0x68: {  	[sflag:s21] =	ssyncset.done $0x0  }
0x69: {  	s7 =	rddreg [dreg:$0x9];
	[sflag:s21] =	ssyncadd.s32 $0xFFFFFB00  }
0x6a: {  	[spmem:s7] =	stream.linear.scatter [tilespmem:s17], [sflag:$0x19], $0x500, $0x38;
	[tilespmem:$0xB720] =	vst v63  }
0x6b: {  	_ =	swait.ge [sflag:s21], $0x500  }
0x6c: {  	[sflag:s21] =	ssyncset.done $0x0  }
0x6d: {  	s20 =	rddreg [dreg:$0xa];
	[sflag:s21] =	ssyncadd.s32 $0xFFFFFB00  }
0x6e: {  	[spmem:s20] =	stream.linear.scatter [tilespmem:s17], [sflag:$0x19], $0x500, $0x38;
	[tilespmem:$0xB720] =	vst v63  }
0x6f: {  	_ =	swait.ge [sflag:s21], $0x500  }
0x70: {  	[sflag:s21] =	ssyncset.done $0x0  }
0x71: {  	s22 =	rddreg [dreg:$0xb];
	[sflag:s21] =	ssyncadd.s32 $0xFFFFFB00  }
0x72: {  	[spmem:s22] =	stream.linear.scatter [tilespmem:s17], [sflag:$0x19], $0x500, $0x38;
	[tilespmem:$0xB720] =	vst v63  }
0x73: {  	_ =	swait.ge [sflag:s21], $0x500  }
0x74: {  	[sflag:s21] =	ssyncset.done $0x0  }
0x75: {  	s23 =	rddreg [dreg:$0xc];
	[sflag:s21] =	ssyncadd.s32 $0xFFFFFB00  }
0x76: {  	[spmem:s23] =	stream.linear.scatter [tilespmem:s17], [sflag:$0x19], $0x500, $0x38;
	[tilespmem:$0xB720] =	vst v63  }
0x77: {  	_ =	swait.ge [sflag:s21], $0x500  }
0x78: {  	[sflag:s21] =	ssyncset.done $0x0  }
0x79: {  	s11 =	simm.s32 $0x0;
	s0 =	rddreg [dreg:$0xd];
	[sflag:s21] =	ssyncadd.s32 $0xFFFFFB00  }
0x7a: {  	[tilespmem:s11], [sflag:$0x19] =	stream.linear.gather [hbm4b:s0+s11], $0x2710, $0x38;
	[tilespmem:$0xB720] =	vst v63  }
0x7b: {  	_ =	swait.ge [sflag:s21], $0x2710  }
0x7c: {  	[sflag:s21] =	ssyncset.done $0x0  }
0x7d: {  	s7 =	simm.s32 $0x2710;
	s2 =	rddreg [dreg:$0xe];
	[sflag:s21] =	ssyncadd.s32 $0xFFFFD8F0  }
0x7e: {  	[tilespmem:s7], [sflag:$0x19] =	stream.linear.gather [hbm4b:s2+s11], $0x2710, $0x38;
	[tilespmem:$0xB720] =	vst v63  }
0x7f: {  	_ =	swait.ge [sflag:s21], $0x2710  }
0x80: {  	[sflag:s21] =	ssyncset.done $0x0  }
0x81: {  	[sflag:s21] =	ssyncadd.s32 $0xFFFFD8F0  }
0x82: {  	[tilespmem:s26], [sflag:$0x1] =	stream.indirect.gather [hbm4b:s1+s19], $0x10, s11, s19, $0xb8;
	[tilespmem:$0xB720] =	vst v63  }
0x83: {  	_ = 	snop  }
0x84: {  	[tilespmem:s29], [sflag:$0x2] =	stream.indirect.gather [hbm4b:s1+s19], $0x10, s19, s19, $0xb8;
	[tilespmem:$0xB720] =	vst v63  }
0x85: {  	s20 =	simm.s32 $0xA0;
	s21 =	simm.s32 $0x5820  }
0x86: {  	[tilespmem:s21], [sflag:$0x3] =	stream.indirect.gather [hbm4b:s1+s19], $0x10, s20, s19, $0xb8;
	[tilespmem:$0xB720] =	vst v63  }
0x87: {  	s22 =	simm.s32 $0xF0  }
0x88: {  	[tilespmem:s30], [sflag:$0x4] =	stream.indirect.gather [hbm4b:s1+s19], $0x10, s22, s19, $0xb8;
	[tilespmem:$0xB720] =	vst v63  }
0x89: {  	s23 =	simm.s32 $0x140  }
0x8a: {  	[tilespmem:s6], [sflag:$0x5] =	stream.indirect.gather [hbm4b:s1+s19], $0x10, s23, s19, $0xb8;
	[tilespmem:$0xB720] =	vst v63  }
0x8b: {  	s7 =	simm.s32 $0x190;
	s30 =	simm.s32 $0x6720  }
0x8c: {  	[tilespmem:s30], [sflag:$0x6] =	stream.indirect.gather [hbm4b:s1+s19], $0x10, s7, s19, $0xb8;
	[tilespmem:$0xB720] =	vst v63  }
0x8d: {  	s21 =	simm.s32 $0x3;
	s22 =	simm.s32 $0x0;
	[bflag:$0x0] =	sbarrier.arrive $0xFFFF  }
.LBB2_4:
0x8e: {  	p0 =	seq.s32 s22, $0xA  }
.Ltmp3:
0x8f: {  	s2 =	simm.s32 $0x1;
	(pc) =	sbr.rel @p0 .LBB2_10-.Ltmp3, $4  }
0x90: {  	_ =	swait.ge [sflag:s2], $0x500  }
0x91: {  	s17 =	sshra.s32 s11, $0x2;
	[sflag:s2] =	ssyncset.done $0x0  }
0x92: {  	s20 =	sadd.s32 $0x2710, s17;
	[sflag:s2] =	ssyncadd.s32 $0xFFFFFB00  }
0x93: {  	[spmem:s3] =	stream.indirect.scatter.add.f32 [tilespmem:s26], [sflag:$0xD], $0x10, s20, s19, $0xb8;
	[tilespmem:$0xB720] =	vst v63  }
0x94: {  	p0 =	sne.s32 s22, $0x0  }
0x95: {  	s20 =	simm.s32 @p0 $0x13  }
0x96: {  	_ =	swait.ge @p0 [sflag:s20], $0x500  }
0x97: {  	[sflag:s20] =	ssyncset.done @p0 $0x0  }
0x98: {  	[sflag:s20] =	ssyncadd.s32 @p0 $0xFFFFFB00;
	s20 =	sshra.s32 @p0 s11, $0x2  }
0x99: {  	s26 =	simm.s32 @p0 $0x50;
	s29 =	simm.s32 @p0 $0x6C20;
	s23 =	sadd.s32 @p0 $0x1E0, s20  }
0x9a: {  	[tilespmem:s29], [sflag:$0x7] =	stream.indirect.gather @p0 [hbm4b:s1+s26], $0x10, s23, s26, $0xb8;
	[tilespmem:$0xB720] =	vst v63  }
0x9b: {  	s23 =	simm.s32 @p0 $0x2  }
0x9c: {  	_ =	swait.ge @p0 [sflag:s23], $0x500  }
0x9d: {  	[sflag:s23] =	ssyncset.done @p0 $0x0  }
0x9e: {  	s20 =	sadd.s32 @p0 $0x2760, s20;
	[sflag:s23] =	ssyncadd.s32 @p0 $0xFFFFFB00;
	s23 =	simm.s32 @p0 $0x5320  }
0x9f: {  	[spmem:s3] =	stream.indirect.scatter.add.f32 @p0 [tilespmem:s23], [sflag:$0xE], $0x10, s20, s26, $0xb8;
	[tilespmem:$0xB720] =	vst v63  }
0xa0: {  	s20 =	simm.s32 @p0 $0x14  }
0xa1: {  	_ =	swait.ge @p0 [sflag:s20], $0x500  }
0xa2: {  	[sflag:s20] =	ssyncset.done @p0 $0x0  }
0xa3: {  	[sflag:s20] =	ssyncadd.s32 @p0 $0xFFFFFB00;
	s20 =	sshra.s32 @!p0 s11, $0x2  }
0xa4: {  	s23 =	simm.s32 @!p0 $0x50;
	s26 =	simm.s32 @!p0 $0x6C20;
	s20 =	sadd.s32 @!p0 $0x1E0, s20  }
0xa5: {  	[tilespmem:s26], [sflag:$0x7] =	stream.indirect.gather @!p0 [hbm4b:s1+s23], $0x10, s20, s23, $0xb8;
	[tilespmem:$0xB720] =	vst v63  }
0xa6: {  	s20 =	simm.s32 @!p0 $0x2  }
0xa7: {  	s30 =	sadd.s32 $0x230, s17;
	_ =	swait.ge @!p0 [sflag:s20], $0x500  }
.Ltmp4:
0xa8: {  	s0 =	simm.s32 $0x7120;
	[sflag:s20] =	ssyncset.done @!p0 $0x0;
	(pc) =	sbr.rel .LBB2_6-.Ltmp4, $4  }
0xa9: {  	s26 =	simm.s32 @!p0 $0x5320;
	[sflag:s20] =	ssyncadd.s32 @!p0 $0xFFFFFB00;
	s20 =	simm.s32 @!p0 $0x2760  }
0xaa: {  	[spmem:s3] =	stream.indirect.scatter.add.f32 @!p0 [tilespmem:s26], [sflag:$0xE], $0x10, s20, s23, $0xb8;
	[tilespmem:$0xB720] =	vst v63  }
0xab: {  	s29 =	simm.s32 $0x5320;
	s20 =	sadd.s32 $0xFFFFFFFF, s21;
	s26 =	simm.s32 $0x4E20  }
0xac: {  	[tilespmem:s0], [sflag:$0x8] =	stream.indirect.gather [hbm4b:s1+s19], $0x10, s30, s19, $0xb8;
	[tilespmem:$0xB720] =	vst v63  }
.LBB2_10:
0xad: {  	s7 =	simm.s32 $0x2  }
0xae: {  	_ =	swait.ge [sflag:s7], $0x500  }
0xaf: {  	[sflag:s7] =	ssyncset.done $0x0  }
0xb0: {  	s30 =	simm.s32 $0x4CE0;
	s20 =	simm.s32 $0x7A;
	[sflag:s7] =	ssyncadd.s32 $0xFFFFFB00  }
0xb1: {  	[spmem:s3] =	stream.indirect.scatter.add.f32 [tilespmem:s29], [sflag:$0xE], $0x10, s30, s19, $0xb8;
	[tilespmem:$0xB720] =	vst v63  }
.LBB2_6:
0xb2: {  	s23 =	smul.u32 $0x140, s20;
	p0 =	seq.s32 s11, $0x9600  }
.Ltmp5:
0xb3: {  	s0 =	simm.s32 $0x3;
	(pc) =	sbr.rel @p0 .LBB2_11-.Ltmp5, $4  }
0xb4: {  	_ =	swait.ge [sflag:s0], $0x500  }
0xb5: {  	[sflag:s0] =	ssyncset.done $0x0;
	s23 =	sshra.s32 s23, $0x2  }
0xb6: {  	s30 =	simm.s32 $0x5820;
	[sflag:s0] =	ssyncadd.s32 $0xFFFFFB00;
	s23 =	sadd.s32 $0x2710, s23  }
0xb7: {  	[spmem:s3] =	stream.indirect.scatter.add.f32 [tilespmem:s30], [sflag:$0xF], $0x10, s23, s19, $0xb8;
	[tilespmem:$0xB720] =	vst v63  }
0xb8: {  	p0 =	slt.u32 s20, $0x6  }
0xb9: {  	s20 =	simm.s32 @!p0 $0x15  }
0xba: {  	_ =	swait.ge @!p0 [sflag:s20], $0x500  }
0xbb: {  	[sflag:s20] =	ssyncset.done @!p0 $0x0  }
0xbc: {  	s6 =	sadd.s32 $0x280, s17;
	s23 =	simm.s32 $0x7620;
	[sflag:s20] =	ssyncadd.s32 @!p0 $0xFFFFFB00  }
0xbd: {  	[tilespmem:s23], [sflag:$0x9] =	stream.indirect.gather [hbm4b:s1+s19], $0x10, s6, s19, $0xb8;
	[tilespmem:$0xB720] =	vst v63  }
0xbe: {  	_ =	swait.ge [sflag:s25], $0x500  }
0xbf: {  	s7 =	sadd.s32 $0x2800, s17;
	p0 =	sgt.u32 s21, $0x5;
	[sflag:s25] =	ssyncset.done $0x0  }
0xc0: {  	s30 =	simm.s32 $0x5D20;
	s20 =	simm.s32 @p0 $0x16;
	[sflag:s25] =	ssyncadd.s32 $0xFFFFFB00  }
0xc1: {  	[spmem:s3] =	stream.indirect.scatter.add.f32 [tilespmem:s30], [sflag:$0x10], $0x10, s7, s19, $0xb8;
	[tilespmem:$0xB720] =	vst v63  }
0xc2: {  	_ =	swait.ge @p0 [sflag:s20], $0x500  }
0xc3: {  	[sflag:s20] =	ssyncset.done @p0 $0x0  }
0xc4: {  	s0 =	sadd.s32 $0x2D0, s17;
	[sflag:s20] =	ssyncadd.s32 @p0 $0xFFFFFB00  }
0xc5: {  	[tilespmem:s9], [sflag:$0xA] =	stream.indirect.gather [hbm4b:s1+s19], $0x10, s0, s19, $0xb8;
	[tilespmem:$0xB720] =	vst v63  }
0xc6: {  	_ =	swait.ge [sflag:s28], $0x500  }
0xc7: {  	s2 =	sadd.s32 $0x2850, s17;
	p0 =	seq.s32 s11, $0x0;
	[sflag:s28] =	ssyncset.done $0x0  }
0xc8: {  	s7 =	simm.s32 $0x6220;
	s20 =	simm.s32 @!p0 $0x17;
	[sflag:s28] =	ssyncadd.s32 $0xFFFFFB00  }
0xc9: {  	[spmem:s3] =	stream.indirect.scatter.add.f32 [tilespmem:s7], [sflag:$0x11], $0x10, s2, s19, $0xb8;
	[tilespmem:$0xB720] =	vst v63  }
0xca: {  	_ =	swait.ge @!p0 [sflag:s20], $0x500  }
0xcb: {  	[sflag:s20] =	ssyncset.done @!p0 $0x0  }
0xcc: {  	s6 =	sadd.s32 $0x320, s17;
	s2 =	simm.s32 $0x8020;
	[sflag:s20] =	ssyncadd.s32 @!p0 $0xFFFFFB00  }
0xcd: {  	[tilespmem:s2], [sflag:$0xB] =	stream.indirect.gather [hbm4b:s1+s19], $0x10, s6, s19, $0xb8;
	[tilespmem:$0xB720] =	vst v63  }
0xce: {  	_ =	swait.ge [sflag:s8], $0x500  }
0xcf: {  	s0 =	sadd.s32 $0x28A0, s17;
	[sflag:s8] =	ssyncset.done $0x0  }
0xd0: {  	s20 =	simm.s32 @!p0 $0x18;
	s6 =	simm.s32 $0x6720;
	[sflag:s8] =	ssyncadd.s32 $0xFFFFFB00  }
0xd1: {  	[spmem:s3] =	stream.indirect.scatter.add.f32 [tilespmem:s6], [sflag:$0x12], $0x10, s0, s19, $0xb8;
	[tilespmem:$0xB720] =	vst v63  }
0xd2: {  	_ =	swait.ge @!p0 [sflag:s20], $0x500  }
0xd3: {  	[sflag:s20] =	ssyncset.done @!p0 $0x0  }
0xd4: {  	s6 =	sadd.s32 $0x370, s17;
	s0 =	simm.s32 $0x8520;
	[sflag:s20] =	ssyncadd.s32 @!p0 $0xFFFFFB00  }
0xd5: {  	[tilespmem:s0], [sflag:$0xC] =	stream.indirect.gather [hbm4b:s1+s19], $0x10, s6, s19, $0xb8;
	[tilespmem:$0xB720] =	vst v63  }
0xd6: {  	_ =	swait.ge [sflag:s10], $0x500  }
0xd7: {  	[sflag:s10] =	ssyncset.done $0x0  }
0xd8: {  	s20 =	sadd.s32 $0x28F0, s17;
	s6 =	simm.s32 $0x6C20;
	[sflag:s10] =	ssyncadd.s32 $0xFFFFFB00  }
0xd9: {  	[spmem:s3] =	stream.indirect.scatter.add.f32 [tilespmem:s6], [sflag:$0x13], $0x10, s20, s19, $0xb8;
	[tilespmem:$0xB720] =	vst v63  }
0xda: {  	_ =	swait.ge [sflag:s12], $0x500  }
0xdb: {  	[sflag:s12] =	ssyncset.done $0x0  }
0xdc: {  	s6 =	sadd.s32 $0x3C0, s17;
	[sflag:s12] =	ssyncadd.s32 $0xFFFFFB00  }
0xdd: {  	[tilespmem:s26], [sflag:$0x1] =	stream.indirect.gather [hbm4b:s1+s19], $0x10, s6, s19, $0xb8;
	[tilespmem:$0xB720] =	vst v63  }
0xde: {  	_ =	swait.ge [sflag:s5], $0x500  }
0xdf: {  	[sflag:s5] =	ssyncset.done $0x0  }
0xe0: {  	s20 =	sadd.s32 $0x2940, s17;
	s6 =	simm.s32 $0x7120;
	[sflag:s5] =	ssyncadd.s32 $0xFFFFFB00  }
0xe1: {  	[spmem:s3] =	stream.indirect.scatter.add.f32 [tilespmem:s6], [sflag:$0x14], $0x10, s20, s19, $0xb8;
	[tilespmem:$0xB720] =	vst v63  }
0xe2: {  	_ =	swait.ge [sflag:s13], $0x500  }
0xe3: {  	[sflag:s13] =	ssyncset.done $0x0  }
0xe4: {  	s6 =	sadd.s32 $0x410, s17;
	[sflag:s13] =	ssyncadd.s32 $0xFFFFFB00  }
0xe5: {  	[tilespmem:s29], [sflag:$0x2] =	stream.indirect.gather [hbm4b:s1+s19], $0x10, s6, s19, $0xb8;
	[tilespmem:$0xB720] =	vst v63  }
0xe6: {  	_ =	swait.ge [sflag:s16], $0x500  }
0xe7: {  	[sflag:s16] =	ssyncset.done $0x0  }
0xe8: {  	s6 =	sadd.s32 $0x2990, s17;
	[sflag:s16] =	ssyncadd.s32 $0xFFFFFB00  }
0xe9: {  	[spmem:s3] =	stream.indirect.scatter.add.f32 [tilespmem:s23], [sflag:$0x15], $0x10, s6, s19, $0xb8;
	[tilespmem:$0xB720] =	vst v63  }
0xea: {  	_ =	swait.ge [sflag:s14], $0x500  }
0xeb: {  	[sflag:s14] =	ssyncset.done $0x0  }
0xec: {  	s23 =	sadd.s32 $0x460, s17;
	s6 =	simm.s32 $0x5820;
	[sflag:s14] =	ssyncadd.s32 $0xFFFFFB00  }
0xed: {  	[tilespmem:s6], [sflag:$0x3] =	stream.indirect.gather [hbm4b:s1+s19], $0x10, s23, s19, $0xb8;
	[tilespmem:$0xB720] =	vst v63  }
0xee: {  	_ =	swait.ge [sflag:s4], $0x500  }
0xef: {  	[sflag:s4] =	ssyncset.done $0x0  }
0xf0: {  	s23 =	sadd.s32 $0x29E0, s17;
	[sflag:s4] =	ssyncadd.s32 $0xFFFFFB00  }
0xf1: {  	[spmem:s3] =	stream.indirect.scatter.add.f32 [tilespmem:s9], [sflag:$0x16], $0x10, s23, s19, $0xb8;
	[tilespmem:$0xB720] =	vst v63  }
0xf2: {  	_ =	swait.ge [sflag:s15], $0x500  }
0xf3: {  	[sflag:s15] =	ssyncset.done $0x0  }
0xf4: {  	s6 =	sadd.s32 $0x4B0, s17;
	[sflag:s15] =	ssyncadd.s32 $0xFFFFFB00  }
0xf5: {  	[tilespmem:s30], [sflag:$0x4] =	stream.indirect.gather [hbm4b:s1+s19], $0x10, s6, s19, $0xb8;
	[tilespmem:$0xB720] =	vst v63  }
0xf6: {  	_ =	swait.ge [sflag:s18], $0x500  }
0xf7: {  	[sflag:s18] =	ssyncset.done $0x0  }
0xf8: {  	s23 =	sadd.s32 $0x2A30, s17;
	[sflag:s18] =	ssyncadd.s32 $0xFFFFFB00  }
0xf9: {  	[spmem:s3] =	stream.indirect.scatter.add.f32 [tilespmem:s2], [sflag:$0x17], $0x10, s23, s19, $0xb8;
	[tilespmem:$0xB720] =	vst v63  }
0xfa: {  	_ =	swait.ge [sflag:s24], $0x500  }
0xfb: {  	[sflag:s24] =	ssyncset.done $0x0  }
0xfc: {  	s2 =	sadd.s32 $0x500, s17;
	[sflag:s24] =	ssyncadd.s32 $0xFFFFFB00  }
0xfd: {  	[tilespmem:s7], [sflag:$0x5] =	stream.indirect.gather [hbm4b:s1+s19], $0x10, s2, s19, $0xb8;
	[tilespmem:$0xB720] =	vst v63  }
0xfe: {  	_ =	swait.ge [sflag:s31], $0x500  }
0xff: {  	p0 =	sgt.u32 s22, $0x8;
	[sflag:s31] =	ssyncset.done $0x0  }
0x100: {  	s23 =	sadd.s32 $0x2A80, s17;
	s17 =	simm.s32 @!p0 $0x12;
	[sflag:s31] =	ssyncadd.s32 $0xFFFFFB00  }
0x101: {  	[spmem:s3] =	stream.indirect.scatter.add.f32 [tilespmem:s0], [sflag:$0x18], $0x10, s23, s19, $0xb8;
	[tilespmem:$0xB720] =	vst v63  }
0x102: {  	_ =	swait.ge @!p0 [sflag:s17], $0x500  }
0x103: {  	[sflag:s17] =	ssyncset.done @!p0 $0x0  }
0x104: {  	s20 =	simm.s32 @!p0 $0x50;
	[sflag:s17] =	ssyncadd.s32 @!p0 $0xFFFFFB00;
	s17 =	sshra.s32 @!p0 s11, $0x2  }
0x105: {  	s23 =	simm.s32 @!p0 $0x6720;
	s11 =	sadd.s32 $0xF00, s11;
	s17 =	sadd.s32 @!p0 $0x550, s17  }
0x106: {  	[tilespmem:s23], [sflag:$0x6] =	stream.indirect.gather @!p0 [hbm4b:s1+s20], $0x10, s17, s20, $0xb8;
	[tilespmem:$0xB720] =	vst v63  }
0x107: {  	p0 =	sne.s32 s11, $0xA500  }
.Ltmp6:
0x108: {  	_ = 	snop;
	(pc) =	sbr.rel @p0 .LBB2_4-.Ltmp6, $4  }
.Ltmp7:
0x109: {  	_ = 	snop;
	(pc) =	sbr.rel @!p0 .LBB2_8-.Ltmp7, $4  }
0x10a: {  	_ = 	snop  }
0x10b: {  	_ = 	snop  }
0x10c: {  	s21 =	sadd.s32 $0xC, s21;
	s22 =	sadd.s32 $0x1, s22;
	s6 =	simm.s32 $0x6220  }
0x10d: {  	_ = 	snop  }
.LBB2_9:
0x10e: {  	_ =	sfence.sel $0x180000  }
0x10f: {  	[bflag:$0x0] =	sbarrier.arrive $0xFFFF  }
0x110: {  	_ =	strace $0x9000004D  }
0x111: {  	s0 =	stileid.u32;
	[bflag:$0x2] =	sbarrier.arrive $0xFFFF  }
0x112: {  	p0 =	sne.s32 s0, $0x0;
	s0 =	rddreg [dreg:$0x3]  }
0x113: {  	s0 =	sadd.s32 @!p0 $0x100000, s0  }
0x114: {  	[sflag:s0] =	ssyncadd.tile.s32 @!p0 $0x1;
	_ =	shalt  }
.Lfunc_end2:
_tile_overlayer_lowered:
.L_overlay_start_2:
0x115: {  	(tag) =	ssettag $0x2  }
0x116: {  	s0 =	rddreg [dreg:$0x0];
	s2 =	stileid.u32  }
0x117: {  	s1 =	rddreg [dreg:$0x1];
	p0 =	sne.s32 s2, $0x0  }
0x118: {  	s3 =	rddreg [dreg:$0x2];
	[bflag:$0x3] =	sbarrier.arrive $0xFFFF;
	s2 =	simm.s32 @!p0 $0x1C19  }
0x119: {  	[timem:s3], [sflag:s2] =	dma.local @!p0 [hbm:s0], s1  }
0x11a: {  	s0 =	simm.s32 @!p0 $0x19  }
0x11b: {  	_ =	swait.ge @!p0 [sflag:s0], s1  }
0x11c: {  	s1 =	ssub.s32 @!p0 $0x0, s1;
	[sflag:s0] =	ssyncset.done @!p0 $0x0  }
0x11d: {  	[sflag:s0] =	ssyncadd.s32 @!p0 s1  }
0x11e: {  	[bflag:$0x3] =	sbarrier.arrive $0xFFFF  }
0x11f: {  	_ =	shalt  }

</sc_bundles>
